<compile_context>
chip_gen: v7x
topology: tpu7x:2x2x1
jax: 0.10.2.dev20260603
libtpu: 0.0.44.dev20260713+nightly
codegen_flags: <defaults>
</compile_context>

<pallas_src>
import jax
import jax.numpy as jnp
from jax import lax
from jax.experimental import pallas as pl
from jax.experimental.pallas import tpu as pltpu
from jax.experimental.pallas import tpu_sc as plsc

B, N = 32, 32
NODE_F, EDGE_F, MSG, PASSES, OUT_F = 128, 16, 128, 3, 128
BN = B * N
E_ROWS = B * N * N
N_WORKERS = 32
PAIRS_PER_W = BN // N_WORKERS
EDGE_ROWS_PER_W = E_ROWS // N_WORKERS


N_CHUNKS = 8
CH = EDGE_ROWS_PER_W // N_CHUNKS
PAIRS_PER_CH = CH // N


def _ea_sc_kernel(a_hbm, e_hbm, out_hbm, av, ev0, ev1, acc_buf, sem0, sem1):
    wid = lax.axis_index("s") * 2 + lax.axis_index("c")
    pltpu.sync_copy(a_hbm.at[pl.ds(wid * PAIRS_PER_W, PAIRS_PER_W), :], av)

    base = wid * EDGE_ROWS_PER_W
    evs = (ev0, ev1)
    sems = (sem0, sem1)
    pltpu.make_async_copy(e_hbm.at[pl.ds(base, CH), :], ev0, sem0).start()
    zeros16 = jnp.zeros((EDGE_F,), jnp.float32)
    for c in range(N_CHUNKS):
        if c + 1 < N_CHUNKS:
            pltpu.make_async_copy(e_hbm.at[pl.ds(base + (c + 1) * CH, CH), :],
                                  evs[(c + 1) % 2], sems[(c + 1) % 2]).start()
        pltpu.make_async_copy(e_hbm.at[pl.ds(base + c * CH, CH), :],
                              evs[c % 2], sems[c % 2]).wait()
        rbuf = evs[c % 2]

        def pair_body(pp, _, c=c, rbuf=rbuf):
            p = c * PAIRS_PER_CH + pp
            a0 = av[p, pl.ds(0, EDGE_F)]
            a1 = av[p, pl.ds(EDGE_F, EDGE_F)]
            acc = zeros16
            dnums = lax.GatherDimensionNumbers(
                offset_dims=(), collapsed_slice_dims=(0,), start_index_map=(0,))
            for h in range(N):
                src = a0 if h < EDGE_F else a1
                w = lax.gather(
                    src, jnp.full((EDGE_F, 1), h % EDGE_F, jnp.int32), dnums,
                    slice_sizes=(1,),
                    mode=lax.GatherScatterMode.PROMISE_IN_BOUNDS)
                acc = acc + w * rbuf[pp * N + h, :]
            acc_buf[p, pl.ds(0, EDGE_F)] = acc
            for k in range(1, NODE_F // EDGE_F):
                acc_buf[p, pl.ds(k * EDGE_F, EDGE_F)] = zeros16
            return _

        lax.fori_loop(0, PAIRS_PER_CH, pair_body, None)

    pltpu.sync_copy(acc_buf, out_hbm.at[pl.ds(wid * PAIRS_PER_W, PAIRS_PER_W), :])


def _ea_sparsecore(adjacency2d, edges2d):
    mesh = plsc.VectorSubcoreMesh(core_axis_name="c", subcore_axis_name="s")
    return pl.kernel(
        _ea_sc_kernel,
        out_type=jax.ShapeDtypeStruct((BN, NODE_F), jnp.float32),
        mesh=mesh,
        scratch_types=[
            pltpu.MemorySpace.VMEM((PAIRS_PER_W, N), jnp.float32),
            pltpu.MemorySpace.VMEM((CH, EDGE_F), jnp.float32),
            pltpu.MemorySpace.VMEM((CH, EDGE_F), jnp.float32),
            pltpu.MemorySpace.VMEM((PAIRS_PER_W, NODE_F), jnp.float32),
            pltpu.SemaphoreType.DMA,
            pltpu.SemaphoreType.DMA,
        ],
        compiler_params=pltpu.CompilerParams(use_tc_tiling_on_sc=True),
    )(adjacency2d, edges2d)


def _mpnn_kernel(a_ref, h_ref, ea_ref, wmsg_ref, wupd_ref, wout_ref, out_ref):
    Af = a_ref[:]
    H0 = h_ref[:]
    EApad = ea_ref[:]
    W1 = wmsg_ref[0:NODE_F, :]
    W2 = wmsg_ref[NODE_F:2 * NODE_F, :]
    W3 = wmsg_ref[2 * NODE_F:, :]
    Wu1 = wupd_ref[0:NODE_F, :]
    Wu2 = wupd_ref[NODE_F:, :]
    Wo1 = wout_ref[0:NODE_F, :]
    Wo2 = wout_ref[NODE_F:, :]

    f32 = jnp.float32
    W3ext = jnp.concatenate(
        [W3, jnp.zeros((NODE_F - EDGE_F, MSG), f32)], axis=0)
    E3 = jnp.dot(EApad, W3ext, preferred_element_type=f32)

    deg = jnp.sum(Af, axis=1, keepdims=True)
    maskb = deg > 0.0
    maskf = maskb.astype(f32)
    A3 = Af.reshape(B, N, N)

    H = H0
    for _ in range(PASSES):
        Hb = H.reshape(B, N, NODE_F)
        neigh = lax.dot_general(
            A3, Hb, (((2,), (1,)), ((0,), (0,))),
            preferred_element_type=f32).reshape(BN, NODE_F)
        msg = deg * jnp.dot(H, W1, preferred_element_type=f32) \
            + jnp.dot(neigh, W2, preferred_element_type=f32) + E3
        new = jnp.tanh(jnp.dot(H, Wu1, preferred_element_type=f32)
                       + jnp.dot(msg, Wu2, preferred_element_type=f32))
        H = jnp.where(maskb, new, H)

    G1 = jnp.sum((H * maskf).reshape(B, N, NODE_F), axis=1)
    G2 = jnp.sum((H0 * maskf).reshape(B, N, NODE_F), axis=1)
    out_ref[:] = (jnp.dot(G1, Wo1, preferred_element_type=f32)
                  + jnp.dot(G2, Wo2, preferred_element_type=f32))


def kernel(adjacency, nodes, edges, W_msg, W_upd, W_out):
    a2 = adjacency.reshape(BN, N)
    eapad = _ea_sparsecore(a2, edges.reshape(E_ROWS, EDGE_F))
    return pl.pallas_call(
        _mpnn_kernel,
        out_shape=jax.ShapeDtypeStruct((B, OUT_F), jnp.float32),
    )(a2, nodes.reshape(BN, NODE_F), eapad, W_msg, W_upd, W_out)

# --- scband reference (transcript-rebuilt; emitter-appended) ---
"""Pipeline reference for scband-summation-mpnn-18365280157746 (READ-ONLY COPY).

The authoritative reference and input builder live on the scoring server;
editing this copy changes nothing except your own understanding.
"""

import jax, jax.numpy as jnp
import numpy as np

B, N = 32, 32
NODE_F, EDGE_F, MSG, PASSES, OUT_F = 128, 16, 128, 3, 128


def setup_inputs(seed: int = 0) -> dict:
    key = jax.random.key(seed)
    k1, k2, k3, k4, k5, k6 = jax.random.split(key, 6)
    # 0/1 dense adjacency (batched molecular-style graphs)
    adjacency = jax.random.randint(k1, (B, N, N), 0, 2).astype(jnp.float32)
    nodes = jax.random.normal(k2, (B, N, NODE_F), dtype=jnp.float32)
    edges = jax.random.normal(k3, (B, N, N, EDGE_F), dtype=jnp.float32)
    # learned parameters for the concrete MPNN (message / update / readout)
    W_msg = jax.random.normal(k4, (2 * NODE_F + EDGE_F, MSG), dtype=jnp.float32) * 0.05
    W_upd = jax.random.normal(k5, (NODE_F + MSG, NODE_F), dtype=jnp.float32) * 0.05
    W_out = jax.random.normal(k6, (2 * NODE_F, OUT_F), dtype=jnp.float32) * 0.05
    return {"adjacency": adjacency, "nodes": nodes, "edges": edges,
            "W_msg": W_msg, "W_upd": W_upd, "W_out": W_out}


def reference(adjacency, nodes, edges, W_msg, W_upd, W_out):
    b_dim, n_dim = adjacency.shape[0], adjacency.shape[1]
    max_edges = b_dim * n_dim * n_dim
    max_nodes = b_dim * n_dim
    # adjacency.nonzero().unbind(-1)
    ebb, ebn, ebh = jnp.nonzero(adjacency, size=max_edges,
                                fill_value=(b_dim, n_dim, n_dim))
    # adjacency.sum(-1).nonzero().unbind(-1)
    nbb, nbn = jnp.nonzero(adjacency.sum(-1), size=max_nodes,
                           fill_value=(b_dim, n_dim))
    same_batch = nbb[:, None] == ebb[None, :]
    same_node = nbn[:, None] == ebn[None, :]
    message_summation_matrix = (same_batch & same_node).astype(jnp.float32)
    edge_batch_edges = edges[ebb, ebn, ebh, :]
    hidden = nodes
    node_batch_nodes = hidden[nbb, nbn, :]
    for _ in range(PASSES):
        edge_batch_nodes = hidden[ebb, ebn, :]
        edge_batch_neighbours = hidden[ebb, ebh, :]
        # message_terms: linear over [node, neighbour, edge]
        message_terms = jnp.concatenate(
            [edge_batch_nodes, edge_batch_neighbours, edge_batch_edges], axis=-1) @ W_msg
        messages = message_summation_matrix @ message_terms
        # update: tanh(linear([node, message]))
        node_batch_nodes = jnp.tanh(
            jnp.concatenate([node_batch_nodes, messages], axis=-1) @ W_upd)
        hidden = hidden.at[nbb, nbn, :].set(node_batch_nodes)
    node_mask = (adjacency.sum(-1) != 0).astype(jnp.float32)
    # readout: masked sum over nodes of [hidden, input] then linear
    graph = jnp.sum(jnp.concatenate([hidden, nodes], axis=-1) * node_mask[..., None], axis=1)
    return graph @ W_out

if __name__ == "__main__":
    import jax
    _d = setup_inputs()
    print(jax.jit(kernel)(*tuple(_d.values())))

</pallas_src>

<mosaic_0001>
#map = affine_map<(d0, d1) -> (0, 0)>
module attributes {stable_mosaic.version = 14 : i64} {
  func.func @_ea_sc_kernel(%arg0: i32, %arg1: i32, %arg2: memref<1024x32xf32, #tpu.memory_space<hbm>>, %arg3: memref<32768x16xf32, #tpu.memory_space<hbm>>, %arg4: memref<1024x128xf32, #tpu.memory_space<hbm>>, %arg5: memref<32x32xf32, #tpu.memory_space<vmem>>, %arg6: memref<128x16xf32, #tpu.memory_space<vmem>>, %arg7: memref<128x16xf32, #tpu.memory_space<vmem>>, %arg8: memref<32x128xf32, #tpu.memory_space<vmem>>, %arg9: memref<!tpu.dma_semaphore, #tpu.memory_space<semaphore_mem>>, %arg10: memref<!tpu.dma_semaphore, #tpu.memory_space<semaphore_mem>>) attributes {dimension_semantics = [#tpu.dimension_semantics<core_parallel>, #tpu.dimension_semantics<subcore_parallel>], iteration_bounds = array<i64: 2, 16>, scalar_prefetch = 0 : i64, scratch_operands = 6 : i64, tpu.core_type = #tpu.core_type<sc_vector_subcore>, window_params = [{transform_indices = #map}, {transform_indices = #map}, {transform_indices = #map}]} {
    %mul3A = arith.constant 2 : i32
    %mul3A_0 = arith.muli %arg1, %mul3A : i32
    %add3A = arith.addi %mul3A_0, %arg0 : i32
    %mul3A_1 = arith.constant 32 : i32
    %mul3A_2 = arith.muli %add3A, %mul3A_1 : i32
    "tpu.region"() ({
      %run_scoped3A = tpu.sem_alloc : memref<!tpu.dma_semaphore, #tpu.memory_space<semaphore_mem>>
      %dma_start3A_139 = arith.constant 0 : i32
      %dma_start3A_140 = tpu.memref_slice %arg2[%mul3A_2, %dma_start3A_139] : memref<1024x32xf32, #tpu.memory_space<hbm>> -> memref<32x32xf32, #tpu.memory_space<hbm>>
      %dma_start3A_141 = arith.constant 0 : i32
      %dma_start3A_142 = tpu.memref_slice %arg2[%mul3A_2, %dma_start3A_141] : memref<1024x32xf32, #tpu.memory_space<hbm>> -> memref<32x32xf32, #tpu.memory_space<hbm>>
      tpu.enqueue_dma source(%dma_start3A_142 : memref<32x32xf32, #tpu.memory_space<hbm>>) target(%arg5 : memref<32x32xf32, #tpu.memory_space<vmem>>) target_semaphore(%run_scoped3A : memref<!tpu.dma_semaphore, #tpu.memory_space<semaphore_mem>>)
      %dma_wait3A_143 = arith.constant 0 : i32
      %dma_wait3A_144 = tpu.memref_slice %arg2[%mul3A_2, %dma_wait3A_143] : memref<1024x32xf32, #tpu.memory_space<hbm>> -> memref<32x32xf32, #tpu.memory_space<hbm>>
      %dma_wait3A_145 = arith.constant 0 : i32
      %dma_wait3A_146 = tpu.memref_slice %arg2[%mul3A_2, %dma_wait3A_145] : memref<1024x32xf32, #tpu.memory_space<hbm>> -> memref<32x32xf32, #tpu.memory_space<hbm>>
      tpu.wait_dma2 semaphore(%run_scoped3A : memref<!tpu.dma_semaphore, #tpu.memory_space<semaphore_mem>>) src(%dma_wait3A_146 : memref<32x32xf32, #tpu.memory_space<hbm>>) dst(%arg5 : memref<32x32xf32, #tpu.memory_space<vmem>>)
      tpu.yield
    }) : () -> ()
    %mul3A_3 = arith.constant 1024 : i32
    %mul3A_4 = arith.muli %add3A, %mul3A_3 : i32
    %dma_start3A = arith.constant 0 : i32
    %dma_start3A_5 = tpu.memref_slice %arg3[%mul3A_4, %dma_start3A] : memref<32768x16xf32, #tpu.memory_space<hbm>> -> memref<128x16xf32, #tpu.memory_space<hbm>>
    %dma_start3A_6 = arith.constant 0 : i32
    %dma_start3A_7 = tpu.memref_slice %arg3[%mul3A_4, %dma_start3A_6] : memref<32768x16xf32, #tpu.memory_space<hbm>> -> memref<128x16xf32, #tpu.memory_space<hbm>>
    tpu.enqueue_dma source(%dma_start3A_7 : memref<128x16xf32, #tpu.memory_space<hbm>>) target(%arg6 : memref<128x16xf32, #tpu.memory_space<vmem>>) target_semaphore(%arg9 : memref<!tpu.dma_semaphore, #tpu.memory_space<semaphore_mem>>)
    %broadcast_in_dim3A = arith.constant 0.000000e+00 : f32
    %broadcast_in_dim3A_8 = vector.broadcast %broadcast_in_dim3A : f32 to vector<16xf32>
    %add3A_9 = arith.constant 128 : i32
    %add3A_10 = arith.addi %mul3A_4, %add3A_9 : i32
    %dma_start3A_11 = arith.constant 0 : i32
    %dma_start3A_12 = tpu.memref_slice %arg3[%add3A_10, %dma_start3A_11] : memref<32768x16xf32, #tpu.memory_space<hbm>> -> memref<128x16xf32, #tpu.memory_space<hbm>>
    %dma_start3A_13 = arith.constant 0 : i32
    %dma_start3A_14 = tpu.memref_slice %arg3[%add3A_10, %dma_start3A_13] : memref<32768x16xf32, #tpu.memory_space<hbm>> -> memref<128x16xf32, #tpu.memory_space<hbm>>
    tpu.enqueue_dma source(%dma_start3A_14 : memref<128x16xf32, #tpu.memory_space<hbm>>) target(%arg7 : memref<128x16xf32, #tpu.memory_space<vmem>>) target_semaphore(%arg10 : memref<!tpu.dma_semaphore, #tpu.memory_space<semaphore_mem>>)
    %add3A_15 = arith.constant 0 : i32
    %add3A_16 = arith.addi %mul3A_4, %add3A_15 : i32
    %dma_wait3A = arith.constant 0 : i32
    %dma_wait3A_17 = tpu.memref_slice %arg3[%add3A_16, %dma_wait3A] : memref<32768x16xf32, #tpu.memory_space<hbm>> -> memref<128x16xf32, #tpu.memory_space<hbm>>
    %dma_wait3A_18 = arith.constant 0 : i32
    %dma_wait3A_19 = tpu.memref_slice %arg3[%add3A_16, %dma_wait3A_18] : memref<32768x16xf32, #tpu.memory_space<hbm>> -> memref<128x16xf32, #tpu.memory_space<hbm>>
    tpu.wait_dma2 semaphore(%arg9 : memref<!tpu.dma_semaphore, #tpu.memory_space<semaphore_mem>>) src(%dma_wait3A_19 : memref<128x16xf32, #tpu.memory_space<hbm>>) dst(%arg6 : memref<128x16xf32, #tpu.memory_space<vmem>>)
    %scan3A = arith.constant 0 : i32
    %scan3A_20 = arith.constant 4 : i32
    %scan3A_21 = arith.addi %scan3A, %scan3A_20 : i32
    %scan3A_22 = arith.constant 1 : i32
    scf.for %scan3A_139 = %scan3A to %scan3A_21 step %scan3A_22  : i32 {
      %add3A_140 = arith.constant 0 : i32
      %add3A_141 = arith.addi %add3A_140, %scan3A_139 : i32
      %get3A = arith.index_cast %add3A_141 : i32 to index
      %get3A_142 = arith.constant 0 : index
      %get3A_143 = tpu.vector_load %arg5[%get3A, %get3A_142] {strides = array<i32>} : memref<32x32xf32, #tpu.memory_space<vmem>>, vector<1x16xf32>,
      %get3A_144 = vector.shape_cast %get3A_143 : vector<1x16xf32> to vector<16xf32>
      %get3A_145 = arith.index_cast %add3A_141 : i32 to index
      %get3A_146 = arith.constant 16 : index
      %get3A_147 = tpu.vector_load %arg5[%get3A_145, %get3A_146] {strides = array<i32>} : memref<32x32xf32, #tpu.memory_space<vmem>>, vector<1x16xf32>,
      %get3A_148 = vector.shape_cast %get3A_147 : vector<1x16xf32> to vector<16xf32>
      %broadcast_in_dim3A_149 = arith.constant 0 : i32
      %broadcast_in_dim3A_150 = vector.broadcast %broadcast_in_dim3A_149 : i32 to vector<16x1xi32>
      %gather3A = vector.shape_cast %broadcast_in_dim3A_150 : vector<16x1xi32> to vector<16xi32>
      %gather3A_151 = tpu.dynamic_gather %get3A_144[%gather3A] in [0] : vector<16xf32>, vector<16xi32> -> vector<16xf32>
      %mul3A_152 = arith.constant 32 : i32
      %mul3A_153 = arith.muli %scan3A_139, %mul3A_152 : i32
      %add3A_154 = arith.constant 0 : i32
      %add3A_155 = arith.addi %mul3A_153, %add3A_154 : i32
      %get3A_156 = arith.index_cast %add3A_155 : i32 to index
      %get3A_157 = arith.constant 0 : index
      %get3A_158 = tpu.vector_load %arg6[%get3A_156, %get3A_157] {strides = array<i32>} : memref<128x16xf32, #tpu.memory_space<vmem>>, vector<1x16xf32>,
      %get3A_159 = vector.shape_cast %get3A_158 : vector<1x16xf32> to vector<16xf32>
      %mul3A_160 = arith.mulf %gather3A_151, %get3A_159 : vector<16xf32>
      %add3A_161 = arith.addf %broadcast_in_dim3A_8, %mul3A_160 : vector<16xf32>
      %broadcast_in_dim3A_162 = arith.constant 1 : i32
      %broadcast_in_dim3A_163 = vector.broadcast %broadcast_in_dim3A_162 : i32 to vector<16x1xi32>
      %gather3A_164 = vector.shape_cast %broadcast_in_dim3A_163 : vector<16x1xi32> to vector<16xi32>
      %gather3A_165 = tpu.dynamic_gather %get3A_144[%gather3A_164] in [0] : vector<16xf32>, vector<16xi32> -> vector<16xf32>
      %mul3A_166 = arith.constant 32 : i32
      %mul3A_167 = arith.muli %scan3A_139, %mul3A_166 : i32
      %add3A_168 = arith.constant 1 : i32
      %add3A_169 = arith.addi %mul3A_167, %add3A_168 : i32
      %get3A_170 = arith.index_cast %add3A_169 : i32 to index
      %get3A_171 = arith.constant 0 : index
      %get3A_172 = tpu.vector_load %arg6[%get3A_170, %get3A_171] {strides = array<i32>} : memref<128x16xf32, #tpu.memory_space<vmem>>, vector<1x16xf32>,
      %get3A_173 = vector.shape_cast %get3A_172 : vector<1x16xf32> to vector<16xf32>
      %mul3A_174 = arith.mulf %gather3A_165, %get3A_173 : vector<16xf32>
      %add3A_175 = arith.addf %add3A_161, %mul3A_174 : vector<16xf32>
      %broadcast_in_dim3A_176 = arith.constant 2 : i32
      %broadcast_in_dim3A_177 = vector.broadcast %broadcast_in_dim3A_176 : i32 to vector<16x1xi32>
      %gather3A_178 = vector.shape_cast %broadcast_in_dim3A_177 : vector<16x1xi32> to vector<16xi32>
      %gather3A_179 = tpu.dynamic_gather %get3A_144[%gather3A_178] in [0] : vector<16xf32>, vector<16xi32> -> vector<16xf32>
      %mul3A_180 = arith.constant 32 : i32
      %mul3A_181 = arith.muli %scan3A_139, %mul3A_180 : i32
      %add3A_182 = arith.constant 2 : i32
      %add3A_183 = arith.addi %mul3A_181, %add3A_182 : i32
      %get3A_184 = arith.index_cast %add3A_183 : i32 to index
      %get3A_185 = arith.constant 0 : index
      %get3A_186 = tpu.vector_load %arg6[%get3A_184, %get3A_185] {strides = array<i32>} : memref<128x16xf32, #tpu.memory_space<vmem>>, vector<1x16xf32>,
      %get3A_187 = vector.shape_cast %get3A_186 : vector<1x16xf32> to vector<16xf32>
      %mul3A_188 = arith.mulf %gather3A_179, %get3A_187 : vector<16xf32>
      %add3A_189 = arith.addf %add3A_175, %mul3A_188 : vector<16xf32>
      %broadcast_in_dim3A_190 = arith.constant 3 : i32
      %broadcast_in_dim3A_191 = vector.broadcast %broadcast_in_dim3A_190 : i32 to vector<16x1xi32>
      %gather3A_192 = vector.shape_cast %broadcast_in_dim3A_191 : vector<16x1xi32> to vector<16xi32>
      %gather3A_193 = tpu.dynamic_gather %get3A_144[%gather3A_192] in [0] : vector<16xf32>, vector<16xi32> -> vector<16xf32>
      %mul3A_194 = arith.constant 32 : i32
      %mul3A_195 = arith.muli %scan3A_139, %mul3A_194 : i32
      %add3A_196 = arith.constant 3 : i32
      %add3A_197 = arith.addi %mul3A_195, %add3A_196 : i32
      %get3A_198 = arith.index_cast %add3A_197 : i32 to index
      %get3A_199 = arith.constant 0 : index
      %get3A_200 = tpu.vector_load %arg6[%get3A_198, %get3A_199] {strides = array<i32>} : memref<128x16xf32, #tpu.memory_space<vmem>>, vector<1x16xf32>,
      %get3A_201 = vector.shape_cast %get3A_200 : vector<1x16xf32> to vector<16xf32>
      %mul3A_202 = arith.mulf %gather3A_193, %get3A_201 : vector<16xf32>
      %add3A_203 = arith.addf %add3A_189, %mul3A_202 : vector<16xf32>
      %broadcast_in_dim3A_204 = arith.constant 4 : i32
      %broadcast_in_dim3A_205 = vector.broadcast %broadcast_in_dim3A_204 : i32 to vector<16x1xi32>
      %gather3A_206 = vector.shape_cast %broadcast_in_dim3A_205 : vector<16x1xi32> to vector<16xi32>
      %gather3A_207 = tpu.dynamic_gather %get3A_144[%gather3A_206] in [0] : vector<16xf32>, vector<16xi32> -> vector<16xf32>
      %mul3A_208 = arith.constant 32 : i32
      %mul3A_209 = arith.muli %scan3A_139, %mul3A_208 : i32
      %add3A_210 = arith.constant 4 : i32
      %add3A_211 = arith.addi %mul3A_209, %add3A_210 : i32
      %get3A_212 = arith.index_cast %add3A_211 : i32 to index
      %get3A_213 = arith.constant 0 : index
      %get3A_214 = tpu.vector_load %arg6[%get3A_212, %get3A_213] {strides = array<i32>} : memref<128x16xf32, #tpu.memory_space<vmem>>, vector<1x16xf32>,
      %get3A_215 = vector.shape_cast %get3A_214 : vector<1x16xf32> to vector<16xf32>
      %mul3A_216 = arith.mulf %gather3A_207, %get3A_215 : vector<16xf32>
      %add3A_217 = arith.addf %add3A_203, %mul3A_216 : vector<16xf32>
      %broadcast_in_dim3A_218 = arith.constant 5 : i32
      %broadcast_in_dim3A_219 = vector.broadcast %broadcast_in_dim3A_218 : i32 to vector<16x1xi32>
      %gather3A_220 = vector.shape_cast %broadcast_in_dim3A_219 : vector<16x1xi32> to vector<16xi32>
      %gather3A_221 = tpu.dynamic_gather %get3A_144[%gather3A_220] in [0] : vector<16xf32>, vector<16xi32> -> vector<16xf32>
      %mul3A_222 = arith.constant 32 : i32
      %mul3A_223 = arith.muli %scan3A_139, %mul3A_222 : i32
      %add3A_224 = arith.constant 5 : i32
      %add3A_225 = arith.addi %mul3A_223, %add3A_224 : i32
      %get3A_226 = arith.index_cast %add3A_225 : i32 to index
      %get3A_227 = arith.constant 0 : index
      %get3A_228 = tpu.vector_load %arg6[%get3A_226, %get3A_227] {strides = array<i32>} : memref<128x16xf32, #tpu.memory_space<vmem>>, vector<1x16xf32>,
      %get3A_229 = vector.shape_cast %get3A_228 : vector<1x16xf32> to vector<16xf32>
      %mul3A_230 = arith.mulf %gather3A_221, %get3A_229 : vector<16xf32>
      %add3A_231 = arith.addf %add3A_217, %mul3A_230 : vector<16xf32>
      %broadcast_in_dim3A_232 = arith.constant 6 : i32
      %broadcast_in_dim3A_233 = vector.broadcast %broadcast_in_dim3A_232 : i32 to vector<16x1xi32>
      %gather3A_234 = vector.shape_cast %broadcast_in_dim3A_233 : vector<16x1xi32> to vector<16xi32>
      %gather3A_235 = tpu.dynamic_gather %get3A_144[%gather3A_234] in [0] : vector<16xf32>, vector<16xi32> -> vector<16xf32>
      %mul3A_236 = arith.constant 32 : i32
      %mul3A_237 = arith.muli %scan3A_139, %mul3A_236 : i32
      %add3A_238 = arith.constant 6 : i32
      %add3A_239 = arith.addi %mul3A_237, %add3A_238 : i32
      %get3A_240 = arith.index_cast %add3A_239 : i32 to index
      %get3A_241 = arith.constant 0 : index
      %get3A_242 = tpu.vector_load %arg6[%get3A_240, %get3A_241] {strides = array<i32>} : memref<128x16xf32, #tpu.memory_space<vmem>>, vector<1x16xf32>,
      %get3A_243 = vector.shape_cast %get3A_242 : vector<1x16xf32> to vector<16xf32>
      %mul3A_244 = arith.mulf %gather3A_235, %get3A_243 : vector<16xf32>
      %add3A_245 = arith.addf %add3A_231, %mul3A_244 : vector<16xf32>
      %broadcast_in_dim3A_246 = arith.constant 7 : i32
      %broadcast_in_dim3A_247 = vector.broadcast %broadcast_in_dim3A_246 : i32 to vector<16x1xi32>
      %gather3A_248 = vector.shape_cast %broadcast_in_dim3A_247 : vector<16x1xi32> to vector<16xi32>
      %gather3A_249 = tpu.dynamic_gather %get3A_144[%gather3A_248] in [0] : vector<16xf32>, vector<16xi32> -> vector<16xf32>
      %mul3A_250 = arith.constant 32 : i32
      %mul3A_251 = arith.muli %scan3A_139, %mul3A_250 : i32
      %add3A_252 = arith.constant 7 : i32
      %add3A_253 = arith.addi %mul3A_251, %add3A_252 : i32
      %get3A_254 = arith.index_cast %add3A_253 : i32 to index
      %get3A_255 = arith.constant 0 : index
      %get3A_256 = tpu.vector_load %arg6[%get3A_254, %get3A_255] {strides = array<i32>} : memref<128x16xf32, #tpu.memory_space<vmem>>, vector<1x16xf32>,
      %get3A_257 = vector.shape_cast %get3A_256 : vector<1x16xf32> to vector<16xf32>
      %mul3A_258 = arith.mulf %gather3A_249, %get3A_257 : vector<16xf32>
      %add3A_259 = arith.addf %add3A_245, %mul3A_258 : vector<16xf32>
      %broadcast_in_dim3A_260 = arith.constant 8 : i32
      %broadcast_in_dim3A_261 = vector.broadcast %broadcast_in_dim3A_260 : i32 to vector<16x1xi32>
      %gather3A_262 = vector.shape_cast %broadcast_in_dim3A_261 : vector<16x1xi32> to vector<16xi32>
      %gather3A_263 = tpu.dynamic_gather %get3A_144[%gather3A_262] in [0] : vector<16xf32>, vector<16xi32> -> vector<16xf32>
      %mul3A_264 = arith.constant 32 : i32
      %mul3A_265 = arith.muli %scan3A_139, %mul3A_264 : i32
      %add3A_266 = arith.constant 8 : i32
      %add3A_267 = arith.addi %mul3A_265, %add3A_266 : i32
      %get3A_268 = arith.index_cast %add3A_267 : i32 to index
      %get3A_269 = arith.constant 0 : index
      %get3A_270 = tpu.vector_load %arg6[%get3A_268, %get3A_269] {strides = array<i32>} : memref<128x16xf32, #tpu.memory_space<vmem>>, vector<1x16xf32>,
      %get3A_271 = vector.shape_cast %get3A_270 : vector<1x16xf32> to vector<16xf32>
      %mul3A_272 = arith.mulf %gather3A_263, %get3A_271 : vector<16xf32>
      %add3A_273 = arith.addf %add3A_259, %mul3A_272 : vector<16xf32>
      %broadcast_in_dim3A_274 = arith.constant 9 : i32
      %broadcast_in_dim3A_275 = vector.broadcast %broadcast_in_dim3A_274 : i32 to vector<16x1xi32>
      %gather3A_276 = vector.shape_cast %broadcast_in_dim3A_275 : vector<16x1xi32> to vector<16xi32>
      %gather3A_277 = tpu.dynamic_gather %get3A_144[%gather3A_276] in [0] : vector<16xf32>, vector<16xi32> -> vector<16xf32>
      %mul3A_278 = arith.constant 32 : i32
      %mul3A_279 = arith.muli %scan3A_139, %mul3A_278 : i32
      %add3A_280 = arith.constant 9 : i32
      %add3A_281 = arith.addi %mul3A_279, %add3A_280 : i32
      %get3A_282 = arith.index_cast %add3A_281 : i32 to index
      %get3A_283 = arith.constant 0 : index
      %get3A_284 = tpu.vector_load %arg6[%get3A_282, %get3A_283] {strides = array<i32>} : memref<128x16xf32, #tpu.memory_space<vmem>>, vector<1x16xf32>,
      %get3A_285 = vector.shape_cast %get3A_284 : vector<1x16xf32> to vector<16xf32>
      %mul3A_286 = arith.mulf %gather3A_277, %get3A_285 : vector<16xf32>
      %add3A_287 = arith.addf %add3A_273, %mul3A_286 : vector<16xf32>
      %broadcast_in_dim3A_288 = arith.constant 10 : i32
      %broadcast_in_dim3A_289 = vector.broadcast %broadcast_in_dim3A_288 : i32 to vector<16x1xi32>
      %gather3A_290 = vector.shape_cast %broadcast_in_dim3A_289 : vector<16x1xi32> to vector<16xi32>
      %gather3A_291 = tpu.dynamic_gather %get3A_144[%gather3A_290] in [0] : vector<16xf32>, vector<16xi32> -> vector<16xf32>
      %mul3A_292 = arith.constant 32 : i32
      %mul3A_293 = arith.muli %scan3A_139, %mul3A_292 : i32
      %add3A_294 = arith.constant 10 : i32
      %add3A_295 = arith.addi %mul3A_293, %add3A_294 : i32
      %get3A_296 = arith.index_cast %add3A_295 : i32 to index
      %get3A_297 = arith.constant 0 : index
      %get3A_298 = tpu.vector_load %arg6[%get3A_296, %get3A_297] {strides = array<i32>} : memref<128x16xf32, #tpu.memory_space<vmem>>, vector<1x16xf32>,
      %get3A_299 = vector.shape_cast %get3A_298 : vector<1x16xf32> to vector<16xf32>
      %mul3A_300 = arith.mulf %gather3A_291, %get3A_299 : vector<16xf32>
      %add3A_301 = arith.addf %add3A_287, %mul3A_300 : vector<16xf32>
      %broadcast_in_dim3A_302 = arith.constant 11 : i32
      %broadcast_in_dim3A_303 = vector.broadcast %broadcast_in_dim3A_302 : i32 to vector<16x1xi32>
      %gather3A_304 = vector.shape_cast %broadcast_in_dim3A_303 : vector<16x1xi32> to vector<16xi32>
      %gather3A_305 = tpu.dynamic_gather %get3A_144[%gather3A_304] in [0] : vector<16xf32>, vector<16xi32> -> vector<16xf32>
      %mul3A_306 = arith.constant 32 : i32
      %mul3A_307 = arith.muli %scan3A_139, %mul3A_306 : i32
      %add3A_308 = arith.constant 11 : i32
      %add3A_309 = arith.addi %mul3A_307, %add3A_308 : i32
      %get3A_310 = arith.index_cast %add3A_309 : i32 to index
      %get3A_311 = arith.constant 0 : index
      %get3A_312 = tpu.vector_load %arg6[%get3A_310, %get3A_311] {strides = array<i32>} : memref<128x16xf32, #tpu.memory_space<vmem>>, vector<1x16xf32>,
      %get3A_313 = vector.shape_cast %get3A_312 : vector<1x16xf32> to vector<16xf32>
      %mul3A_314 = arith.mulf %gather3A_305, %get3A_313 : vector<16xf32>
      %add3A_315 = arith.addf %add3A_301, %mul3A_314 : vector<16xf32>
      %broadcast_in_dim3A_316 = arith.constant 12 : i32
      %broadcast_in_dim3A_317 = vector.broadcast %broadcast_in_dim3A_316 : i32 to vector<16x1xi32>
      %gather3A_318 = vector.shape_cast %broadcast_in_dim3A_317 : vector<16x1xi32> to vector<16xi32>
      %gather3A_319 = tpu.dynamic_gather %get3A_144[%gather3A_318] in [0] : vector<16xf32>, vector<16xi32> -> vector<16xf32>
      %mul3A_320 = arith.constant 32 : i32
      %mul3A_321 = arith.muli %scan3A_139, %mul3A_320 : i32
      %add3A_322 = arith.constant 12 : i32
      %add3A_323 = arith.addi %mul3A_321, %add3A_322 : i32
      %get3A_324 = arith.index_cast %add3A_323 : i32 to index
      %get3A_325 = arith.constant 0 : index
      %get3A_326 = tpu.vector_load %arg6[%get3A_324, %get3A_325] {strides = array<i32>} : memref<128x16xf32, #tpu.memory_space<vmem>>, vector<1x16xf32>,
      %get3A_327 = vector.shape_cast %get3A_326 : vector<1x16xf32> to vector<16xf32>
      %mul3A_328 = arith.mulf %gather3A_319, %get3A_327 : vector<16xf32>
      %add3A_329 = arith.addf %add3A_315, %mul3A_328 : vector<16xf32>
      %broadcast_in_dim3A_330 = arith.constant 13 : i32
      %broadcast_in_dim3A_331 = vector.broadcast %broadcast_in_dim3A_330 : i32 to vector<16x1xi32>
      %gather3A_332 = vector.shape_cast %broadcast_in_dim3A_331 : vector<16x1xi32> to vector<16xi32>
      %gather3A_333 = tpu.dynamic_gather %get3A_144[%gather3A_332] in [0] : vector<16xf32>, vector<16xi32> -> vector<16xf32>
      %mul3A_334 = arith.constant 32 : i32
      %mul3A_335 = arith.muli %scan3A_139, %mul3A_334 : i32
      %add3A_336 = arith.constant 13 : i32
      %add3A_337 = arith.addi %mul3A_335, %add3A_336 : i32
      %get3A_338 = arith.index_cast %add3A_337 : i32 to index
      %get3A_339 = arith.constant 0 : index
      %get3A_340 = tpu.vector_load %arg6[%get3A_338, %get3A_339] {strides = array<i32>} : memref<128x16xf32, #tpu.memory_space<vmem>>, vector<1x16xf32>,
      %get3A_341 = vector.shape_cast %get3A_340 : vector<1x16xf32> to vector<16xf32>
      %mul3A_342 = arith.mulf %gather3A_333, %get3A_341 : vector<16xf32>
      %add3A_343 = arith.addf %add3A_329, %mul3A_342 : vector<16xf32>
      %broadcast_in_dim3A_344 = arith.constant 14 : i32
      %broadcast_in_dim3A_345 = vector.broadcast %broadcast_in_dim3A_344 : i32 to vector<16x1xi32>
      %gather3A_346 = vector.shape_cast %broadcast_in_dim3A_345 : vector<16x1xi32> to vector<16xi32>
      %gather3A_347 = tpu.dynamic_gather %get3A_144[%gather3A_346] in [0] : vector<16xf32>, vector<16xi32> -> vector<16xf32>
      %mul3A_348 = arith.constant 32 : i32
      %mul3A_349 = arith.muli %scan3A_139, %mul3A_348 : i32
      %add3A_350 = arith.constant 14 : i32
      %add3A_351 = arith.addi %mul3A_349, %add3A_350 : i32
      %get3A_352 = arith.index_cast %add3A_351 : i32 to index
      %get3A_353 = arith.constant 0 : index
      %get3A_354 = tpu.vector_load %arg6[%get3A_352, %get3A_353] {strides = array<i32>} : memref<128x16xf32, #tpu.memory_space<vmem>>, vector<1x16xf32>,
      %get3A_355 = vector.shape_cast %get3A_354 : vector<1x16xf32> to vector<16xf32>
      %mul3A_356 = arith.mulf %gather3A_347, %get3A_355 : vector<16xf32>
      %add3A_357 = arith.addf %add3A_343, %mul3A_356 : vector<16xf32>
      %broadcast_in_dim3A_358 = arith.constant 15 : i32
      %broadcast_in_dim3A_359 = vector.broadcast %broadcast_in_dim3A_358 : i32 to vector<16x1xi32>
      %gather3A_360 = vector.shape_cast %broadcast_in_dim3A_359 : vector<16x1xi32> to vector<16xi32>
      %gather3A_361 = tpu.dynamic_gather %get3A_144[%gather3A_360] in [0] : vector<16xf32>, vector<16xi32> -> vector<16xf32>
      %mul3A_362 = arith.constant 32 : i32
      %mul3A_363 = arith.muli %scan3A_139, %mul3A_362 : i32
      %add3A_364 = arith.constant 15 : i32
      %add3A_365 = arith.addi %mul3A_363, %add3A_364 : i32
      %get3A_366 = arith.index_cast %add3A_365 : i32 to index
      %get3A_367 = arith.constant 0 : index
      %get3A_368 = tpu.vector_load %arg6[%get3A_366, %get3A_367] {strides = array<i32>} : memref<128x16xf32, #tpu.memory_space<vmem>>, vector<1x16xf32>,
      %get3A_369 = vector.shape_cast %get3A_368 : vector<1x16xf32> to vector<16xf32>
      %mul3A_370 = arith.mulf %gather3A_361, %get3A_369 : vector<16xf32>
      %add3A_371 = arith.addf %add3A_357, %mul3A_370 : vector<16xf32>
      %broadcast_in_dim3A_372 = arith.constant 0 : i32
      %broadcast_in_dim3A_373 = vector.broadcast %broadcast_in_dim3A_372 : i32 to vector<16x1xi32>
      %gather3A_374 = vector.shape_cast %broadcast_in_dim3A_373 : vector<16x1xi32> to vector<16xi32>
      %gather3A_375 = tpu.dynamic_gather %get3A_148[%gather3A_374] in [0] : vector<16xf32>, vector<16xi32> -> vector<16xf32>
      %mul3A_376 = arith.constant 32 : i32
      %mul3A_377 = arith.muli %scan3A_139, %mul3A_376 : i32
      %add3A_378 = arith.constant 16 : i32
      %add3A_379 = arith.addi %mul3A_377, %add3A_378 : i32
      %get3A_380 = arith.index_cast %add3A_379 : i32 to index
      %get3A_381 = arith.constant 0 : index
      %get3A_382 = tpu.vector_load %arg6[%get3A_380, %get3A_381] {strides = array<i32>} : memref<128x16xf32, #tpu.memory_space<vmem>>, vector<1x16xf32>,
      %get3A_383 = vector.shape_cast %get3A_382 : vector<1x16xf32> to vector<16xf32>
      %mul3A_384 = arith.mulf %gather3A_375, %get3A_383 : vector<16xf32>
      %add3A_385 = arith.addf %add3A_371, %mul3A_384 : vector<16xf32>
      %broadcast_in_dim3A_386 = arith.constant 1 : i32
      %broadcast_in_dim3A_387 = vector.broadcast %broadcast_in_dim3A_386 : i32 to vector<16x1xi32>
      %gather3A_388 = vector.shape_cast %broadcast_in_dim3A_387 : vector<16x1xi32> to vector<16xi32>
      %gather3A_389 = tpu.dynamic_gather %get3A_148[%gather3A_388] in [0] : vector<16xf32>, vector<16xi32> -> vector<16xf32>
      %mul3A_390 = arith.constant 32 : i32
      %mul3A_391 = arith.muli %scan3A_139, %mul3A_390 : i32
      %add3A_392 = arith.constant 17 : i32
      %add3A_393 = arith.addi %mul3A_391, %add3A_392 : i32
      %get3A_394 = arith.index_cast %add3A_393 : i32 to index
      %get3A_395 = arith.constant 0 : index
      %get3A_396 = tpu.vector_load %arg6[%get3A_394, %get3A_395] {strides = array<i32>} : memref<128x16xf32, #tpu.memory_space<vmem>>, vector<1x16xf32>,
      %get3A_397 = vector.shape_cast %get3A_396 : vector<1x16xf32> to vector<16xf32>
      %mul3A_398 = arith.mulf %gather3A_389, %get3A_397 : vector<16xf32>
      %add3A_399 = arith.addf %add3A_385, %mul3A_398 : vector<16xf32>
      %broadcast_in_dim3A_400 = arith.constant 2 : i32
      %broadcast_in_dim3A_401 = vector.broadcast %broadcast_in_dim3A_400 : i32 to vector<16x1xi32>
      %gather3A_402 = vector.shape_cast %broadcast_in_dim3A_401 : vector<16x1xi32> to vector<16xi32>
      %gather3A_403 = tpu.dynamic_gather %get3A_148[%gather3A_402] in [0] : vector<16xf32>, vector<16xi32> -> vector<16xf32>
      %mul3A_404 = arith.constant 32 : i32
      %mul3A_405 = arith.muli %scan3A_139, %mul3A_404 : i32
      %add3A_406 = arith.constant 18 : i32
      %add3A_407 = arith.addi %mul3A_405, %add3A_406 : i32
      %get3A_408 = arith.index_cast %add3A_407 : i32 to index
      %get3A_409 = arith.constant 0 : index
      %get3A_410 = tpu.vector_load %arg6[%get3A_408, %get3A_409] {strides = array<i32>} : memref<128x16xf32, #tpu.memory_space<vmem>>, vector<1x16xf32>,
      %get3A_411 = vector.shape_cast %get3A_410 : vector<1x16xf32> to vector<16xf32>
      %mul3A_412 = arith.mulf %gather3A_403, %get3A_411 : vector<16xf32>
      %add3A_413 = arith.addf %add3A_399, %mul3A_412 : vector<16xf32>
      %broadcast_in_dim3A_414 = arith.constant 3 : i32
      %broadcast_in_dim3A_415 = vector.broadcast %broadcast_in_dim3A_414 : i32 to vector<16x1xi32>
      %gather3A_416 = vector.shape_cast %broadcast_in_dim3A_415 : vector<16x1xi32> to vector<16xi32>
      %gather3A_417 = tpu.dynamic_gather %get3A_148[%gather3A_416] in [0] : vector<16xf32>, vector<16xi32> -> vector<16xf32>
      %mul3A_418 = arith.constant 32 : i32
      %mul3A_419 = arith.muli %scan3A_139, %mul3A_418 : i32
      %add3A_420 = arith.constant 19 : i32
      %add3A_421 = arith.addi %mul3A_419, %add3A_420 : i32
      %get3A_422 = arith.index_cast %add3A_421 : i32 to index
      %get3A_423 = arith.constant 0 : index
      %get3A_424 = tpu.vector_load %arg6[%get3A_422, %get3A_423] {strides = array<i32>} : memref<128x16xf32, #tpu.memory_space<vmem>>, vector<1x16xf32>,
      %get3A_425 = vector.shape_cast %get3A_424 : vector<1x16xf32> to vector<16xf32>
      %mul3A_426 = arith.mulf %gather3A_417, %get3A_425 : vector<16xf32>
      %add3A_427 = arith.addf %add3A_413, %mul3A_426 : vector<16xf32>
      %broadcast_in_dim3A_428 = arith.constant 4 : i32
      %broadcast_in_dim3A_429 = vector.broadcast %broadcast_in_dim3A_428 : i32 to vector<16x1xi32>
      %gather3A_430 = vector.shape_cast %broadcast_in_dim3A_429 : vector<16x1xi32> to vector<16xi32>
      %gather3A_431 = tpu.dynamic_gather %get3A_148[%gather3A_430] in [0] : vector<16xf32>, vector<16xi32> -> vector<16xf32>
      %mul3A_432 = arith.constant 32 : i32
      %mul3A_433 = arith.muli %scan3A_139, %mul3A_432 : i32
      %add3A_434 = arith.constant 20 : i32
      %add3A_435 = arith.addi %mul3A_433, %add3A_434 : i32
      %get3A_436 = arith.index_cast %add3A_435 : i32 to index
      %get3A_437 = arith.constant 0 : index
      %get3A_438 = tpu.vector_load %arg6[%get3A_436, %get3A_437] {strides = array<i32>} : memref<128x16xf32, #tpu.memory_space<vmem>>, vector<1x16xf32>,
      %get3A_439 = vector.shape_cast %get3A_438 : vector<1x16xf32> to vector<16xf32>
      %mul3A_440 = arith.mulf %gather3A_431, %get3A_439 : vector<16xf32>
      %add3A_441 = arith.addf %add3A_427, %mul3A_440 : vector<16xf32>
      %broadcast_in_dim3A_442 = arith.constant 5 : i32
      %broadcast_in_dim3A_443 = vector.broadcast %broadcast_in_dim3A_442 : i32 to vector<16x1xi32>
      %gather3A_444 = vector.shape_cast %broadcast_in_dim3A_443 : vector<16x1xi32> to vector<16xi32>
      %gather3A_445 = tpu.dynamic_gather %get3A_148[%gather3A_444] in [0] : vector<16xf32>, vector<16xi32> -> vector<16xf32>
      %mul3A_446 = arith.constant 32 : i32
      %mul3A_447 = arith.muli %scan3A_139, %mul3A_446 : i32
      %add3A_448 = arith.constant 21 : i32
      %add3A_449 = arith.addi %mul3A_447, %add3A_448 : i32
      %get3A_450 = arith.index_cast %add3A_449 : i32 to index
      %get3A_451 = arith.constant 0 : index
      %get3A_452 = tpu.vector_load %arg6[%get3A_450, %get3A_451] {strides = array<i32>} : memref<128x16xf32, #tpu.memory_space<vmem>>, vector<1x16xf32>,
      %get3A_453 = vector.shape_cast %get3A_452 : vector<1x16xf32> to vector<16xf32>
      %mul3A_454 = arith.mulf %gather3A_445, %get3A_453 : vector<16xf32>
      %add3A_455 = arith.addf %add3A_441, %mul3A_454 : vector<16xf32>
      %broadcast_in_dim3A_456 = arith.constant 6 : i32
      %broadcast_in_dim3A_457 = vector.broadcast %broadcast_in_dim3A_456 : i32 to vector<16x1xi32>
      %gather3A_458 = vector.shape_cast %broadcast_in_dim3A_457 : vector<16x1xi32> to vector<16xi32>
      %gather3A_459 = tpu.dynamic_gather %get3A_148[%gather3A_458] in [0] : vector<16xf32>, vector<16xi32> -> vector<16xf32>
      %mul3A_460 = arith.constant 32 : i32
      %mul3A_461 = arith.muli %scan3A_139, %mul3A_460 : i32
      %add3A_462 = arith.constant 22 : i32
      %add3A_463 = arith.addi %mul3A_461, %add3A_462 : i32
      %get3A_464 = arith.index_cast %add3A_463 : i32 to index
      %get3A_465 = arith.constant 0 : index
      %get3A_466 = tpu.vector_load %arg6[%get3A_464, %get3A_465] {strides = array<i32>} : memref<128x16xf32, #tpu.memory_space<vmem>>, vector<1x16xf32>,
      %get3A_467 = vector.shape_cast %get3A_466 : vector<1x16xf32> to vector<16xf32>
      %mul3A_468 = arith.mulf %gather3A_459, %get3A_467 : vector<16xf32>
      %add3A_469 = arith.addf %add3A_455, %mul3A_468 : vector<16xf32>
      %broadcast_in_dim3A_470 = arith.constant 7 : i32
      %broadcast_in_dim3A_471 = vector.broadcast %broadcast_in_dim3A_470 : i32 to vector<16x1xi32>
      %gather3A_472 = vector.shape_cast %broadcast_in_dim3A_471 : vector<16x1xi32> to vector<16xi32>
      %gather3A_473 = tpu.dynamic_gather %get3A_148[%gather3A_472] in [0] : vector<16xf32>, vector<16xi32> -> vector<16xf32>
      %mul3A_474 = arith.constant 32 : i32
      %mul3A_475 = arith.muli %scan3A_139, %mul3A_474 : i32
      %add3A_476 = arith.constant 23 : i32
      %add3A_477 = arith.addi %mul3A_475, %add3A_476 : i32
      %get3A_478 = arith.index_cast %add3A_477 : i32 to index
      %get3A_479 = arith.constant 0 : index
      %get3A_480 = tpu.vector_load %arg6[%get3A_478, %get3A_479] {strides = array<i32>} : memref<128x16xf32, #tpu.memory_space<vmem>>, vector<1x16xf32>,
      %get3A_481 = vector.shape_cast %get3A_480 : vector<1x16xf32> to vector<16xf32>
      %mul3A_482 = arith.mulf %gather3A_473, %get3A_481 : vector<16xf32>
      %add3A_483 = arith.addf %add3A_469, %mul3A_482 : vector<16xf32>
      %broadcast_in_dim3A_484 = arith.constant 8 : i32
      %broadcast_in_dim3A_485 = vector.broadcast %broadcast_in_dim3A_484 : i32 to vector<16x1xi32>
      %gather3A_486 = vector.shape_cast %broadcast_in_dim3A_485 : vector<16x1xi32> to vector<16xi32>
      %gather3A_487 = tpu.dynamic_gather %get3A_148[%gather3A_486] in [0] : vector<16xf32>, vector<16xi32> -> vector<16xf32>
      %mul3A_488 = arith.constant 32 : i32
      %mul3A_489 = arith.muli %scan3A_139, %mul3A_488 : i32
      %add3A_490 = arith.constant 24 : i32
      %add3A_491 = arith.addi %mul3A_489, %add3A_490 : i32
      %get3A_492 = arith.index_cast %add3A_491 : i32 to index
      %get3A_493 = arith.constant 0 : index
      %get3A_494 = tpu.vector_load %arg6[%get3A_492, %get3A_493] {strides = array<i32>} : memref<128x16xf32, #tpu.memory_space<vmem>>, vector<1x16xf32>,
      %get3A_495 = vector.shape_cast %get3A_494 : vector<1x16xf32> to vector<16xf32>
      %mul3A_496 = arith.mulf %gather3A_487, %get3A_495 : vector<16xf32>
      %add3A_497 = arith.addf %add3A_483, %mul3A_496 : vector<16xf32>
      %broadcast_in_dim3A_498 = arith.constant 9 : i32
      %broadcast_in_dim3A_499 = vector.broadcast %broadcast_in_dim3A_498 : i32 to vector<16x1xi32>
      %gather3A_500 = vector.shape_cast %broadcast_in_dim3A_499 : vector<16x1xi32> to vector<16xi32>
      %gather3A_501 = tpu.dynamic_gather %get3A_148[%gather3A_500] in [0] : vector<16xf32>, vector<16xi32> -> vector<16xf32>
      %mul3A_502 = arith.constant 32 : i32
      %mul3A_503 = arith.muli %scan3A_139, %mul3A_502 : i32
      %add3A_504 = arith.constant 25 : i32
      %add3A_505 = arith.addi %mul3A_503, %add3A_504 : i32
      %get3A_506 = arith.index_cast %add3A_505 : i32 to index
      %get3A_507 = arith.constant 0 : index
      %get3A_508 = tpu.vector_load %arg6[%get3A_506, %get3A_507] {strides = array<i32>} : memref<128x16xf32, #tpu.memory_space<vmem>>, vector<1x16xf32>,
      %get3A_509 = vector.shape_cast %get3A_508 : vector<1x16xf32> to vector<16xf32>
      %mul3A_510 = arith.mulf %gather3A_501, %get3A_509 : vector<16xf32>
      %add3A_511 = arith.addf %add3A_497, %mul3A_510 : vector<16xf32>
      %broadcast_in_dim3A_512 = arith.constant 10 : i32
      %broadcast_in_dim3A_513 = vector.broadcast %broadcast_in_dim3A_512 : i32 to vector<16x1xi32>
      %gather3A_514 = vector.shape_cast %broadcast_in_dim3A_513 : vector<16x1xi32> to vector<16xi32>
      %gather3A_515 = tpu.dynamic_gather %get3A_148[%gather3A_514] in [0] : vector<16xf32>, vector<16xi32> -> vector<16xf32>
      %mul3A_516 = arith.constant 32 : i32
      %mul3A_517 = arith.muli %scan3A_139, %mul3A_516 : i32
      %add3A_518 = arith.constant 26 : i32
      %add3A_519 = arith.addi %mul3A_517, %add3A_518 : i32
      %get3A_520 = arith.index_cast %add3A_519 : i32 to index
      %get3A_521 = arith.constant 0 : index
      %get3A_522 = tpu.vector_load %arg6[%get3A_520, %get3A_521] {strides = array<i32>} : memref<128x16xf32, #tpu.memory_space<vmem>>, vector<1x16xf32>,
      %get3A_523 = vector.shape_cast %get3A_522 : vector<1x16xf32> to vector<16xf32>
      %mul3A_524 = arith.mulf %gather3A_515, %get3A_523 : vector<16xf32>
      %add3A_525 = arith.addf %add3A_511, %mul3A_524 : vector<16xf32>
      %broadcast_in_dim3A_526 = arith.constant 11 : i32
      %broadcast_in_dim3A_527 = vector.broadcast %broadcast_in_dim3A_526 : i32 to vector<16x1xi32>
      %gather3A_528 = vector.shape_cast %broadcast_in_dim3A_527 : vector<16x1xi32> to vector<16xi32>
      %gather3A_529 = tpu.dynamic_gather %get3A_148[%gather3A_528] in [0] : vector<16xf32>, vector<16xi32> -> vector<16xf32>
      %mul3A_530 = arith.constant 32 : i32
      %mul3A_531 = arith.muli %scan3A_139, %mul3A_530 : i32
      %add3A_532 = arith.constant 27 : i32
      %add3A_533 = arith.addi %mul3A_531, %add3A_532 : i32
      %get3A_534 = arith.index_cast %add3A_533 : i32 to index
      %get3A_535 = arith.constant 0 : index
      %get3A_536 = tpu.vector_load %arg6[%get3A_534, %get3A_535] {strides = array<i32>} : memref<128x16xf32, #tpu.memory_space<vmem>>, vector<1x16xf32>,
      %get3A_537 = vector.shape_cast %get3A_536 : vector<1x16xf32> to vector<16xf32>
      %mul3A_538 = arith.mulf %gather3A_529, %get3A_537 : vector<16xf32>
      %add3A_539 = arith.addf %add3A_525, %mul3A_538 : vector<16xf32>
      %broadcast_in_dim3A_540 = arith.constant 12 : i32
      %broadcast_in_dim3A_541 = vector.broadcast %broadcast_in_dim3A_540 : i32 to vector<16x1xi32>
      %gather3A_542 = vector.shape_cast %broadcast_in_dim3A_541 : vector<16x1xi32> to vector<16xi32>
      %gather3A_543 = tpu.dynamic_gather %get3A_148[%gather3A_542] in [0] : vector<16xf32>, vector<16xi32> -> vector<16xf32>
      %mul3A_544 = arith.constant 32 : i32
      %mul3A_545 = arith.muli %scan3A_139, %mul3A_544 : i32
      %add3A_546 = arith.constant 28 : i32
      %add3A_547 = arith.addi %mul3A_545, %add3A_546 : i32
      %get3A_548 = arith.index_cast %add3A_547 : i32 to index
      %get3A_549 = arith.constant 0 : index
      %get3A_550 = tpu.vector_load %arg6[%get3A_548, %get3A_549] {strides = array<i32>} : memref<128x16xf32, #tpu.memory_space<vmem>>, vector<1x16xf32>,
      %get3A_551 = vector.shape_cast %get3A_550 : vector<1x16xf32> to vector<16xf32>
      %mul3A_552 = arith.mulf %gather3A_543, %get3A_551 : vector<16xf32>
      %add3A_553 = arith.addf %add3A_539, %mul3A_552 : vector<16xf32>
      %broadcast_in_dim3A_554 = arith.constant 13 : i32
      %broadcast_in_dim3A_555 = vector.broadcast %broadcast_in_dim3A_554 : i32 to vector<16x1xi32>
      %gather3A_556 = vector.shape_cast %broadcast_in_dim3A_555 : vector<16x1xi32> to vector<16xi32>
      %gather3A_557 = tpu.dynamic_gather %get3A_148[%gather3A_556] in [0] : vector<16xf32>, vector<16xi32> -> vector<16xf32>
      %mul3A_558 = arith.constant 32 : i32
      %mul3A_559 = arith.muli %scan3A_139, %mul3A_558 : i32
      %add3A_560 = arith.constant 29 : i32
      %add3A_561 = arith.addi %mul3A_559, %add3A_560 : i32
      %get3A_562 = arith.index_cast %add3A_561 : i32 to index
      %get3A_563 = arith.constant 0 : index
      %get3A_564 = tpu.vector_load %arg6[%get3A_562, %get3A_563] {strides = array<i32>} : memref<128x16xf32, #tpu.memory_space<vmem>>, vector<1x16xf32>,
      %get3A_565 = vector.shape_cast %get3A_564 : vector<1x16xf32> to vector<16xf32>
      %mul3A_566 = arith.mulf %gather3A_557, %get3A_565 : vector<16xf32>
      %add3A_567 = arith.addf %add3A_553, %mul3A_566 : vector<16xf32>
      %broadcast_in_dim3A_568 = arith.constant 14 : i32
      %broadcast_in_dim3A_569 = vector.broadcast %broadcast_in_dim3A_568 : i32 to vector<16x1xi32>
      %gather3A_570 = vector.shape_cast %broadcast_in_dim3A_569 : vector<16x1xi32> to vector<16xi32>
      %gather3A_571 = tpu.dynamic_gather %get3A_148[%gather3A_570] in [0] : vector<16xf32>, vector<16xi32> -> vector<16xf32>
      %mul3A_572 = arith.constant 32 : i32
      %mul3A_573 = arith.muli %scan3A_139, %mul3A_572 : i32
      %add3A_574 = arith.constant 30 : i32
      %add3A_575 = arith.addi %mul3A_573, %add3A_574 : i32
      %get3A_576 = arith.index_cast %add3A_575 : i32 to index
      %get3A_577 = arith.constant 0 : index
      %get3A_578 = tpu.vector_load %arg6[%get3A_576, %get3A_577] {strides = array<i32>} : memref<128x16xf32, #tpu.memory_space<vmem>>, vector<1x16xf32>,
      %get3A_579 = vector.shape_cast %get3A_578 : vector<1x16xf32> to vector<16xf32>
      %mul3A_580 = arith.mulf %gather3A_571, %get3A_579 : vector<16xf32>
      %add3A_581 = arith.addf %add3A_567, %mul3A_580 : vector<16xf32>
      %broadcast_in_dim3A_582 = arith.constant 15 : i32
      %broadcast_in_dim3A_583 = vector.broadcast %broadcast_in_dim3A_582 : i32 to vector<16x1xi32>
      %gather3A_584 = vector.shape_cast %broadcast_in_dim3A_583 : vector<16x1xi32> to vector<16xi32>
      %gather3A_585 = tpu.dynamic_gather %get3A_148[%gather3A_584] in [0] : vector<16xf32>, vector<16xi32> -> vector<16xf32>
      %mul3A_586 = arith.constant 32 : i32
      %mul3A_587 = arith.muli %scan3A_139, %mul3A_586 : i32
      %add3A_588 = arith.constant 31 : i32
      %add3A_589 = arith.addi %mul3A_587, %add3A_588 : i32
      %get3A_590 = arith.index_cast %add3A_589 : i32 to index
      %get3A_591 = arith.constant 0 : index
      %get3A_592 = tpu.vector_load %arg6[%get3A_590, %get3A_591] {strides = array<i32>} : memref<128x16xf32, #tpu.memory_space<vmem>>, vector<1x16xf32>,
      %get3A_593 = vector.shape_cast %get3A_592 : vector<1x16xf32> to vector<16xf32>
      %mul3A_594 = arith.mulf %gather3A_585, %get3A_593 : vector<16xf32>
      %add3A_595 = arith.addf %add3A_581, %mul3A_594 : vector<16xf32>
      %swap3A = arith.index_cast %add3A_141 : i32 to index
      %swap3A_596 = arith.constant 0 : index
      %swap3A_597 = tpu.vector_load %arg8[%swap3A, %swap3A_596] {strides = array<i32>} : memref<32x128xf32, #tpu.memory_space<vmem>>, vector<1x16xf32>,
      %swap3A_598 = vector.shape_cast %swap3A_597 : vector<1x16xf32> to vector<16xf32>
      %swap3A_599 = vector.shape_cast %add3A_595 : vector<16xf32> to vector<1x16xf32>
      tpu.vector_store %arg8[%swap3A, %swap3A_596], %swap3A_599 {strides = array<i32>} : memref<32x128xf32, #tpu.memory_space<vmem>>, vector<1x16xf32>,
      %swap3A_600 = arith.index_cast %add3A_141 : i32 to index
      %swap3A_601 = arith.constant 16 : index
      %swap3A_602 = tpu.vector_load %arg8[%swap3A_600, %swap3A_601] {strides = array<i32>} : memref<32x128xf32, #tpu.memory_space<vmem>>, vector<1x16xf32>,
      %swap3A_603 = vector.shape_cast %swap3A_602 : vector<1x16xf32> to vector<16xf32>
      %swap3A_604 = vector.shape_cast %broadcast_in_dim3A_8 : vector<16xf32> to vector<1x16xf32>
      tpu.vector_store %arg8[%swap3A_600, %swap3A_601], %swap3A_604 {strides = array<i32>} : memref<32x128xf32, #tpu.memory_space<vmem>>, vector<1x16xf32>,
      %swap3A_605 = arith.index_cast %add3A_141 : i32 to index
      %swap3A_606 = arith.constant 32 : index
      %swap3A_607 = tpu.vector_load %arg8[%swap3A_605, %swap3A_606] {strides = array<i32>} : memref<32x128xf32, #tpu.memory_space<vmem>>, vector<1x16xf32>,
      %swap3A_608 = vector.shape_cast %swap3A_607 : vector<1x16xf32> to vector<16xf32>
      %swap3A_609 = vector.shape_cast %broadcast_in_dim3A_8 : vector<16xf32> to vector<1x16xf32>
      tpu.vector_store %arg8[%swap3A_605, %swap3A_606], %swap3A_609 {strides = array<i32>} : memref<32x128xf32, #tpu.memory_space<vmem>>, vector<1x16xf32>,
      %swap3A_610 = arith.index_cast %add3A_141 : i32 to index
      %swap3A_611 = arith.constant 48 : index
      %swap3A_612 = tpu.vector_load %arg8[%swap3A_610, %swap3A_611] {strides = array<i32>} : memref<32x128xf32, #tpu.memory_space<vmem>>, vector<1x16xf32>,
      %swap3A_613 = vector.shape_cast %swap3A_612 : vector<1x16xf32> to vector<16xf32>
      %swap3A_614 = vector.shape_cast %broadcast_in_dim3A_8 : vector<16xf32> to vector<1x16xf32>
      tpu.vector_store %arg8[%swap3A_610, %swap3A_611], %swap3A_614 {strides = array<i32>} : memref<32x128xf32, #tpu.memory_space<vmem>>, vector<1x16xf32>,
      %swap3A_615 = arith.index_cast %add3A_141 : i32 to index
      %swap3A_616 = arith.constant 64 : index
      %swap3A_617 = tpu.vector_load %arg8[%swap3A_615, %swap3A_616] {strides = array<i32>} : memref<32x128xf32, #tpu.memory_space<vmem>>, vector<1x16xf32>,
      %swap3A_618 = vector.shape_cast %swap3A_617 : vector<1x16xf32> to vector<16xf32>
      %swap3A_619 = vector.shape_cast %broadcast_in_dim3A_8 : vector<16xf32> to vector<1x16xf32>
      tpu.vector_store %arg8[%swap3A_615, %swap3A_616], %swap3A_619 {strides = array<i32>} : memref<32x128xf32, #tpu.memory_space<vmem>>, vector<1x16xf32>,
      %swap3A_620 = arith.index_cast %add3A_141 : i32 to index
      %swap3A_621 = arith.constant 80 : index
      %swap3A_622 = tpu.vector_load %arg8[%swap3A_620, %swap3A_621] {strides = array<i32>} : memref<32x128xf32, #tpu.memory_space<vmem>>, vector<1x16xf32>,
      %swap3A_623 = vector.shape_cast %swap3A_622 : vector<1x16xf32> to vector<16xf32>
      %swap3A_624 = vector.shape_cast %broadcast_in_dim3A_8 : vector<16xf32> to vector<1x16xf32>
      tpu.vector_store %arg8[%swap3A_620, %swap3A_621], %swap3A_624 {strides = array<i32>} : memref<32x128xf32, #tpu.memory_space<vmem>>, vector<1x16xf32>,
      %swap3A_625 = arith.index_cast %add3A_141 : i32 to index
      %swap3A_626 = arith.constant 96 : index
      %swap3A_627 = tpu.vector_load %arg8[%swap3A_625, %swap3A_626] {strides = array<i32>} : memref<32x128xf32, #tpu.memory_space<vmem>>, vector<1x16xf32>,
      %swap3A_628 = vector.shape_cast %swap3A_627 : vector<1x16xf32> to vector<16xf32>
      %swap3A_629 = vector.shape_cast %broadcast_in_dim3A_8 : vector<16xf32> to vector<1x16xf32>
      tpu.vector_store %arg8[%swap3A_625, %swap3A_626], %swap3A_629 {strides = array<i32>} : memref<32x128xf32, #tpu.memory_space<vmem>>, vector<1x16xf32>,
      %swap3A_630 = arith.index_cast %add3A_141 : i32 to index
      %swap3A_631 = arith.constant 112 : index
      %swap3A_632 = tpu.vector_load %arg8[%swap3A_630, %swap3A_631] {strides = array<i32>} : memref<32x128xf32, #tpu.memory_space<vmem>>, vector<1x16xf32>,
      %swap3A_633 = vector.shape_cast %swap3A_632 : vector<1x16xf32> to vector<16xf32>
      %swap3A_634 = vector.shape_cast %broadcast_in_dim3A_8 : vector<16xf32> to vector<1x16xf32>
      tpu.vector_store %arg8[%swap3A_630, %swap3A_631], %swap3A_634 {strides = array<i32>} : memref<32x128xf32, #tpu.memory_space<vmem>>, vector<1x16xf32>,
    }
    %scan3A_23 = arith.constant 4 : i32
    %add3A_24 = arith.constant 256 : i32
    %add3A_25 = arith.addi %mul3A_4, %add3A_24 : i32
    %dma_start3A_26 = arith.constant 0 : i32
    %dma_start3A_27 = tpu.memref_slice %arg3[%add3A_25, %dma_start3A_26] : memref<32768x16xf32, #tpu.memory_space<hbm>> -> memref<128x16xf32, #tpu.memory_space<hbm>>
    %dma_start3A_28 = arith.constant 0 : i32
    %dma_start3A_29 = tpu.memref_slice %arg3[%add3A_25, %dma_start3A_28] : memref<32768x16xf32, #tpu.memory_space<hbm>> -> memref<128x16xf32, #tpu.memory_space<hbm>>
    tpu.enqueue_dma source(%dma_start3A_29 : memref<128x16xf32, #tpu.memory_space<hbm>>) target(%arg6 : memref<128x16xf32, #tpu.memory_space<vmem>>) target_semaphore(%arg9 : memref<!tpu.dma_semaphore, #tpu.memory_space<semaphore_mem>>)
    %add3A_30 = arith.constant 128 : i32
    %add3A_31 = arith.addi %mul3A_4, %add3A_30 : i32
    %dma_wait3A_32 = arith.constant 0 : i32
    %dma_wait3A_33 = tpu.memref_slice %arg3[%add3A_31, %dma_wait3A_32] : memref<32768x16xf32, #tpu.memory_space<hbm>> -> memref<128x16xf32, #tpu.memory_space<hbm>>
    %dma_wait3A_34 = arith.constant 0 : i32
    %dma_wait3A_35 = tpu.memref_slice %arg3[%add3A_31, %dma_wait3A_34] : memref<32768x16xf32, #tpu.memory_space<hbm>> -> memref<128x16xf32, #tpu.memory_space<hbm>>
    tpu.wait_dma2 semaphore(%arg10 : memref<!tpu.dma_semaphore, #tpu.memory_space<semaphore_mem>>) src(%dma_wait3A_35 : memref<128x16xf32, #tpu.memory_space<hbm>>) dst(%arg7 : memref<128x16xf32, #tpu.memory_space<vmem>>)
    %scan3A_36 = arith.constant 0 : i32
    %scan3A_37 = arith.constant 4 : i32
    %scan3A_38 = arith.addi %scan3A_36, %scan3A_37 : i32
    %scan3A_39 = arith.constant 1 : i32
    scf.for %scan3A_139 = %scan3A_36 to %scan3A_38 step %scan3A_39  : i32 {
      %add3A_140 = arith.constant 4 : i32
      %add3A_141 = arith.addi %add3A_140, %scan3A_139 : i32
      %get3A = arith.index_cast %add3A_141 : i32 to index
      %get3A_142 = arith.constant 0 : index
      %get3A_143 = tpu.vector_load %arg5[%get3A, %get3A_142] {strides = array<i32>} : memref<32x32xf32, #tpu.memory_space<vmem>>, vector<1x16xf32>,
      %get3A_144 = vector.shape_cast %get3A_143 : vector<1x16xf32> to vector<16xf32>
      %get3A_145 = arith.index_cast %add3A_141 : i32 to index
      %get3A_146 = arith.constant 16 : index
      %get3A_147 = tpu.vector_load %arg5[%get3A_145, %get3A_146] {strides = array<i32>} : memref<32x32xf32, #tpu.memory_space<vmem>>, vector<1x16xf32>,
      %get3A_148 = vector.shape_cast %get3A_147 : vector<1x16xf32> to vector<16xf32>
      %broadcast_in_dim3A_149 = arith.constant 0 : i32
      %broadcast_in_dim3A_150 = vector.broadcast %broadcast_in_dim3A_149 : i32 to vector<16x1xi32>
      %gather3A = vector.shape_cast %broadcast_in_dim3A_150 : vector<16x1xi32> to vector<16xi32>
      %gather3A_151 = tpu.dynamic_gather %get3A_144[%gather3A] in [0] : vector<16xf32>, vector<16xi32> -> vector<16xf32>
      %mul3A_152 = arith.constant 32 : i32
      %mul3A_153 = arith.muli %scan3A_139, %mul3A_152 : i32
      %add3A_154 = arith.constant 0 : i32
      %add3A_155 = arith.addi %mul3A_153, %add3A_154 : i32
      %get3A_156 = arith.index_cast %add3A_155 : i32 to index
      %get3A_157 = arith.constant 0 : index
      %get3A_158 = tpu.vector_load %arg7[%get3A_156, %get3A_157] {strides = array<i32>} : memref<128x16xf32, #tpu.memory_space<vmem>>, vector<1x16xf32>,
      %get3A_159 = vector.shape_cast %get3A_158 : vector<1x16xf32> to vector<16xf32>
      %mul3A_160 = arith.mulf %gather3A_151, %get3A_159 : vector<16xf32>
      %add3A_161 = arith.addf %broadcast_in_dim3A_8, %mul3A_160 : vector<16xf32>
      %broadcast_in_dim3A_162 = arith.constant 1 : i32
      %broadcast_in_dim3A_163 = vector.broadcast %broadcast_in_dim3A_162 : i32 to vector<16x1xi32>
      %gather3A_164 = vector.shape_cast %broadcast_in_dim3A_163 : vector<16x1xi32> to vector<16xi32>
      %gather3A_165 = tpu.dynamic_gather %get3A_144[%gather3A_164] in [0] : vector<16xf32>, vector<16xi32> -> vector<16xf32>
      %mul3A_166 = arith.constant 32 : i32
      %mul3A_167 = arith.muli %scan3A_139, %mul3A_166 : i32
      %add3A_168 = arith.constant 1 : i32
      %add3A_169 = arith.addi %mul3A_167, %add3A_168 : i32
      %get3A_170 = arith.index_cast %add3A_169 : i32 to index
      %get3A_171 = arith.constant 0 : index
      %get3A_172 = tpu.vector_load %arg7[%get3A_170, %get3A_171] {strides = array<i32>} : memref<128x16xf32, #tpu.memory_space<vmem>>, vector<1x16xf32>,
      %get3A_173 = vector.shape_cast %get3A_172 : vector<1x16xf32> to vector<16xf32>
      %mul3A_174 = arith.mulf %gather3A_165, %get3A_173 : vector<16xf32>
      %add3A_175 = arith.addf %add3A_161, %mul3A_174 : vector<16xf32>
      %broadcast_in_dim3A_176 = arith.constant 2 : i32
      %broadcast_in_dim3A_177 = vector.broadcast %broadcast_in_dim3A_176 : i32 to vector<16x1xi32>
      %gather3A_178 = vector.shape_cast %broadcast_in_dim3A_177 : vector<16x1xi32> to vector<16xi32>
      %gather3A_179 = tpu.dynamic_gather %get3A_144[%gather3A_178] in [0] : vector<16xf32>, vector<16xi32> -> vector<16xf32>
      %mul3A_180 = arith.constant 32 : i32
      %mul3A_181 = arith.muli %scan3A_139, %mul3A_180 : i32
      %add3A_182 = arith.constant 2 : i32
      %add3A_183 = arith.addi %mul3A_181, %add3A_182 : i32
      %get3A_184 = arith.index_cast %add3A_183 : i32 to index
      %get3A_185 = arith.constant 0 : index
      %get3A_186 = tpu.vector_load %arg7[%get3A_184, %get3A_185] {strides = array<i32>} : memref<128x16xf32, #tpu.memory_space<vmem>>, vector<1x16xf32>,
      %get3A_187 = vector.shape_cast %get3A_186 : vector<1x16xf32> to vector<16xf32>
      %mul3A_188 = arith.mulf %gather3A_179, %get3A_187 : vector<16xf32>
      %add3A_189 = arith.addf %add3A_175, %mul3A_188 : vector<16xf32>
      %broadcast_in_dim3A_190 = arith.constant 3 : i32
      %broadcast_in_dim3A_191 = vector.broadcast %broadcast_in_dim3A_190 : i32 to vector<16x1xi32>
      %gather3A_192 = vector.shape_cast %broadcast_in_dim3A_191 : vector<16x1xi32> to vector<16xi32>
      %gather3A_193 = tpu.dynamic_gather %get3A_144[%gather3A_192] in [0] : vector<16xf32>, vector<16xi32> -> vector<16xf32>
      %mul3A_194 = arith.constant 32 : i32
      %mul3A_195 = arith.muli %scan3A_139, %mul3A_194 : i32
      %add3A_196 = arith.constant 3 : i32
      %add3A_197 = arith.addi %mul3A_195, %add3A_196 : i32
      %get3A_198 = arith.index_cast %add3A_197 : i32 to index
      %get3A_199 = arith.constant 0 : index
      %get3A_200 = tpu.vector_load %arg7[%get3A_198, %get3A_199] {strides = array<i32>} : memref<128x16xf32, #tpu.memory_space<vmem>>, vector<1x16xf32>,
      %get3A_201 = vector.shape_cast %get3A_200 : vector<1x16xf32> to vector<16xf32>
      %mul3A_202 = arith.mulf %gather3A_193, %get3A_201 : vector<16xf32>
      %add3A_203 = arith.addf %add3A_189, %mul3A_202 : vector<16xf32>
      %broadcast_in_dim3A_204 = arith.constant 4 : i32
      %broadcast_in_dim3A_205 = vector.broadcast %broadcast_in_dim3A_204 : i32 to vector<16x1xi32>
      %gather3A_206 = vector.shape_cast %broadcast_in_dim3A_205 : vector<16x1xi32> to vector<16xi32>
      %gather3A_207 = tpu.dynamic_gather %get3A_144[%gather3A_206] in [0] : vector<16xf32>, vector<16xi32> -> vector<16xf32>
      %mul3A_208 = arith.constant 32 : i32
      %mul3A_209 = arith.muli %scan3A_139, %mul3A_208 : i32
      %add3A_210 = arith.constant 4 : i32
      %add3A_211 = arith.addi %mul3A_209, %add3A_210 : i32
      %get3A_212 = arith.index_cast %add3A_211 : i32 to index
      %get3A_213 = arith.constant 0 : index
      %get3A_214 = tpu.vector_load %arg7[%get3A_212, %get3A_213] {strides = array<i32>} : memref<128x16xf32, #tpu.memory_space<vmem>>, vector<1x16xf32>,
      %get3A_215 = vector.shape_cast %get3A_214 : vector<1x16xf32> to vector<16xf32>
      %mul3A_216 = arith.mulf %gather3A_207, %get3A_215 : vector<16xf32>
      %add3A_217 = arith.addf %add3A_203, %mul3A_216 : vector<16xf32>
      %broadcast_in_dim3A_218 = arith.constant 5 : i32
      %broadcast_in_dim3A_219 = vector.broadcast %broadcast_in_dim3A_218 : i32 to vector<16x1xi32>
      %gather3A_220 = vector.shape_cast %broadcast_in_dim3A_219 : vector<16x1xi32> to vector<16xi32>
      %gather3A_221 = tpu.dynamic_gather %get3A_144[%gather3A_220] in [0] : vector<16xf32>, vector<16xi32> -> vector<16xf32>
      %mul3A_222 = arith.constant 32 : i32
      %mul3A_223 = arith.muli %scan3A_139, %mul3A_222 : i32
      %add3A_224 = arith.constant 5 : i32
      %add3A_225 = arith.addi %mul3A_223, %add3A_224 : i32
      %get3A_226 = arith.index_cast %add3A_225 : i32 to index
      %get3A_227 = arith.constant 0 : index
      %get3A_228 = tpu.vector_load %arg7[%get3A_226, %get3A_227] {strides = array<i32>} : memref<128x16xf32, #tpu.memory_space<vmem>>, vector<1x16xf32>,
      %get3A_229 = vector.shape_cast %get3A_228 : vector<1x16xf32> to vector<16xf32>
      %mul3A_230 = arith.mulf %gather3A_221, %get3A_229 : vector<16xf32>
      %add3A_231 = arith.addf %add3A_217, %mul3A_230 : vector<16xf32>
      %broadcast_in_dim3A_232 = arith.constant 6 : i32
      %broadcast_in_dim3A_233 = vector.broadcast %broadcast_in_dim3A_232 : i32 to vector<16x1xi32>
      %gather3A_234 = vector.shape_cast %broadcast_in_dim3A_233 : vector<16x1xi32> to vector<16xi32>
      %gather3A_235 = tpu.dynamic_gather %get3A_144[%gather3A_234] in [0] : vector<16xf32>, vector<16xi32> -> vector<16xf32>
      %mul3A_236 = arith.constant 32 : i32
      %mul3A_237 = arith.muli %scan3A_139, %mul3A_236 : i32
      %add3A_238 = arith.constant 6 : i32
      %add3A_239 = arith.addi %mul3A_237, %add3A_238 : i32
      %get3A_240 = arith.index_cast %add3A_239 : i32 to index
      %get3A_241 = arith.constant 0 : index
      %get3A_242 = tpu.vector_load %arg7[%get3A_240, %get3A_241] {strides = array<i32>} : memref<128x16xf32, #tpu.memory_space<vmem>>, vector<1x16xf32>,
      %get3A_243 = vector.shape_cast %get3A_242 : vector<1x16xf32> to vector<16xf32>
      %mul3A_244 = arith.mulf %gather3A_235, %get3A_243 : vector<16xf32>
      %add3A_245 = arith.addf %add3A_231, %mul3A_244 : vector<16xf32>
      %broadcast_in_dim3A_246 = arith.constant 7 : i32
      %broadcast_in_dim3A_247 = vector.broadcast %broadcast_in_dim3A_246 : i32 to vector<16x1xi32>
      %gather3A_248 = vector.shape_cast %broadcast_in_dim3A_247 : vector<16x1xi32> to vector<16xi32>
      %gather3A_249 = tpu.dynamic_gather %get3A_144[%gather3A_248] in [0] : vector<16xf32>, vector<16xi32> -> vector<16xf32>
      %mul3A_250 = arith.constant 32 : i32
      %mul3A_251 = arith.muli %scan3A_139, %mul3A_250 : i32
      %add3A_252 = arith.constant 7 : i32
      %add3A_253 = arith.addi %mul3A_251, %add3A_252 : i32
      %get3A_254 = arith.index_cast %add3A_253 : i32 to index
      %get3A_255 = arith.constant 0 : index
      %get3A_256 = tpu.vector_load %arg7[%get3A_254, %get3A_255] {strides = array<i32>} : memref<128x16xf32, #tpu.memory_space<vmem>>, vector<1x16xf32>,
      %get3A_257 = vector.shape_cast %get3A_256 : vector<1x16xf32> to vector<16xf32>
      %mul3A_258 = arith.mulf %gather3A_249, %get3A_257 : vector<16xf32>
      %add3A_259 = arith.addf %add3A_245, %mul3A_258 : vector<16xf32>
      %broadcast_in_dim3A_260 = arith.constant 8 : i32
      %broadcast_in_dim3A_261 = vector.broadcast %broadcast_in_dim3A_260 : i32 to vector<16x1xi32>
      %gather3A_262 = vector.shape_cast %broadcast_in_dim3A_261 : vector<16x1xi32> to vector<16xi32>
      %gather3A_263 = tpu.dynamic_gather %get3A_144[%gather3A_262] in [0] : vector<16xf32>, vector<16xi32> -> vector<16xf32>
      %mul3A_264 = arith.constant 32 : i32
      %mul3A_265 = arith.muli %scan3A_139, %mul3A_264 : i32
      %add3A_266 = arith.constant 8 : i32
      %add3A_267 = arith.addi %mul3A_265, %add3A_266 : i32
      %get3A_268 = arith.index_cast %add3A_267 : i32 to index
      %get3A_269 = arith.constant 0 : index
      %get3A_270 = tpu.vector_load %arg7[%get3A_268, %get3A_269] {strides = array<i32>} : memref<128x16xf32, #tpu.memory_space<vmem>>, vector<1x16xf32>,
      %get3A_271 = vector.shape_cast %get3A_270 : vector<1x16xf32> to vector<16xf32>
      %mul3A_272 = arith.mulf %gather3A_263, %get3A_271 : vector<16xf32>
      %add3A_273 = arith.addf %add3A_259, %mul3A_272 : vector<16xf32>
      %broadcast_in_dim3A_274 = arith.constant 9 : i32
      %broadcast_in_dim3A_275 = vector.broadcast %broadcast_in_dim3A_274 : i32 to vector<16x1xi32>
      %gather3A_276 = vector.shape_cast %broadcast_in_dim3A_275 : vector<16x1xi32> to vector<16xi32>
      %gather3A_277 = tpu.dynamic_gather %get3A_144[%gather3A_276] in [0] : vector<16xf32>, vector<16xi32> -> vector<16xf32>
      %mul3A_278 = arith.constant 32 : i32
      %mul3A_279 = arith.muli %scan3A_139, %mul3A_278 : i32
      %add3A_280 = arith.constant 9 : i32
      %add3A_281 = arith.addi %mul3A_279, %add3A_280 : i32
      %get3A_282 = arith.index_cast %add3A_281 : i32 to index
      %get3A_283 = arith.constant 0 : index
      %get3A_284 = tpu.vector_load %arg7[%get3A_282, %get3A_283] {strides = array<i32>} : memref<128x16xf32, #tpu.memory_space<vmem>>, vector<1x16xf32>,
      %get3A_285 = vector.shape_cast %get3A_284 : vector<1x16xf32> to vector<16xf32>
      %mul3A_286 = arith.mulf %gather3A_277, %get3A_285 : vector<16xf32>
      %add3A_287 = arith.addf %add3A_273, %mul3A_286 : vector<16xf32>
      %broadcast_in_dim3A_288 = arith.constant 10 : i32
      %broadcast_in_dim3A_289 = vector.broadcast %broadcast_in_dim3A_288 : i32 to vector<16x1xi32>
      %gather3A_290 = vector.shape_cast %broadcast_in_dim3A_289 : vector<16x1xi32> to vector<16xi32>
      %gather3A_291 = tpu.dynamic_gather %get3A_144[%gather3A_290] in [0] : vector<16xf32>, vector<16xi32> -> vector<16xf32>
      %mul3A_292 = arith.constant 32 : i32
      %mul3A_293 = arith.muli %scan3A_139, %mul3A_292 : i32
      %add3A_294 = arith.constant 10 : i32
      %add3A_295 = arith.addi %mul3A_293, %add3A_294 : i32
      %get3A_296 = arith.index_cast %add3A_295 : i32 to index
      %get3A_297 = arith.constant 0 : index
      %get3A_298 = tpu.vector_load %arg7[%get3A_296, %get3A_297] {strides = array<i32>} : memref<128x16xf32, #tpu.memory_space<vmem>>, vector<1x16xf32>,
      %get3A_299 = vector.shape_cast %get3A_298 : vector<1x16xf32> to vector<16xf32>
      %mul3A_300 = arith.mulf %gather3A_291, %get3A_299 : vector<16xf32>
      %add3A_301 = arith.addf %add3A_287, %mul3A_300 : vector<16xf32>
      %broadcast_in_dim3A_302 = arith.constant 11 : i32
      %broadcast_in_dim3A_303 = vector.broadcast %broadcast_in_dim3A_302 : i32 to vector<16x1xi32>
      %gather3A_304 = vector.shape_cast %broadcast_in_dim3A_303 : vector<16x1xi32> to vector<16xi32>
      %gather3A_305 = tpu.dynamic_gather %get3A_144[%gather3A_304] in [0] : vector<16xf32>, vector<16xi32> -> vector<16xf32>
      %mul3A_306 = arith.constant 32 : i32
      %mul3A_307 = arith.muli %scan3A_139, %mul3A_306 : i32
      %add3A_308 = arith.constant 11 : i32
      %add3A_309 = arith.addi %mul3A_307, %add3A_308 : i32
      %get3A_310 = arith.index_cast %add3A_309 : i32 to index
      %get3A_311 = arith.constant 0 : index
      %get3A_312 = tpu.vector_load %arg7[%get3A_310, %get3A_311] {strides = array<i32>} : memref<128x16xf32, #tpu.memory_space<vmem>>, vector<1x16xf32>,
      %get3A_313 = vector.shape_cast %get3A_312 : vector<1x16xf32> to vector<16xf32>
      %mul3A_314 = arith.mulf %gather3A_305, %get3A_313 : vector<16xf32>
      %add3A_315 = arith.addf %add3A_301, %mul3A_314 : vector<16xf32>
      %broadcast_in_dim3A_316 = arith.constant 12 : i32
      %broadcast_in_dim3A_317 = vector.broadcast %broadcast_in_dim3A_316 : i32 to vector<16x1xi32>
      %gather3A_318 = vector.shape_cast %broadcast_in_dim3A_317 : vector<16x1xi32> to vector<16xi32>
      %gather3A_319 = tpu.dynamic_gather %get3A_144[%gather3A_318] in [0] : vector<16xf32>, vector<16xi32> -> vector<16xf32>
      %mul3A_320 = arith.constant 32 : i32
      %mul3A_321 = arith.muli %scan3A_139, %mul3A_320 : i32
      %add3A_322 = arith.constant 12 : i32
      %add3A_323 = arith.addi %mul3A_321, %add3A_322 : i32
      %get3A_324 = arith.index_cast %add3A_323 : i32 to index
      %get3A_325 = arith.constant 0 : index
      %get3A_326 = tpu.vector_load %arg7[%get3A_324, %get3A_325] {strides = array<i32>} : memref<128x16xf32, #tpu.memory_space<vmem>>, vector<1x16xf32>,
      %get3A_327 = vector.shape_cast %get3A_326 : vector<1x16xf32> to vector<16xf32>
      %mul3A_328 = arith.mulf %gather3A_319, %get3A_327 : vector<16xf32>
      %add3A_329 = arith.addf %add3A_315, %mul3A_328 : vector<16xf32>
      %broadcast_in_dim3A_330 = arith.constant 13 : i32
      %broadcast_in_dim3A_331 = vector.broadcast %broadcast_in_dim3A_330 : i32 to vector<16x1xi32>
      %gather3A_332 = vector.shape_cast %broadcast_in_dim3A_331 : vector<16x1xi32> to vector<16xi32>
      %gather3A_333 = tpu.dynamic_gather %get3A_144[%gather3A_332] in [0] : vector<16xf32>, vector<16xi32> -> vector<16xf32>
      %mul3A_334 = arith.constant 32 : i32
      %mul3A_335 = arith.muli %scan3A_139, %mul3A_334 : i32
      %add3A_336 = arith.constant 13 : i32
      %add3A_337 = arith.addi %mul3A_335, %add3A_336 : i32
      %get3A_338 = arith.index_cast %add3A_337 : i32 to index
      %get3A_339 = arith.constant 0 : index
      %get3A_340 = tpu.vector_load %arg7[%get3A_338, %get3A_339] {strides = array<i32>} : memref<128x16xf32, #tpu.memory_space<vmem>>, vector<1x16xf32>,
      %get3A_341 = vector.shape_cast %get3A_340 : vector<1x16xf32> to vector<16xf32>
      %mul3A_342 = arith.mulf %gather3A_333, %get3A_341 : vector<16xf32>
      %add3A_343 = arith.addf %add3A_329, %mul3A_342 : vector<16xf32>
      %broadcast_in_dim3A_344 = arith.constant 14 : i32
      %broadcast_in_dim3A_345 = vector.broadcast %broadcast_in_dim3A_344 : i32 to vector<16x1xi32>
      %gather3A_346 = vector.shape_cast %broadcast_in_dim3A_345 : vector<16x1xi32> to vector<16xi32>
      %gather3A_347 = tpu.dynamic_gather %get3A_144[%gather3A_346] in [0] : vector<16xf32>, vector<16xi32> -> vector<16xf32>
      %mul3A_348 = arith.constant 32 : i32
      %mul3A_349 = arith.muli %scan3A_139, %mul3A_348 : i32
      %add3A_350 = arith.constant 14 : i32
      %add3A_351 = arith.addi %mul3A_349, %add3A_350 : i32
      %get3A_352 = arith.index_cast %add3A_351 : i32 to index
      %get3A_353 = arith.constant 0 : index
      %get3A_354 = tpu.vector_load %arg7[%get3A_352, %get3A_353] {strides = array<i32>} : memref<128x16xf32, #tpu.memory_space<vmem>>, vector<1x16xf32>,
      %get3A_355 = vector.shape_cast %get3A_354 : vector<1x16xf32> to vector<16xf32>
      %mul3A_356 = arith.mulf %gather3A_347, %get3A_355 : vector<16xf32>
      %add3A_357 = arith.addf %add3A_343, %mul3A_356 : vector<16xf32>
      %broadcast_in_dim3A_358 = arith.constant 15 : i32
      %broadcast_in_dim3A_359 = vector.broadcast %broadcast_in_dim3A_358 : i32 to vector<16x1xi32>
      %gather3A_360 = vector.shape_cast %broadcast_in_dim3A_359 : vector<16x1xi32> to vector<16xi32>
      %gather3A_361 = tpu.dynamic_gather %get3A_144[%gather3A_360] in [0] : vector<16xf32>, vector<16xi32> -> vector<16xf32>
      %mul3A_362 = arith.constant 32 : i32
      %mul3A_363 = arith.muli %scan3A_139, %mul3A_362 : i32
      %add3A_364 = arith.constant 15 : i32
      %add3A_365 = arith.addi %mul3A_363, %add3A_364 : i32
      %get3A_366 = arith.index_cast %add3A_365 : i32 to index
      %get3A_367 = arith.constant 0 : index
      %get3A_368 = tpu.vector_load %arg7[%get3A_366, %get3A_367] {strides = array<i32>} : memref<128x16xf32, #tpu.memory_space<vmem>>, vector<1x16xf32>,
      %get3A_369 = vector.shape_cast %get3A_368 : vector<1x16xf32> to vector<16xf32>
      %mul3A_370 = arith.mulf %gather3A_361, %get3A_369 : vector<16xf32>
      %add3A_371 = arith.addf %add3A_357, %mul3A_370 : vector<16xf32>
      %broadcast_in_dim3A_372 = arith.constant 0 : i32
      %broadcast_in_dim3A_373 = vector.broadcast %broadcast_in_dim3A_372 : i32 to vector<16x1xi32>
      %gather3A_374 = vector.shape_cast %broadcast_in_dim3A_373 : vector<16x1xi32> to vector<16xi32>
      %gather3A_375 = tpu.dynamic_gather %get3A_148[%gather3A_374] in [0] : vector<16xf32>, vector<16xi32> -> vector<16xf32>
      %mul3A_376 = arith.constant 32 : i32
      %mul3A_377 = arith.muli %scan3A_139, %mul3A_376 : i32
      %add3A_378 = arith.constant 16 : i32
      %add3A_379 = arith.addi %mul3A_377, %add3A_378 : i32
      %get3A_380 = arith.index_cast %add3A_379 : i32 to index
      %get3A_381 = arith.constant 0 : index
      %get3A_382 = tpu.vector_load %arg7[%get3A_380, %get3A_381] {strides = array<i32>} : memref<128x16xf32, #tpu.memory_space<vmem>>, vector<1x16xf32>,
      %get3A_383 = vector.shape_cast %get3A_382 : vector<1x16xf32> to vector<16xf32>
      %mul3A_384 = arith.mulf %gather3A_375, %get3A_383 : vector<16xf32>
      %add3A_385 = arith.addf %add3A_371, %mul3A_384 : vector<16xf32>
      %broadcast_in_dim3A_386 = arith.constant 1 : i32
      %broadcast_in_dim3A_387 = vector.broadcast %broadcast_in_dim3A_386 : i32 to vector<16x1xi32>
      %gather3A_388 = vector.shape_cast %broadcast_in_dim3A_387 : vector<16x1xi32> to vector<16xi32>
      %gather3A_389 = tpu.dynamic_gather %get3A_148[%gather3A_388] in [0] : vector<16xf32>, vector<16xi32> -> vector<16xf32>
      %mul3A_390 = arith.constant 32 : i32
      %mul3A_391 = arith.muli %scan3A_139, %mul3A_390 : i32
      %add3A_392 = arith.constant 17 : i32
      %add3A_393 = arith.addi %mul3A_391, %add3A_392 : i32
      %get3A_394 = arith.index_cast %add3A_393 : i32 to index
      %get3A_395 = arith.constant 0 : index
      %get3A_396 = tpu.vector_load %arg7[%get3A_394, %get3A_395] {strides = array<i32>} : memref<128x16xf32, #tpu.memory_space<vmem>>, vector<1x16xf32>,
      %get3A_397 = vector.shape_cast %get3A_396 : vector<1x16xf32> to vector<16xf32>
      %mul3A_398 = arith.mulf %gather3A_389, %get3A_397 : vector<16xf32>
      %add3A_399 = arith.addf %add3A_385, %mul3A_398 : vector<16xf32>
      %broadcast_in_dim3A_400 = arith.constant 2 : i32
      %broadcast_in_dim3A_401 = vector.broadcast %broadcast_in_dim3A_400 : i32 to vector<16x1xi32>
      %gather3A_402 = vector.shape_cast %broadcast_in_dim3A_401 : vector<16x1xi32> to vector<16xi32>
      %gather3A_403 = tpu.dynamic_gather %get3A_148[%gather3A_402] in [0] : vector<16xf32>, vector<16xi32> -> vector<16xf32>
      %mul3A_404 = arith.constant 32 : i32
      %mul3A_405 = arith.muli %scan3A_139, %mul3A_404 : i32
      %add3A_406 = arith.constant 18 : i32
      %add3A_407 = arith.addi %mul3A_405, %add3A_406 : i32
      %get3A_408 = arith.index_cast %add3A_407 : i32 to index
      %get3A_409 = arith.constant 0 : index
      %get3A_410 = tpu.vector_load %arg7[%get3A_408, %get3A_409] {strides = array<i32>} : memref<128x16xf32, #tpu.memory_space<vmem>>, vector<1x16xf32>,
      %get3A_411 = vector.shape_cast %get3A_410 : vector<1x16xf32> to vector<16xf32>
      %mul3A_412 = arith.mulf %gather3A_403, %get3A_411 : vector<16xf32>
      %add3A_413 = arith.addf %add3A_399, %mul3A_412 : vector<16xf32>
      %broadcast_in_dim3A_414 = arith.constant 3 : i32
      %broadcast_in_dim3A_415 = vector.broadcast %broadcast_in_dim3A_414 : i32 to vector<16x1xi32>
      %gather3A_416 = vector.shape_cast %broadcast_in_dim3A_415 : vector<16x1xi32> to vector<16xi32>
      %gather3A_417 = tpu.dynamic_gather %get3A_148[%gather3A_416] in [0] : vector<16xf32>, vector<16xi32> -> vector<16xf32>
      %mul3A_418 = arith.constant 32 : i32
      %mul3A_419 = arith.muli %scan3A_139, %mul3A_418 : i32
      %add3A_420 = arith.constant 19 : i32
      %add3A_421 = arith.addi %mul3A_419, %add3A_420 : i32
      %get3A_422 = arith.index_cast %add3A_421 : i32 to index
      %get3A_423 = arith.constant 0 : index
      %get3A_424 = tpu.vector_load %arg7[%get3A_422, %get3A_423] {strides = array<i32>} : memref<128x16xf32, #tpu.memory_space<vmem>>, vector<1x16xf32>,
      %get3A_425 = vector.shape_cast %get3A_424 : vector<1x16xf32> to vector<16xf32>
      %mul3A_426 = arith.mulf %gather3A_417, %get3A_425 : vector<16xf32>
      %add3A_427 = arith.addf %add3A_413, %mul3A_426 : vector<16xf32>
      %broadcast_in_dim3A_428 = arith.constant 4 : i32
      %broadcast_in_dim3A_429 = vector.broadcast %broadcast_in_dim3A_428 : i32 to vector<16x1xi32>
      %gather3A_430 = vector.shape_cast %broadcast_in_dim3A_429 : vector<16x1xi32> to vector<16xi32>
      %gather3A_431 = tpu.dynamic_gather %get3A_148[%gather3A_430] in [0] : vector<16xf32>, vector<16xi32> -> vector<16xf32>
      %mul3A_432 = arith.constant 32 : i32
      %mul3A_433 = arith.muli %scan3A_139, %mul3A_432 : i32
      %add3A_434 = arith.constant 20 : i32
      %add3A_435 = arith.addi %mul3A_433, %add3A_434 : i32
      %get3A_436 = arith.index_cast %add3A_435 : i32 to index
      %get3A_437 = arith.constant 0 : index
      %get3A_438 = tpu.vector_load %arg7[%get3A_436, %get3A_437] {strides = array<i32>} : memref<128x16xf32, #tpu.memory_space<vmem>>, vector<1x16xf32>,
      %get3A_439 = vector.shape_cast %get3A_438 : vector<1x16xf32> to vector<16xf32>
      %mul3A_440 = arith.mulf %gather3A_431, %get3A_439 : vector<16xf32>
      %add3A_441 = arith.addf %add3A_427, %mul3A_440 : vector<16xf32>
      %broadcast_in_dim3A_442 = arith.constant 5 : i32
      %broadcast_in_dim3A_443 = vector.broadcast %broadcast_in_dim3A_442 : i32 to vector<16x1xi32>
      %gather3A_444 = vector.shape_cast %broadcast_in_dim3A_443 : vector<16x1xi32> to vector<16xi32>
      %gather3A_445 = tpu.dynamic_gather %get3A_148[%gather3A_444] in [0] : vector<16xf32>, vector<16xi32> -> vector<16xf32>
      %mul3A_446 = arith.constant 32 : i32
      %mul3A_447 = arith.muli %scan3A_139, %mul3A_446 : i32
      %add3A_448 = arith.constant 21 : i32
      %add3A_449 = arith.addi %mul3A_447, %add3A_448 : i32
      %get3A_450 = arith.index_cast %add3A_449 : i32 to index
      %get3A_451 = arith.constant 0 : index
      %get3A_452 = tpu.vector_load %arg7[%get3A_450, %get3A_451] {strides = array<i32>} : memref<128x16xf32, #tpu.memory_space<vmem>>, vector<1x16xf32>,
      %get3A_453 = vector.shape_cast %get3A_452 : vector<1x16xf32> to vector<16xf32>
      %mul3A_454 = arith.mulf %gather3A_445, %get3A_453 : vector<16xf32>
      %add3A_455 = arith.addf %add3A_441, %mul3A_454 : vector<16xf32>
      %broadcast_in_dim3A_456 = arith.constant 6 : i32
      %broadcast_in_dim3A_457 = vector.broadcast %broadcast_in_dim3A_456 : i32 to vector<16x1xi32>
      %gather3A_458 = vector.shape_cast %broadcast_in_dim3A_457 : vector<16x1xi32> to vector<16xi32>
      %gather3A_459 = tpu.dynamic_gather %get3A_148[%gather3A_458] in [0] : vector<16xf32>, vector<16xi32> -> vector<16xf32>
      %mul3A_460 = arith.constant 32 : i32
      %mul3A_461 = arith.muli %scan3A_139, %mul3A_460 : i32
      %add3A_462 = arith.constant 22 : i32
      %add3A_463 = arith.addi %mul3A_461, %add3A_462 : i32
      %get3A_464 = arith.index_cast %add3A_463 : i32 to index
      %get3A_465 = arith.constant 0 : index
      %get3A_466 = tpu.vector_load %arg7[%get3A_464, %get3A_465] {strides = array<i32>} : memref<128x16xf32, #tpu.memory_space<vmem>>, vector<1x16xf32>,
      %get3A_467 = vector.shape_cast %get3A_466 : vector<1x16xf32> to vector<16xf32>
      %mul3A_468 = arith.mulf %gather3A_459, %get3A_467 : vector<16xf32>
      %add3A_469 = arith.addf %add3A_455, %mul3A_468 : vector<16xf32>
      %broadcast_in_dim3A_470 = arith.constant 7 : i32
      %broadcast_in_dim3A_471 = vector.broadcast %broadcast_in_dim3A_470 : i32 to vector<16x1xi32>
      %gather3A_472 = vector.shape_cast %broadcast_in_dim3A_471 : vector<16x1xi32> to vector<16xi32>
      %gather3A_473 = tpu.dynamic_gather %get3A_148[%gather3A_472] in [0] : vector<16xf32>, vector<16xi32> -> vector<16xf32>
      %mul3A_474 = arith.constant 32 : i32
      %mul3A_475 = arith.muli %scan3A_139, %mul3A_474 : i32
      %add3A_476 = arith.constant 23 : i32
      %add3A_477 = arith.addi %mul3A_475, %add3A_476 : i32
      %get3A_478 = arith.index_cast %add3A_477 : i32 to index
      %get3A_479 = arith.constant 0 : index
      %get3A_480 = tpu.vector_load %arg7[%get3A_478, %get3A_479] {strides = array<i32>} : memref<128x16xf32, #tpu.memory_space<vmem>>, vector<1x16xf32>,
      %get3A_481 = vector.shape_cast %get3A_480 : vector<1x16xf32> to vector<16xf32>
      %mul3A_482 = arith.mulf %gather3A_473, %get3A_481 : vector<16xf32>
      %add3A_483 = arith.addf %add3A_469, %mul3A_482 : vector<16xf32>
      %broadcast_in_dim3A_484 = arith.constant 8 : i32
      %broadcast_in_dim3A_485 = vector.broadcast %broadcast_in_dim3A_484 : i32 to vector<16x1xi32>
      %gather3A_486 = vector.shape_cast %broadcast_in_dim3A_485 : vector<16x1xi32> to vector<16xi32>
      %gather3A_487 = tpu.dynamic_gather %get3A_148[%gather3A_486] in [0] : vector<16xf32>, vector<16xi32> -> vector<16xf32>
      %mul3A_488 = arith.constant 32 : i32
      %mul3A_489 = arith.muli %scan3A_139, %mul3A_488 : i32
      %add3A_490 = arith.constant 24 : i32
      %add3A_491 = arith.addi %mul3A_489, %add3A_490 : i32
      %get3A_492 = arith.index_cast %add3A_491 : i32 to index
      %get3A_493 = arith.constant 0 : index
      %get3A_494 = tpu.vector_load %arg7[%get3A_492, %get3A_493] {strides = array<i32>} : memref<128x16xf32, #tpu.memory_space<vmem>>, vector<1x16xf32>,
      %get3A_495 = vector.shape_cast %get3A_494 : vector<1x16xf32> to vector<16xf32>
      %mul3A_496 = arith.mulf %gather3A_487, %get3A_495 : vector<16xf32>
      %add3A_497 = arith.addf %add3A_483, %mul3A_496 : vector<16xf32>
      %broadcast_in_dim3A_498 = arith.constant 9 : i32
      %broadcast_in_dim3A_499 = vector.broadcast %broadcast_in_dim3A_498 : i32 to vector<16x1xi32>
      %gather3A_500 = vector.shape_cast %broadcast_in_dim3A_499 : vector<16x1xi32> to vector<16xi32>
      %gather3A_501 = tpu.dynamic_gather %get3A_148[%gather3A_500] in [0] : vector<16xf32>, vector<16xi32> -> vector<16xf32>
      %mul3A_502 = arith.constant 32 : i32
      %mul3A_503 = arith.muli %scan3A_139, %mul3A_502 : i32
      %add3A_504 = arith.constant 25 : i32
      %add3A_505 = arith.addi %mul3A_503, %add3A_504 : i32
      %get3A_506 = arith.index_cast %add3A_505 : i32 to index
      %get3A_507 = arith.constant 0 : index
      %get3A_508 = tpu.vector_load %arg7[%get3A_506, %get3A_507] {strides = array<i32>} : memref<128x16xf32, #tpu.memory_space<vmem>>, vector<1x16xf32>,
      %get3A_509 = vector.shape_cast %get3A_508 : vector<1x16xf32> to vector<16xf32>
      %mul3A_510 = arith.mulf %gather3A_501, %get3A_509 : vector<16xf32>
      %add3A_511 = arith.addf %add3A_497, %mul3A_510 : vector<16xf32>
      %broadcast_in_dim3A_512 = arith.constant 10 : i32
      %broadcast_in_dim3A_513 = vector.broadcast %broadcast_in_dim3A_512 : i32 to vector<16x1xi32>
      %gather3A_514 = vector.shape_cast %broadcast_in_dim3A_513 : vector<16x1xi32> to vector<16xi32>
      %gather3A_515 = tpu.dynamic_gather %get3A_148[%gather3A_514] in [0] : vector<16xf32>, vector<16xi32> -> vector<16xf32>
      %mul3A_516 = arith.constant 32 : i32
      %mul3A_517 = arith.muli %scan3A_139, %mul3A_516 : i32
      %add3A_518 = arith.constant 26 : i32
      %add3A_519 = arith.addi %mul3A_517, %add3A_518 : i32
      %get3A_520 = arith.index_cast %add3A_519 : i32 to index
      %get3A_521 = arith.constant 0 : index
      %get3A_522 = tpu.vector_load %arg7[%get3A_520, %get3A_521] {strides = array<i32>} : memref<128x16xf32, #tpu.memory_space<vmem>>, vector<1x16xf32>,
      %get3A_523 = vector.shape_cast %get3A_522 : vector<1x16xf32> to vector<16xf32>
      %mul3A_524 = arith.mulf %gather3A_515, %get3A_523 : vector<16xf32>
      %add3A_525 = arith.addf %add3A_511, %mul3A_524 : vector<16xf32>
      %broadcast_in_dim3A_526 = arith.constant 11 : i32
      %broadcast_in_dim3A_527 = vector.broadcast %broadcast_in_dim3A_526 : i32 to vector<16x1xi32>
      %gather3A_528 = vector.shape_cast %broadcast_in_dim3A_527 : vector<16x1xi32> to vector<16xi32>
      %gather3A_529 = tpu.dynamic_gather %get3A_148[%gather3A_528] in [0] : vector<16xf32>, vector<16xi32> -> vector<16xf32>
      %mul3A_530 = arith.constant 32 : i32
      %mul3A_531 = arith.muli %scan3A_139, %mul3A_530 : i32
      %add3A_532 = arith.constant 27 : i32
      %add3A_533 = arith.addi %mul3A_531, %add3A_532 : i32
      %get3A_534 = arith.index_cast %add3A_533 : i32 to index
      %get3A_535 = arith.constant 0 : index
      %get3A_536 = tpu.vector_load %arg7[%get3A_534, %get3A_535] {strides = array<i32>} : memref<128x16xf32, #tpu.memory_space<vmem>>, vector<1x16xf32>,
      %get3A_537 = vector.shape_cast %get3A_536 : vector<1x16xf32> to vector<16xf32>
      %mul3A_538 = arith.mulf %gather3A_529, %get3A_537 : vector<16xf32>
      %add3A_539 = arith.addf %add3A_525, %mul3A_538 : vector<16xf32>
      %broadcast_in_dim3A_540 = arith.constant 12 : i32
      %broadcast_in_dim3A_541 = vector.broadcast %broadcast_in_dim3A_540 : i32 to vector<16x1xi32>
      %gather3A_542 = vector.shape_cast %broadcast_in_dim3A_541 : vector<16x1xi32> to vector<16xi32>
      %gather3A_543 = tpu.dynamic_gather %get3A_148[%gather3A_542] in [0] : vector<16xf32>, vector<16xi32> -> vector<16xf32>
      %mul3A_544 = arith.constant 32 : i32
      %mul3A_545 = arith.muli %scan3A_139, %mul3A_544 : i32
      %add3A_546 = arith.constant 28 : i32
      %add3A_547 = arith.addi %mul3A_545, %add3A_546 : i32
      %get3A_548 = arith.index_cast %add3A_547 : i32 to index
      %get3A_549 = arith.constant 0 : index
      %get3A_550 = tpu.vector_load %arg7[%get3A_548, %get3A_549] {strides = array<i32>} : memref<128x16xf32, #tpu.memory_space<vmem>>, vector<1x16xf32>,
      %get3A_551 = vector.shape_cast %get3A_550 : vector<1x16xf32> to vector<16xf32>
      %mul3A_552 = arith.mulf %gather3A_543, %get3A_551 : vector<16xf32>
      %add3A_553 = arith.addf %add3A_539, %mul3A_552 : vector<16xf32>
      %broadcast_in_dim3A_554 = arith.constant 13 : i32
      %broadcast_in_dim3A_555 = vector.broadcast %broadcast_in_dim3A_554 : i32 to vector<16x1xi32>
      %gather3A_556 = vector.shape_cast %broadcast_in_dim3A_555 : vector<16x1xi32> to vector<16xi32>
      %gather3A_557 = tpu.dynamic_gather %get3A_148[%gather3A_556] in [0] : vector<16xf32>, vector<16xi32> -> vector<16xf32>
      %mul3A_558 = arith.constant 32 : i32
      %mul3A_559 = arith.muli %scan3A_139, %mul3A_558 : i32
      %add3A_560 = arith.constant 29 : i32
      %add3A_561 = arith.addi %mul3A_559, %add3A_560 : i32
      %get3A_562 = arith.index_cast %add3A_561 : i32 to index
      %get3A_563 = arith.constant 0 : index
      %get3A_564 = tpu.vector_load %arg7[%get3A_562, %get3A_563] {strides = array<i32>} : memref<128x16xf32, #tpu.memory_space<vmem>>, vector<1x16xf32>,
      %get3A_565 = vector.shape_cast %get3A_564 : vector<1x16xf32> to vector<16xf32>
      %mul3A_566 = arith.mulf %gather3A_557, %get3A_565 : vector<16xf32>
      %add3A_567 = arith.addf %add3A_553, %mul3A_566 : vector<16xf32>
      %broadcast_in_dim3A_568 = arith.constant 14 : i32
      %broadcast_in_dim3A_569 = vector.broadcast %broadcast_in_dim3A_568 : i32 to vector<16x1xi32>
      %gather3A_570 = vector.shape_cast %broadcast_in_dim3A_569 : vector<16x1xi32> to vector<16xi32>
      %gather3A_571 = tpu.dynamic_gather %get3A_148[%gather3A_570] in [0] : vector<16xf32>, vector<16xi32> -> vector<16xf32>
      %mul3A_572 = arith.constant 32 : i32
      %mul3A_573 = arith.muli %scan3A_139, %mul3A_572 : i32
      %add3A_574 = arith.constant 30 : i32
      %add3A_575 = arith.addi %mul3A_573, %add3A_574 : i32
      %get3A_576 = arith.index_cast %add3A_575 : i32 to index
      %get3A_577 = arith.constant 0 : index
      %get3A_578 = tpu.vector_load %arg7[%get3A_576, %get3A_577] {strides = array<i32>} : memref<128x16xf32, #tpu.memory_space<vmem>>, vector<1x16xf32>,
      %get3A_579 = vector.shape_cast %get3A_578 : vector<1x16xf32> to vector<16xf32>
      %mul3A_580 = arith.mulf %gather3A_571, %get3A_579 : vector<16xf32>
      %add3A_581 = arith.addf %add3A_567, %mul3A_580 : vector<16xf32>
      %broadcast_in_dim3A_582 = arith.constant 15 : i32
      %broadcast_in_dim3A_583 = vector.broadcast %broadcast_in_dim3A_582 : i32 to vector<16x1xi32>
      %gather3A_584 = vector.shape_cast %broadcast_in_dim3A_583 : vector<16x1xi32> to vector<16xi32>
      %gather3A_585 = tpu.dynamic_gather %get3A_148[%gather3A_584] in [0] : vector<16xf32>, vector<16xi32> -> vector<16xf32>
      %mul3A_586 = arith.constant 32 : i32
      %mul3A_587 = arith.muli %scan3A_139, %mul3A_586 : i32
      %add3A_588 = arith.constant 31 : i32
      %add3A_589 = arith.addi %mul3A_587, %add3A_588 : i32
      %get3A_590 = arith.index_cast %add3A_589 : i32 to index
      %get3A_591 = arith.constant 0 : index
      %get3A_592 = tpu.vector_load %arg7[%get3A_590, %get3A_591] {strides = array<i32>} : memref<128x16xf32, #tpu.memory_space<vmem>>, vector<1x16xf32>,
      %get3A_593 = vector.shape_cast %get3A_592 : vector<1x16xf32> to vector<16xf32>
      %mul3A_594 = arith.mulf %gather3A_585, %get3A_593 : vector<16xf32>
      %add3A_595 = arith.addf %add3A_581, %mul3A_594 : vector<16xf32>
      %swap3A = arith.index_cast %add3A_141 : i32 to index
      %swap3A_596 = arith.constant 0 : index
      %swap3A_597 = tpu.vector_load %arg8[%swap3A, %swap3A_596] {strides = array<i32>} : memref<32x128xf32, #tpu.memory_space<vmem>>, vector<1x16xf32>,
      %swap3A_598 = vector.shape_cast %swap3A_597 : vector<1x16xf32> to vector<16xf32>
      %swap3A_599 = vector.shape_cast %add3A_595 : vector<16xf32> to vector<1x16xf32>
      tpu.vector_store %arg8[%swap3A, %swap3A_596], %swap3A_599 {strides = array<i32>} : memref<32x128xf32, #tpu.memory_space<vmem>>, vector<1x16xf32>,
      %swap3A_600 = arith.index_cast %add3A_141 : i32 to index
      %swap3A_601 = arith.constant 16 : index
      %swap3A_602 = tpu.vector_load %arg8[%swap3A_600, %swap3A_601] {strides = array<i32>} : memref<32x128xf32, #tpu.memory_space<vmem>>, vector<1x16xf32>,
      %swap3A_603 = vector.shape_cast %swap3A_602 : vector<1x16xf32> to vector<16xf32>
      %swap3A_604 = vector.shape_cast %broadcast_in_dim3A_8 : vector<16xf32> to vector<1x16xf32>
      tpu.vector_store %arg8[%swap3A_600, %swap3A_601], %swap3A_604 {strides = array<i32>} : memref<32x128xf32, #tpu.memory_space<vmem>>, vector<1x16xf32>,
      %swap3A_605 = arith.index_cast %add3A_141 : i32 to index
      %swap3A_606 = arith.constant 32 : index
      %swap3A_607 = tpu.vector_load %arg8[%swap3A_605, %swap3A_606] {strides = array<i32>} : memref<32x128xf32, #tpu.memory_space<vmem>>, vector<1x16xf32>,
      %swap3A_608 = vector.shape_cast %swap3A_607 : vector<1x16xf32> to vector<16xf32>
      %swap3A_609 = vector.shape_cast %broadcast_in_dim3A_8 : vector<16xf32> to vector<1x16xf32>
      tpu.vector_store %arg8[%swap3A_605, %swap3A_606], %swap3A_609 {strides = array<i32>} : memref<32x128xf32, #tpu.memory_space<vmem>>, vector<1x16xf32>,
      %swap3A_610 = arith.index_cast %add3A_141 : i32 to index
      %swap3A_611 = arith.constant 48 : index
      %swap3A_612 = tpu.vector_load %arg8[%swap3A_610, %swap3A_611] {strides = array<i32>} : memref<32x128xf32, #tpu.memory_space<vmem>>, vector<1x16xf32>,
      %swap3A_613 = vector.shape_cast %swap3A_612 : vector<1x16xf32> to vector<16xf32>
      %swap3A_614 = vector.shape_cast %broadcast_in_dim3A_8 : vector<16xf32> to vector<1x16xf32>
      tpu.vector_store %arg8[%swap3A_610, %swap3A_611], %swap3A_614 {strides = array<i32>} : memref<32x128xf32, #tpu.memory_space<vmem>>, vector<1x16xf32>,
      %swap3A_615 = arith.index_cast %add3A_141 : i32 to index
      %swap3A_616 = arith.constant 64 : index
      %swap3A_617 = tpu.vector_load %arg8[%swap3A_615, %swap3A_616] {strides = array<i32>} : memref<32x128xf32, #tpu.memory_space<vmem>>, vector<1x16xf32>,
      %swap3A_618 = vector.shape_cast %swap3A_617 : vector<1x16xf32> to vector<16xf32>
      %swap3A_619 = vector.shape_cast %broadcast_in_dim3A_8 : vector<16xf32> to vector<1x16xf32>
      tpu.vector_store %arg8[%swap3A_615, %swap3A_616], %swap3A_619 {strides = array<i32>} : memref<32x128xf32, #tpu.memory_space<vmem>>, vector<1x16xf32>,
      %swap3A_620 = arith.index_cast %add3A_141 : i32 to index
      %swap3A_621 = arith.constant 80 : index
      %swap3A_622 = tpu.vector_load %arg8[%swap3A_620, %swap3A_621] {strides = array<i32>} : memref<32x128xf32, #tpu.memory_space<vmem>>, vector<1x16xf32>,
      %swap3A_623 = vector.shape_cast %swap3A_622 : vector<1x16xf32> to vector<16xf32>
      %swap3A_624 = vector.shape_cast %broadcast_in_dim3A_8 : vector<16xf32> to vector<1x16xf32>
      tpu.vector_store %arg8[%swap3A_620, %swap3A_621], %swap3A_624 {strides = array<i32>} : memref<32x128xf32, #tpu.memory_space<vmem>>, vector<1x16xf32>,
      %swap3A_625 = arith.index_cast %add3A_141 : i32 to index
      %swap3A_626 = arith.constant 96 : index
      %swap3A_627 = tpu.vector_load %arg8[%swap3A_625, %swap3A_626] {strides = array<i32>} : memref<32x128xf32, #tpu.memory_space<vmem>>, vector<1x16xf32>,
      %swap3A_628 = vector.shape_cast %swap3A_627 : vector<1x16xf32> to vector<16xf32>
      %swap3A_629 = vector.shape_cast %broadcast_in_dim3A_8 : vector<16xf32> to vector<1x16xf32>
      tpu.vector_store %arg8[%swap3A_625, %swap3A_626], %swap3A_629 {strides = array<i32>} : memref<32x128xf32, #tpu.memory_space<vmem>>, vector<1x16xf32>,
      %swap3A_630 = arith.index_cast %add3A_141 : i32 to index
      %swap3A_631 = arith.constant 112 : index
      %swap3A_632 = tpu.vector_load %arg8[%swap3A_630, %swap3A_631] {strides = array<i32>} : memref<32x128xf32, #tpu.memory_space<vmem>>, vector<1x16xf32>,
      %swap3A_633 = vector.shape_cast %swap3A_632 : vector<1x16xf32> to vector<16xf32>
      %swap3A_634 = vector.shape_cast %broadcast_in_dim3A_8 : vector<16xf32> to vector<1x16xf32>
      tpu.vector_store %arg8[%swap3A_630, %swap3A_631], %swap3A_634 {strides = array<i32>} : memref<32x128xf32, #tpu.memory_space<vmem>>, vector<1x16xf32>,
    }
    %scan3A_40 = arith.constant 4 : i32
    %add3A_41 = arith.constant 384 : i32
    %add3A_42 = arith.addi %mul3A_4, %add3A_41 : i32
    %dma_start3A_43 = arith.constant 0 : i32
    %dma_start3A_44 = tpu.memref_slice %arg3[%add3A_42, %dma_start3A_43] : memref<32768x16xf32, #tpu.memory_space<hbm>> -> memref<128x16xf32, #tpu.memory_space<hbm>>
    %dma_start3A_45 = arith.constant 0 : i32
    %dma_start3A_46 = tpu.memref_slice %arg3[%add3A_42, %dma_start3A_45] : memref<32768x16xf32, #tpu.memory_space<hbm>> -> memref<128x16xf32, #tpu.memory_space<hbm>>
    tpu.enqueue_dma source(%dma_start3A_46 : memref<128x16xf32, #tpu.memory_space<hbm>>) target(%arg7 : memref<128x16xf32, #tpu.memory_space<vmem>>) target_semaphore(%arg10 : memref<!tpu.dma_semaphore, #tpu.memory_space<semaphore_mem>>)
    %add3A_47 = arith.constant 256 : i32
    %add3A_48 = arith.addi %mul3A_4, %add3A_47 : i32
    %dma_wait3A_49 = arith.constant 0 : i32
    %dma_wait3A_50 = tpu.memref_slice %arg3[%add3A_48, %dma_wait3A_49] : memref<32768x16xf32, #tpu.memory_space<hbm>> -> memref<128x16xf32, #tpu.memory_space<hbm>>
    %dma_wait3A_51 = arith.constant 0 : i32
    %dma_wait3A_52 = tpu.memref_slice %arg3[%add3A_48, %dma_wait3A_51] : memref<32768x16xf32, #tpu.memory_space<hbm>> -> memref<128x16xf32, #tpu.memory_space<hbm>>
    tpu.wait_dma2 semaphore(%arg9 : memref<!tpu.dma_semaphore, #tpu.memory_space<semaphore_mem>>) src(%dma_wait3A_52 : memref<128x16xf32, #tpu.memory_space<hbm>>) dst(%arg6 : memref<128x16xf32, #tpu.memory_space<vmem>>)
    %scan3A_53 = arith.constant 0 : i32
    %scan3A_54 = arith.constant 4 : i32
    %scan3A_55 = arith.addi %scan3A_53, %scan3A_54 : i32
    %scan3A_56 = arith.constant 1 : i32
    scf.for %scan3A_139 = %scan3A_53 to %scan3A_55 step %scan3A_56  : i32 {
      %add3A_140 = arith.constant 8 : i32
      %add3A_141 = arith.addi %add3A_140, %scan3A_139 : i32
      %get3A = arith.index_cast %add3A_141 : i32 to index
      %get3A_142 = arith.constant 0 : index
      %get3A_143 = tpu.vector_load %arg5[%get3A, %get3A_142] {strides = array<i32>} : memref<32x32xf32, #tpu.memory_space<vmem>>, vector<1x16xf32>,
      %get3A_144 = vector.shape_cast %get3A_143 : vector<1x16xf32> to vector<16xf32>
      %get3A_145 = arith.index_cast %add3A_141 : i32 to index
      %get3A_146 = arith.constant 16 : index
      %get3A_147 = tpu.vector_load %arg5[%get3A_145, %get3A_146] {strides = array<i32>} : memref<32x32xf32, #tpu.memory_space<vmem>>, vector<1x16xf32>,
      %get3A_148 = vector.shape_cast %get3A_147 : vector<1x16xf32> to vector<16xf32>
      %broadcast_in_dim3A_149 = arith.constant 0 : i32
      %broadcast_in_dim3A_150 = vector.broadcast %broadcast_in_dim3A_149 : i32 to vector<16x1xi32>
      %gather3A = vector.shape_cast %broadcast_in_dim3A_150 : vector<16x1xi32> to vector<16xi32>
      %gather3A_151 = tpu.dynamic_gather %get3A_144[%gather3A] in [0] : vector<16xf32>, vector<16xi32> -> vector<16xf32>
      %mul3A_152 = arith.constant 32 : i32
      %mul3A_153 = arith.muli %scan3A_139, %mul3A_152 : i32
      %add3A_154 = arith.constant 0 : i32
      %add3A_155 = arith.addi %mul3A_153, %add3A_154 : i32
      %get3A_156 = arith.index_cast %add3A_155 : i32 to index
      %get3A_157 = arith.constant 0 : index
      %get3A_158 = tpu.vector_load %arg6[%get3A_156, %get3A_157] {strides = array<i32>} : memref<128x16xf32, #tpu.memory_space<vmem>>, vector<1x16xf32>,
      %get3A_159 = vector.shape_cast %get3A_158 : vector<1x16xf32> to vector<16xf32>
      %mul3A_160 = arith.mulf %gather3A_151, %get3A_159 : vector<16xf32>
      %add3A_161 = arith.addf %broadcast_in_dim3A_8, %mul3A_160 : vector<16xf32>
      %broadcast_in_dim3A_162 = arith.constant 1 : i32
      %broadcast_in_dim3A_163 = vector.broadcast %broadcast_in_dim3A_162 : i32 to vector<16x1xi32>
      %gather3A_164 = vector.shape_cast %broadcast_in_dim3A_163 : vector<16x1xi32> to vector<16xi32>
      %gather3A_165 = tpu.dynamic_gather %get3A_144[%gather3A_164] in [0] : vector<16xf32>, vector<16xi32> -> vector<16xf32>
      %mul3A_166 = arith.constant 32 : i32
      %mul3A_167 = arith.muli %scan3A_139, %mul3A_166 : i32
      %add3A_168 = arith.constant 1 : i32
      %add3A_169 = arith.addi %mul3A_167, %add3A_168 : i32
      %get3A_170 = arith.index_cast %add3A_169 : i32 to index
      %get3A_171 = arith.constant 0 : index
      %get3A_172 = tpu.vector_load %arg6[%get3A_170, %get3A_171] {strides = array<i32>} : memref<128x16xf32, #tpu.memory_space<vmem>>, vector<1x16xf32>,
      %get3A_173 = vector.shape_cast %get3A_172 : vector<1x16xf32> to vector<16xf32>
      %mul3A_174 = arith.mulf %gather3A_165, %get3A_173 : vector<16xf32>
      %add3A_175 = arith.addf %add3A_161, %mul3A_174 : vector<16xf32>
      %broadcast_in_dim3A_176 = arith.constant 2 : i32
      %broadcast_in_dim3A_177 = vector.broadcast %broadcast_in_dim3A_176 : i32 to vector<16x1xi32>
      %gather3A_178 = vector.shape_cast %broadcast_in_dim3A_177 : vector<16x1xi32> to vector<16xi32>
      %gather3A_179 = tpu.dynamic_gather %get3A_144[%gather3A_178] in [0] : vector<16xf32>, vector<16xi32> -> vector<16xf32>
      %mul3A_180 = arith.constant 32 : i32
      %mul3A_181 = arith.muli %scan3A_139, %mul3A_180 : i32
      %add3A_182 = arith.constant 2 : i32
      %add3A_183 = arith.addi %mul3A_181, %add3A_182 : i32
      %get3A_184 = arith.index_cast %add3A_183 : i32 to index
      %get3A_185 = arith.constant 0 : index
      %get3A_186 = tpu.vector_load %arg6[%get3A_184, %get3A_185] {strides = array<i32>} : memref<128x16xf32, #tpu.memory_space<vmem>>, vector<1x16xf32>,
      %get3A_187 = vector.shape_cast %get3A_186 : vector<1x16xf32> to vector<16xf32>
      %mul3A_188 = arith.mulf %gather3A_179, %get3A_187 : vector<16xf32>
      %add3A_189 = arith.addf %add3A_175, %mul3A_188 : vector<16xf32>
      %broadcast_in_dim3A_190 = arith.constant 3 : i32
      %broadcast_in_dim3A_191 = vector.broadcast %broadcast_in_dim3A_190 : i32 to vector<16x1xi32>
      %gather3A_192 = vector.shape_cast %broadcast_in_dim3A_191 : vector<16x1xi32> to vector<16xi32>
      %gather3A_193 = tpu.dynamic_gather %get3A_144[%gather3A_192] in [0] : vector<16xf32>, vector<16xi32> -> vector<16xf32>
      %mul3A_194 = arith.constant 32 : i32
      %mul3A_195 = arith.muli %scan3A_139, %mul3A_194 : i32
      %add3A_196 = arith.constant 3 : i32
      %add3A_197 = arith.addi %mul3A_195, %add3A_196 : i32
      %get3A_198 = arith.index_cast %add3A_197 : i32 to index
      %get3A_199 = arith.constant 0 : index
      %get3A_200 = tpu.vector_load %arg6[%get3A_198, %get3A_199] {strides = array<i32>} : memref<128x16xf32, #tpu.memory_space<vmem>>, vector<1x16xf32>,
      %get3A_201 = vector.shape_cast %get3A_200 : vector<1x16xf32> to vector<16xf32>
      %mul3A_202 = arith.mulf %gather3A_193, %get3A_201 : vector<16xf32>
      %add3A_203 = arith.addf %add3A_189, %mul3A_202 : vector<16xf32>
      %broadcast_in_dim3A_204 = arith.constant 4 : i32
      %broadcast_in_dim3A_205 = vector.broadcast %broadcast_in_dim3A_204 : i32 to vector<16x1xi32>
      %gather3A_206 = vector.shape_cast %broadcast_in_dim3A_205 : vector<16x1xi32> to vector<16xi32>
      %gather3A_207 = tpu.dynamic_gather %get3A_144[%gather3A_206] in [0] : vector<16xf32>, vector<16xi32> -> vector<16xf32>
      %mul3A_208 = arith.constant 32 : i32
      %mul3A_209 = arith.muli %scan3A_139, %mul3A_208 : i32
      %add3A_210 = arith.constant 4 : i32
      %add3A_211 = arith.addi %mul3A_209, %add3A_210 : i32
      %get3A_212 = arith.index_cast %add3A_211 : i32 to index
      %get3A_213 = arith.constant 0 : index
      %get3A_214 = tpu.vector_load %arg6[%get3A_212, %get3A_213] {strides = array<i32>} : memref<128x16xf32, #tpu.memory_space<vmem>>, vector<1x16xf32>,
      %get3A_215 = vector.shape_cast %get3A_214 : vector<1x16xf32> to vector<16xf32>
      %mul3A_216 = arith.mulf %gather3A_207, %get3A_215 : vector<16xf32>
      %add3A_217 = arith.addf %add3A_203, %mul3A_216 : vector<16xf32>
      %broadcast_in_dim3A_218 = arith.constant 5 : i32
      %broadcast_in_dim3A_219 = vector.broadcast %broadcast_in_dim3A_218 : i32 to vector<16x1xi32>
      %gather3A_220 = vector.shape_cast %broadcast_in_dim3A_219 : vector<16x1xi32> to vector<16xi32>
      %gather3A_221 = tpu.dynamic_gather %get3A_144[%gather3A_220] in [0] : vector<16xf32>, vector<16xi32> -> vector<16xf32>
      %mul3A_222 = arith.constant 32 : i32
      %mul3A_223 = arith.muli %scan3A_139, %mul3A_222 : i32
      %add3A_224 = arith.constant 5 : i32
      %add3A_225 = arith.addi %mul3A_223, %add3A_224 : i32
      %get3A_226 = arith.index_cast %add3A_225 : i32 to index
      %get3A_227 = arith.constant 0 : index
      %get3A_228 = tpu.vector_load %arg6[%get3A_226, %get3A_227] {strides = array<i32>} : memref<128x16xf32, #tpu.memory_space<vmem>>, vector<1x16xf32>,
      %get3A_229 = vector.shape_cast %get3A_228 : vector<1x16xf32> to vector<16xf32>
      %mul3A_230 = arith.mulf %gather3A_221, %get3A_229 : vector<16xf32>
      %add3A_231 = arith.addf %add3A_217, %mul3A_230 : vector<16xf32>
      %broadcast_in_dim3A_232 = arith.constant 6 : i32
      %broadcast_in_dim3A_233 = vector.broadcast %broadcast_in_dim3A_232 : i32 to vector<16x1xi32>
      %gather3A_234 = vector.shape_cast %broadcast_in_dim3A_233 : vector<16x1xi32> to vector<16xi32>
      %gather3A_235 = tpu.dynamic_gather %get3A_144[%gather3A_234] in [0] : vector<16xf32>, vector<16xi32> -> vector<16xf32>
      %mul3A_236 = arith.constant 32 : i32
      %mul3A_237 = arith.muli %scan3A_139, %mul3A_236 : i32
      %add3A_238 = arith.constant 6 : i32
      %add3A_239 = arith.addi %mul3A_237, %add3A_238 : i32
      %get3A_240 = arith.index_cast %add3A_239 : i32 to index
      %get3A_241 = arith.constant 0 : index
      %get3A_242 = tpu.vector_load %arg6[%get3A_240, %get3A_241] {strides = array<i32>} : memref<128x16xf32, #tpu.memory_space<vmem>>, vector<1x16xf32>,
      %get3A_243 = vector.shape_cast %get3A_242 : vector<1x16xf32> to vector<16xf32>
      %mul3A_244 = arith.mulf %gather3A_235, %get3A_243 : vector<16xf32>
      %add3A_245 = arith.addf %add3A_231, %mul3A_244 : vector<16xf32>
      %broadcast_in_dim3A_246 = arith.constant 7 : i32
      %broadcast_in_dim3A_247 = vector.broadcast %broadcast_in_dim3A_246 : i32 to vector<16x1xi32>
      %gather3A_248 = vector.shape_cast %broadcast_in_dim3A_247 : vector<16x1xi32> to vector<16xi32>
      %gather3A_249 = tpu.dynamic_gather %get3A_144[%gather3A_248] in [0] : vector<16xf32>, vector<16xi32> -> vector<16xf32>
      %mul3A_250 = arith.constant 32 : i32
      %mul3A_251 = arith.muli %scan3A_139, %mul3A_250 : i32
      %add3A_252 = arith.constant 7 : i32
      %add3A_253 = arith.addi %mul3A_251, %add3A_252 : i32
      %get3A_254 = arith.index_cast %add3A_253 : i32 to index
      %get3A_255 = arith.constant 0 : index
      %get3A_256 = tpu.vector_load %arg6[%get3A_254, %get3A_255] {strides = array<i32>} : memref<128x16xf32, #tpu.memory_space<vmem>>, vector<1x16xf32>,
      %get3A_257 = vector.shape_cast %get3A_256 : vector<1x16xf32> to vector<16xf32>
      %mul3A_258 = arith.mulf %gather3A_249, %get3A_257 : vector<16xf32>
      %add3A_259 = arith.addf %add3A_245, %mul3A_258 : vector<16xf32>
      %broadcast_in_dim3A_260 = arith.constant 8 : i32
      %broadcast_in_dim3A_261 = vector.broadcast %broadcast_in_dim3A_260 : i32 to vector<16x1xi32>
      %gather3A_262 = vector.shape_cast %broadcast_in_dim3A_261 : vector<16x1xi32> to vector<16xi32>
      %gather3A_263 = tpu.dynamic_gather %get3A_144[%gather3A_262] in [0] : vector<16xf32>, vector<16xi32> -> vector<16xf32>
      %mul3A_264 = arith.constant 32 : i32
      %mul3A_265 = arith.muli %scan3A_139, %mul3A_264 : i32
      %add3A_266 = arith.constant 8 : i32
      %add3A_267 = arith.addi %mul3A_265, %add3A_266 : i32
      %get3A_268 = arith.index_cast %add3A_267 : i32 to index
      %get3A_269 = arith.constant 0 : index
      %get3A_270 = tpu.vector_load %arg6[%get3A_268, %get3A_269] {strides = array<i32>} : memref<128x16xf32, #tpu.memory_space<vmem>>, vector<1x16xf32>,
      %get3A_271 = vector.shape_cast %get3A_270 : vector<1x16xf32> to vector<16xf32>
      %mul3A_272 = arith.mulf %gather3A_263, %get3A_271 : vector<16xf32>
      %add3A_273 = arith.addf %add3A_259, %mul3A_272 : vector<16xf32>
      %broadcast_in_dim3A_274 = arith.constant 9 : i32
      %broadcast_in_dim3A_275 = vector.broadcast %broadcast_in_dim3A_274 : i32 to vector<16x1xi32>
      %gather3A_276 = vector.shape_cast %broadcast_in_dim3A_275 : vector<16x1xi32> to vector<16xi32>
      %gather3A_277 = tpu.dynamic_gather %get3A_144[%gather3A_276] in [0] : vector<16xf32>, vector<16xi32> -> vector<16xf32>
      %mul3A_278 = arith.constant 32 : i32
      %mul3A_279 = arith.muli %scan3A_139, %mul3A_278 : i32
      %add3A_280 = arith.constant 9 : i32
      %add3A_281 = arith.addi %mul3A_279, %add3A_280 : i32
      %get3A_282 = arith.index_cast %add3A_281 : i32 to index
      %get3A_283 = arith.constant 0 : index
      %get3A_284 = tpu.vector_load %arg6[%get3A_282, %get3A_283] {strides = array<i32>} : memref<128x16xf32, #tpu.memory_space<vmem>>, vector<1x16xf32>,
      %get3A_285 = vector.shape_cast %get3A_284 : vector<1x16xf32> to vector<16xf32>
      %mul3A_286 = arith.mulf %gather3A_277, %get3A_285 : vector<16xf32>
      %add3A_287 = arith.addf %add3A_273, %mul3A_286 : vector<16xf32>
      %broadcast_in_dim3A_288 = arith.constant 10 : i32
      %broadcast_in_dim3A_289 = vector.broadcast %broadcast_in_dim3A_288 : i32 to vector<16x1xi32>
      %gather3A_290 = vector.shape_cast %broadcast_in_dim3A_289 : vector<16x1xi32> to vector<16xi32>
      %gather3A_291 = tpu.dynamic_gather %get3A_144[%gather3A_290] in [0] : vector<16xf32>, vector<16xi32> -> vector<16xf32>
      %mul3A_292 = arith.constant 32 : i32
      %mul3A_293 = arith.muli %scan3A_139, %mul3A_292 : i32
      %add3A_294 = arith.constant 10 : i32
      %add3A_295 = arith.addi %mul3A_293, %add3A_294 : i32
      %get3A_296 = arith.index_cast %add3A_295 : i32 to index
      %get3A_297 = arith.constant 0 : index
      %get3A_298 = tpu.vector_load %arg6[%get3A_296, %get3A_297] {strides = array<i32>} : memref<128x16xf32, #tpu.memory_space<vmem>>, vector<1x16xf32>,
      %get3A_299 = vector.shape_cast %get3A_298 : vector<1x16xf32> to vector<16xf32>
      %mul3A_300 = arith.mulf %gather3A_291, %get3A_299 : vector<16xf32>
      %add3A_301 = arith.addf %add3A_287, %mul3A_300 : vector<16xf32>
      %broadcast_in_dim3A_302 = arith.constant 11 : i32
      %broadcast_in_dim3A_303 = vector.broadcast %broadcast_in_dim3A_302 : i32 to vector<16x1xi32>
      %gather3A_304 = vector.shape_cast %broadcast_in_dim3A_303 : vector<16x1xi32> to vector<16xi32>
      %gather3A_305 = tpu.dynamic_gather %get3A_144[%gather3A_304] in [0] : vector<16xf32>, vector<16xi32> -> vector<16xf32>
      %mul3A_306 = arith.constant 32 : i32
      %mul3A_307 = arith.muli %scan3A_139, %mul3A_306 : i32
      %add3A_308 = arith.constant 11 : i32
      %add3A_309 = arith.addi %mul3A_307, %add3A_308 : i32
      %get3A_310 = arith.index_cast %add3A_309 : i32 to index
      %get3A_311 = arith.constant 0 : index
      %get3A_312 = tpu.vector_load %arg6[%get3A_310, %get3A_311] {strides = array<i32>} : memref<128x16xf32, #tpu.memory_space<vmem>>, vector<1x16xf32>,
      %get3A_313 = vector.shape_cast %get3A_312 : vector<1x16xf32> to vector<16xf32>
      %mul3A_314 = arith.mulf %gather3A_305, %get3A_313 : vector<16xf32>
      %add3A_315 = arith.addf %add3A_301, %mul3A_314 : vector<16xf32>
      %broadcast_in_dim3A_316 = arith.constant 12 : i32
      %broadcast_in_dim3A_317 = vector.broadcast %broadcast_in_dim3A_316 : i32 to vector<16x1xi32>
      %gather3A_318 = vector.shape_cast %broadcast_in_dim3A_317 : vector<16x1xi32> to vector<16xi32>
      %gather3A_319 = tpu.dynamic_gather %get3A_144[%gather3A_318] in [0] : vector<16xf32>, vector<16xi32> -> vector<16xf32>
      %mul3A_320 = arith.constant 32 : i32
      %mul3A_321 = arith.muli %scan3A_139, %mul3A_320 : i32
      %add3A_322 = arith.constant 12 : i32
      %add3A_323 = arith.addi %mul3A_321, %add3A_322 : i32
      %get3A_324 = arith.index_cast %add3A_323 : i32 to index
      %get3A_325 = arith.constant 0 : index
      %get3A_326 = tpu.vector_load %arg6[%get3A_324, %get3A_325] {strides = array<i32>} : memref<128x16xf32, #tpu.memory_space<vmem>>, vector<1x16xf32>,
      %get3A_327 = vector.shape_cast %get3A_326 : vector<1x16xf32> to vector<16xf32>
      %mul3A_328 = arith.mulf %gather3A_319, %get3A_327 : vector<16xf32>
      %add3A_329 = arith.addf %add3A_315, %mul3A_328 : vector<16xf32>
      %broadcast_in_dim3A_330 = arith.constant 13 : i32
      %broadcast_in_dim3A_331 = vector.broadcast %broadcast_in_dim3A_330 : i32 to vector<16x1xi32>
      %gather3A_332 = vector.shape_cast %broadcast_in_dim3A_331 : vector<16x1xi32> to vector<16xi32>
      %gather3A_333 = tpu.dynamic_gather %get3A_144[%gather3A_332] in [0] : vector<16xf32>, vector<16xi32> -> vector<16xf32>
      %mul3A_334 = arith.constant 32 : i32
      %mul3A_335 = arith.muli %scan3A_139, %mul3A_334 : i32
      %add3A_336 = arith.constant 13 : i32
      %add3A_337 = arith.addi %mul3A_335, %add3A_336 : i32
      %get3A_338 = arith.index_cast %add3A_337 : i32 to index
      %get3A_339 = arith.constant 0 : index
      %get3A_340 = tpu.vector_load %arg6[%get3A_338, %get3A_339] {strides = array<i32>} : memref<128x16xf32, #tpu.memory_space<vmem>>, vector<1x16xf32>,
      %get3A_341 = vector.shape_cast %get3A_340 : vector<1x16xf32> to vector<16xf32>
      %mul3A_342 = arith.mulf %gather3A_333, %get3A_341 : vector<16xf32>
      %add3A_343 = arith.addf %add3A_329, %mul3A_342 : vector<16xf32>
      %broadcast_in_dim3A_344 = arith.constant 14 : i32
      %broadcast_in_dim3A_345 = vector.broadcast %broadcast_in_dim3A_344 : i32 to vector<16x1xi32>
      %gather3A_346 = vector.shape_cast %broadcast_in_dim3A_345 : vector<16x1xi32> to vector<16xi32>
      %gather3A_347 = tpu.dynamic_gather %get3A_144[%gather3A_346] in [0] : vector<16xf32>, vector<16xi32> -> vector<16xf32>
      %mul3A_348 = arith.constant 32 : i32
      %mul3A_349 = arith.muli %scan3A_139, %mul3A_348 : i32
      %add3A_350 = arith.constant 14 : i32
      %add3A_351 = arith.addi %mul3A_349, %add3A_350 : i32
      %get3A_352 = arith.index_cast %add3A_351 : i32 to index
      %get3A_353 = arith.constant 0 : index
      %get3A_354 = tpu.vector_load %arg6[%get3A_352, %get3A_353] {strides = array<i32>} : memref<128x16xf32, #tpu.memory_space<vmem>>, vector<1x16xf32>,
      %get3A_355 = vector.shape_cast %get3A_354 : vector<1x16xf32> to vector<16xf32>
      %mul3A_356 = arith.mulf %gather3A_347, %get3A_355 : vector<16xf32>
      %add3A_357 = arith.addf %add3A_343, %mul3A_356 : vector<16xf32>
      %broadcast_in_dim3A_358 = arith.constant 15 : i32
      %broadcast_in_dim3A_359 = vector.broadcast %broadcast_in_dim3A_358 : i32 to vector<16x1xi32>
      %gather3A_360 = vector.shape_cast %broadcast_in_dim3A_359 : vector<16x1xi32> to vector<16xi32>
      %gather3A_361 = tpu.dynamic_gather %get3A_144[%gather3A_360] in [0] : vector<16xf32>, vector<16xi32> -> vector<16xf32>
      %mul3A_362 = arith.constant 32 : i32
      %mul3A_363 = arith.muli %scan3A_139, %mul3A_362 : i32
      %add3A_364 = arith.constant 15 : i32
      %add3A_365 = arith.addi %mul3A_363, %add3A_364 : i32
      %get3A_366 = arith.index_cast %add3A_365 : i32 to index
      %get3A_367 = arith.constant 0 : index
      %get3A_368 = tpu.vector_load %arg6[%get3A_366, %get3A_367] {strides = array<i32>} : memref<128x16xf32, #tpu.memory_space<vmem>>, vector<1x16xf32>,
      %get3A_369 = vector.shape_cast %get3A_368 : vector<1x16xf32> to vector<16xf32>
      %mul3A_370 = arith.mulf %gather3A_361, %get3A_369 : vector<16xf32>
      %add3A_371 = arith.addf %add3A_357, %mul3A_370 : vector<16xf32>
      %broadcast_in_dim3A_372 = arith.constant 0 : i32
      %broadcast_in_dim3A_373 = vector.broadcast %broadcast_in_dim3A_372 : i32 to vector<16x1xi32>
      %gather3A_374 = vector.shape_cast %broadcast_in_dim3A_373 : vector<16x1xi32> to vector<16xi32>
      %gather3A_375 = tpu.dynamic_gather %get3A_148[%gather3A_374] in [0] : vector<16xf32>, vector<16xi32> -> vector<16xf32>
      %mul3A_376 = arith.constant 32 : i32
      %mul3A_377 = arith.muli %scan3A_139, %mul3A_376 : i32
      %add3A_378 = arith.constant 16 : i32
      %add3A_379 = arith.addi %mul3A_377, %add3A_378 : i32
      %get3A_380 = arith.index_cast %add3A_379 : i32 to index
      %get3A_381 = arith.constant 0 : index
      %get3A_382 = tpu.vector_load %arg6[%get3A_380, %get3A_381] {strides = array<i32>} : memref<128x16xf32, #tpu.memory_space<vmem>>, vector<1x16xf32>,
      %get3A_383 = vector.shape_cast %get3A_382 : vector<1x16xf32> to vector<16xf32>
      %mul3A_384 = arith.mulf %gather3A_375, %get3A_383 : vector<16xf32>
      %add3A_385 = arith.addf %add3A_371, %mul3A_384 : vector<16xf32>
      %broadcast_in_dim3A_386 = arith.constant 1 : i32
      %broadcast_in_dim3A_387 = vector.broadcast %broadcast_in_dim3A_386 : i32 to vector<16x1xi32>
      %gather3A_388 = vector.shape_cast %broadcast_in_dim3A_387 : vector<16x1xi32> to vector<16xi32>
      %gather3A_389 = tpu.dynamic_gather %get3A_148[%gather3A_388] in [0] : vector<16xf32>, vector<16xi32> -> vector<16xf32>
      %mul3A_390 = arith.constant 32 : i32
      %mul3A_391 = arith.muli %scan3A_139, %mul3A_390 : i32
      %add3A_392 = arith.constant 17 : i32
      %add3A_393 = arith.addi %mul3A_391, %add3A_392 : i32
      %get3A_394 = arith.index_cast %add3A_393 : i32 to index
      %get3A_395 = arith.constant 0 : index
      %get3A_396 = tpu.vector_load %arg6[%get3A_394, %get3A_395] {strides = array<i32>} : memref<128x16xf32, #tpu.memory_space<vmem>>, vector<1x16xf32>,
      %get3A_397 = vector.shape_cast %get3A_396 : vector<1x16xf32> to vector<16xf32>
      %mul3A_398 = arith.mulf %gather3A_389, %get3A_397 : vector<16xf32>
      %add3A_399 = arith.addf %add3A_385, %mul3A_398 : vector<16xf32>
      %broadcast_in_dim3A_400 = arith.constant 2 : i32
      %broadcast_in_dim3A_401 = vector.broadcast %broadcast_in_dim3A_400 : i32 to vector<16x1xi32>
      %gather3A_402 = vector.shape_cast %broadcast_in_dim3A_401 : vector<16x1xi32> to vector<16xi32>
      %gather3A_403 = tpu.dynamic_gather %get3A_148[%gather3A_402] in [0] : vector<16xf32>, vector<16xi32> -> vector<16xf32>
      %mul3A_404 = arith.constant 32 : i32
      %mul3A_405 = arith.muli %scan3A_139, %mul3A_404 : i32
      %add3A_406 = arith.constant 18 : i32
      %add3A_407 = arith.addi %mul3A_405, %add3A_406 : i32
      %get3A_408 = arith.index_cast %add3A_407 : i32 to index
      %get3A_409 = arith.constant 0 : index
      %get3A_410 = tpu.vector_load %arg6[%get3A_408, %get3A_409] {strides = array<i32>} : memref<128x16xf32, #tpu.memory_space<vmem>>, vector<1x16xf32>,
      %get3A_411 = vector.shape_cast %get3A_410 : vector<1x16xf32> to vector<16xf32>
      %mul3A_412 = arith.mulf %gather3A_403, %get3A_411 : vector<16xf32>
      %add3A_413 = arith.addf %add3A_399, %mul3A_412 : vector<16xf32>
      %broadcast_in_dim3A_414 = arith.constant 3 : i32
      %broadcast_in_dim3A_415 = vector.broadcast %broadcast_in_dim3A_414 : i32 to vector<16x1xi32>
      %gather3A_416 = vector.shape_cast %broadcast_in_dim3A_415 : vector<16x1xi32> to vector<16xi32>
      %gather3A_417 = tpu.dynamic_gather %get3A_148[%gather3A_416] in [0] : vector<16xf32>, vector<16xi32> -> vector<16xf32>
      %mul3A_418 = arith.constant 32 : i32
      %mul3A_419 = arith.muli %scan3A_139, %mul3A_418 : i32
      %add3A_420 = arith.constant 19 : i32
      %add3A_421 = arith.addi %mul3A_419, %add3A_420 : i32
      %get3A_422 = arith.index_cast %add3A_421 : i32 to index
      %get3A_423 = arith.constant 0 : index
      %get3A_424 = tpu.vector_load %arg6[%get3A_422, %get3A_423] {strides = array<i32>} : memref<128x16xf32, #tpu.memory_space<vmem>>, vector<1x16xf32>,
      %get3A_425 = vector.shape_cast %get3A_424 : vector<1x16xf32> to vector<16xf32>
      %mul3A_426 = arith.mulf %gather3A_417, %get3A_425 : vector<16xf32>
      %add3A_427 = arith.addf %add3A_413, %mul3A_426 : vector<16xf32>
      %broadcast_in_dim3A_428 = arith.constant 4 : i32
      %broadcast_in_dim3A_429 = vector.broadcast %broadcast_in_dim3A_428 : i32 to vector<16x1xi32>
      %gather3A_430 = vector.shape_cast %broadcast_in_dim3A_429 : vector<16x1xi32> to vector<16xi32>
      %gather3A_431 = tpu.dynamic_gather %get3A_148[%gather3A_430] in [0] : vector<16xf32>, vector<16xi32> -> vector<16xf32>
      %mul3A_432 = arith.constant 32 : i32
      %mul3A_433 = arith.muli %scan3A_139, %mul3A_432 : i32
      %add3A_434 = arith.constant 20 : i32
      %add3A_435 = arith.addi %mul3A_433, %add3A_434 : i32
      %get3A_436 = arith.index_cast %add3A_435 : i32 to index
      %get3A_437 = arith.constant 0 : index
      %get3A_438 = tpu.vector_load %arg6[%get3A_436, %get3A_437] {strides = array<i32>} : memref<128x16xf32, #tpu.memory_space<vmem>>, vector<1x16xf32>,
      %get3A_439 = vector.shape_cast %get3A_438 : vector<1x16xf32> to vector<16xf32>
      %mul3A_440 = arith.mulf %gather3A_431, %get3A_439 : vector<16xf32>
      %add3A_441 = arith.addf %add3A_427, %mul3A_440 : vector<16xf32>
      %broadcast_in_dim3A_442 = arith.constant 5 : i32
      %broadcast_in_dim3A_443 = vector.broadcast %broadcast_in_dim3A_442 : i32 to vector<16x1xi32>
      %gather3A_444 = vector.shape_cast %broadcast_in_dim3A_443 : vector<16x1xi32> to vector<16xi32>
      %gather3A_445 = tpu.dynamic_gather %get3A_148[%gather3A_444] in [0] : vector<16xf32>, vector<16xi32> -> vector<16xf32>
      %mul3A_446 = arith.constant 32 : i32
      %mul3A_447 = arith.muli %scan3A_139, %mul3A_446 : i32
      %add3A_448 = arith.constant 21 : i32
      %add3A_449 = arith.addi %mul3A_447, %add3A_448 : i32
      %get3A_450 = arith.index_cast %add3A_449 : i32 to index
      %get3A_451 = arith.constant 0 : index
      %get3A_452 = tpu.vector_load %arg6[%get3A_450, %get3A_451] {strides = array<i32>} : memref<128x16xf32, #tpu.memory_space<vmem>>, vector<1x16xf32>,
      %get3A_453 = vector.shape_cast %get3A_452 : vector<1x16xf32> to vector<16xf32>
      %mul3A_454 = arith.mulf %gather3A_445, %get3A_453 : vector<16xf32>
      %add3A_455 = arith.addf %add3A_441, %mul3A_454 : vector<16xf32>
      %broadcast_in_dim3A_456 = arith.constant 6 : i32
      %broadcast_in_dim3A_457 = vector.broadcast %broadcast_in_dim3A_456 : i32 to vector<16x1xi32>
      %gather3A_458 = vector.shape_cast %broadcast_in_dim3A_457 : vector<16x1xi32> to vector<16xi32>
      %gather3A_459 = tpu.dynamic_gather %get3A_148[%gather3A_458] in [0] : vector<16xf32>, vector<16xi32> -> vector<16xf32>
      %mul3A_460 = arith.constant 32 : i32
      %mul3A_461 = arith.muli %scan3A_139, %mul3A_460 : i32
      %add3A_462 = arith.constant 22 : i32
      %add3A_463 = arith.addi %mul3A_461, %add3A_462 : i32
      %get3A_464 = arith.index_cast %add3A_463 : i32 to index
      %get3A_465 = arith.constant 0 : index
      %get3A_466 = tpu.vector_load %arg6[%get3A_464, %get3A_465] {strides = array<i32>} : memref<128x16xf32, #tpu.memory_space<vmem>>, vector<1x16xf32>,
      %get3A_467 = vector.shape_cast %get3A_466 : vector<1x16xf32> to vector<16xf32>
      %mul3A_468 = arith.mulf %gather3A_459, %get3A_467 : vector<16xf32>
      %add3A_469 = arith.addf %add3A_455, %mul3A_468 : vector<16xf32>
      %broadcast_in_dim3A_470 = arith.constant 7 : i32
      %broadcast_in_dim3A_471 = vector.broadcast %broadcast_in_dim3A_470 : i32 to vector<16x1xi32>
      %gather3A_472 = vector.shape_cast %broadcast_in_dim3A_471 : vector<16x1xi32> to vector<16xi32>
      %gather3A_473 = tpu.dynamic_gather %get3A_148[%gather3A_472] in [0] : vector<16xf32>, vector<16xi32> -> vector<16xf32>
      %mul3A_474 = arith.constant 32 : i32
      %mul3A_475 = arith.muli %scan3A_139, %mul3A_474 : i32
      %add3A_476 = arith.constant 23 : i32
      %add3A_477 = arith.addi %mul3A_475, %add3A_476 : i32
      %get3A_478 = arith.index_cast %add3A_477 : i32 to index
      %get3A_479 = arith.constant 0 : index
      %get3A_480 = tpu.vector_load %arg6[%get3A_478, %get3A_479] {strides = array<i32>} : memref<128x16xf32, #tpu.memory_space<vmem>>, vector<1x16xf32>,
      %get3A_481 = vector.shape_cast %get3A_480 : vector<1x16xf32> to vector<16xf32>
      %mul3A_482 = arith.mulf %gather3A_473, %get3A_481 : vector<16xf32>
      %add3A_483 = arith.addf %add3A_469, %mul3A_482 : vector<16xf32>
      %broadcast_in_dim3A_484 = arith.constant 8 : i32
      %broadcast_in_dim3A_485 = vector.broadcast %broadcast_in_dim3A_484 : i32 to vector<16x1xi32>
      %gather3A_486 = vector.shape_cast %broadcast_in_dim3A_485 : vector<16x1xi32> to vector<16xi32>
      %gather3A_487 = tpu.dynamic_gather %get3A_148[%gather3A_486] in [0] : vector<16xf32>, vector<16xi32> -> vector<16xf32>
      %mul3A_488 = arith.constant 32 : i32
      %mul3A_489 = arith.muli %scan3A_139, %mul3A_488 : i32
      %add3A_490 = arith.constant 24 : i32
      %add3A_491 = arith.addi %mul3A_489, %add3A_490 : i32
      %get3A_492 = arith.index_cast %add3A_491 : i32 to index
      %get3A_493 = arith.constant 0 : index
      %get3A_494 = tpu.vector_load %arg6[%get3A_492, %get3A_493] {strides = array<i32>} : memref<128x16xf32, #tpu.memory_space<vmem>>, vector<1x16xf32>,
      %get3A_495 = vector.shape_cast %get3A_494 : vector<1x16xf32> to vector<16xf32>
      %mul3A_496 = arith.mulf %gather3A_487, %get3A_495 : vector<16xf32>
      %add3A_497 = arith.addf %add3A_483, %mul3A_496 : vector<16xf32>
      %broadcast_in_dim3A_498 = arith.constant 9 : i32
      %broadcast_in_dim3A_499 = vector.broadcast %broadcast_in_dim3A_498 : i32 to vector<16x1xi32>
      %gather3A_500 = vector.shape_cast %broadcast_in_dim3A_499 : vector<16x1xi32> to vector<16xi32>
      %gather3A_501 = tpu.dynamic_gather %get3A_148[%gather3A_500] in [0] : vector<16xf32>, vector<16xi32> -> vector<16xf32>
      %mul3A_502 = arith.constant 32 : i32
      %mul3A_503 = arith.muli %scan3A_139, %mul3A_502 : i32
      %add3A_504 = arith.constant 25 : i32
      %add3A_505 = arith.addi %mul3A_503, %add3A_504 : i32
      %get3A_506 = arith.index_cast %add3A_505 : i32 to index
      %get3A_507 = arith.constant 0 : index
      %get3A_508 = tpu.vector_load %arg6[%get3A_506, %get3A_507] {strides = array<i32>} : memref<128x16xf32, #tpu.memory_space<vmem>>, vector<1x16xf32>,
      %get3A_509 = vector.shape_cast %get3A_508 : vector<1x16xf32> to vector<16xf32>
      %mul3A_510 = arith.mulf %gather3A_501, %get3A_509 : vector<16xf32>
      %add3A_511 = arith.addf %add3A_497, %mul3A_510 : vector<16xf32>
      %broadcast_in_dim3A_512 = arith.constant 10 : i32
      %broadcast_in_dim3A_513 = vector.broadcast %broadcast_in_dim3A_512 : i32 to vector<16x1xi32>
      %gather3A_514 = vector.shape_cast %broadcast_in_dim3A_513 : vector<16x1xi32> to vector<16xi32>
      %gather3A_515 = tpu.dynamic_gather %get3A_148[%gather3A_514] in [0] : vector<16xf32>, vector<16xi32> -> vector<16xf32>
      %mul3A_516 = arith.constant 32 : i32
      %mul3A_517 = arith.muli %scan3A_139, %mul3A_516 : i32
      %add3A_518 = arith.constant 26 : i32
      %add3A_519 = arith.addi %mul3A_517, %add3A_518 : i32
      %get3A_520 = arith.index_cast %add3A_519 : i32 to index
      %get3A_521 = arith.constant 0 : index
      %get3A_522 = tpu.vector_load %arg6[%get3A_520, %get3A_521] {strides = array<i32>} : memref<128x16xf32, #tpu.memory_space<vmem>>, vector<1x16xf32>,
      %get3A_523 = vector.shape_cast %get3A_522 : vector<1x16xf32> to vector<16xf32>
      %mul3A_524 = arith.mulf %gather3A_515, %get3A_523 : vector<16xf32>
      %add3A_525 = arith.addf %add3A_511, %mul3A_524 : vector<16xf32>
      %broadcast_in_dim3A_526 = arith.constant 11 : i32
      %broadcast_in_dim3A_527 = vector.broadcast %broadcast_in_dim3A_526 : i32 to vector<16x1xi32>
      %gather3A_528 = vector.shape_cast %broadcast_in_dim3A_527 : vector<16x1xi32> to vector<16xi32>
      %gather3A_529 = tpu.dynamic_gather %get3A_148[%gather3A_528] in [0] : vector<16xf32>, vector<16xi32> -> vector<16xf32>
      %mul3A_530 = arith.constant 32 : i32
      %mul3A_531 = arith.muli %scan3A_139, %mul3A_530 : i32
      %add3A_532 = arith.constant 27 : i32
      %add3A_533 = arith.addi %mul3A_531, %add3A_532 : i32
      %get3A_534 = arith.index_cast %add3A_533 : i32 to index
      %get3A_535 = arith.constant 0 : index
      %get3A_536 = tpu.vector_load %arg6[%get3A_534, %get3A_535] {strides = array<i32>} : memref<128x16xf32, #tpu.memory_space<vmem>>, vector<1x16xf32>,
      %get3A_537 = vector.shape_cast %get3A_536 : vector<1x16xf32> to vector<16xf32>
      %mul3A_538 = arith.mulf %gather3A_529, %get3A_537 : vector<16xf32>
      %add3A_539 = arith.addf %add3A_525, %mul3A_538 : vector<16xf32>
      %broadcast_in_dim3A_540 = arith.constant 12 : i32
      %broadcast_in_dim3A_541 = vector.broadcast %broadcast_in_dim3A_540 : i32 to vector<16x1xi32>
      %gather3A_542 = vector.shape_cast %broadcast_in_dim3A_541 : vector<16x1xi32> to vector<16xi32>
      %gather3A_543 = tpu.dynamic_gather %get3A_148[%gather3A_542] in [0] : vector<16xf32>, vector<16xi32> -> vector<16xf32>
      %mul3A_544 = arith.constant 32 : i32
      %mul3A_545 = arith.muli %scan3A_139, %mul3A_544 : i32
      %add3A_546 = arith.constant 28 : i32
      %add3A_547 = arith.addi %mul3A_545, %add3A_546 : i32
      %get3A_548 = arith.index_cast %add3A_547 : i32 to index
      %get3A_549 = arith.constant 0 : index
      %get3A_550 = tpu.vector_load %arg6[%get3A_548, %get3A_549] {strides = array<i32>} : memref<128x16xf32, #tpu.memory_space<vmem>>, vector<1x16xf32>,
      %get3A_551 = vector.shape_cast %get3A_550 : vector<1x16xf32> to vector<16xf32>
      %mul3A_552 = arith.mulf %gather3A_543, %get3A_551 : vector<16xf32>
      %add3A_553 = arith.addf %add3A_539, %mul3A_552 : vector<16xf32>
      %broadcast_in_dim3A_554 = arith.constant 13 : i32
      %broadcast_in_dim3A_555 = vector.broadcast %broadcast_in_dim3A_554 : i32 to vector<16x1xi32>
      %gather3A_556 = vector.shape_cast %broadcast_in_dim3A_555 : vector<16x1xi32> to vector<16xi32>
      %gather3A_557 = tpu.dynamic_gather %get3A_148[%gather3A_556] in [0] : vector<16xf32>, vector<16xi32> -> vector<16xf32>
      %mul3A_558 = arith.constant 32 : i32
      %mul3A_559 = arith.muli %scan3A_139, %mul3A_558 : i32
      %add3A_560 = arith.constant 29 : i32
      %add3A_561 = arith.addi %mul3A_559, %add3A_560 : i32
      %get3A_562 = arith.index_cast %add3A_561 : i32 to index
      %get3A_563 = arith.constant 0 : index
      %get3A_564 = tpu.vector_load %arg6[%get3A_562, %get3A_563] {strides = array<i32>} : memref<128x16xf32, #tpu.memory_space<vmem>>, vector<1x16xf32>,
      %get3A_565 = vector.shape_cast %get3A_564 : vector<1x16xf32> to vector<16xf32>
      %mul3A_566 = arith.mulf %gather3A_557, %get3A_565 : vector<16xf32>
      %add3A_567 = arith.addf %add3A_553, %mul3A_566 : vector<16xf32>
      %broadcast_in_dim3A_568 = arith.constant 14 : i32
      %broadcast_in_dim3A_569 = vector.broadcast %broadcast_in_dim3A_568 : i32 to vector<16x1xi32>
      %gather3A_570 = vector.shape_cast %broadcast_in_dim3A_569 : vector<16x1xi32> to vector<16xi32>
      %gather3A_571 = tpu.dynamic_gather %get3A_148[%gather3A_570] in [0] : vector<16xf32>, vector<16xi32> -> vector<16xf32>
      %mul3A_572 = arith.constant 32 : i32
      %mul3A_573 = arith.muli %scan3A_139, %mul3A_572 : i32
      %add3A_574 = arith.constant 30 : i32
      %add3A_575 = arith.addi %mul3A_573, %add3A_574 : i32
      %get3A_576 = arith.index_cast %add3A_575 : i32 to index
      %get3A_577 = arith.constant 0 : index
      %get3A_578 = tpu.vector_load %arg6[%get3A_576, %get3A_577] {strides = array<i32>} : memref<128x16xf32, #tpu.memory_space<vmem>>, vector<1x16xf32>,
      %get3A_579 = vector.shape_cast %get3A_578 : vector<1x16xf32> to vector<16xf32>
      %mul3A_580 = arith.mulf %gather3A_571, %get3A_579 : vector<16xf32>
      %add3A_581 = arith.addf %add3A_567, %mul3A_580 : vector<16xf32>
      %broadcast_in_dim3A_582 = arith.constant 15 : i32
      %broadcast_in_dim3A_583 = vector.broadcast %broadcast_in_dim3A_582 : i32 to vector<16x1xi32>
      %gather3A_584 = vector.shape_cast %broadcast_in_dim3A_583 : vector<16x1xi32> to vector<16xi32>
      %gather3A_585 = tpu.dynamic_gather %get3A_148[%gather3A_584] in [0] : vector<16xf32>, vector<16xi32> -> vector<16xf32>
      %mul3A_586 = arith.constant 32 : i32
      %mul3A_587 = arith.muli %scan3A_139, %mul3A_586 : i32
      %add3A_588 = arith.constant 31 : i32
      %add3A_589 = arith.addi %mul3A_587, %add3A_588 : i32
      %get3A_590 = arith.index_cast %add3A_589 : i32 to index
      %get3A_591 = arith.constant 0 : index
      %get3A_592 = tpu.vector_load %arg6[%get3A_590, %get3A_591] {strides = array<i32>} : memref<128x16xf32, #tpu.memory_space<vmem>>, vector<1x16xf32>,
      %get3A_593 = vector.shape_cast %get3A_592 : vector<1x16xf32> to vector<16xf32>
      %mul3A_594 = arith.mulf %gather3A_585, %get3A_593 : vector<16xf32>
      %add3A_595 = arith.addf %add3A_581, %mul3A_594 : vector<16xf32>
      %swap3A = arith.index_cast %add3A_141 : i32 to index
      %swap3A_596 = arith.constant 0 : index
      %swap3A_597 = tpu.vector_load %arg8[%swap3A, %swap3A_596] {strides = array<i32>} : memref<32x128xf32, #tpu.memory_space<vmem>>, vector<1x16xf32>,
      %swap3A_598 = vector.shape_cast %swap3A_597 : vector<1x16xf32> to vector<16xf32>
      %swap3A_599 = vector.shape_cast %add3A_595 : vector<16xf32> to vector<1x16xf32>
      tpu.vector_store %arg8[%swap3A, %swap3A_596], %swap3A_599 {strides = array<i32>} : memref<32x128xf32, #tpu.memory_space<vmem>>, vector<1x16xf32>,
      %swap3A_600 = arith.index_cast %add3A_141 : i32 to index
      %swap3A_601 = arith.constant 16 : index
      %swap3A_602 = tpu.vector_load %arg8[%swap3A_600, %swap3A_601] {strides = array<i32>} : memref<32x128xf32, #tpu.memory_space<vmem>>, vector<1x16xf32>,
      %swap3A_603 = vector.shape_cast %swap3A_602 : vector<1x16xf32> to vector<16xf32>
      %swap3A_604 = vector.shape_cast %broadcast_in_dim3A_8 : vector<16xf32> to vector<1x16xf32>
      tpu.vector_store %arg8[%swap3A_600, %swap3A_601], %swap3A_604 {strides = array<i32>} : memref<32x128xf32, #tpu.memory_space<vmem>>, vector<1x16xf32>,
      %swap3A_605 = arith.index_cast %add3A_141 : i32 to index
      %swap3A_606 = arith.constant 32 : index
      %swap3A_607 = tpu.vector_load %arg8[%swap3A_605, %swap3A_606] {strides = array<i32>} : memref<32x128xf32, #tpu.memory_space<vmem>>, vector<1x16xf32>,
      %swap3A_608 = vector.shape_cast %swap3A_607 : vector<1x16xf32> to vector<16xf32>
      %swap3A_609 = vector.shape_cast %broadcast_in_dim3A_8 : vector<16xf32> to vector<1x16xf32>
      tpu.vector_store %arg8[%swap3A_605, %swap3A_606], %swap3A_609 {strides = array<i32>} : memref<32x128xf32, #tpu.memory_space<vmem>>, vector<1x16xf32>,
      %swap3A_610 = arith.index_cast %add3A_141 : i32 to index
      %swap3A_611 = arith.constant 48 : index
      %swap3A_612 = tpu.vector_load %arg8[%swap3A_610, %swap3A_611] {strides = array<i32>} : memref<32x128xf32, #tpu.memory_space<vmem>>, vector<1x16xf32>,
      %swap3A_613 = vector.shape_cast %swap3A_612 : vector<1x16xf32> to vector<16xf32>
      %swap3A_614 = vector.shape_cast %broadcast_in_dim3A_8 : vector<16xf32> to vector<1x16xf32>
      tpu.vector_store %arg8[%swap3A_610, %swap3A_611], %swap3A_614 {strides = array<i32>} : memref<32x128xf32, #tpu.memory_space<vmem>>, vector<1x16xf32>,
      %swap3A_615 = arith.index_cast %add3A_141 : i32 to index
      %swap3A_616 = arith.constant 64 : index
      %swap3A_617 = tpu.vector_load %arg8[%swap3A_615, %swap3A_616] {strides = array<i32>} : memref<32x128xf32, #tpu.memory_space<vmem>>, vector<1x16xf32>,
      %swap3A_618 = vector.shape_cast %swap3A_617 : vector<1x16xf32> to vector<16xf32>
      %swap3A_619 = vector.shape_cast %broadcast_in_dim3A_8 : vector<16xf32> to vector<1x16xf32>
      tpu.vector_store %arg8[%swap3A_615, %swap3A_616], %swap3A_619 {strides = array<i32>} : memref<32x128xf32, #tpu.memory_space<vmem>>, vector<1x16xf32>,
      %swap3A_620 = arith.index_cast %add3A_141 : i32 to index
      %swap3A_621 = arith.constant 80 : index
      %swap3A_622 = tpu.vector_load %arg8[%swap3A_620, %swap3A_621] {strides = array<i32>} : memref<32x128xf32, #tpu.memory_space<vmem>>, vector<1x16xf32>,
      %swap3A_623 = vector.shape_cast %swap3A_622 : vector<1x16xf32> to vector<16xf32>
      %swap3A_624 = vector.shape_cast %broadcast_in_dim3A_8 : vector<16xf32> to vector<1x16xf32>
      tpu.vector_store %arg8[%swap3A_620, %swap3A_621], %swap3A_624 {strides = array<i32>} : memref<32x128xf32, #tpu.memory_space<vmem>>, vector<1x16xf32>,
      %swap3A_625 = arith.index_cast %add3A_141 : i32 to index
      %swap3A_626 = arith.constant 96 : index
      %swap3A_627 = tpu.vector_load %arg8[%swap3A_625, %swap3A_626] {strides = array<i32>} : memref<32x128xf32, #tpu.memory_space<vmem>>, vector<1x16xf32>,
      %swap3A_628 = vector.shape_cast %swap3A_627 : vector<1x16xf32> to vector<16xf32>
      %swap3A_629 = vector.shape_cast %broadcast_in_dim3A_8 : vector<16xf32> to vector<1x16xf32>
      tpu.vector_store %arg8[%swap3A_625, %swap3A_626], %swap3A_629 {strides = array<i32>} : memref<32x128xf32, #tpu.memory_space<vmem>>, vector<1x16xf32>,
      %swap3A_630 = arith.index_cast %add3A_141 : i32 to index
      %swap3A_631 = arith.constant 112 : index
      %swap3A_632 = tpu.vector_load %arg8[%swap3A_630, %swap3A_631] {strides = array<i32>} : memref<32x128xf32, #tpu.memory_space<vmem>>, vector<1x16xf32>,
      %swap3A_633 = vector.shape_cast %swap3A_632 : vector<1x16xf32> to vector<16xf32>
      %swap3A_634 = vector.shape_cast %broadcast_in_dim3A_8 : vector<16xf32> to vector<1x16xf32>
      tpu.vector_store %arg8[%swap3A_630, %swap3A_631], %swap3A_634 {strides = array<i32>} : memref<32x128xf32, #tpu.memory_space<vmem>>, vector<1x16xf32>,
    }
    %scan3A_57 = arith.constant 4 : i32
    %add3A_58 = arith.constant 512 : i32
    %add3A_59 = arith.addi %mul3A_4, %add3A_58 : i32
    %dma_start3A_60 = arith.constant 0 : i32
    %dma_start3A_61 = tpu.memref_slice %arg3[%add3A_59, %dma_start3A_60] : memref<32768x16xf32, #tpu.memory_space<hbm>> -> memref<128x16xf32, #tpu.memory_space<hbm>>
    %dma_start3A_62 = arith.constant 0 : i32
    %dma_start3A_63 = tpu.memref_slice %arg3[%add3A_59, %dma_start3A_62] : memref<32768x16xf32, #tpu.memory_space<hbm>> -> memref<128x16xf32, #tpu.memory_space<hbm>>
    tpu.enqueue_dma source(%dma_start3A_63 : memref<128x16xf32, #tpu.memory_space<hbm>>) target(%arg6 : memref<128x16xf32, #tpu.memory_space<vmem>>) target_semaphore(%arg9 : memref<!tpu.dma_semaphore, #tpu.memory_space<semaphore_mem>>)
    %add3A_64 = arith.constant 384 : i32
    %add3A_65 = arith.addi %mul3A_4, %add3A_64 : i32
    %dma_wait3A_66 = arith.constant 0 : i32
    %dma_wait3A_67 = tpu.memref_slice %arg3[%add3A_65, %dma_wait3A_66] : memref<32768x16xf32, #tpu.memory_space<hbm>> -> memref<128x16xf32, #tpu.memory_space<hbm>>
    %dma_wait3A_68 = arith.constant 0 : i32
    %dma_wait3A_69 = tpu.memref_slice %arg3[%add3A_65, %dma_wait3A_68] : memref<32768x16xf32, #tpu.memory_space<hbm>> -> memref<128x16xf32, #tpu.memory_space<hbm>>
    tpu.wait_dma2 semaphore(%arg10 : memref<!tpu.dma_semaphore, #tpu.memory_space<semaphore_mem>>) src(%dma_wait3A_69 : memref<128x16xf32, #tpu.memory_space<hbm>>) dst(%arg7 : memref<128x16xf32, #tpu.memory_space<vmem>>)
    %scan3A_70 = arith.constant 0 : i32
    %scan3A_71 = arith.constant 4 : i32
    %scan3A_72 = arith.addi %scan3A_70, %scan3A_71 : i32
    %scan3A_73 = arith.constant 1 : i32
    scf.for %scan3A_139 = %scan3A_70 to %scan3A_72 step %scan3A_73  : i32 {
      %add3A_140 = arith.constant 12 : i32
      %add3A_141 = arith.addi %add3A_140, %scan3A_139 : i32
      %get3A = arith.index_cast %add3A_141 : i32 to index
      %get3A_142 = arith.constant 0 : index
      %get3A_143 = tpu.vector_load %arg5[%get3A, %get3A_142] {strides = array<i32>} : memref<32x32xf32, #tpu.memory_space<vmem>>, vector<1x16xf32>,
      %get3A_144 = vector.shape_cast %get3A_143 : vector<1x16xf32> to vector<16xf32>
      %get3A_145 = arith.index_cast %add3A_141 : i32 to index
      %get3A_146 = arith.constant 16 : index
      %get3A_147 = tpu.vector_load %arg5[%get3A_145, %get3A_146] {strides = array<i32>} : memref<32x32xf32, #tpu.memory_space<vmem>>, vector<1x16xf32>,
      %get3A_148 = vector.shape_cast %get3A_147 : vector<1x16xf32> to vector<16xf32>
      %broadcast_in_dim3A_149 = arith.constant 0 : i32
      %broadcast_in_dim3A_150 = vector.broadcast %broadcast_in_dim3A_149 : i32 to vector<16x1xi32>
      %gather3A = vector.shape_cast %broadcast_in_dim3A_150 : vector<16x1xi32> to vector<16xi32>
      %gather3A_151 = tpu.dynamic_gather %get3A_144[%gather3A] in [0] : vector<16xf32>, vector<16xi32> -> vector<16xf32>
      %mul3A_152 = arith.constant 32 : i32
      %mul3A_153 = arith.muli %scan3A_139, %mul3A_152 : i32
      %add3A_154 = arith.constant 0 : i32
      %add3A_155 = arith.addi %mul3A_153, %add3A_154 : i32
      %get3A_156 = arith.index_cast %add3A_155 : i32 to index
      %get3A_157 = arith.constant 0 : index
      %get3A_158 = tpu.vector_load %arg7[%get3A_156, %get3A_157] {strides = array<i32>} : memref<128x16xf32, #tpu.memory_space<vmem>>, vector<1x16xf32>,
      %get3A_159 = vector.shape_cast %get3A_158 : vector<1x16xf32> to vector<16xf32>
      %mul3A_160 = arith.mulf %gather3A_151, %get3A_159 : vector<16xf32>
      %add3A_161 = arith.addf %broadcast_in_dim3A_8, %mul3A_160 : vector<16xf32>
      %broadcast_in_dim3A_162 = arith.constant 1 : i32
      %broadcast_in_dim3A_163 = vector.broadcast %broadcast_in_dim3A_162 : i32 to vector<16x1xi32>
      %gather3A_164 = vector.shape_cast %broadcast_in_dim3A_163 : vector<16x1xi32> to vector<16xi32>
      %gather3A_165 = tpu.dynamic_gather %get3A_144[%gather3A_164] in [0] : vector<16xf32>, vector<16xi32> -> vector<16xf32>
      %mul3A_166 = arith.constant 32 : i32
      %mul3A_167 = arith.muli %scan3A_139, %mul3A_166 : i32
      %add3A_168 = arith.constant 1 : i32
      %add3A_169 = arith.addi %mul3A_167, %add3A_168 : i32
      %get3A_170 = arith.index_cast %add3A_169 : i32 to index
      %get3A_171 = arith.constant 0 : index
      %get3A_172 = tpu.vector_load %arg7[%get3A_170, %get3A_171] {strides = array<i32>} : memref<128x16xf32, #tpu.memory_space<vmem>>, vector<1x16xf32>,
      %get3A_173 = vector.shape_cast %get3A_172 : vector<1x16xf32> to vector<16xf32>
      %mul3A_174 = arith.mulf %gather3A_165, %get3A_173 : vector<16xf32>
      %add3A_175 = arith.addf %add3A_161, %mul3A_174 : vector<16xf32>
      %broadcast_in_dim3A_176 = arith.constant 2 : i32
      %broadcast_in_dim3A_177 = vector.broadcast %broadcast_in_dim3A_176 : i32 to vector<16x1xi32>
      %gather3A_178 = vector.shape_cast %broadcast_in_dim3A_177 : vector<16x1xi32> to vector<16xi32>
      %gather3A_179 = tpu.dynamic_gather %get3A_144[%gather3A_178] in [0] : vector<16xf32>, vector<16xi32> -> vector<16xf32>
      %mul3A_180 = arith.constant 32 : i32
      %mul3A_181 = arith.muli %scan3A_139, %mul3A_180 : i32
      %add3A_182 = arith.constant 2 : i32
      %add3A_183 = arith.addi %mul3A_181, %add3A_182 : i32
      %get3A_184 = arith.index_cast %add3A_183 : i32 to index
      %get3A_185 = arith.constant 0 : index
      %get3A_186 = tpu.vector_load %arg7[%get3A_184, %get3A_185] {strides = array<i32>} : memref<128x16xf32, #tpu.memory_space<vmem>>, vector<1x16xf32>,
      %get3A_187 = vector.shape_cast %get3A_186 : vector<1x16xf32> to vector<16xf32>
      %mul3A_188 = arith.mulf %gather3A_179, %get3A_187 : vector<16xf32>
      %add3A_189 = arith.addf %add3A_175, %mul3A_188 : vector<16xf32>
      %broadcast_in_dim3A_190 = arith.constant 3 : i32
      %broadcast_in_dim3A_191 = vector.broadcast %broadcast_in_dim3A_190 : i32 to vector<16x1xi32>
      %gather3A_192 = vector.shape_cast %broadcast_in_dim3A_191 : vector<16x1xi32> to vector<16xi32>
      %gather3A_193 = tpu.dynamic_gather %get3A_144[%gather3A_192] in [0] : vector<16xf32>, vector<16xi32> -> vector<16xf32>
      %mul3A_194 = arith.constant 32 : i32
      %mul3A_195 = arith.muli %scan3A_139, %mul3A_194 : i32
      %add3A_196 = arith.constant 3 : i32
      %add3A_197 = arith.addi %mul3A_195, %add3A_196 : i32
      %get3A_198 = arith.index_cast %add3A_197 : i32 to index
      %get3A_199 = arith.constant 0 : index
      %get3A_200 = tpu.vector_load %arg7[%get3A_198, %get3A_199] {strides = array<i32>} : memref<128x16xf32, #tpu.memory_space<vmem>>, vector<1x16xf32>,
      %get3A_201 = vector.shape_cast %get3A_200 : vector<1x16xf32> to vector<16xf32>
      %mul3A_202 = arith.mulf %gather3A_193, %get3A_201 : vector<16xf32>
      %add3A_203 = arith.addf %add3A_189, %mul3A_202 : vector<16xf32>
      %broadcast_in_dim3A_204 = arith.constant 4 : i32
      %broadcast_in_dim3A_205 = vector.broadcast %broadcast_in_dim3A_204 : i32 to vector<16x1xi32>
      %gather3A_206 = vector.shape_cast %broadcast_in_dim3A_205 : vector<16x1xi32> to vector<16xi32>
      %gather3A_207 = tpu.dynamic_gather %get3A_144[%gather3A_206] in [0] : vector<16xf32>, vector<16xi32> -> vector<16xf32>
      %mul3A_208 = arith.constant 32 : i32
      %mul3A_209 = arith.muli %scan3A_139, %mul3A_208 : i32
      %add3A_210 = arith.constant 4 : i32
      %add3A_211 = arith.addi %mul3A_209, %add3A_210 : i32
      %get3A_212 = arith.index_cast %add3A_211 : i32 to index
      %get3A_213 = arith.constant 0 : index
      %get3A_214 = tpu.vector_load %arg7[%get3A_212, %get3A_213] {strides = array<i32>} : memref<128x16xf32, #tpu.memory_space<vmem>>, vector<1x16xf32>,
      %get3A_215 = vector.shape_cast %get3A_214 : vector<1x16xf32> to vector<16xf32>
      %mul3A_216 = arith.mulf %gather3A_207, %get3A_215 : vector<16xf32>
      %add3A_217 = arith.addf %add3A_203, %mul3A_216 : vector<16xf32>
      %broadcast_in_dim3A_218 = arith.constant 5 : i32
      %broadcast_in_dim3A_219 = vector.broadcast %broadcast_in_dim3A_218 : i32 to vector<16x1xi32>
      %gather3A_220 = vector.shape_cast %broadcast_in_dim3A_219 : vector<16x1xi32> to vector<16xi32>
      %gather3A_221 = tpu.dynamic_gather %get3A_144[%gather3A_220] in [0] : vector<16xf32>, vector<16xi32> -> vector<16xf32>
      %mul3A_222 = arith.constant 32 : i32
      %mul3A_223 = arith.muli %scan3A_139, %mul3A_222 : i32
      %add3A_224 = arith.constant 5 : i32
      %add3A_225 = arith.addi %mul3A_223, %add3A_224 : i32
      %get3A_226 = arith.index_cast %add3A_225 : i32 to index
      %get3A_227 = arith.constant 0 : index
      %get3A_228 = tpu.vector_load %arg7[%get3A_226, %get3A_227] {strides = array<i32>} : memref<128x16xf32, #tpu.memory_space<vmem>>, vector<1x16xf32>,
      %get3A_229 = vector.shape_cast %get3A_228 : vector<1x16xf32> to vector<16xf32>
      %mul3A_230 = arith.mulf %gather3A_221, %get3A_229 : vector<16xf32>
      %add3A_231 = arith.addf %add3A_217, %mul3A_230 : vector<16xf32>
      %broadcast_in_dim3A_232 = arith.constant 6 : i32
      %broadcast_in_dim3A_233 = vector.broadcast %broadcast_in_dim3A_232 : i32 to vector<16x1xi32>
      %gather3A_234 = vector.shape_cast %broadcast_in_dim3A_233 : vector<16x1xi32> to vector<16xi32>
      %gather3A_235 = tpu.dynamic_gather %get3A_144[%gather3A_234] in [0] : vector<16xf32>, vector<16xi32> -> vector<16xf32>
      %mul3A_236 = arith.constant 32 : i32
      %mul3A_237 = arith.muli %scan3A_139, %mul3A_236 : i32
      %add3A_238 = arith.constant 6 : i32
      %add3A_239 = arith.addi %mul3A_237, %add3A_238 : i32
      %get3A_240 = arith.index_cast %add3A_239 : i32 to index
      %get3A_241 = arith.constant 0 : index
      %get3A_242 = tpu.vector_load %arg7[%get3A_240, %get3A_241] {strides = array<i32>} : memref<128x16xf32, #tpu.memory_space<vmem>>, vector<1x16xf32>,
      %get3A_243 = vector.shape_cast %get3A_242 : vector<1x16xf32> to vector<16xf32>
      %mul3A_244 = arith.mulf %gather3A_235, %get3A_243 : vector<16xf32>
      %add3A_245 = arith.addf %add3A_231, %mul3A_244 : vector<16xf32>
      %broadcast_in_dim3A_246 = arith.constant 7 : i32
      %broadcast_in_dim3A_247 = vector.broadcast %broadcast_in_dim3A_246 : i32 to vector<16x1xi32>
      %gather3A_248 = vector.shape_cast %broadcast_in_dim3A_247 : vector<16x1xi32> to vector<16xi32>
      %gather3A_249 = tpu.dynamic_gather %get3A_144[%gather3A_248] in [0] : vector<16xf32>, vector<16xi32> -> vector<16xf32>
      %mul3A_250 = arith.constant 32 : i32
      %mul3A_251 = arith.muli %scan3A_139, %mul3A_250 : i32
      %add3A_252 = arith.constant 7 : i32
      %add3A_253 = arith.addi %mul3A_251, %add3A_252 : i32
      %get3A_254 = arith.index_cast %add3A_253 : i32 to index
      %get3A_255 = arith.constant 0 : index
      %get3A_256 = tpu.vector_load %arg7[%get3A_254, %get3A_255] {strides = array<i32>} : memref<128x16xf32, #tpu.memory_space<vmem>>, vector<1x16xf32>,
      %get3A_257 = vector.shape_cast %get3A_256 : vector<1x16xf32> to vector<16xf32>
      %mul3A_258 = arith.mulf %gather3A_249, %get3A_257 : vector<16xf32>
      %add3A_259 = arith.addf %add3A_245, %mul3A_258 : vector<16xf32>
      %broadcast_in_dim3A_260 = arith.constant 8 : i32
      %broadcast_in_dim3A_261 = vector.broadcast %broadcast_in_dim3A_260 : i32 to vector<16x1xi32>
      %gather3A_262 = vector.shape_cast %broadcast_in_dim3A_261 : vector<16x1xi32> to vector<16xi32>
      %gather3A_263 = tpu.dynamic_gather %get3A_144[%gather3A_262] in [0] : vector<16xf32>, vector<16xi32> -> vector<16xf32>
      %mul3A_264 = arith.constant 32 : i32
      %mul3A_265 = arith.muli %scan3A_139, %mul3A_264 : i32
      %add3A_266 = arith.constant 8 : i32
      %add3A_267 = arith.addi %mul3A_265, %add3A_266 : i32
      %get3A_268 = arith.index_cast %add3A_267 : i32 to index
      %get3A_269 = arith.constant 0 : index
      %get3A_270 = tpu.vector_load %arg7[%get3A_268, %get3A_269] {strides = array<i32>} : memref<128x16xf32, #tpu.memory_space<vmem>>, vector<1x16xf32>,
      %get3A_271 = vector.shape_cast %get3A_270 : vector<1x16xf32> to vector<16xf32>
      %mul3A_272 = arith.mulf %gather3A_263, %get3A_271 : vector<16xf32>
      %add3A_273 = arith.addf %add3A_259, %mul3A_272 : vector<16xf32>
      %broadcast_in_dim3A_274 = arith.constant 9 : i32
      %broadcast_in_dim3A_275 = vector.broadcast %broadcast_in_dim3A_274 : i32 to vector<16x1xi32>
      %gather3A_276 = vector.shape_cast %broadcast_in_dim3A_275 : vector<16x1xi32> to vector<16xi32>
      %gather3A_277 = tpu.dynamic_gather %get3A_144[%gather3A_276] in [0] : vector<16xf32>, vector<16xi32> -> vector<16xf32>
      %mul3A_278 = arith.constant 32 : i32
      %mul3A_279 = arith.muli %scan3A_139, %mul3A_278 : i32
      %add3A_280 = arith.constant 9 : i32
      %add3A_281 = arith.addi %mul3A_279, %add3A_280 : i32
      %get3A_282 = arith.index_cast %add3A_281 : i32 to index
      %get3A_283 = arith.constant 0 : index
      %get3A_284 = tpu.vector_load %arg7[%get3A_282, %get3A_283] {strides = array<i32>} : memref<128x16xf32, #tpu.memory_space<vmem>>, vector<1x16xf32>,
      %get3A_285 = vector.shape_cast %get3A_284 : vector<1x16xf32> to vector<16xf32>
      %mul3A_286 = arith.mulf %gather3A_277, %get3A_285 : vector<16xf32>
      %add3A_287 = arith.addf %add3A_273, %mul3A_286 : vector<16xf32>
      %broadcast_in_dim3A_288 = arith.constant 10 : i32
      %broadcast_in_dim3A_289 = vector.broadcast %broadcast_in_dim3A_288 : i32 to vector<16x1xi32>
      %gather3A_290 = vector.shape_cast %broadcast_in_dim3A_289 : vector<16x1xi32> to vector<16xi32>
      %gather3A_291 = tpu.dynamic_gather %get3A_144[%gather3A_290] in [0] : vector<16xf32>, vector<16xi32> -> vector<16xf32>
      %mul3A_292 = arith.constant 32 : i32
      %mul3A_293 = arith.muli %scan3A_139, %mul3A_292 : i32
      %add3A_294 = arith.constant 10 : i32
      %add3A_295 = arith.addi %mul3A_293, %add3A_294 : i32
      %get3A_296 = arith.index_cast %add3A_295 : i32 to index
      %get3A_297 = arith.constant 0 : index
      %get3A_298 = tpu.vector_load %arg7[%get3A_296, %get3A_297] {strides = array<i32>} : memref<128x16xf32, #tpu.memory_space<vmem>>, vector<1x16xf32>,
      %get3A_299 = vector.shape_cast %get3A_298 : vector<1x16xf32> to vector<16xf32>
      %mul3A_300 = arith.mulf %gather3A_291, %get3A_299 : vector<16xf32>
      %add3A_301 = arith.addf %add3A_287, %mul3A_300 : vector<16xf32>
      %broadcast_in_dim3A_302 = arith.constant 11 : i32
      %broadcast_in_dim3A_303 = vector.broadcast %broadcast_in_dim3A_302 : i32 to vector<16x1xi32>
      %gather3A_304 = vector.shape_cast %broadcast_in_dim3A_303 : vector<16x1xi32> to vector<16xi32>
      %gather3A_305 = tpu.dynamic_gather %get3A_144[%gather3A_304] in [0] : vector<16xf32>, vector<16xi32> -> vector<16xf32>
      %mul3A_306 = arith.constant 32 : i32
      %mul3A_307 = arith.muli %scan3A_139, %mul3A_306 : i32
      %add3A_308 = arith.constant 11 : i32
      %add3A_309 = arith.addi %mul3A_307, %add3A_308 : i32
      %get3A_310 = arith.index_cast %add3A_309 : i32 to index
      %get3A_311 = arith.constant 0 : index
      %get3A_312 = tpu.vector_load %arg7[%get3A_310, %get3A_311] {strides = array<i32>} : memref<128x16xf32, #tpu.memory_space<vmem>>, vector<1x16xf32>,
      %get3A_313 = vector.shape_cast %get3A_312 : vector<1x16xf32> to vector<16xf32>
      %mul3A_314 = arith.mulf %gather3A_305, %get3A_313 : vector<16xf32>
      %add3A_315 = arith.addf %add3A_301, %mul3A_314 : vector<16xf32>
      %broadcast_in_dim3A_316 = arith.constant 12 : i32
      %broadcast_in_dim3A_317 = vector.broadcast %broadcast_in_dim3A_316 : i32 to vector<16x1xi32>
      %gather3A_318 = vector.shape_cast %broadcast_in_dim3A_317 : vector<16x1xi32> to vector<16xi32>
      %gather3A_319 = tpu.dynamic_gather %get3A_144[%gather3A_318] in [0] : vector<16xf32>, vector<16xi32> -> vector<16xf32>
      %mul3A_320 = arith.constant 32 : i32
      %mul3A_321 = arith.muli %scan3A_139, %mul3A_320 : i32
      %add3A_322 = arith.constant 12 : i32
      %add3A_323 = arith.addi %mul3A_321, %add3A_322 : i32
      %get3A_324 = arith.index_cast %add3A_323 : i32 to index
      %get3A_325 = arith.constant 0 : index
      %get3A_326 = tpu.vector_load %arg7[%get3A_324, %get3A_325] {strides = array<i32>} : memref<128x16xf32, #tpu.memory_space<vmem>>, vector<1x16xf32>,
      %get3A_327 = vector.shape_cast %get3A_326 : vector<1x16xf32> to vector<16xf32>
      %mul3A_328 = arith.mulf %gather3A_319, %get3A_327 : vector<16xf32>
      %add3A_329 = arith.addf %add3A_315, %mul3A_328 : vector<16xf32>
      %broadcast_in_dim3A_330 = arith.constant 13 : i32
      %broadcast_in_dim3A_331 = vector.broadcast %broadcast_in_dim3A_330 : i32 to vector<16x1xi32>
      %gather3A_332 = vector.shape_cast %broadcast_in_dim3A_331 : vector<16x1xi32> to vector<16xi32>
      %gather3A_333 = tpu.dynamic_gather %get3A_144[%gather3A_332] in [0] : vector<16xf32>, vector<16xi32> -> vector<16xf32>
      %mul3A_334 = arith.constant 32 : i32
      %mul3A_335 = arith.muli %scan3A_139, %mul3A_334 : i32
      %add3A_336 = arith.constant 13 : i32
      %add3A_337 = arith.addi %mul3A_335, %add3A_336 : i32
      %get3A_338 = arith.index_cast %add3A_337 : i32 to index
      %get3A_339 = arith.constant 0 : index
      %get3A_340 = tpu.vector_load %arg7[%get3A_338, %get3A_339] {strides = array<i32>} : memref<128x16xf32, #tpu.memory_space<vmem>>, vector<1x16xf32>,
      %get3A_341 = vector.shape_cast %get3A_340 : vector<1x16xf32> to vector<16xf32>
      %mul3A_342 = arith.mulf %gather3A_333, %get3A_341 : vector<16xf32>
      %add3A_343 = arith.addf %add3A_329, %mul3A_342 : vector<16xf32>
      %broadcast_in_dim3A_344 = arith.constant 14 : i32
      %broadcast_in_dim3A_345 = vector.broadcast %broadcast_in_dim3A_344 : i32 to vector<16x1xi32>
      %gather3A_346 = vector.shape_cast %broadcast_in_dim3A_345 : vector<16x1xi32> to vector<16xi32>
      %gather3A_347 = tpu.dynamic_gather %get3A_144[%gather3A_346] in [0] : vector<16xf32>, vector<16xi32> -> vector<16xf32>
      %mul3A_348 = arith.constant 32 : i32
      %mul3A_349 = arith.muli %scan3A_139, %mul3A_348 : i32
      %add3A_350 = arith.constant 14 : i32
      %add3A_351 = arith.addi %mul3A_349, %add3A_350 : i32
      %get3A_352 = arith.index_cast %add3A_351 : i32 to index
      %get3A_353 = arith.constant 0 : index
      %get3A_354 = tpu.vector_load %arg7[%get3A_352, %get3A_353] {strides = array<i32>} : memref<128x16xf32, #tpu.memory_space<vmem>>, vector<1x16xf32>,
      %get3A_355 = vector.shape_cast %get3A_354 : vector<1x16xf32> to vector<16xf32>
      %mul3A_356 = arith.mulf %gather3A_347, %get3A_355 : vector<16xf32>
      %add3A_357 = arith.addf %add3A_343, %mul3A_356 : vector<16xf32>
      %broadcast_in_dim3A_358 = arith.constant 15 : i32
      %broadcast_in_dim3A_359 = vector.broadcast %broadcast_in_dim3A_358 : i32 to vector<16x1xi32>
      %gather3A_360 = vector.shape_cast %broadcast_in_dim3A_359 : vector<16x1xi32> to vector<16xi32>
      %gather3A_361 = tpu.dynamic_gather %get3A_144[%gather3A_360] in [0] : vector<16xf32>, vector<16xi32> -> vector<16xf32>
      %mul3A_362 = arith.constant 32 : i32
      %mul3A_363 = arith.muli %scan3A_139, %mul3A_362 : i32
      %add3A_364 = arith.constant 15 : i32
      %add3A_365 = arith.addi %mul3A_363, %add3A_364 : i32
      %get3A_366 = arith.index_cast %add3A_365 : i32 to index
      %get3A_367 = arith.constant 0 : index
      %get3A_368 = tpu.vector_load %arg7[%get3A_366, %get3A_367] {strides = array<i32>} : memref<128x16xf32, #tpu.memory_space<vmem>>, vector<1x16xf32>,
      %get3A_369 = vector.shape_cast %get3A_368 : vector<1x16xf32> to vector<16xf32>
      %mul3A_370 = arith.mulf %gather3A_361, %get3A_369 : vector<16xf32>
      %add3A_371 = arith.addf %add3A_357, %mul3A_370 : vector<16xf32>
      %broadcast_in_dim3A_372 = arith.constant 0 : i32
      %broadcast_in_dim3A_373 = vector.broadcast %broadcast_in_dim3A_372 : i32 to vector<16x1xi32>
      %gather3A_374 = vector.shape_cast %broadcast_in_dim3A_373 : vector<16x1xi32> to vector<16xi32>
      %gather3A_375 = tpu.dynamic_gather %get3A_148[%gather3A_374] in [0] : vector<16xf32>, vector<16xi32> -> vector<16xf32>
      %mul3A_376 = arith.constant 32 : i32
      %mul3A_377 = arith.muli %scan3A_139, %mul3A_376 : i32
      %add3A_378 = arith.constant 16 : i32
      %add3A_379 = arith.addi %mul3A_377, %add3A_378 : i32
      %get3A_380 = arith.index_cast %add3A_379 : i32 to index
      %get3A_381 = arith.constant 0 : index
      %get3A_382 = tpu.vector_load %arg7[%get3A_380, %get3A_381] {strides = array<i32>} : memref<128x16xf32, #tpu.memory_space<vmem>>, vector<1x16xf32>,
      %get3A_383 = vector.shape_cast %get3A_382 : vector<1x16xf32> to vector<16xf32>
      %mul3A_384 = arith.mulf %gather3A_375, %get3A_383 : vector<16xf32>
      %add3A_385 = arith.addf %add3A_371, %mul3A_384 : vector<16xf32>
      %broadcast_in_dim3A_386 = arith.constant 1 : i32
      %broadcast_in_dim3A_387 = vector.broadcast %broadcast_in_dim3A_386 : i32 to vector<16x1xi32>
      %gather3A_388 = vector.shape_cast %broadcast_in_dim3A_387 : vector<16x1xi32> to vector<16xi32>
      %gather3A_389 = tpu.dynamic_gather %get3A_148[%gather3A_388] in [0] : vector<16xf32>, vector<16xi32> -> vector<16xf32>
      %mul3A_390 = arith.constant 32 : i32
      %mul3A_391 = arith.muli %scan3A_139, %mul3A_390 : i32
      %add3A_392 = arith.constant 17 : i32
      %add3A_393 = arith.addi %mul3A_391, %add3A_392 : i32
      %get3A_394 = arith.index_cast %add3A_393 : i32 to index
      %get3A_395 = arith.constant 0 : index
      %get3A_396 = tpu.vector_load %arg7[%get3A_394, %get3A_395] {strides = array<i32>} : memref<128x16xf32, #tpu.memory_space<vmem>>, vector<1x16xf32>,
      %get3A_397 = vector.shape_cast %get3A_396 : vector<1x16xf32> to vector<16xf32>
      %mul3A_398 = arith.mulf %gather3A_389, %get3A_397 : vector<16xf32>
      %add3A_399 = arith.addf %add3A_385, %mul3A_398 : vector<16xf32>
      %broadcast_in_dim3A_400 = arith.constant 2 : i32
      %broadcast_in_dim3A_401 = vector.broadcast %broadcast_in_dim3A_400 : i32 to vector<16x1xi32>
      %gather3A_402 = vector.shape_cast %broadcast_in_dim3A_401 : vector<16x1xi32> to vector<16xi32>
      %gather3A_403 = tpu.dynamic_gather %get3A_148[%gather3A_402] in [0] : vector<16xf32>, vector<16xi32> -> vector<16xf32>
      %mul3A_404 = arith.constant 32 : i32
      %mul3A_405 = arith.muli %scan3A_139, %mul3A_404 : i32
      %add3A_406 = arith.constant 18 : i32
      %add3A_407 = arith.addi %mul3A_405, %add3A_406 : i32
      %get3A_408 = arith.index_cast %add3A_407 : i32 to index
      %get3A_409 = arith.constant 0 : index
      %get3A_410 = tpu.vector_load %arg7[%get3A_408, %get3A_409] {strides = array<i32>} : memref<128x16xf32, #tpu.memory_space<vmem>>, vector<1x16xf32>,
      %get3A_411 = vector.shape_cast %get3A_410 : vector<1x16xf32> to vector<16xf32>
      %mul3A_412 = arith.mulf %gather3A_403, %get3A_411 : vector<16xf32>
      %add3A_413 = arith.addf %add3A_399, %mul3A_412 : vector<16xf32>
      %broadcast_in_dim3A_414 = arith.constant 3 : i32
      %broadcast_in_dim3A_415 = vector.broadcast %broadcast_in_dim3A_414 : i32 to vector<16x1xi32>
      %gather3A_416 = vector.shape_cast %broadcast_in_dim3A_415 : vector<16x1xi32> to vector<16xi32>
      %gather3A_417 = tpu.dynamic_gather %get3A_148[%gather3A_416] in [0] : vector<16xf32>, vector<16xi32> -> vector<16xf32>
      %mul3A_418 = arith.constant 32 : i32
      %mul3A_419 = arith.muli %scan3A_139, %mul3A_418 : i32
      %add3A_420 = arith.constant 19 : i32
      %add3A_421 = arith.addi %mul3A_419, %add3A_420 : i32
      %get3A_422 = arith.index_cast %add3A_421 : i32 to index
      %get3A_423 = arith.constant 0 : index
      %get3A_424 = tpu.vector_load %arg7[%get3A_422, %get3A_423] {strides = array<i32>} : memref<128x16xf32, #tpu.memory_space<vmem>>, vector<1x16xf32>,
      %get3A_425 = vector.shape_cast %get3A_424 : vector<1x16xf32> to vector<16xf32>
      %mul3A_426 = arith.mulf %gather3A_417, %get3A_425 : vector<16xf32>
      %add3A_427 = arith.addf %add3A_413, %mul3A_426 : vector<16xf32>
      %broadcast_in_dim3A_428 = arith.constant 4 : i32
      %broadcast_in_dim3A_429 = vector.broadcast %broadcast_in_dim3A_428 : i32 to vector<16x1xi32>
      %gather3A_430 = vector.shape_cast %broadcast_in_dim3A_429 : vector<16x1xi32> to vector<16xi32>
      %gather3A_431 = tpu.dynamic_gather %get3A_148[%gather3A_430] in [0] : vector<16xf32>, vector<16xi32> -> vector<16xf32>
      %mul3A_432 = arith.constant 32 : i32
      %mul3A_433 = arith.muli %scan3A_139, %mul3A_432 : i32
      %add3A_434 = arith.constant 20 : i32
      %add3A_435 = arith.addi %mul3A_433, %add3A_434 : i32
      %get3A_436 = arith.index_cast %add3A_435 : i32 to index
      %get3A_437 = arith.constant 0 : index
      %get3A_438 = tpu.vector_load %arg7[%get3A_436, %get3A_437] {strides = array<i32>} : memref<128x16xf32, #tpu.memory_space<vmem>>, vector<1x16xf32>,
      %get3A_439 = vector.shape_cast %get3A_438 : vector<1x16xf32> to vector<16xf32>
      %mul3A_440 = arith.mulf %gather3A_431, %get3A_439 : vector<16xf32>
      %add3A_441 = arith.addf %add3A_427, %mul3A_440 : vector<16xf32>
      %broadcast_in_dim3A_442 = arith.constant 5 : i32
      %broadcast_in_dim3A_443 = vector.broadcast %broadcast_in_dim3A_442 : i32 to vector<16x1xi32>
      %gather3A_444 = vector.shape_cast %broadcast_in_dim3A_443 : vector<16x1xi32> to vector<16xi32>
      %gather3A_445 = tpu.dynamic_gather %get3A_148[%gather3A_444] in [0] : vector<16xf32>, vector<16xi32> -> vector<16xf32>
      %mul3A_446 = arith.constant 32 : i32
      %mul3A_447 = arith.muli %scan3A_139, %mul3A_446 : i32
      %add3A_448 = arith.constant 21 : i32
      %add3A_449 = arith.addi %mul3A_447, %add3A_448 : i32
      %get3A_450 = arith.index_cast %add3A_449 : i32 to index
      %get3A_451 = arith.constant 0 : index
      %get3A_452 = tpu.vector_load %arg7[%get3A_450, %get3A_451] {strides = array<i32>} : memref<128x16xf32, #tpu.memory_space<vmem>>, vector<1x16xf32>,
      %get3A_453 = vector.shape_cast %get3A_452 : vector<1x16xf32> to vector<16xf32>
      %mul3A_454 = arith.mulf %gather3A_445, %get3A_453 : vector<16xf32>
      %add3A_455 = arith.addf %add3A_441, %mul3A_454 : vector<16xf32>
      %broadcast_in_dim3A_456 = arith.constant 6 : i32
      %broadcast_in_dim3A_457 = vector.broadcast %broadcast_in_dim3A_456 : i32 to vector<16x1xi32>
      %gather3A_458 = vector.shape_cast %broadcast_in_dim3A_457 : vector<16x1xi32> to vector<16xi32>
      %gather3A_459 = tpu.dynamic_gather %get3A_148[%gather3A_458] in [0] : vector<16xf32>, vector<16xi32> -> vector<16xf32>
      %mul3A_460 = arith.constant 32 : i32
      %mul3A_461 = arith.muli %scan3A_139, %mul3A_460 : i32
      %add3A_462 = arith.constant 22 : i32
      %add3A_463 = arith.addi %mul3A_461, %add3A_462 : i32
      %get3A_464 = arith.index_cast %add3A_463 : i32 to index
      %get3A_465 = arith.constant 0 : index
      %get3A_466 = tpu.vector_load %arg7[%get3A_464, %get3A_465] {strides = array<i32>} : memref<128x16xf32, #tpu.memory_space<vmem>>, vector<1x16xf32>,
      %get3A_467 = vector.shape_cast %get3A_466 : vector<1x16xf32> to vector<16xf32>
      %mul3A_468 = arith.mulf %gather3A_459, %get3A_467 : vector<16xf32>
      %add3A_469 = arith.addf %add3A_455, %mul3A_468 : vector<16xf32>
      %broadcast_in_dim3A_470 = arith.constant 7 : i32
      %broadcast_in_dim3A_471 = vector.broadcast %broadcast_in_dim3A_470 : i32 to vector<16x1xi32>
      %gather3A_472 = vector.shape_cast %broadcast_in_dim3A_471 : vector<16x1xi32> to vector<16xi32>
      %gather3A_473 = tpu.dynamic_gather %get3A_148[%gather3A_472] in [0] : vector<16xf32>, vector<16xi32> -> vector<16xf32>
      %mul3A_474 = arith.constant 32 : i32
      %mul3A_475 = arith.muli %scan3A_139, %mul3A_474 : i32
      %add3A_476 = arith.constant 23 : i32
      %add3A_477 = arith.addi %mul3A_475, %add3A_476 : i32
      %get3A_478 = arith.index_cast %add3A_477 : i32 to index
      %get3A_479 = arith.constant 0 : index
      %get3A_480 = tpu.vector_load %arg7[%get3A_478, %get3A_479] {strides = array<i32>} : memref<128x16xf32, #tpu.memory_space<vmem>>, vector<1x16xf32>,
      %get3A_481 = vector.shape_cast %get3A_480 : vector<1x16xf32> to vector<16xf32>
      %mul3A_482 = arith.mulf %gather3A_473, %get3A_481 : vector<16xf32>
      %add3A_483 = arith.addf %add3A_469, %mul3A_482 : vector<16xf32>
      %broadcast_in_dim3A_484 = arith.constant 8 : i32
      %broadcast_in_dim3A_485 = vector.broadcast %broadcast_in_dim3A_484 : i32 to vector<16x1xi32>
      %gather3A_486 = vector.shape_cast %broadcast_in_dim3A_485 : vector<16x1xi32> to vector<16xi32>
      %gather3A_487 = tpu.dynamic_gather %get3A_148[%gather3A_486] in [0] : vector<16xf32>, vector<16xi32> -> vector<16xf32>
      %mul3A_488 = arith.constant 32 : i32
      %mul3A_489 = arith.muli %scan3A_139, %mul3A_488 : i32
      %add3A_490 = arith.constant 24 : i32
      %add3A_491 = arith.addi %mul3A_489, %add3A_490 : i32
      %get3A_492 = arith.index_cast %add3A_491 : i32 to index
      %get3A_493 = arith.constant 0 : index
      %get3A_494 = tpu.vector_load %arg7[%get3A_492, %get3A_493] {strides = array<i32>} : memref<128x16xf32, #tpu.memory_space<vmem>>, vector<1x16xf32>,
      %get3A_495 = vector.shape_cast %get3A_494 : vector<1x16xf32> to vector<16xf32>
      %mul3A_496 = arith.mulf %gather3A_487, %get3A_495 : vector<16xf32>
      %add3A_497 = arith.addf %add3A_483, %mul3A_496 : vector<16xf32>
      %broadcast_in_dim3A_498 = arith.constant 9 : i32
      %broadcast_in_dim3A_499 = vector.broadcast %broadcast_in_dim3A_498 : i32 to vector<16x1xi32>
      %gather3A_500 = vector.shape_cast %broadcast_in_dim3A_499 : vector<16x1xi32> to vector<16xi32>
      %gather3A_501 = tpu.dynamic_gather %get3A_148[%gather3A_500] in [0] : vector<16xf32>, vector<16xi32> -> vector<16xf32>
      %mul3A_502 = arith.constant 32 : i32
      %mul3A_503 = arith.muli %scan3A_139, %mul3A_502 : i32
      %add3A_504 = arith.constant 25 : i32
      %add3A_505 = arith.addi %mul3A_503, %add3A_504 : i32
      %get3A_506 = arith.index_cast %add3A_505 : i32 to index
      %get3A_507 = arith.constant 0 : index
      %get3A_508 = tpu.vector_load %arg7[%get3A_506, %get3A_507] {strides = array<i32>} : memref<128x16xf32, #tpu.memory_space<vmem>>, vector<1x16xf32>,
      %get3A_509 = vector.shape_cast %get3A_508 : vector<1x16xf32> to vector<16xf32>
      %mul3A_510 = arith.mulf %gather3A_501, %get3A_509 : vector<16xf32>
      %add3A_511 = arith.addf %add3A_497, %mul3A_510 : vector<16xf32>
      %broadcast_in_dim3A_512 = arith.constant 10 : i32
      %broadcast_in_dim3A_513 = vector.broadcast %broadcast_in_dim3A_512 : i32 to vector<16x1xi32>
      %gather3A_514 = vector.shape_cast %broadcast_in_dim3A_513 : vector<16x1xi32> to vector<16xi32>
      %gather3A_515 = tpu.dynamic_gather %get3A_148[%gather3A_514] in [0] : vector<16xf32>, vector<16xi32> -> vector<16xf32>
      %mul3A_516 = arith.constant 32 : i32
      %mul3A_517 = arith.muli %scan3A_139, %mul3A_516 : i32
      %add3A_518 = arith.constant 26 : i32
      %add3A_519 = arith.addi %mul3A_517, %add3A_518 : i32
      %get3A_520 = arith.index_cast %add3A_519 : i32 to index
      %get3A_521 = arith.constant 0 : index
      %get3A_522 = tpu.vector_load %arg7[%get3A_520, %get3A_521] {strides = array<i32>} : memref<128x16xf32, #tpu.memory_space<vmem>>, vector<1x16xf32>,
      %get3A_523 = vector.shape_cast %get3A_522 : vector<1x16xf32> to vector<16xf32>
      %mul3A_524 = arith.mulf %gather3A_515, %get3A_523 : vector<16xf32>
      %add3A_525 = arith.addf %add3A_511, %mul3A_524 : vector<16xf32>
      %broadcast_in_dim3A_526 = arith.constant 11 : i32
      %broadcast_in_dim3A_527 = vector.broadcast %broadcast_in_dim3A_526 : i32 to vector<16x1xi32>
      %gather3A_528 = vector.shape_cast %broadcast_in_dim3A_527 : vector<16x1xi32> to vector<16xi32>
      %gather3A_529 = tpu.dynamic_gather %get3A_148[%gather3A_528] in [0] : vector<16xf32>, vector<16xi32> -> vector<16xf32>
      %mul3A_530 = arith.constant 32 : i32
      %mul3A_531 = arith.muli %scan3A_139, %mul3A_530 : i32
      %add3A_532 = arith.constant 27 : i32
      %add3A_533 = arith.addi %mul3A_531, %add3A_532 : i32
      %get3A_534 = arith.index_cast %add3A_533 : i32 to index
      %get3A_535 = arith.constant 0 : index
      %get3A_536 = tpu.vector_load %arg7[%get3A_534, %get3A_535] {strides = array<i32>} : memref<128x16xf32, #tpu.memory_space<vmem>>, vector<1x16xf32>,
      %get3A_537 = vector.shape_cast %get3A_536 : vector<1x16xf32> to vector<16xf32>
      %mul3A_538 = arith.mulf %gather3A_529, %get3A_537 : vector<16xf32>
      %add3A_539 = arith.addf %add3A_525, %mul3A_538 : vector<16xf32>
      %broadcast_in_dim3A_540 = arith.constant 12 : i32
      %broadcast_in_dim3A_541 = vector.broadcast %broadcast_in_dim3A_540 : i32 to vector<16x1xi32>
      %gather3A_542 = vector.shape_cast %broadcast_in_dim3A_541 : vector<16x1xi32> to vector<16xi32>
      %gather3A_543 = tpu.dynamic_gather %get3A_148[%gather3A_542] in [0] : vector<16xf32>, vector<16xi32> -> vector<16xf32>
      %mul3A_544 = arith.constant 32 : i32
      %mul3A_545 = arith.muli %scan3A_139, %mul3A_544 : i32
      %add3A_546 = arith.constant 28 : i32
      %add3A_547 = arith.addi %mul3A_545, %add3A_546 : i32
      %get3A_548 = arith.index_cast %add3A_547 : i32 to index
      %get3A_549 = arith.constant 0 : index
      %get3A_550 = tpu.vector_load %arg7[%get3A_548, %get3A_549] {strides = array<i32>} : memref<128x16xf32, #tpu.memory_space<vmem>>, vector<1x16xf32>,
      %get3A_551 = vector.shape_cast %get3A_550 : vector<1x16xf32> to vector<16xf32>
      %mul3A_552 = arith.mulf %gather3A_543, %get3A_551 : vector<16xf32>
      %add3A_553 = arith.addf %add3A_539, %mul3A_552 : vector<16xf32>
      %broadcast_in_dim3A_554 = arith.constant 13 : i32
      %broadcast_in_dim3A_555 = vector.broadcast %broadcast_in_dim3A_554 : i32 to vector<16x1xi32>
      %gather3A_556 = vector.shape_cast %broadcast_in_dim3A_555 : vector<16x1xi32> to vector<16xi32>
      %gather3A_557 = tpu.dynamic_gather %get3A_148[%gather3A_556] in [0] : vector<16xf32>, vector<16xi32> -> vector<16xf32>
      %mul3A_558 = arith.constant 32 : i32
      %mul3A_559 = arith.muli %scan3A_139, %mul3A_558 : i32
      %add3A_560 = arith.constant 29 : i32
      %add3A_561 = arith.addi %mul3A_559, %add3A_560 : i32
      %get3A_562 = arith.index_cast %add3A_561 : i32 to index
      %get3A_563 = arith.constant 0 : index
      %get3A_564 = tpu.vector_load %arg7[%get3A_562, %get3A_563] {strides = array<i32>} : memref<128x16xf32, #tpu.memory_space<vmem>>, vector<1x16xf32>,
      %get3A_565 = vector.shape_cast %get3A_564 : vector<1x16xf32> to vector<16xf32>
      %mul3A_566 = arith.mulf %gather3A_557, %get3A_565 : vector<16xf32>
      %add3A_567 = arith.addf %add3A_553, %mul3A_566 : vector<16xf32>
      %broadcast_in_dim3A_568 = arith.constant 14 : i32
      %broadcast_in_dim3A_569 = vector.broadcast %broadcast_in_dim3A_568 : i32 to vector<16x1xi32>
      %gather3A_570 = vector.shape_cast %broadcast_in_dim3A_569 : vector<16x1xi32> to vector<16xi32>
      %gather3A_571 = tpu.dynamic_gather %get3A_148[%gather3A_570] in [0] : vector<16xf32>, vector<16xi32> -> vector<16xf32>
      %mul3A_572 = arith.constant 32 : i32
      %mul3A_573 = arith.muli %scan3A_139, %mul3A_572 : i32
      %add3A_574 = arith.constant 30 : i32
      %add3A_575 = arith.addi %mul3A_573, %add3A_574 : i32
      %get3A_576 = arith.index_cast %add3A_575 : i32 to index
      %get3A_577 = arith.constant 0 : index
      %get3A_578 = tpu.vector_load %arg7[%get3A_576, %get3A_577] {strides = array<i32>} : memref<128x16xf32, #tpu.memory_space<vmem>>, vector<1x16xf32>,
      %get3A_579 = vector.shape_cast %get3A_578 : vector<1x16xf32> to vector<16xf32>
      %mul3A_580 = arith.mulf %gather3A_571, %get3A_579 : vector<16xf32>
      %add3A_581 = arith.addf %add3A_567, %mul3A_580 : vector<16xf32>
      %broadcast_in_dim3A_582 = arith.constant 15 : i32
      %broadcast_in_dim3A_583 = vector.broadcast %broadcast_in_dim3A_582 : i32 to vector<16x1xi32>
      %gather3A_584 = vector.shape_cast %broadcast_in_dim3A_583 : vector<16x1xi32> to vector<16xi32>
      %gather3A_585 = tpu.dynamic_gather %get3A_148[%gather3A_584] in [0] : vector<16xf32>, vector<16xi32> -> vector<16xf32>
      %mul3A_586 = arith.constant 32 : i32
      %mul3A_587 = arith.muli %scan3A_139, %mul3A_586 : i32
      %add3A_588 = arith.constant 31 : i32
      %add3A_589 = arith.addi %mul3A_587, %add3A_588 : i32
      %get3A_590 = arith.index_cast %add3A_589 : i32 to index
      %get3A_591 = arith.constant 0 : index
      %get3A_592 = tpu.vector_load %arg7[%get3A_590, %get3A_591] {strides = array<i32>} : memref<128x16xf32, #tpu.memory_space<vmem>>, vector<1x16xf32>,
      %get3A_593 = vector.shape_cast %get3A_592 : vector<1x16xf32> to vector<16xf32>
      %mul3A_594 = arith.mulf %gather3A_585, %get3A_593 : vector<16xf32>
      %add3A_595 = arith.addf %add3A_581, %mul3A_594 : vector<16xf32>
      %swap3A = arith.index_cast %add3A_141 : i32 to index
      %swap3A_596 = arith.constant 0 : index
      %swap3A_597 = tpu.vector_load %arg8[%swap3A, %swap3A_596] {strides = array<i32>} : memref<32x128xf32, #tpu.memory_space<vmem>>, vector<1x16xf32>,
      %swap3A_598 = vector.shape_cast %swap3A_597 : vector<1x16xf32> to vector<16xf32>
      %swap3A_599 = vector.shape_cast %add3A_595 : vector<16xf32> to vector<1x16xf32>
      tpu.vector_store %arg8[%swap3A, %swap3A_596], %swap3A_599 {strides = array<i32>} : memref<32x128xf32, #tpu.memory_space<vmem>>, vector<1x16xf32>,
      %swap3A_600 = arith.index_cast %add3A_141 : i32 to index
      %swap3A_601 = arith.constant 16 : index
      %swap3A_602 = tpu.vector_load %arg8[%swap3A_600, %swap3A_601] {strides = array<i32>} : memref<32x128xf32, #tpu.memory_space<vmem>>, vector<1x16xf32>,
      %swap3A_603 = vector.shape_cast %swap3A_602 : vector<1x16xf32> to vector<16xf32>
      %swap3A_604 = vector.shape_cast %broadcast_in_dim3A_8 : vector<16xf32> to vector<1x16xf32>
      tpu.vector_store %arg8[%swap3A_600, %swap3A_601], %swap3A_604 {strides = array<i32>} : memref<32x128xf32, #tpu.memory_space<vmem>>, vector<1x16xf32>,
      %swap3A_605 = arith.index_cast %add3A_141 : i32 to index
      %swap3A_606 = arith.constant 32 : index
      %swap3A_607 = tpu.vector_load %arg8[%swap3A_605, %swap3A_606] {strides = array<i32>} : memref<32x128xf32, #tpu.memory_space<vmem>>, vector<1x16xf32>,
      %swap3A_608 = vector.shape_cast %swap3A_607 : vector<1x16xf32> to vector<16xf32>
      %swap3A_609 = vector.shape_cast %broadcast_in_dim3A_8 : vector<16xf32> to vector<1x16xf32>
      tpu.vector_store %arg8[%swap3A_605, %swap3A_606], %swap3A_609 {strides = array<i32>} : memref<32x128xf32, #tpu.memory_space<vmem>>, vector<1x16xf32>,
      %swap3A_610 = arith.index_cast %add3A_141 : i32 to index
      %swap3A_611 = arith.constant 48 : index
      %swap3A_612 = tpu.vector_load %arg8[%swap3A_610, %swap3A_611] {strides = array<i32>} : memref<32x128xf32, #tpu.memory_space<vmem>>, vector<1x16xf32>,
      %swap3A_613 = vector.shape_cast %swap3A_612 : vector<1x16xf32> to vector<16xf32>
      %swap3A_614 = vector.shape_cast %broadcast_in_dim3A_8 : vector<16xf32> to vector<1x16xf32>
      tpu.vector_store %arg8[%swap3A_610, %swap3A_611], %swap3A_614 {strides = array<i32>} : memref<32x128xf32, #tpu.memory_space<vmem>>, vector<1x16xf32>,
      %swap3A_615 = arith.index_cast %add3A_141 : i32 to index
      %swap3A_616 = arith.constant 64 : index
      %swap3A_617 = tpu.vector_load %arg8[%swap3A_615, %swap3A_616] {strides = array<i32>} : memref<32x128xf32, #tpu.memory_space<vmem>>, vector<1x16xf32>,
      %swap3A_618 = vector.shape_cast %swap3A_617 : vector<1x16xf32> to vector<16xf32>
      %swap3A_619 = vector.shape_cast %broadcast_in_dim3A_8 : vector<16xf32> to vector<1x16xf32>
      tpu.vector_store %arg8[%swap3A_615, %swap3A_616], %swap3A_619 {strides = array<i32>} : memref<32x128xf32, #tpu.memory_space<vmem>>, vector<1x16xf32>,
      %swap3A_620 = arith.index_cast %add3A_141 : i32 to index
      %swap3A_621 = arith.constant 80 : index
      %swap3A_622 = tpu.vector_load %arg8[%swap3A_620, %swap3A_621] {strides = array<i32>} : memref<32x128xf32, #tpu.memory_space<vmem>>, vector<1x16xf32>,
      %swap3A_623 = vector.shape_cast %swap3A_622 : vector<1x16xf32> to vector<16xf32>
      %swap3A_624 = vector.shape_cast %broadcast_in_dim3A_8 : vector<16xf32> to vector<1x16xf32>
      tpu.vector_store %arg8[%swap3A_620, %swap3A_621], %swap3A_624 {strides = array<i32>} : memref<32x128xf32, #tpu.memory_space<vmem>>, vector<1x16xf32>,
      %swap3A_625 = arith.index_cast %add3A_141 : i32 to index
      %swap3A_626 = arith.constant 96 : index
      %swap3A_627 = tpu.vector_load %arg8[%swap3A_625, %swap3A_626] {strides = array<i32>} : memref<32x128xf32, #tpu.memory_space<vmem>>, vector<1x16xf32>,
      %swap3A_628 = vector.shape_cast %swap3A_627 : vector<1x16xf32> to vector<16xf32>
      %swap3A_629 = vector.shape_cast %broadcast_in_dim3A_8 : vector<16xf32> to vector<1x16xf32>
      tpu.vector_store %arg8[%swap3A_625, %swap3A_626], %swap3A_629 {strides = array<i32>} : memref<32x128xf32, #tpu.memory_space<vmem>>, vector<1x16xf32>,
      %swap3A_630 = arith.index_cast %add3A_141 : i32 to index
      %swap3A_631 = arith.constant 112 : index
      %swap3A_632 = tpu.vector_load %arg8[%swap3A_630, %swap3A_631] {strides = array<i32>} : memref<32x128xf32, #tpu.memory_space<vmem>>, vector<1x16xf32>,
      %swap3A_633 = vector.shape_cast %swap3A_632 : vector<1x16xf32> to vector<16xf32>
      %swap3A_634 = vector.shape_cast %broadcast_in_dim3A_8 : vector<16xf32> to vector<1x16xf32>
      tpu.vector_store %arg8[%swap3A_630, %swap3A_631], %swap3A_634 {strides = array<i32>} : memref<32x128xf32, #tpu.memory_space<vmem>>, vector<1x16xf32>,
    }
    %scan3A_74 = arith.constant 4 : i32
    %add3A_75 = arith.constant 640 : i32
    %add3A_76 = arith.addi %mul3A_4, %add3A_75 : i32
    %dma_start3A_77 = arith.constant 0 : i32
    %dma_start3A_78 = tpu.memref_slice %arg3[%add3A_76, %dma_start3A_77] : memref<32768x16xf32, #tpu.memory_space<hbm>> -> memref<128x16xf32, #tpu.memory_space<hbm>>
    %dma_start3A_79 = arith.constant 0 : i32
    %dma_start3A_80 = tpu.memref_slice %arg3[%add3A_76, %dma_start3A_79] : memref<32768x16xf32, #tpu.memory_space<hbm>> -> memref<128x16xf32, #tpu.memory_space<hbm>>
    tpu.enqueue_dma source(%dma_start3A_80 : memref<128x16xf32, #tpu.memory_space<hbm>>) target(%arg7 : memref<128x16xf32, #tpu.memory_space<vmem>>) target_semaphore(%arg10 : memref<!tpu.dma_semaphore, #tpu.memory_space<semaphore_mem>>)
    %add3A_81 = arith.constant 512 : i32
    %add3A_82 = arith.addi %mul3A_4, %add3A_81 : i32
    %dma_wait3A_83 = arith.constant 0 : i32
    %dma_wait3A_84 = tpu.memref_slice %arg3[%add3A_82, %dma_wait3A_83] : memref<32768x16xf32, #tpu.memory_space<hbm>> -> memref<128x16xf32, #tpu.memory_space<hbm>>
    %dma_wait3A_85 = arith.constant 0 : i32
    %dma_wait3A_86 = tpu.memref_slice %arg3[%add3A_82, %dma_wait3A_85] : memref<32768x16xf32, #tpu.memory_space<hbm>> -> memref<128x16xf32, #tpu.memory_space<hbm>>
    tpu.wait_dma2 semaphore(%arg9 : memref<!tpu.dma_semaphore, #tpu.memory_space<semaphore_mem>>) src(%dma_wait3A_86 : memref<128x16xf32, #tpu.memory_space<hbm>>) dst(%arg6 : memref<128x16xf32, #tpu.memory_space<vmem>>)
    %scan3A_87 = arith.constant 0 : i32
    %scan3A_88 = arith.constant 4 : i32
    %scan3A_89 = arith.addi %scan3A_87, %scan3A_88 : i32
    %scan3A_90 = arith.constant 1 : i32
    scf.for %scan3A_139 = %scan3A_87 to %scan3A_89 step %scan3A_90  : i32 {
      %add3A_140 = arith.constant 16 : i32
      %add3A_141 = arith.addi %add3A_140, %scan3A_139 : i32
      %get3A = arith.index_cast %add3A_141 : i32 to index
      %get3A_142 = arith.constant 0 : index
      %get3A_143 = tpu.vector_load %arg5[%get3A, %get3A_142] {strides = array<i32>} : memref<32x32xf32, #tpu.memory_space<vmem>>, vector<1x16xf32>,
      %get3A_144 = vector.shape_cast %get3A_143 : vector<1x16xf32> to vector<16xf32>
      %get3A_145 = arith.index_cast %add3A_141 : i32 to index
      %get3A_146 = arith.constant 16 : index
      %get3A_147 = tpu.vector_load %arg5[%get3A_145, %get3A_146] {strides = array<i32>} : memref<32x32xf32, #tpu.memory_space<vmem>>, vector<1x16xf32>,
      %get3A_148 = vector.shape_cast %get3A_147 : vector<1x16xf32> to vector<16xf32>
      %broadcast_in_dim3A_149 = arith.constant 0 : i32
      %broadcast_in_dim3A_150 = vector.broadcast %broadcast_in_dim3A_149 : i32 to vector<16x1xi32>
      %gather3A = vector.shape_cast %broadcast_in_dim3A_150 : vector<16x1xi32> to vector<16xi32>
      %gather3A_151 = tpu.dynamic_gather %get3A_144[%gather3A] in [0] : vector<16xf32>, vector<16xi32> -> vector<16xf32>
      %mul3A_152 = arith.constant 32 : i32
      %mul3A_153 = arith.muli %scan3A_139, %mul3A_152 : i32
      %add3A_154 = arith.constant 0 : i32
      %add3A_155 = arith.addi %mul3A_153, %add3A_154 : i32
      %get3A_156 = arith.index_cast %add3A_155 : i32 to index
      %get3A_157 = arith.constant 0 : index
      %get3A_158 = tpu.vector_load %arg6[%get3A_156, %get3A_157] {strides = array<i32>} : memref<128x16xf32, #tpu.memory_space<vmem>>, vector<1x16xf32>,
      %get3A_159 = vector.shape_cast %get3A_158 : vector<1x16xf32> to vector<16xf32>
      %mul3A_160 = arith.mulf %gather3A_151, %get3A_159 : vector<16xf32>
      %add3A_161 = arith.addf %broadcast_in_dim3A_8, %mul3A_160 : vector<16xf32>
      %broadcast_in_dim3A_162 = arith.constant 1 : i32
      %broadcast_in_dim3A_163 = vector.broadcast %broadcast_in_dim3A_162 : i32 to vector<16x1xi32>
      %gather3A_164 = vector.shape_cast %broadcast_in_dim3A_163 : vector<16x1xi32> to vector<16xi32>
      %gather3A_165 = tpu.dynamic_gather %get3A_144[%gather3A_164] in [0] : vector<16xf32>, vector<16xi32> -> vector<16xf32>
      %mul3A_166 = arith.constant 32 : i32
      %mul3A_167 = arith.muli %scan3A_139, %mul3A_166 : i32
      %add3A_168 = arith.constant 1 : i32
      %add3A_169 = arith.addi %mul3A_167, %add3A_168 : i32
      %get3A_170 = arith.index_cast %add3A_169 : i32 to index
      %get3A_171 = arith.constant 0 : index
      %get3A_172 = tpu.vector_load %arg6[%get3A_170, %get3A_171] {strides = array<i32>} : memref<128x16xf32, #tpu.memory_space<vmem>>, vector<1x16xf32>,
      %get3A_173 = vector.shape_cast %get3A_172 : vector<1x16xf32> to vector<16xf32>
      %mul3A_174 = arith.mulf %gather3A_165, %get3A_173 : vector<16xf32>
      %add3A_175 = arith.addf %add3A_161, %mul3A_174 : vector<16xf32>
      %broadcast_in_dim3A_176 = arith.constant 2 : i32
      %broadcast_in_dim3A_177 = vector.broadcast %broadcast_in_dim3A_176 : i32 to vector<16x1xi32>
      %gather3A_178 = vector.shape_cast %broadcast_in_dim3A_177 : vector<16x1xi32> to vector<16xi32>
      %gather3A_179 = tpu.dynamic_gather %get3A_144[%gather3A_178] in [0] : vector<16xf32>, vector<16xi32> -> vector<16xf32>
      %mul3A_180 = arith.constant 32 : i32
      %mul3A_181 = arith.muli %scan3A_139, %mul3A_180 : i32
      %add3A_182 = arith.constant 2 : i32
      %add3A_183 = arith.addi %mul3A_181, %add3A_182 : i32
      %get3A_184 = arith.index_cast %add3A_183 : i32 to index
      %get3A_185 = arith.constant 0 : index
      %get3A_186 = tpu.vector_load %arg6[%get3A_184, %get3A_185] {strides = array<i32>} : memref<128x16xf32, #tpu.memory_space<vmem>>, vector<1x16xf32>,
      %get3A_187 = vector.shape_cast %get3A_186 : vector<1x16xf32> to vector<16xf32>
      %mul3A_188 = arith.mulf %gather3A_179, %get3A_187 : vector<16xf32>
      %add3A_189 = arith.addf %add3A_175, %mul3A_188 : vector<16xf32>
      %broadcast_in_dim3A_190 = arith.constant 3 : i32
      %broadcast_in_dim3A_191 = vector.broadcast %broadcast_in_dim3A_190 : i32 to vector<16x1xi32>
      %gather3A_192 = vector.shape_cast %broadcast_in_dim3A_191 : vector<16x1xi32> to vector<16xi32>
      %gather3A_193 = tpu.dynamic_gather %get3A_144[%gather3A_192] in [0] : vector<16xf32>, vector<16xi32> -> vector<16xf32>
      %mul3A_194 = arith.constant 32 : i32
      %mul3A_195 = arith.muli %scan3A_139, %mul3A_194 : i32
      %add3A_196 = arith.constant 3 : i32
      %add3A_197 = arith.addi %mul3A_195, %add3A_196 : i32
      %get3A_198 = arith.index_cast %add3A_197 : i32 to index
      %get3A_199 = arith.constant 0 : index
      %get3A_200 = tpu.vector_load %arg6[%get3A_198, %get3A_199] {strides = array<i32>} : memref<128x16xf32, #tpu.memory_space<vmem>>, vector<1x16xf32>,
      %get3A_201 = vector.shape_cast %get3A_200 : vector<1x16xf32> to vector<16xf32>
      %mul3A_202 = arith.mulf %gather3A_193, %get3A_201 : vector<16xf32>
      %add3A_203 = arith.addf %add3A_189, %mul3A_202 : vector<16xf32>
      %broadcast_in_dim3A_204 = arith.constant 4 : i32
      %broadcast_in_dim3A_205 = vector.broadcast %broadcast_in_dim3A_204 : i32 to vector<16x1xi32>
      %gather3A_206 = vector.shape_cast %broadcast_in_dim3A_205 : vector<16x1xi32> to vector<16xi32>
      %gather3A_207 = tpu.dynamic_gather %get3A_144[%gather3A_206] in [0] : vector<16xf32>, vector<16xi32> -> vector<16xf32>
      %mul3A_208 = arith.constant 32 : i32
      %mul3A_209 = arith.muli %scan3A_139, %mul3A_208 : i32
      %add3A_210 = arith.constant 4 : i32
      %add3A_211 = arith.addi %mul3A_209, %add3A_210 : i32
      %get3A_212 = arith.index_cast %add3A_211 : i32 to index
      %get3A_213 = arith.constant 0 : index
      %get3A_214 = tpu.vector_load %arg6[%get3A_212, %get3A_213] {strides = array<i32>} : memref<128x16xf32, #tpu.memory_space<vmem>>, vector<1x16xf32>,
      %get3A_215 = vector.shape_cast %get3A_214 : vector<1x16xf32> to vector<16xf32>
      %mul3A_216 = arith.mulf %gather3A_207, %get3A_215 : vector<16xf32>
      %add3A_217 = arith.addf %add3A_203, %mul3A_216 : vector<16xf32>
      %broadcast_in_dim3A_218 = arith.constant 5 : i32
      %broadcast_in_dim3A_219 = vector.broadcast %broadcast_in_dim3A_218 : i32 to vector<16x1xi32>
      %gather3A_220 = vector.shape_cast %broadcast_in_dim3A_219 : vector<16x1xi32> to vector<16xi32>
      %gather3A_221 = tpu.dynamic_gather %get3A_144[%gather3A_220] in [0] : vector<16xf32>, vector<16xi32> -> vector<16xf32>
      %mul3A_222 = arith.constant 32 : i32
      %mul3A_223 = arith.muli %scan3A_139, %mul3A_222 : i32
      %add3A_224 = arith.constant 5 : i32
      %add3A_225 = arith.addi %mul3A_223, %add3A_224 : i32
      %get3A_226 = arith.index_cast %add3A_225 : i32 to index
      %get3A_227 = arith.constant 0 : index
      %get3A_228 = tpu.vector_load %arg6[%get3A_226, %get3A_227] {strides = array<i32>} : memref<128x16xf32, #tpu.memory_space<vmem>>, vector<1x16xf32>,
      %get3A_229 = vector.shape_cast %get3A_228 : vector<1x16xf32> to vector<16xf32>
      %mul3A_230 = arith.mulf %gather3A_221, %get3A_229 : vector<16xf32>
      %add3A_231 = arith.addf %add3A_217, %mul3A_230 : vector<16xf32>
      %broadcast_in_dim3A_232 = arith.constant 6 : i32
      %broadcast_in_dim3A_233 = vector.broadcast %broadcast_in_dim3A_232 : i32 to vector<16x1xi32>
      %gather3A_234 = vector.shape_cast %broadcast_in_dim3A_233 : vector<16x1xi32> to vector<16xi32>
      %gather3A_235 = tpu.dynamic_gather %get3A_144[%gather3A_234] in [0] : vector<16xf32>, vector<16xi32> -> vector<16xf32>
      %mul3A_236 = arith.constant 32 : i32
      %mul3A_237 = arith.muli %scan3A_139, %mul3A_236 : i32
      %add3A_238 = arith.constant 6 : i32
      %add3A_239 = arith.addi %mul3A_237, %add3A_238 : i32
      %get3A_240 = arith.index_cast %add3A_239 : i32 to index
      %get3A_241 = arith.constant 0 : index
      %get3A_242 = tpu.vector_load %arg6[%get3A_240, %get3A_241] {strides = array<i32>} : memref<128x16xf32, #tpu.memory_space<vmem>>, vector<1x16xf32>,
      %get3A_243 = vector.shape_cast %get3A_242 : vector<1x16xf32> to vector<16xf32>
      %mul3A_244 = arith.mulf %gather3A_235, %get3A_243 : vector<16xf32>
      %add3A_245 = arith.addf %add3A_231, %mul3A_244 : vector<16xf32>
      %broadcast_in_dim3A_246 = arith.constant 7 : i32
      %broadcast_in_dim3A_247 = vector.broadcast %broadcast_in_dim3A_246 : i32 to vector<16x1xi32>
      %gather3A_248 = vector.shape_cast %broadcast_in_dim3A_247 : vector<16x1xi32> to vector<16xi32>
      %gather3A_249 = tpu.dynamic_gather %get3A_144[%gather3A_248] in [0] : vector<16xf32>, vector<16xi32> -> vector<16xf32>
      %mul3A_250 = arith.constant 32 : i32
      %mul3A_251 = arith.muli %scan3A_139, %mul3A_250 : i32
      %add3A_252 = arith.constant 7 : i32
      %add3A_253 = arith.addi %mul3A_251, %add3A_252 : i32
      %get3A_254 = arith.index_cast %add3A_253 : i32 to index
      %get3A_255 = arith.constant 0 : index
      %get3A_256 = tpu.vector_load %arg6[%get3A_254, %get3A_255] {strides = array<i32>} : memref<128x16xf32, #tpu.memory_space<vmem>>, vector<1x16xf32>,
      %get3A_257 = vector.shape_cast %get3A_256 : vector<1x16xf32> to vector<16xf32>
      %mul3A_258 = arith.mulf %gather3A_249, %get3A_257 : vector<16xf32>
      %add3A_259 = arith.addf %add3A_245, %mul3A_258 : vector<16xf32>
      %broadcast_in_dim3A_260 = arith.constant 8 : i32
      %broadcast_in_dim3A_261 = vector.broadcast %broadcast_in_dim3A_260 : i32 to vector<16x1xi32>
      %gather3A_262 = vector.shape_cast %broadcast_in_dim3A_261 : vector<16x1xi32> to vector<16xi32>
      %gather3A_263 = tpu.dynamic_gather %get3A_144[%gather3A_262] in [0] : vector<16xf32>, vector<16xi32> -> vector<16xf32>
      %mul3A_264 = arith.constant 32 : i32
      %mul3A_265 = arith.muli %scan3A_139, %mul3A_264 : i32
      %add3A_266 = arith.constant 8 : i32
      %add3A_267 = arith.addi %mul3A_265, %add3A_266 : i32
      %get3A_268 = arith.index_cast %add3A_267 : i32 to index
      %get3A_269 = arith.constant 0 : index
      %get3A_270 = tpu.vector_load %arg6[%get3A_268, %get3A_269] {strides = array<i32>} : memref<128x16xf32, #tpu.memory_space<vmem>>, vector<1x16xf32>,
      %get3A_271 = vector.shape_cast %get3A_270 : vector<1x16xf32> to vector<16xf32>
      %mul3A_272 = arith.mulf %gather3A_263, %get3A_271 : vector<16xf32>
      %add3A_273 = arith.addf %add3A_259, %mul3A_272 : vector<16xf32>
      %broadcast_in_dim3A_274 = arith.constant 9 : i32
      %broadcast_in_dim3A_275 = vector.broadcast %broadcast_in_dim3A_274 : i32 to vector<16x1xi32>
      %gather3A_276 = vector.shape_cast %broadcast_in_dim3A_275 : vector<16x1xi32> to vector<16xi32>
      %gather3A_277 = tpu.dynamic_gather %get3A_144[%gather3A_276] in [0] : vector<16xf32>, vector<16xi32> -> vector<16xf32>
      %mul3A_278 = arith.constant 32 : i32
      %mul3A_279 = arith.muli %scan3A_139, %mul3A_278 : i32
      %add3A_280 = arith.constant 9 : i32
      %add3A_281 = arith.addi %mul3A_279, %add3A_280 : i32
      %get3A_282 = arith.index_cast %add3A_281 : i32 to index
      %get3A_283 = arith.constant 0 : index
      %get3A_284 = tpu.vector_load %arg6[%get3A_282, %get3A_283] {strides = array<i32>} : memref<128x16xf32, #tpu.memory_space<vmem>>, vector<1x16xf32>,
      %get3A_285 = vector.shape_cast %get3A_284 : vector<1x16xf32> to vector<16xf32>
      %mul3A_286 = arith.mulf %gather3A_277, %get3A_285 : vector<16xf32>
      %add3A_287 = arith.addf %add3A_273, %mul3A_286 : vector<16xf32>
      %broadcast_in_dim3A_288 = arith.constant 10 : i32
      %broadcast_in_dim3A_289 = vector.broadcast %broadcast_in_dim3A_288 : i32 to vector<16x1xi32>
      %gather3A_290 = vector.shape_cast %broadcast_in_dim3A_289 : vector<16x1xi32> to vector<16xi32>
      %gather3A_291 = tpu.dynamic_gather %get3A_144[%gather3A_290] in [0] : vector<16xf32>, vector<16xi32> -> vector<16xf32>
      %mul3A_292 = arith.constant 32 : i32
      %mul3A_293 = arith.muli %scan3A_139, %mul3A_292 : i32
      %add3A_294 = arith.constant 10 : i32
      %add3A_295 = arith.addi %mul3A_293, %add3A_294 : i32
      %get3A_296 = arith.index_cast %add3A_295 : i32 to index
      %get3A_297 = arith.constant 0 : index
      %get3A_298 = tpu.vector_load %arg6[%get3A_296, %get3A_297] {strides = array<i32>} : memref<128x16xf32, #tpu.memory_space<vmem>>, vector<1x16xf32>,
      %get3A_299 = vector.shape_cast %get3A_298 : vector<1x16xf32> to vector<16xf32>
      %mul3A_300 = arith.mulf %gather3A_291, %get3A_299 : vector<16xf32>
      %add3A_301 = arith.addf %add3A_287, %mul3A_300 : vector<16xf32>
      %broadcast_in_dim3A_302 = arith.constant 11 : i32
      %broadcast_in_dim3A_303 = vector.broadcast %broadcast_in_dim3A_302 : i32 to vector<16x1xi32>
      %gather3A_304 = vector.shape_cast %broadcast_in_dim3A_303 : vector<16x1xi32> to vector<16xi32>
      %gather3A_305 = tpu.dynamic_gather %get3A_144[%gather3A_304] in [0] : vector<16xf32>, vector<16xi32> -> vector<16xf32>
      %mul3A_306 = arith.constant 32 : i32
      %mul3A_307 = arith.muli %scan3A_139, %mul3A_306 : i32
      %add3A_308 = arith.constant 11 : i32
      %add3A_309 = arith.addi %mul3A_307, %add3A_308 : i32
      %get3A_310 = arith.index_cast %add3A_309 : i32 to index
      %get3A_311 = arith.constant 0 : index
      %get3A_312 = tpu.vector_load %arg6[%get3A_310, %get3A_311] {strides = array<i32>} : memref<128x16xf32, #tpu.memory_space<vmem>>, vector<1x16xf32>,
      %get3A_313 = vector.shape_cast %get3A_312 : vector<1x16xf32> to vector<16xf32>
      %mul3A_314 = arith.mulf %gather3A_305, %get3A_313 : vector<16xf32>
      %add3A_315 = arith.addf %add3A_301, %mul3A_314 : vector<16xf32>
      %broadcast_in_dim3A_316 = arith.constant 12 : i32
      %broadcast_in_dim3A_317 = vector.broadcast %broadcast_in_dim3A_316 : i32 to vector<16x1xi32>
      %gather3A_318 = vector.shape_cast %broadcast_in_dim3A_317 : vector<16x1xi32> to vector<16xi32>
      %gather3A_319 = tpu.dynamic_gather %get3A_144[%gather3A_318] in [0] : vector<16xf32>, vector<16xi32> -> vector<16xf32>
      %mul3A_320 = arith.constant 32 : i32
      %mul3A_321 = arith.muli %scan3A_139, %mul3A_320 : i32
      %add3A_322 = arith.constant 12 : i32
      %add3A_323 = arith.addi %mul3A_321, %add3A_322 : i32
      %get3A_324 = arith.index_cast %add3A_323 : i32 to index
      %get3A_325 = arith.constant 0 : index
      %get3A_326 = tpu.vector_load %arg6[%get3A_324, %get3A_325] {strides = array<i32>} : memref<128x16xf32, #tpu.memory_space<vmem>>, vector<1x16xf32>,
      %get3A_327 = vector.shape_cast %get3A_326 : vector<1x16xf32> to vector<16xf32>
      %mul3A_328 = arith.mulf %gather3A_319, %get3A_327 : vector<16xf32>
      %add3A_329 = arith.addf %add3A_315, %mul3A_328 : vector<16xf32>
      %broadcast_in_dim3A_330 = arith.constant 13 : i32
      %broadcast_in_dim3A_331 = vector.broadcast %broadcast_in_dim3A_330 : i32 to vector<16x1xi32>
      %gather3A_332 = vector.shape_cast %broadcast_in_dim3A_331 : vector<16x1xi32> to vector<16xi32>
      %gather3A_333 = tpu.dynamic_gather %get3A_144[%gather3A_332] in [0] : vector<16xf32>, vector<16xi32> -> vector<16xf32>
      %mul3A_334 = arith.constant 32 : i32
      %mul3A_335 = arith.muli %scan3A_139, %mul3A_334 : i32
      %add3A_336 = arith.constant 13 : i32
      %add3A_337 = arith.addi %mul3A_335, %add3A_336 : i32
      %get3A_338 = arith.index_cast %add3A_337 : i32 to index
      %get3A_339 = arith.constant 0 : index
      %get3A_340 = tpu.vector_load %arg6[%get3A_338, %get3A_339] {strides = array<i32>} : memref<128x16xf32, #tpu.memory_space<vmem>>, vector<1x16xf32>,
      %get3A_341 = vector.shape_cast %get3A_340 : vector<1x16xf32> to vector<16xf32>
      %mul3A_342 = arith.mulf %gather3A_333, %get3A_341 : vector<16xf32>
      %add3A_343 = arith.addf %add3A_329, %mul3A_342 : vector<16xf32>
      %broadcast_in_dim3A_344 = arith.constant 14 : i32
      %broadcast_in_dim3A_345 = vector.broadcast %broadcast_in_dim3A_344 : i32 to vector<16x1xi32>
      %gather3A_346 = vector.shape_cast %broadcast_in_dim3A_345 : vector<16x1xi32> to vector<16xi32>
      %gather3A_347 = tpu.dynamic_gather %get3A_144[%gather3A_346] in [0] : vector<16xf32>, vector<16xi32> -> vector<16xf32>
      %mul3A_348 = arith.constant 32 : i32
      %mul3A_349 = arith.muli %scan3A_139, %mul3A_348 : i32
      %add3A_350 = arith.constant 14 : i32
      %add3A_351 = arith.addi %mul3A_349, %add3A_350 : i32
      %get3A_352 = arith.index_cast %add3A_351 : i32 to index
      %get3A_353 = arith.constant 0 : index
      %get3A_354 = tpu.vector_load %arg6[%get3A_352, %get3A_353] {strides = array<i32>} : memref<128x16xf32, #tpu.memory_space<vmem>>, vector<1x16xf32>,
      %get3A_355 = vector.shape_cast %get3A_354 : vector<1x16xf32> to vector<16xf32>
      %mul3A_356 = arith.mulf %gather3A_347, %get3A_355 : vector<16xf32>
      %add3A_357 = arith.addf %add3A_343, %mul3A_356 : vector<16xf32>
      %broadcast_in_dim3A_358 = arith.constant 15 : i32
      %broadcast_in_dim3A_359 = vector.broadcast %broadcast_in_dim3A_358 : i32 to vector<16x1xi32>
      %gather3A_360 = vector.shape_cast %broadcast_in_dim3A_359 : vector<16x1xi32> to vector<16xi32>
      %gather3A_361 = tpu.dynamic_gather %get3A_144[%gather3A_360] in [0] : vector<16xf32>, vector<16xi32> -> vector<16xf32>
      %mul3A_362 = arith.constant 32 : i32
      %mul3A_363 = arith.muli %scan3A_139, %mul3A_362 : i32
      %add3A_364 = arith.constant 15 : i32
      %add3A_365 = arith.addi %mul3A_363, %add3A_364 : i32
      %get3A_366 = arith.index_cast %add3A_365 : i32 to index
      %get3A_367 = arith.constant 0 : index
      %get3A_368 = tpu.vector_load %arg6[%get3A_366, %get3A_367] {strides = array<i32>} : memref<128x16xf32, #tpu.memory_space<vmem>>, vector<1x16xf32>,
      %get3A_369 = vector.shape_cast %get3A_368 : vector<1x16xf32> to vector<16xf32>
      %mul3A_370 = arith.mulf %gather3A_361, %get3A_369 : vector<16xf32>
      %add3A_371 = arith.addf %add3A_357, %mul3A_370 : vector<16xf32>
      %broadcast_in_dim3A_372 = arith.constant 0 : i32
      %broadcast_in_dim3A_373 = vector.broadcast %broadcast_in_dim3A_372 : i32 to vector<16x1xi32>
      %gather3A_374 = vector.shape_cast %broadcast_in_dim3A_373 : vector<16x1xi32> to vector<16xi32>
      %gather3A_375 = tpu.dynamic_gather %get3A_148[%gather3A_374] in [0] : vector<16xf32>, vector<16xi32> -> vector<16xf32>
      %mul3A_376 = arith.constant 32 : i32
      %mul3A_377 = arith.muli %scan3A_139, %mul3A_376 : i32
      %add3A_378 = arith.constant 16 : i32
      %add3A_379 = arith.addi %mul3A_377, %add3A_378 : i32
      %get3A_380 = arith.index_cast %add3A_379 : i32 to index
      %get3A_381 = arith.constant 0 : index
      %get3A_382 = tpu.vector_load %arg6[%get3A_380, %get3A_381] {strides = array<i32>} : memref<128x16xf32, #tpu.memory_space<vmem>>, vector<1x16xf32>,
      %get3A_383 = vector.shape_cast %get3A_382 : vector<1x16xf32> to vector<16xf32>
      %mul3A_384 = arith.mulf %gather3A_375, %get3A_383 : vector<16xf32>
      %add3A_385 = arith.addf %add3A_371, %mul3A_384 : vector<16xf32>
      %broadcast_in_dim3A_386 = arith.constant 1 : i32
      %broadcast_in_dim3A_387 = vector.broadcast %broadcast_in_dim3A_386 : i32 to vector<16x1xi32>
      %gather3A_388 = vector.shape_cast %broadcast_in_dim3A_387 : vector<16x1xi32> to vector<16xi32>
      %gather3A_389 = tpu.dynamic_gather %get3A_148[%gather3A_388] in [0] : vector<16xf32>, vector<16xi32> -> vector<16xf32>
      %mul3A_390 = arith.constant 32 : i32
      %mul3A_391 = arith.muli %scan3A_139, %mul3A_390 : i32
      %add3A_392 = arith.constant 17 : i32
      %add3A_393 = arith.addi %mul3A_391, %add3A_392 : i32
      %get3A_394 = arith.index_cast %add3A_393 : i32 to index
      %get3A_395 = arith.constant 0 : index
      %get3A_396 = tpu.vector_load %arg6[%get3A_394, %get3A_395] {strides = array<i32>} : memref<128x16xf32, #tpu.memory_space<vmem>>, vector<1x16xf32>,
      %get3A_397 = vector.shape_cast %get3A_396 : vector<1x16xf32> to vector<16xf32>
      %mul3A_398 = arith.mulf %gather3A_389, %get3A_397 : vector<16xf32>
      %add3A_399 = arith.addf %add3A_385, %mul3A_398 : vector<16xf32>
      %broadcast_in_dim3A_400 = arith.constant 2 : i32
      %broadcast_in_dim3A_401 = vector.broadcast %broadcast_in_dim3A_400 : i32 to vector<16x1xi32>
      %gather3A_402 = vector.shape_cast %broadcast_in_dim3A_401 : vector<16x1xi32> to vector<16xi32>
      %gather3A_403 = tpu.dynamic_gather %get3A_148[%gather3A_402] in [0] : vector<16xf32>, vector<16xi32> -> vector<16xf32>
      %mul3A_404 = arith.constant 32 : i32
      %mul3A_405 = arith.muli %scan3A_139, %mul3A_404 : i32
      %add3A_406 = arith.constant 18 : i32
      %add3A_407 = arith.addi %mul3A_405, %add3A_406 : i32
      %get3A_408 = arith.index_cast %add3A_407 : i32 to index
      %get3A_409 = arith.constant 0 : index
      %get3A_410 = tpu.vector_load %arg6[%get3A_408, %get3A_409] {strides = array<i32>} : memref<128x16xf32, #tpu.memory_space<vmem>>, vector<1x16xf32>,
      %get3A_411 = vector.shape_cast %get3A_410 : vector<1x16xf32> to vector<16xf32>
      %mul3A_412 = arith.mulf %gather3A_403, %get3A_411 : vector<16xf32>
      %add3A_413 = arith.addf %add3A_399, %mul3A_412 : vector<16xf32>
      %broadcast_in_dim3A_414 = arith.constant 3 : i32
      %broadcast_in_dim3A_415 = vector.broadcast %broadcast_in_dim3A_414 : i32 to vector<16x1xi32>
      %gather3A_416 = vector.shape_cast %broadcast_in_dim3A_415 : vector<16x1xi32> to vector<16xi32>
      %gather3A_417 = tpu.dynamic_gather %get3A_148[%gather3A_416] in [0] : vector<16xf32>, vector<16xi32> -> vector<16xf32>
      %mul3A_418 = arith.constant 32 : i32
      %mul3A_419 = arith.muli %scan3A_139, %mul3A_418 : i32
      %add3A_420 = arith.constant 19 : i32
      %add3A_421 = arith.addi %mul3A_419, %add3A_420 : i32
      %get3A_422 = arith.index_cast %add3A_421 : i32 to index
      %get3A_423 = arith.constant 0 : index
      %get3A_424 = tpu.vector_load %arg6[%get3A_422, %get3A_423] {strides = array<i32>} : memref<128x16xf32, #tpu.memory_space<vmem>>, vector<1x16xf32>,
      %get3A_425 = vector.shape_cast %get3A_424 : vector<1x16xf32> to vector<16xf32>
      %mul3A_426 = arith.mulf %gather3A_417, %get3A_425 : vector<16xf32>
      %add3A_427 = arith.addf %add3A_413, %mul3A_426 : vector<16xf32>
      %broadcast_in_dim3A_428 = arith.constant 4 : i32
      %broadcast_in_dim3A_429 = vector.broadcast %broadcast_in_dim3A_428 : i32 to vector<16x1xi32>
      %gather3A_430 = vector.shape_cast %broadcast_in_dim3A_429 : vector<16x1xi32> to vector<16xi32>
      %gather3A_431 = tpu.dynamic_gather %get3A_148[%gather3A_430] in [0] : vector<16xf32>, vector<16xi32> -> vector<16xf32>
      %mul3A_432 = arith.constant 32 : i32
      %mul3A_433 = arith.muli %scan3A_139, %mul3A_432 : i32
      %add3A_434 = arith.constant 20 : i32
      %add3A_435 = arith.addi %mul3A_433, %add3A_434 : i32
      %get3A_436 = arith.index_cast %add3A_435 : i32 to index
      %get3A_437 = arith.constant 0 : index
      %get3A_438 = tpu.vector_load %arg6[%get3A_436, %get3A_437] {strides = array<i32>} : memref<128x16xf32, #tpu.memory_space<vmem>>, vector<1x16xf32>,
      %get3A_439 = vector.shape_cast %get3A_438 : vector<1x16xf32> to vector<16xf32>
      %mul3A_440 = arith.mulf %gather3A_431, %get3A_439 : vector<16xf32>
      %add3A_441 = arith.addf %add3A_427, %mul3A_440 : vector<16xf32>
      %broadcast_in_dim3A_442 = arith.constant 5 : i32
      %broadcast_in_dim3A_443 = vector.broadcast %broadcast_in_dim3A_442 : i32 to vector<16x1xi32>
      %gather3A_444 = vector.shape_cast %broadcast_in_dim3A_443 : vector<16x1xi32> to vector<16xi32>
      %gather3A_445 = tpu.dynamic_gather %get3A_148[%gather3A_444] in [0] : vector<16xf32>, vector<16xi32> -> vector<16xf32>
      %mul3A_446 = arith.constant 32 : i32
      %mul3A_447 = arith.muli %scan3A_139, %mul3A_446 : i32
      %add3A_448 = arith.constant 21 : i32
      %add3A_449 = arith.addi %mul3A_447, %add3A_448 : i32
      %get3A_450 = arith.index_cast %add3A_449 : i32 to index
      %get3A_451 = arith.constant 0 : index
      %get3A_452 = tpu.vector_load %arg6[%get3A_450, %get3A_451] {strides = array<i32>} : memref<128x16xf32, #tpu.memory_space<vmem>>, vector<1x16xf32>,
      %get3A_453 = vector.shape_cast %get3A_452 : vector<1x16xf32> to vector<16xf32>
      %mul3A_454 = arith.mulf %gather3A_445, %get3A_453 : vector<16xf32>
      %add3A_455 = arith.addf %add3A_441, %mul3A_454 : vector<16xf32>
      %broadcast_in_dim3A_456 = arith.constant 6 : i32
      %broadcast_in_dim3A_457 = vector.broadcast %broadcast_in_dim3A_456 : i32 to vector<16x1xi32>
      %gather3A_458 = vector.shape_cast %broadcast_in_dim3A_457 : vector<16x1xi32> to vector<16xi32>
      %gather3A_459 = tpu.dynamic_gather %get3A_148[%gather3A_458] in [0] : vector<16xf32>, vector<16xi32> -> vector<16xf32>
      %mul3A_460 = arith.constant 32 : i32
      %mul3A_461 = arith.muli %scan3A_139, %mul3A_460 : i32
      %add3A_462 = arith.constant 22 : i32
      %add3A_463 = arith.addi %mul3A_461, %add3A_462 : i32
      %get3A_464 = arith.index_cast %add3A_463 : i32 to index
      %get3A_465 = arith.constant 0 : index
      %get3A_466 = tpu.vector_load %arg6[%get3A_464, %get3A_465] {strides = array<i32>} : memref<128x16xf32, #tpu.memory_space<vmem>>, vector<1x16xf32>,
      %get3A_467 = vector.shape_cast %get3A_466 : vector<1x16xf32> to vector<16xf32>
      %mul3A_468 = arith.mulf %gather3A_459, %get3A_467 : vector<16xf32>
      %add3A_469 = arith.addf %add3A_455, %mul3A_468 : vector<16xf32>
      %broadcast_in_dim3A_470 = arith.constant 7 : i32
      %broadcast_in_dim3A_471 = vector.broadcast %broadcast_in_dim3A_470 : i32 to vector<16x1xi32>
      %gather3A_472 = vector.shape_cast %broadcast_in_dim3A_471 : vector<16x1xi32> to vector<16xi32>
      %gather3A_473 = tpu.dynamic_gather %get3A_148[%gather3A_472] in [0] : vector<16xf32>, vector<16xi32> -> vector<16xf32>
      %mul3A_474 = arith.constant 32 : i32
      %mul3A_475 = arith.muli %scan3A_139, %mul3A_474 : i32
      %add3A_476 = arith.constant 23 : i32
      %add3A_477 = arith.addi %mul3A_475, %add3A_476 : i32
      %get3A_478 = arith.index_cast %add3A_477 : i32 to index
      %get3A_479 = arith.constant 0 : index
      %get3A_480 = tpu.vector_load %arg6[%get3A_478, %get3A_479] {strides = array<i32>} : memref<128x16xf32, #tpu.memory_space<vmem>>, vector<1x16xf32>,
      %get3A_481 = vector.shape_cast %get3A_480 : vector<1x16xf32> to vector<16xf32>
      %mul3A_482 = arith.mulf %gather3A_473, %get3A_481 : vector<16xf32>
      %add3A_483 = arith.addf %add3A_469, %mul3A_482 : vector<16xf32>
      %broadcast_in_dim3A_484 = arith.constant 8 : i32
      %broadcast_in_dim3A_485 = vector.broadcast %broadcast_in_dim3A_484 : i32 to vector<16x1xi32>
      %gather3A_486 = vector.shape_cast %broadcast_in_dim3A_485 : vector<16x1xi32> to vector<16xi32>
      %gather3A_487 = tpu.dynamic_gather %get3A_148[%gather3A_486] in [0] : vector<16xf32>, vector<16xi32> -> vector<16xf32>
      %mul3A_488 = arith.constant 32 : i32
      %mul3A_489 = arith.muli %scan3A_139, %mul3A_488 : i32
      %add3A_490 = arith.constant 24 : i32
      %add3A_491 = arith.addi %mul3A_489, %add3A_490 : i32
      %get3A_492 = arith.index_cast %add3A_491 : i32 to index
      %get3A_493 = arith.constant 0 : index
      %get3A_494 = tpu.vector_load %arg6[%get3A_492, %get3A_493] {strides = array<i32>} : memref<128x16xf32, #tpu.memory_space<vmem>>, vector<1x16xf32>,
      %get3A_495 = vector.shape_cast %get3A_494 : vector<1x16xf32> to vector<16xf32>
      %mul3A_496 = arith.mulf %gather3A_487, %get3A_495 : vector<16xf32>
      %add3A_497 = arith.addf %add3A_483, %mul3A_496 : vector<16xf32>
      %broadcast_in_dim3A_498 = arith.constant 9 : i32
      %broadcast_in_dim3A_499 = vector.broadcast %broadcast_in_dim3A_498 : i32 to vector<16x1xi32>
      %gather3A_500 = vector.shape_cast %broadcast_in_dim3A_499 : vector<16x1xi32> to vector<16xi32>
      %gather3A_501 = tpu.dynamic_gather %get3A_148[%gather3A_500] in [0] : vector<16xf32>, vector<16xi32> -> vector<16xf32>
      %mul3A_502 = arith.constant 32 : i32
      %mul3A_503 = arith.muli %scan3A_139, %mul3A_502 : i32
      %add3A_504 = arith.constant 25 : i32
      %add3A_505 = arith.addi %mul3A_503, %add3A_504 : i32
      %get3A_506 = arith.index_cast %add3A_505 : i32 to index
      %get3A_507 = arith.constant 0 : index
      %get3A_508 = tpu.vector_load %arg6[%get3A_506, %get3A_507] {strides = array<i32>} : memref<128x16xf32, #tpu.memory_space<vmem>>, vector<1x16xf32>,
      %get3A_509 = vector.shape_cast %get3A_508 : vector<1x16xf32> to vector<16xf32>
      %mul3A_510 = arith.mulf %gather3A_501, %get3A_509 : vector<16xf32>
      %add3A_511 = arith.addf %add3A_497, %mul3A_510 : vector<16xf32>
      %broadcast_in_dim3A_512 = arith.constant 10 : i32
      %broadcast_in_dim3A_513 = vector.broadcast %broadcast_in_dim3A_512 : i32 to vector<16x1xi32>
      %gather3A_514 = vector.shape_cast %broadcast_in_dim3A_513 : vector<16x1xi32> to vector<16xi32>
      %gather3A_515 = tpu.dynamic_gather %get3A_148[%gather3A_514] in [0] : vector<16xf32>, vector<16xi32> -> vector<16xf32>
      %mul3A_516 = arith.constant 32 : i32
      %mul3A_517 = arith.muli %scan3A_139, %mul3A_516 : i32
      %add3A_518 = arith.constant 26 : i32
      %add3A_519 = arith.addi %mul3A_517, %add3A_518 : i32
      %get3A_520 = arith.index_cast %add3A_519 : i32 to index
      %get3A_521 = arith.constant 0 : index
      %get3A_522 = tpu.vector_load %arg6[%get3A_520, %get3A_521] {strides = array<i32>} : memref<128x16xf32, #tpu.memory_space<vmem>>, vector<1x16xf32>,
      %get3A_523 = vector.shape_cast %get3A_522 : vector<1x16xf32> to vector<16xf32>
      %mul3A_524 = arith.mulf %gather3A_515, %get3A_523 : vector<16xf32>
      %add3A_525 = arith.addf %add3A_511, %mul3A_524 : vector<16xf32>
      %broadcast_in_dim3A_526 = arith.constant 11 : i32
      %broadcast_in_dim3A_527 = vector.broadcast %broadcast_in_dim3A_526 : i32 to vector<16x1xi32>
      %gather3A_528 = vector.shape_cast %broadcast_in_dim3A_527 : vector<16x1xi32> to vector<16xi32>
      %gather3A_529 = tpu.dynamic_gather %get3A_148[%gather3A_528] in [0] : vector<16xf32>, vector<16xi32> -> vector<16xf32>
      %mul3A_530 = arith.constant 32 : i32
      %mul3A_531 = arith.muli %scan3A_139, %mul3A_530 : i32
      %add3A_532 = arith.constant 27 : i32
      %add3A_533 = arith.addi %mul3A_531, %add3A_532 : i32
      %get3A_534 = arith.index_cast %add3A_533 : i32 to index
      %get3A_535 = arith.constant 0 : index
      %get3A_536 = tpu.vector_load %arg6[%get3A_534, %get3A_535] {strides = array<i32>} : memref<128x16xf32, #tpu.memory_space<vmem>>, vector<1x16xf32>,
      %get3A_537 = vector.shape_cast %get3A_536 : vector<1x16xf32> to vector<16xf32>
      %mul3A_538 = arith.mulf %gather3A_529, %get3A_537 : vector<16xf32>
      %add3A_539 = arith.addf %add3A_525, %mul3A_538 : vector<16xf32>
      %broadcast_in_dim3A_540 = arith.constant 12 : i32
      %broadcast_in_dim3A_541 = vector.broadcast %broadcast_in_dim3A_540 : i32 to vector<16x1xi32>
      %gather3A_542 = vector.shape_cast %broadcast_in_dim3A_541 : vector<16x1xi32> to vector<16xi32>
      %gather3A_543 = tpu.dynamic_gather %get3A_148[%gather3A_542] in [0] : vector<16xf32>, vector<16xi32> -> vector<16xf32>
      %mul3A_544 = arith.constant 32 : i32
      %mul3A_545 = arith.muli %scan3A_139, %mul3A_544 : i32
      %add3A_546 = arith.constant 28 : i32
      %add3A_547 = arith.addi %mul3A_545, %add3A_546 : i32
      %get3A_548 = arith.index_cast %add3A_547 : i32 to index
      %get3A_549 = arith.constant 0 : index
      %get3A_550 = tpu.vector_load %arg6[%get3A_548, %get3A_549] {strides = array<i32>} : memref<128x16xf32, #tpu.memory_space<vmem>>, vector<1x16xf32>,
      %get3A_551 = vector.shape_cast %get3A_550 : vector<1x16xf32> to vector<16xf32>
      %mul3A_552 = arith.mulf %gather3A_543, %get3A_551 : vector<16xf32>
      %add3A_553 = arith.addf %add3A_539, %mul3A_552 : vector<16xf32>
      %broadcast_in_dim3A_554 = arith.constant 13 : i32
      %broadcast_in_dim3A_555 = vector.broadcast %broadcast_in_dim3A_554 : i32 to vector<16x1xi32>
      %gather3A_556 = vector.shape_cast %broadcast_in_dim3A_555 : vector<16x1xi32> to vector<16xi32>
      %gather3A_557 = tpu.dynamic_gather %get3A_148[%gather3A_556] in [0] : vector<16xf32>, vector<16xi32> -> vector<16xf32>
      %mul3A_558 = arith.constant 32 : i32
      %mul3A_559 = arith.muli %scan3A_139, %mul3A_558 : i32
      %add3A_560 = arith.constant 29 : i32
      %add3A_561 = arith.addi %mul3A_559, %add3A_560 : i32
      %get3A_562 = arith.index_cast %add3A_561 : i32 to index
      %get3A_563 = arith.constant 0 : index
      %get3A_564 = tpu.vector_load %arg6[%get3A_562, %get3A_563] {strides = array<i32>} : memref<128x16xf32, #tpu.memory_space<vmem>>, vector<1x16xf32>,
      %get3A_565 = vector.shape_cast %get3A_564 : vector<1x16xf32> to vector<16xf32>
      %mul3A_566 = arith.mulf %gather3A_557, %get3A_565 : vector<16xf32>
      %add3A_567 = arith.addf %add3A_553, %mul3A_566 : vector<16xf32>
      %broadcast_in_dim3A_568 = arith.constant 14 : i32
      %broadcast_in_dim3A_569 = vector.broadcast %broadcast_in_dim3A_568 : i32 to vector<16x1xi32>
      %gather3A_570 = vector.shape_cast %broadcast_in_dim3A_569 : vector<16x1xi32> to vector<16xi32>
      %gather3A_571 = tpu.dynamic_gather %get3A_148[%gather3A_570] in [0] : vector<16xf32>, vector<16xi32> -> vector<16xf32>
      %mul3A_572 = arith.constant 32 : i32
      %mul3A_573 = arith.muli %scan3A_139, %mul3A_572 : i32
      %add3A_574 = arith.constant 30 : i32
      %add3A_575 = arith.addi %mul3A_573, %add3A_574 : i32
      %get3A_576 = arith.index_cast %add3A_575 : i32 to index
      %get3A_577 = arith.constant 0 : index
      %get3A_578 = tpu.vector_load %arg6[%get3A_576, %get3A_577] {strides = array<i32>} : memref<128x16xf32, #tpu.memory_space<vmem>>, vector<1x16xf32>,
      %get3A_579 = vector.shape_cast %get3A_578 : vector<1x16xf32> to vector<16xf32>
      %mul3A_580 = arith.mulf %gather3A_571, %get3A_579 : vector<16xf32>
      %add3A_581 = arith.addf %add3A_567, %mul3A_580 : vector<16xf32>
      %broadcast_in_dim3A_582 = arith.constant 15 : i32
      %broadcast_in_dim3A_583 = vector.broadcast %broadcast_in_dim3A_582 : i32 to vector<16x1xi32>
      %gather3A_584 = vector.shape_cast %broadcast_in_dim3A_583 : vector<16x1xi32> to vector<16xi32>
      %gather3A_585 = tpu.dynamic_gather %get3A_148[%gather3A_584] in [0] : vector<16xf32>, vector<16xi32> -> vector<16xf32>
      %mul3A_586 = arith.constant 32 : i32
      %mul3A_587 = arith.muli %scan3A_139, %mul3A_586 : i32
      %add3A_588 = arith.constant 31 : i32
      %add3A_589 = arith.addi %mul3A_587, %add3A_588 : i32
      %get3A_590 = arith.index_cast %add3A_589 : i32 to index
      %get3A_591 = arith.constant 0 : index
      %get3A_592 = tpu.vector_load %arg6[%get3A_590, %get3A_591] {strides = array<i32>} : memref<128x16xf32, #tpu.memory_space<vmem>>, vector<1x16xf32>,
      %get3A_593 = vector.shape_cast %get3A_592 : vector<1x16xf32> to vector<16xf32>
      %mul3A_594 = arith.mulf %gather3A_585, %get3A_593 : vector<16xf32>
      %add3A_595 = arith.addf %add3A_581, %mul3A_594 : vector<16xf32>
      %swap3A = arith.index_cast %add3A_141 : i32 to index
      %swap3A_596 = arith.constant 0 : index
      %swap3A_597 = tpu.vector_load %arg8[%swap3A, %swap3A_596] {strides = array<i32>} : memref<32x128xf32, #tpu.memory_space<vmem>>, vector<1x16xf32>,
      %swap3A_598 = vector.shape_cast %swap3A_597 : vector<1x16xf32> to vector<16xf32>
      %swap3A_599 = vector.shape_cast %add3A_595 : vector<16xf32> to vector<1x16xf32>
      tpu.vector_store %arg8[%swap3A, %swap3A_596], %swap3A_599 {strides = array<i32>} : memref<32x128xf32, #tpu.memory_space<vmem>>, vector<1x16xf32>,
      %swap3A_600 = arith.index_cast %add3A_141 : i32 to index
      %swap3A_601 = arith.constant 16 : index
      %swap3A_602 = tpu.vector_load %arg8[%swap3A_600, %swap3A_601] {strides = array<i32>} : memref<32x128xf32, #tpu.memory_space<vmem>>, vector<1x16xf32>,
      %swap3A_603 = vector.shape_cast %swap3A_602 : vector<1x16xf32> to vector<16xf32>
      %swap3A_604 = vector.shape_cast %broadcast_in_dim3A_8 : vector<16xf32> to vector<1x16xf32>
      tpu.vector_store %arg8[%swap3A_600, %swap3A_601], %swap3A_604 {strides = array<i32>} : memref<32x128xf32, #tpu.memory_space<vmem>>, vector<1x16xf32>,
      %swap3A_605 = arith.index_cast %add3A_141 : i32 to index
      %swap3A_606 = arith.constant 32 : index
      %swap3A_607 = tpu.vector_load %arg8[%swap3A_605, %swap3A_606] {strides = array<i32>} : memref<32x128xf32, #tpu.memory_space<vmem>>, vector<1x16xf32>,
      %swap3A_608 = vector.shape_cast %swap3A_607 : vector<1x16xf32> to vector<16xf32>
      %swap3A_609 = vector.shape_cast %broadcast_in_dim3A_8 : vector<16xf32> to vector<1x16xf32>
      tpu.vector_store %arg8[%swap3A_605, %swap3A_606], %swap3A_609 {strides = array<i32>} : memref<32x128xf32, #tpu.memory_space<vmem>>, vector<1x16xf32>,
      %swap3A_610 = arith.index_cast %add3A_141 : i32 to index
      %swap3A_611 = arith.constant 48 : index
      %swap3A_612 = tpu.vector_load %arg8[%swap3A_610, %swap3A_611] {strides = array<i32>} : memref<32x128xf32, #tpu.memory_space<vmem>>, vector<1x16xf32>,
      %swap3A_613 = vector.shape_cast %swap3A_612 : vector<1x16xf32> to vector<16xf32>
      %swap3A_614 = vector.shape_cast %broadcast_in_dim3A_8 : vector<16xf32> to vector<1x16xf32>
      tpu.vector_store %arg8[%swap3A_610, %swap3A_611], %swap3A_614 {strides = array<i32>} : memref<32x128xf32, #tpu.memory_space<vmem>>, vector<1x16xf32>,
      %swap3A_615 = arith.index_cast %add3A_141 : i32 to index
      %swap3A_616 = arith.constant 64 : index
      %swap3A_617 = tpu.vector_load %arg8[%swap3A_615, %swap3A_616] {strides = array<i32>} : memref<32x128xf32, #tpu.memory_space<vmem>>, vector<1x16xf32>,
      %swap3A_618 = vector.shape_cast %swap3A_617 : vector<1x16xf32> to vector<16xf32>
      %swap3A_619 = vector.shape_cast %broadcast_in_dim3A_8 : vector<16xf32> to vector<1x16xf32>
      tpu.vector_store %arg8[%swap3A_615, %swap3A_616], %swap3A_619 {strides = array<i32>} : memref<32x128xf32, #tpu.memory_space<vmem>>, vector<1x16xf32>,
      %swap3A_620 = arith.index_cast %add3A_141 : i32 to index
      %swap3A_621 = arith.constant 80 : index
      %swap3A_622 = tpu.vector_load %arg8[%swap3A_620, %swap3A_621] {strides = array<i32>} : memref<32x128xf32, #tpu.memory_space<vmem>>, vector<1x16xf32>,
      %swap3A_623 = vector.shape_cast %swap3A_622 : vector<1x16xf32> to vector<16xf32>
      %swap3A_624 = vector.shape_cast %broadcast_in_dim3A_8 : vector<16xf32> to vector<1x16xf32>
      tpu.vector_store %arg8[%swap3A_620, %swap3A_621], %swap3A_624 {strides = array<i32>} : memref<32x128xf32, #tpu.memory_space<vmem>>, vector<1x16xf32>,
      %swap3A_625 = arith.index_cast %add3A_141 : i32 to index
      %swap3A_626 = arith.constant 96 : index
      %swap3A_627 = tpu.vector_load %arg8[%swap3A_625, %swap3A_626] {strides = array<i32>} : memref<32x128xf32, #tpu.memory_space<vmem>>, vector<1x16xf32>,
      %swap3A_628 = vector.shape_cast %swap3A_627 : vector<1x16xf32> to vector<16xf32>
      %swap3A_629 = vector.shape_cast %broadcast_in_dim3A_8 : vector<16xf32> to vector<1x16xf32>
      tpu.vector_store %arg8[%swap3A_625, %swap3A_626], %swap3A_629 {strides = array<i32>} : memref<32x128xf32, #tpu.memory_space<vmem>>, vector<1x16xf32>,
      %swap3A_630 = arith.index_cast %add3A_141 : i32 to index
      %swap3A_631 = arith.constant 112 : index
      %swap3A_632 = tpu.vector_load %arg8[%swap3A_630, %swap3A_631] {strides = array<i32>} : memref<32x128xf32, #tpu.memory_space<vmem>>, vector<1x16xf32>,
      %swap3A_633 = vector.shape_cast %swap3A_632 : vector<1x16xf32> to vector<16xf32>
      %swap3A_634 = vector.shape_cast %broadcast_in_dim3A_8 : vector<16xf32> to vector<1x16xf32>
      tpu.vector_store %arg8[%swap3A_630, %swap3A_631], %swap3A_634 {strides = array<i32>} : memref<32x128xf32, #tpu.memory_space<vmem>>, vector<1x16xf32>,
    }
    %scan3A_91 = arith.constant 4 : i32
    %add3A_92 = arith.constant 768 : i32
    %add3A_93 = arith.addi %mul3A_4, %add3A_92 : i32
    %dma_start3A_94 = arith.constant 0 : i32
    %dma_start3A_95 = tpu.memref_slice %arg3[%add3A_93, %dma_start3A_94] : memref<32768x16xf32, #tpu.memory_space<hbm>> -> memref<128x16xf32, #tpu.memory_space<hbm>>
    %dma_start3A_96 = arith.constant 0 : i32
    %dma_start3A_97 = tpu.memref_slice %arg3[%add3A_93, %dma_start3A_96] : memref<32768x16xf32, #tpu.memory_space<hbm>> -> memref<128x16xf32, #tpu.memory_space<hbm>>
    tpu.enqueue_dma source(%dma_start3A_97 : memref<128x16xf32, #tpu.memory_space<hbm>>) target(%arg6 : memref<128x16xf32, #tpu.memory_space<vmem>>) target_semaphore(%arg9 : memref<!tpu.dma_semaphore, #tpu.memory_space<semaphore_mem>>)
    %add3A_98 = arith.constant 640 : i32
    %add3A_99 = arith.addi %mul3A_4, %add3A_98 : i32
    %dma_wait3A_100 = arith.constant 0 : i32
    %dma_wait3A_101 = tpu.memref_slice %arg3[%add3A_99, %dma_wait3A_100] : memref<32768x16xf32, #tpu.memory_space<hbm>> -> memref<128x16xf32, #tpu.memory_space<hbm>>
    %dma_wait3A_102 = arith.constant 0 : i32
    %dma_wait3A_103 = tpu.memref_slice %arg3[%add3A_99, %dma_wait3A_102] : memref<32768x16xf32, #tpu.memory_space<hbm>> -> memref<128x16xf32, #tpu.memory_space<hbm>>
    tpu.wait_dma2 semaphore(%arg10 : memref<!tpu.dma_semaphore, #tpu.memory_space<semaphore_mem>>) src(%dma_wait3A_103 : memref<128x16xf32, #tpu.memory_space<hbm>>) dst(%arg7 : memref<128x16xf32, #tpu.memory_space<vmem>>)
    %scan3A_104 = arith.constant 0 : i32
    %scan3A_105 = arith.constant 4 : i32
    %scan3A_106 = arith.addi %scan3A_104, %scan3A_105 : i32
    %scan3A_107 = arith.constant 1 : i32
    scf.for %scan3A_139 = %scan3A_104 to %scan3A_106 step %scan3A_107  : i32 {
      %add3A_140 = arith.constant 20 : i32
      %add3A_141 = arith.addi %add3A_140, %scan3A_139 : i32
      %get3A = arith.index_cast %add3A_141 : i32 to index
      %get3A_142 = arith.constant 0 : index
      %get3A_143 = tpu.vector_load %arg5[%get3A, %get3A_142] {strides = array<i32>} : memref<32x32xf32, #tpu.memory_space<vmem>>, vector<1x16xf32>,
      %get3A_144 = vector.shape_cast %get3A_143 : vector<1x16xf32> to vector<16xf32>
      %get3A_145 = arith.index_cast %add3A_141 : i32 to index
      %get3A_146 = arith.constant 16 : index
      %get3A_147 = tpu.vector_load %arg5[%get3A_145, %get3A_146] {strides = array<i32>} : memref<32x32xf32, #tpu.memory_space<vmem>>, vector<1x16xf32>,
      %get3A_148 = vector.shape_cast %get3A_147 : vector<1x16xf32> to vector<16xf32>
      %broadcast_in_dim3A_149 = arith.constant 0 : i32
      %broadcast_in_dim3A_150 = vector.broadcast %broadcast_in_dim3A_149 : i32 to vector<16x1xi32>
      %gather3A = vector.shape_cast %broadcast_in_dim3A_150 : vector<16x1xi32> to vector<16xi32>
      %gather3A_151 = tpu.dynamic_gather %get3A_144[%gather3A] in [0] : vector<16xf32>, vector<16xi32> -> vector<16xf32>
      %mul3A_152 = arith.constant 32 : i32
      %mul3A_153 = arith.muli %scan3A_139, %mul3A_152 : i32
      %add3A_154 = arith.constant 0 : i32
      %add3A_155 = arith.addi %mul3A_153, %add3A_154 : i32
      %get3A_156 = arith.index_cast %add3A_155 : i32 to index
      %get3A_157 = arith.constant 0 : index
      %get3A_158 = tpu.vector_load %arg7[%get3A_156, %get3A_157] {strides = array<i32>} : memref<128x16xf32, #tpu.memory_space<vmem>>, vector<1x16xf32>,
      %get3A_159 = vector.shape_cast %get3A_158 : vector<1x16xf32> to vector<16xf32>
      %mul3A_160 = arith.mulf %gather3A_151, %get3A_159 : vector<16xf32>
      %add3A_161 = arith.addf %broadcast_in_dim3A_8, %mul3A_160 : vector<16xf32>
      %broadcast_in_dim3A_162 = arith.constant 1 : i32
      %broadcast_in_dim3A_163 = vector.broadcast %broadcast_in_dim3A_162 : i32 to vector<16x1xi32>
      %gather3A_164 = vector.shape_cast %broadcast_in_dim3A_163 : vector<16x1xi32> to vector<16xi32>
      %gather3A_165 = tpu.dynamic_gather %get3A_144[%gather3A_164] in [0] : vector<16xf32>, vector<16xi32> -> vector<16xf32>
      %mul3A_166 = arith.constant 32 : i32
      %mul3A_167 = arith.muli %scan3A_139, %mul3A_166 : i32
      %add3A_168 = arith.constant 1 : i32
      %add3A_169 = arith.addi %mul3A_167, %add3A_168 : i32
      %get3A_170 = arith.index_cast %add3A_169 : i32 to index
      %get3A_171 = arith.constant 0 : index
      %get3A_172 = tpu.vector_load %arg7[%get3A_170, %get3A_171] {strides = array<i32>} : memref<128x16xf32, #tpu.memory_space<vmem>>, vector<1x16xf32>,
      %get3A_173 = vector.shape_cast %get3A_172 : vector<1x16xf32> to vector<16xf32>
      %mul3A_174 = arith.mulf %gather3A_165, %get3A_173 : vector<16xf32>
      %add3A_175 = arith.addf %add3A_161, %mul3A_174 : vector<16xf32>
      %broadcast_in_dim3A_176 = arith.constant 2 : i32
      %broadcast_in_dim3A_177 = vector.broadcast %broadcast_in_dim3A_176 : i32 to vector<16x1xi32>
      %gather3A_178 = vector.shape_cast %broadcast_in_dim3A_177 : vector<16x1xi32> to vector<16xi32>
      %gather3A_179 = tpu.dynamic_gather %get3A_144[%gather3A_178] in [0] : vector<16xf32>, vector<16xi32> -> vector<16xf32>
      %mul3A_180 = arith.constant 32 : i32
      %mul3A_181 = arith.muli %scan3A_139, %mul3A_180 : i32
      %add3A_182 = arith.constant 2 : i32
      %add3A_183 = arith.addi %mul3A_181, %add3A_182 : i32
      %get3A_184 = arith.index_cast %add3A_183 : i32 to index
      %get3A_185 = arith.constant 0 : index
      %get3A_186 = tpu.vector_load %arg7[%get3A_184, %get3A_185] {strides = array<i32>} : memref<128x16xf32, #tpu.memory_space<vmem>>, vector<1x16xf32>,
      %get3A_187 = vector.shape_cast %get3A_186 : vector<1x16xf32> to vector<16xf32>
      %mul3A_188 = arith.mulf %gather3A_179, %get3A_187 : vector<16xf32>
      %add3A_189 = arith.addf %add3A_175, %mul3A_188 : vector<16xf32>
      %broadcast_in_dim3A_190 = arith.constant 3 : i32
      %broadcast_in_dim3A_191 = vector.broadcast %broadcast_in_dim3A_190 : i32 to vector<16x1xi32>
      %gather3A_192 = vector.shape_cast %broadcast_in_dim3A_191 : vector<16x1xi32> to vector<16xi32>
      %gather3A_193 = tpu.dynamic_gather %get3A_144[%gather3A_192] in [0] : vector<16xf32>, vector<16xi32> -> vector<16xf32>
      %mul3A_194 = arith.constant 32 : i32
      %mul3A_195 = arith.muli %scan3A_139, %mul3A_194 : i32
      %add3A_196 = arith.constant 3 : i32
      %add3A_197 = arith.addi %mul3A_195, %add3A_196 : i32
      %get3A_198 = arith.index_cast %add3A_197 : i32 to index
      %get3A_199 = arith.constant 0 : index
      %get3A_200 = tpu.vector_load %arg7[%get3A_198, %get3A_199] {strides = array<i32>} : memref<128x16xf32, #tpu.memory_space<vmem>>, vector<1x16xf32>,
      %get3A_201 = vector.shape_cast %get3A_200 : vector<1x16xf32> to vector<16xf32>
      %mul3A_202 = arith.mulf %gather3A_193, %get3A_201 : vector<16xf32>
      %add3A_203 = arith.addf %add3A_189, %mul3A_202 : vector<16xf32>
      %broadcast_in_dim3A_204 = arith.constant 4 : i32
      %broadcast_in_dim3A_205 = vector.broadcast %broadcast_in_dim3A_204 : i32 to vector<16x1xi32>
      %gather3A_206 = vector.shape_cast %broadcast_in_dim3A_205 : vector<16x1xi32> to vector<16xi32>
      %gather3A_207 = tpu.dynamic_gather %get3A_144[%gather3A_206] in [0] : vector<16xf32>, vector<16xi32> -> vector<16xf32>
      %mul3A_208 = arith.constant 32 : i32
      %mul3A_209 = arith.muli %scan3A_139, %mul3A_208 : i32
      %add3A_210 = arith.constant 4 : i32
      %add3A_211 = arith.addi %mul3A_209, %add3A_210 : i32
      %get3A_212 = arith.index_cast %add3A_211 : i32 to index
      %get3A_213 = arith.constant 0 : index
      %get3A_214 = tpu.vector_load %arg7[%get3A_212, %get3A_213] {strides = array<i32>} : memref<128x16xf32, #tpu.memory_space<vmem>>, vector<1x16xf32>,
      %get3A_215 = vector.shape_cast %get3A_214 : vector<1x16xf32> to vector<16xf32>
      %mul3A_216 = arith.mulf %gather3A_207, %get3A_215 : vector<16xf32>
      %add3A_217 = arith.addf %add3A_203, %mul3A_216 : vector<16xf32>
      %broadcast_in_dim3A_218 = arith.constant 5 : i32
      %broadcast_in_dim3A_219 = vector.broadcast %broadcast_in_dim3A_218 : i32 to vector<16x1xi32>
      %gather3A_220 = vector.shape_cast %broadcast_in_dim3A_219 : vector<16x1xi32> to vector<16xi32>
      %gather3A_221 = tpu.dynamic_gather %get3A_144[%gather3A_220] in [0] : vector<16xf32>, vector<16xi32> -> vector<16xf32>
      %mul3A_222 = arith.constant 32 : i32
      %mul3A_223 = arith.muli %scan3A_139, %mul3A_222 : i32
      %add3A_224 = arith.constant 5 : i32
      %add3A_225 = arith.addi %mul3A_223, %add3A_224 : i32
      %get3A_226 = arith.index_cast %add3A_225 : i32 to index
      %get3A_227 = arith.constant 0 : index
      %get3A_228 = tpu.vector_load %arg7[%get3A_226, %get3A_227] {strides = array<i32>} : memref<128x16xf32, #tpu.memory_space<vmem>>, vector<1x16xf32>,
      %get3A_229 = vector.shape_cast %get3A_228 : vector<1x16xf32> to vector<16xf32>
      %mul3A_230 = arith.mulf %gather3A_221, %get3A_229 : vector<16xf32>
      %add3A_231 = arith.addf %add3A_217, %mul3A_230 : vector<16xf32>
      %broadcast_in_dim3A_232 = arith.constant 6 : i32
      %broadcast_in_dim3A_233 = vector.broadcast %broadcast_in_dim3A_232 : i32 to vector<16x1xi32>
      %gather3A_234 = vector.shape_cast %broadcast_in_dim3A_233 : vector<16x1xi32> to vector<16xi32>
      %gather3A_235 = tpu.dynamic_gather %get3A_144[%gather3A_234] in [0] : vector<16xf32>, vector<16xi32> -> vector<16xf32>
      %mul3A_236 = arith.constant 32 : i32
      %mul3A_237 = arith.muli %scan3A_139, %mul3A_236 : i32
      %add3A_238 = arith.constant 6 : i32
      %add3A_239 = arith.addi %mul3A_237, %add3A_238 : i32
      %get3A_240 = arith.index_cast %add3A_239 : i32 to index
      %get3A_241 = arith.constant 0 : index
      %get3A_242 = tpu.vector_load %arg7[%get3A_240, %get3A_241] {strides = array<i32>} : memref<128x16xf32, #tpu.memory_space<vmem>>, vector<1x16xf32>,
      %get3A_243 = vector.shape_cast %get3A_242 : vector<1x16xf32> to vector<16xf32>
      %mul3A_244 = arith.mulf %gather3A_235, %get3A_243 : vector<16xf32>
      %add3A_245 = arith.addf %add3A_231, %mul3A_244 : vector<16xf32>
      %broadcast_in_dim3A_246 = arith.constant 7 : i32
      %broadcast_in_dim3A_247 = vector.broadcast %broadcast_in_dim3A_246 : i32 to vector<16x1xi32>
      %gather3A_248 = vector.shape_cast %broadcast_in_dim3A_247 : vector<16x1xi32> to vector<16xi32>
      %gather3A_249 = tpu.dynamic_gather %get3A_144[%gather3A_248] in [0] : vector<16xf32>, vector<16xi32> -> vector<16xf32>
      %mul3A_250 = arith.constant 32 : i32
      %mul3A_251 = arith.muli %scan3A_139, %mul3A_250 : i32
      %add3A_252 = arith.constant 7 : i32
      %add3A_253 = arith.addi %mul3A_251, %add3A_252 : i32
      %get3A_254 = arith.index_cast %add3A_253 : i32 to index
      %get3A_255 = arith.constant 0 : index
      %get3A_256 = tpu.vector_load %arg7[%get3A_254, %get3A_255] {strides = array<i32>} : memref<128x16xf32, #tpu.memory_space<vmem>>, vector<1x16xf32>,
      %get3A_257 = vector.shape_cast %get3A_256 : vector<1x16xf32> to vector<16xf32>
      %mul3A_258 = arith.mulf %gather3A_249, %get3A_257 : vector<16xf32>
      %add3A_259 = arith.addf %add3A_245, %mul3A_258 : vector<16xf32>
      %broadcast_in_dim3A_260 = arith.constant 8 : i32
      %broadcast_in_dim3A_261 = vector.broadcast %broadcast_in_dim3A_260 : i32 to vector<16x1xi32>
      %gather3A_262 = vector.shape_cast %broadcast_in_dim3A_261 : vector<16x1xi32> to vector<16xi32>
      %gather3A_263 = tpu.dynamic_gather %get3A_144[%gather3A_262] in [0] : vector<16xf32>, vector<16xi32> -> vector<16xf32>
      %mul3A_264 = arith.constant 32 : i32
      %mul3A_265 = arith.muli %scan3A_139, %mul3A_264 : i32
      %add3A_266 = arith.constant 8 : i32
      %add3A_267 = arith.addi %mul3A_265, %add3A_266 : i32
      %get3A_268 = arith.index_cast %add3A_267 : i32 to index
      %get3A_269 = arith.constant 0 : index
      %get3A_270 = tpu.vector_load %arg7[%get3A_268, %get3A_269] {strides = array<i32>} : memref<128x16xf32, #tpu.memory_space<vmem>>, vector<1x16xf32>,
      %get3A_271 = vector.shape_cast %get3A_270 : vector<1x16xf32> to vector<16xf32>
      %mul3A_272 = arith.mulf %gather3A_263, %get3A_271 : vector<16xf32>
      %add3A_273 = arith.addf %add3A_259, %mul3A_272 : vector<16xf32>
      %broadcast_in_dim3A_274 = arith.constant 9 : i32
      %broadcast_in_dim3A_275 = vector.broadcast %broadcast_in_dim3A_274 : i32 to vector<16x1xi32>
      %gather3A_276 = vector.shape_cast %broadcast_in_dim3A_275 : vector<16x1xi32> to vector<16xi32>
      %gather3A_277 = tpu.dynamic_gather %get3A_144[%gather3A_276] in [0] : vector<16xf32>, vector<16xi32> -> vector<16xf32>
      %mul3A_278 = arith.constant 32 : i32
      %mul3A_279 = arith.muli %scan3A_139, %mul3A_278 : i32
      %add3A_280 = arith.constant 9 : i32
      %add3A_281 = arith.addi %mul3A_279, %add3A_280 : i32
      %get3A_282 = arith.index_cast %add3A_281 : i32 to index
      %get3A_283 = arith.constant 0 : index
      %get3A_284 = tpu.vector_load %arg7[%get3A_282, %get3A_283] {strides = array<i32>} : memref<128x16xf32, #tpu.memory_space<vmem>>, vector<1x16xf32>,
      %get3A_285 = vector.shape_cast %get3A_284 : vector<1x16xf32> to vector<16xf32>
      %mul3A_286 = arith.mulf %gather3A_277, %get3A_285 : vector<16xf32>
      %add3A_287 = arith.addf %add3A_273, %mul3A_286 : vector<16xf32>
      %broadcast_in_dim3A_288 = arith.constant 10 : i32
      %broadcast_in_dim3A_289 = vector.broadcast %broadcast_in_dim3A_288 : i32 to vector<16x1xi32>
      %gather3A_290 = vector.shape_cast %broadcast_in_dim3A_289 : vector<16x1xi32> to vector<16xi32>
      %gather3A_291 = tpu.dynamic_gather %get3A_144[%gather3A_290] in [0] : vector<16xf32>, vector<16xi32> -> vector<16xf32>
      %mul3A_292 = arith.constant 32 : i32
      %mul3A_293 = arith.muli %scan3A_139, %mul3A_292 : i32
      %add3A_294 = arith.constant 10 : i32
      %add3A_295 = arith.addi %mul3A_293, %add3A_294 : i32
      %get3A_296 = arith.index_cast %add3A_295 : i32 to index
      %get3A_297 = arith.constant 0 : index
      %get3A_298 = tpu.vector_load %arg7[%get3A_296, %get3A_297] {strides = array<i32>} : memref<128x16xf32, #tpu.memory_space<vmem>>, vector<1x16xf32>,
      %get3A_299 = vector.shape_cast %get3A_298 : vector<1x16xf32> to vector<16xf32>
      %mul3A_300 = arith.mulf %gather3A_291, %get3A_299 : vector<16xf32>
      %add3A_301 = arith.addf %add3A_287, %mul3A_300 : vector<16xf32>
      %broadcast_in_dim3A_302 = arith.constant 11 : i32
      %broadcast_in_dim3A_303 = vector.broadcast %broadcast_in_dim3A_302 : i32 to vector<16x1xi32>
      %gather3A_304 = vector.shape_cast %broadcast_in_dim3A_303 : vector<16x1xi32> to vector<16xi32>
      %gather3A_305 = tpu.dynamic_gather %get3A_144[%gather3A_304] in [0] : vector<16xf32>, vector<16xi32> -> vector<16xf32>
      %mul3A_306 = arith.constant 32 : i32
      %mul3A_307 = arith.muli %scan3A_139, %mul3A_306 : i32
      %add3A_308 = arith.constant 11 : i32
      %add3A_309 = arith.addi %mul3A_307, %add3A_308 : i32
      %get3A_310 = arith.index_cast %add3A_309 : i32 to index
      %get3A_311 = arith.constant 0 : index
      %get3A_312 = tpu.vector_load %arg7[%get3A_310, %get3A_311] {strides = array<i32>} : memref<128x16xf32, #tpu.memory_space<vmem>>, vector<1x16xf32>,
      %get3A_313 = vector.shape_cast %get3A_312 : vector<1x16xf32> to vector<16xf32>
      %mul3A_314 = arith.mulf %gather3A_305, %get3A_313 : vector<16xf32>
      %add3A_315 = arith.addf %add3A_301, %mul3A_314 : vector<16xf32>
      %broadcast_in_dim3A_316 = arith.constant 12 : i32
      %broadcast_in_dim3A_317 = vector.broadcast %broadcast_in_dim3A_316 : i32 to vector<16x1xi32>
      %gather3A_318 = vector.shape_cast %broadcast_in_dim3A_317 : vector<16x1xi32> to vector<16xi32>
      %gather3A_319 = tpu.dynamic_gather %get3A_144[%gather3A_318] in [0] : vector<16xf32>, vector<16xi32> -> vector<16xf32>
      %mul3A_320 = arith.constant 32 : i32
      %mul3A_321 = arith.muli %scan3A_139, %mul3A_320 : i32
      %add3A_322 = arith.constant 12 : i32
      %add3A_323 = arith.addi %mul3A_321, %add3A_322 : i32
      %get3A_324 = arith.index_cast %add3A_323 : i32 to index
      %get3A_325 = arith.constant 0 : index
      %get3A_326 = tpu.vector_load %arg7[%get3A_324, %get3A_325] {strides = array<i32>} : memref<128x16xf32, #tpu.memory_space<vmem>>, vector<1x16xf32>,
      %get3A_327 = vector.shape_cast %get3A_326 : vector<1x16xf32> to vector<16xf32>
      %mul3A_328 = arith.mulf %gather3A_319, %get3A_327 : vector<16xf32>
      %add3A_329 = arith.addf %add3A_315, %mul3A_328 : vector<16xf32>
      %broadcast_in_dim3A_330 = arith.constant 13 : i32
      %broadcast_in_dim3A_331 = vector.broadcast %broadcast_in_dim3A_330 : i32 to vector<16x1xi32>
      %gather3A_332 = vector.shape_cast %broadcast_in_dim3A_331 : vector<16x1xi32> to vector<16xi32>
      %gather3A_333 = tpu.dynamic_gather %get3A_144[%gather3A_332] in [0] : vector<16xf32>, vector<16xi32> -> vector<16xf32>
      %mul3A_334 = arith.constant 32 : i32
      %mul3A_335 = arith.muli %scan3A_139, %mul3A_334 : i32
      %add3A_336 = arith.constant 13 : i32
      %add3A_337 = arith.addi %mul3A_335, %add3A_336 : i32
      %get3A_338 = arith.index_cast %add3A_337 : i32 to index
      %get3A_339 = arith.constant 0 : index
      %get3A_340 = tpu.vector_load %arg7[%get3A_338, %get3A_339] {strides = array<i32>} : memref<128x16xf32, #tpu.memory_space<vmem>>, vector<1x16xf32>,
      %get3A_341 = vector.shape_cast %get3A_340 : vector<1x16xf32> to vector<16xf32>
      %mul3A_342 = arith.mulf %gather3A_333, %get3A_341 : vector<16xf32>
      %add3A_343 = arith.addf %add3A_329, %mul3A_342 : vector<16xf32>
      %broadcast_in_dim3A_344 = arith.constant 14 : i32
      %broadcast_in_dim3A_345 = vector.broadcast %broadcast_in_dim3A_344 : i32 to vector<16x1xi32>
      %gather3A_346 = vector.shape_cast %broadcast_in_dim3A_345 : vector<16x1xi32> to vector<16xi32>
      %gather3A_347 = tpu.dynamic_gather %get3A_144[%gather3A_346] in [0] : vector<16xf32>, vector<16xi32> -> vector<16xf32>
      %mul3A_348 = arith.constant 32 : i32
      %mul3A_349 = arith.muli %scan3A_139, %mul3A_348 : i32
      %add3A_350 = arith.constant 14 : i32
      %add3A_351 = arith.addi %mul3A_349, %add3A_350 : i32
      %get3A_352 = arith.index_cast %add3A_351 : i32 to index
      %get3A_353 = arith.constant 0 : index
      %get3A_354 = tpu.vector_load %arg7[%get3A_352, %get3A_353] {strides = array<i32>} : memref<128x16xf32, #tpu.memory_space<vmem>>, vector<1x16xf32>,
      %get3A_355 = vector.shape_cast %get3A_354 : vector<1x16xf32> to vector<16xf32>
      %mul3A_356 = arith.mulf %gather3A_347, %get3A_355 : vector<16xf32>
      %add3A_357 = arith.addf %add3A_343, %mul3A_356 : vector<16xf32>
      %broadcast_in_dim3A_358 = arith.constant 15 : i32
      %broadcast_in_dim3A_359 = vector.broadcast %broadcast_in_dim3A_358 : i32 to vector<16x1xi32>
      %gather3A_360 = vector.shape_cast %broadcast_in_dim3A_359 : vector<16x1xi32> to vector<16xi32>
      %gather3A_361 = tpu.dynamic_gather %get3A_144[%gather3A_360] in [0] : vector<16xf32>, vector<16xi32> -> vector<16xf32>
      %mul3A_362 = arith.constant 32 : i32
      %mul3A_363 = arith.muli %scan3A_139, %mul3A_362 : i32
      %add3A_364 = arith.constant 15 : i32
      %add3A_365 = arith.addi %mul3A_363, %add3A_364 : i32
      %get3A_366 = arith.index_cast %add3A_365 : i32 to index
      %get3A_367 = arith.constant 0 : index
      %get3A_368 = tpu.vector_load %arg7[%get3A_366, %get3A_367] {strides = array<i32>} : memref<128x16xf32, #tpu.memory_space<vmem>>, vector<1x16xf32>,
      %get3A_369 = vector.shape_cast %get3A_368 : vector<1x16xf32> to vector<16xf32>
      %mul3A_370 = arith.mulf %gather3A_361, %get3A_369 : vector<16xf32>
      %add3A_371 = arith.addf %add3A_357, %mul3A_370 : vector<16xf32>
      %broadcast_in_dim3A_372 = arith.constant 0 : i32
      %broadcast_in_dim3A_373 = vector.broadcast %broadcast_in_dim3A_372 : i32 to vector<16x1xi32>
      %gather3A_374 = vector.shape_cast %broadcast_in_dim3A_373 : vector<16x1xi32> to vector<16xi32>
      %gather3A_375 = tpu.dynamic_gather %get3A_148[%gather3A_374] in [0] : vector<16xf32>, vector<16xi32> -> vector<16xf32>
      %mul3A_376 = arith.constant 32 : i32
      %mul3A_377 = arith.muli %scan3A_139, %mul3A_376 : i32
      %add3A_378 = arith.constant 16 : i32
      %add3A_379 = arith.addi %mul3A_377, %add3A_378 : i32
      %get3A_380 = arith.index_cast %add3A_379 : i32 to index
      %get3A_381 = arith.constant 0 : index
      %get3A_382 = tpu.vector_load %arg7[%get3A_380, %get3A_381] {strides = array<i32>} : memref<128x16xf32, #tpu.memory_space<vmem>>, vector<1x16xf32>,
      %get3A_383 = vector.shape_cast %get3A_382 : vector<1x16xf32> to vector<16xf32>
      %mul3A_384 = arith.mulf %gather3A_375, %get3A_383 : vector<16xf32>
      %add3A_385 = arith.addf %add3A_371, %mul3A_384 : vector<16xf32>
      %broadcast_in_dim3A_386 = arith.constant 1 : i32
      %broadcast_in_dim3A_387 = vector.broadcast %broadcast_in_dim3A_386 : i32 to vector<16x1xi32>
      %gather3A_388 = vector.shape_cast %broadcast_in_dim3A_387 : vector<16x1xi32> to vector<16xi32>
      %gather3A_389 = tpu.dynamic_gather %get3A_148[%gather3A_388] in [0] : vector<16xf32>, vector<16xi32> -> vector<16xf32>
      %mul3A_390 = arith.constant 32 : i32
      %mul3A_391 = arith.muli %scan3A_139, %mul3A_390 : i32
      %add3A_392 = arith.constant 17 : i32
      %add3A_393 = arith.addi %mul3A_391, %add3A_392 : i32
      %get3A_394 = arith.index_cast %add3A_393 : i32 to index
      %get3A_395 = arith.constant 0 : index
      %get3A_396 = tpu.vector_load %arg7[%get3A_394, %get3A_395] {strides = array<i32>} : memref<128x16xf32, #tpu.memory_space<vmem>>, vector<1x16xf32>,
      %get3A_397 = vector.shape_cast %get3A_396 : vector<1x16xf32> to vector<16xf32>
      %mul3A_398 = arith.mulf %gather3A_389, %get3A_397 : vector<16xf32>
      %add3A_399 = arith.addf %add3A_385, %mul3A_398 : vector<16xf32>
      %broadcast_in_dim3A_400 = arith.constant 2 : i32
      %broadcast_in_dim3A_401 = vector.broadcast %broadcast_in_dim3A_400 : i32 to vector<16x1xi32>
      %gather3A_402 = vector.shape_cast %broadcast_in_dim3A_401 : vector<16x1xi32> to vector<16xi32>
      %gather3A_403 = tpu.dynamic_gather %get3A_148[%gather3A_402] in [0] : vector<16xf32>, vector<16xi32> -> vector<16xf32>
      %mul3A_404 = arith.constant 32 : i32
      %mul3A_405 = arith.muli %scan3A_139, %mul3A_404 : i32
      %add3A_406 = arith.constant 18 : i32
      %add3A_407 = arith.addi %mul3A_405, %add3A_406 : i32
      %get3A_408 = arith.index_cast %add3A_407 : i32 to index
      %get3A_409 = arith.constant 0 : index
      %get3A_410 = tpu.vector_load %arg7[%get3A_408, %get3A_409] {strides = array<i32>} : memref<128x16xf32, #tpu.memory_space<vmem>>, vector<1x16xf32>,
      %get3A_411 = vector.shape_cast %get3A_410 : vector<1x16xf32> to vector<16xf32>
      %mul3A_412 = arith.mulf %gather3A_403, %get3A_411 : vector<16xf32>
      %add3A_413 = arith.addf %add3A_399, %mul3A_412 : vector<16xf32>
      %broadcast_in_dim3A_414 = arith.constant 3 : i32
      %broadcast_in_dim3A_415 = vector.broadcast %broadcast_in_dim3A_414 : i32 to vector<16x1xi32>
      %gather3A_416 = vector.shape_cast %broadcast_in_dim3A_415 : vector<16x1xi32> to vector<16xi32>
      %gather3A_417 = tpu.dynamic_gather %get3A_148[%gather3A_416] in [0] : vector<16xf32>, vector<16xi32> -> vector<16xf32>
      %mul3A_418 = arith.constant 32 : i32
      %mul3A_419 = arith.muli %scan3A_139, %mul3A_418 : i32
      %add3A_420 = arith.constant 19 : i32
      %add3A_421 = arith.addi %mul3A_419, %add3A_420 : i32
      %get3A_422 = arith.index_cast %add3A_421 : i32 to index
      %get3A_423 = arith.constant 0 : index
      %get3A_424 = tpu.vector_load %arg7[%get3A_422, %get3A_423] {strides = array<i32>} : memref<128x16xf32, #tpu.memory_space<vmem>>, vector<1x16xf32>,
      %get3A_425 = vector.shape_cast %get3A_424 : vector<1x16xf32> to vector<16xf32>
      %mul3A_426 = arith.mulf %gather3A_417, %get3A_425 : vector<16xf32>
      %add3A_427 = arith.addf %add3A_413, %mul3A_426 : vector<16xf32>
      %broadcast_in_dim3A_428 = arith.constant 4 : i32
      %broadcast_in_dim3A_429 = vector.broadcast %broadcast_in_dim3A_428 : i32 to vector<16x1xi32>
      %gather3A_430 = vector.shape_cast %broadcast_in_dim3A_429 : vector<16x1xi32> to vector<16xi32>
      %gather3A_431 = tpu.dynamic_gather %get3A_148[%gather3A_430] in [0] : vector<16xf32>, vector<16xi32> -> vector<16xf32>
      %mul3A_432 = arith.constant 32 : i32
      %mul3A_433 = arith.muli %scan3A_139, %mul3A_432 : i32
      %add3A_434 = arith.constant 20 : i32
      %add3A_435 = arith.addi %mul3A_433, %add3A_434 : i32
      %get3A_436 = arith.index_cast %add3A_435 : i32 to index
      %get3A_437 = arith.constant 0 : index
      %get3A_438 = tpu.vector_load %arg7[%get3A_436, %get3A_437] {strides = array<i32>} : memref<128x16xf32, #tpu.memory_space<vmem>>, vector<1x16xf32>,
      %get3A_439 = vector.shape_cast %get3A_438 : vector<1x16xf32> to vector<16xf32>
      %mul3A_440 = arith.mulf %gather3A_431, %get3A_439 : vector<16xf32>
      %add3A_441 = arith.addf %add3A_427, %mul3A_440 : vector<16xf32>
      %broadcast_in_dim3A_442 = arith.constant 5 : i32
      %broadcast_in_dim3A_443 = vector.broadcast %broadcast_in_dim3A_442 : i32 to vector<16x1xi32>
      %gather3A_444 = vector.shape_cast %broadcast_in_dim3A_443 : vector<16x1xi32> to vector<16xi32>
      %gather3A_445 = tpu.dynamic_gather %get3A_148[%gather3A_444] in [0] : vector<16xf32>, vector<16xi32> -> vector<16xf32>
      %mul3A_446 = arith.constant 32 : i32
      %mul3A_447 = arith.muli %scan3A_139, %mul3A_446 : i32
      %add3A_448 = arith.constant 21 : i32
      %add3A_449 = arith.addi %mul3A_447, %add3A_448 : i32
      %get3A_450 = arith.index_cast %add3A_449 : i32 to index
      %get3A_451 = arith.constant 0 : index
      %get3A_452 = tpu.vector_load %arg7[%get3A_450, %get3A_451] {strides = array<i32>} : memref<128x16xf32, #tpu.memory_space<vmem>>, vector<1x16xf32>,
      %get3A_453 = vector.shape_cast %get3A_452 : vector<1x16xf32> to vector<16xf32>
      %mul3A_454 = arith.mulf %gather3A_445, %get3A_453 : vector<16xf32>
      %add3A_455 = arith.addf %add3A_441, %mul3A_454 : vector<16xf32>
      %broadcast_in_dim3A_456 = arith.constant 6 : i32
      %broadcast_in_dim3A_457 = vector.broadcast %broadcast_in_dim3A_456 : i32 to vector<16x1xi32>
      %gather3A_458 = vector.shape_cast %broadcast_in_dim3A_457 : vector<16x1xi32> to vector<16xi32>
      %gather3A_459 = tpu.dynamic_gather %get3A_148[%gather3A_458] in [0] : vector<16xf32>, vector<16xi32> -> vector<16xf32>
      %mul3A_460 = arith.constant 32 : i32
      %mul3A_461 = arith.muli %scan3A_139, %mul3A_460 : i32
      %add3A_462 = arith.constant 22 : i32
      %add3A_463 = arith.addi %mul3A_461, %add3A_462 : i32
      %get3A_464 = arith.index_cast %add3A_463 : i32 to index
      %get3A_465 = arith.constant 0 : index
      %get3A_466 = tpu.vector_load %arg7[%get3A_464, %get3A_465] {strides = array<i32>} : memref<128x16xf32, #tpu.memory_space<vmem>>, vector<1x16xf32>,
      %get3A_467 = vector.shape_cast %get3A_466 : vector<1x16xf32> to vector<16xf32>
      %mul3A_468 = arith.mulf %gather3A_459, %get3A_467 : vector<16xf32>
      %add3A_469 = arith.addf %add3A_455, %mul3A_468 : vector<16xf32>
      %broadcast_in_dim3A_470 = arith.constant 7 : i32
      %broadcast_in_dim3A_471 = vector.broadcast %broadcast_in_dim3A_470 : i32 to vector<16x1xi32>
      %gather3A_472 = vector.shape_cast %broadcast_in_dim3A_471 : vector<16x1xi32> to vector<16xi32>
      %gather3A_473 = tpu.dynamic_gather %get3A_148[%gather3A_472] in [0] : vector<16xf32>, vector<16xi32> -> vector<16xf32>
      %mul3A_474 = arith.constant 32 : i32
      %mul3A_475 = arith.muli %scan3A_139, %mul3A_474 : i32
      %add3A_476 = arith.constant 23 : i32
      %add3A_477 = arith.addi %mul3A_475, %add3A_476 : i32
      %get3A_478 = arith.index_cast %add3A_477 : i32 to index
      %get3A_479 = arith.constant 0 : index
      %get3A_480 = tpu.vector_load %arg7[%get3A_478, %get3A_479] {strides = array<i32>} : memref<128x16xf32, #tpu.memory_space<vmem>>, vector<1x16xf32>,
      %get3A_481 = vector.shape_cast %get3A_480 : vector<1x16xf32> to vector<16xf32>
      %mul3A_482 = arith.mulf %gather3A_473, %get3A_481 : vector<16xf32>
      %add3A_483 = arith.addf %add3A_469, %mul3A_482 : vector<16xf32>
      %broadcast_in_dim3A_484 = arith.constant 8 : i32
      %broadcast_in_dim3A_485 = vector.broadcast %broadcast_in_dim3A_484 : i32 to vector<16x1xi32>
      %gather3A_486 = vector.shape_cast %broadcast_in_dim3A_485 : vector<16x1xi32> to vector<16xi32>
      %gather3A_487 = tpu.dynamic_gather %get3A_148[%gather3A_486] in [0] : vector<16xf32>, vector<16xi32> -> vector<16xf32>
      %mul3A_488 = arith.constant 32 : i32
      %mul3A_489 = arith.muli %scan3A_139, %mul3A_488 : i32
      %add3A_490 = arith.constant 24 : i32
      %add3A_491 = arith.addi %mul3A_489, %add3A_490 : i32
      %get3A_492 = arith.index_cast %add3A_491 : i32 to index
      %get3A_493 = arith.constant 0 : index
      %get3A_494 = tpu.vector_load %arg7[%get3A_492, %get3A_493] {strides = array<i32>} : memref<128x16xf32, #tpu.memory_space<vmem>>, vector<1x16xf32>,
      %get3A_495 = vector.shape_cast %get3A_494 : vector<1x16xf32> to vector<16xf32>
      %mul3A_496 = arith.mulf %gather3A_487, %get3A_495 : vector<16xf32>
      %add3A_497 = arith.addf %add3A_483, %mul3A_496 : vector<16xf32>
      %broadcast_in_dim3A_498 = arith.constant 9 : i32
      %broadcast_in_dim3A_499 = vector.broadcast %broadcast_in_dim3A_498 : i32 to vector<16x1xi32>
      %gather3A_500 = vector.shape_cast %broadcast_in_dim3A_499 : vector<16x1xi32> to vector<16xi32>
      %gather3A_501 = tpu.dynamic_gather %get3A_148[%gather3A_500] in [0] : vector<16xf32>, vector<16xi32> -> vector<16xf32>
      %mul3A_502 = arith.constant 32 : i32
      %mul3A_503 = arith.muli %scan3A_139, %mul3A_502 : i32
      %add3A_504 = arith.constant 25 : i32
      %add3A_505 = arith.addi %mul3A_503, %add3A_504 : i32
      %get3A_506 = arith.index_cast %add3A_505 : i32 to index
      %get3A_507 = arith.constant 0 : index
      %get3A_508 = tpu.vector_load %arg7[%get3A_506, %get3A_507] {strides = array<i32>} : memref<128x16xf32, #tpu.memory_space<vmem>>, vector<1x16xf32>,
      %get3A_509 = vector.shape_cast %get3A_508 : vector<1x16xf32> to vector<16xf32>
      %mul3A_510 = arith.mulf %gather3A_501, %get3A_509 : vector<16xf32>
      %add3A_511 = arith.addf %add3A_497, %mul3A_510 : vector<16xf32>
      %broadcast_in_dim3A_512 = arith.constant 10 : i32
      %broadcast_in_dim3A_513 = vector.broadcast %broadcast_in_dim3A_512 : i32 to vector<16x1xi32>
      %gather3A_514 = vector.shape_cast %broadcast_in_dim3A_513 : vector<16x1xi32> to vector<16xi32>
      %gather3A_515 = tpu.dynamic_gather %get3A_148[%gather3A_514] in [0] : vector<16xf32>, vector<16xi32> -> vector<16xf32>
      %mul3A_516 = arith.constant 32 : i32
      %mul3A_517 = arith.muli %scan3A_139, %mul3A_516 : i32
      %add3A_518 = arith.constant 26 : i32
      %add3A_519 = arith.addi %mul3A_517, %add3A_518 : i32
      %get3A_520 = arith.index_cast %add3A_519 : i32 to index
      %get3A_521 = arith.constant 0 : index
      %get3A_522 = tpu.vector_load %arg7[%get3A_520, %get3A_521] {strides = array<i32>} : memref<128x16xf32, #tpu.memory_space<vmem>>, vector<1x16xf32>,
      %get3A_523 = vector.shape_cast %get3A_522 : vector<1x16xf32> to vector<16xf32>
      %mul3A_524 = arith.mulf %gather3A_515, %get3A_523 : vector<16xf32>
      %add3A_525 = arith.addf %add3A_511, %mul3A_524 : vector<16xf32>
      %broadcast_in_dim3A_526 = arith.constant 11 : i32
      %broadcast_in_dim3A_527 = vector.broadcast %broadcast_in_dim3A_526 : i32 to vector<16x1xi32>
      %gather3A_528 = vector.shape_cast %broadcast_in_dim3A_527 : vector<16x1xi32> to vector<16xi32>
      %gather3A_529 = tpu.dynamic_gather %get3A_148[%gather3A_528] in [0] : vector<16xf32>, vector<16xi32> -> vector<16xf32>
      %mul3A_530 = arith.constant 32 : i32
      %mul3A_531 = arith.muli %scan3A_139, %mul3A_530 : i32
      %add3A_532 = arith.constant 27 : i32
      %add3A_533 = arith.addi %mul3A_531, %add3A_532 : i32
      %get3A_534 = arith.index_cast %add3A_533 : i32 to index
      %get3A_535 = arith.constant 0 : index
      %get3A_536 = tpu.vector_load %arg7[%get3A_534, %get3A_535] {strides = array<i32>} : memref<128x16xf32, #tpu.memory_space<vmem>>, vector<1x16xf32>,
      %get3A_537 = vector.shape_cast %get3A_536 : vector<1x16xf32> to vector<16xf32>
      %mul3A_538 = arith.mulf %gather3A_529, %get3A_537 : vector<16xf32>
      %add3A_539 = arith.addf %add3A_525, %mul3A_538 : vector<16xf32>
      %broadcast_in_dim3A_540 = arith.constant 12 : i32
      %broadcast_in_dim3A_541 = vector.broadcast %broadcast_in_dim3A_540 : i32 to vector<16x1xi32>
      %gather3A_542 = vector.shape_cast %broadcast_in_dim3A_541 : vector<16x1xi32> to vector<16xi32>
      %gather3A_543 = tpu.dynamic_gather %get3A_148[%gather3A_542] in [0] : vector<16xf32>, vector<16xi32> -> vector<16xf32>
      %mul3A_544 = arith.constant 32 : i32
      %mul3A_545 = arith.muli %scan3A_139, %mul3A_544 : i32
      %add3A_546 = arith.constant 28 : i32
      %add3A_547 = arith.addi %mul3A_545, %add3A_546 : i32
      %get3A_548 = arith.index_cast %add3A_547 : i32 to index
      %get3A_549 = arith.constant 0 : index
      %get3A_550 = tpu.vector_load %arg7[%get3A_548, %get3A_549] {strides = array<i32>} : memref<128x16xf32, #tpu.memory_space<vmem>>, vector<1x16xf32>,
      %get3A_551 = vector.shape_cast %get3A_550 : vector<1x16xf32> to vector<16xf32>
      %mul3A_552 = arith.mulf %gather3A_543, %get3A_551 : vector<16xf32>
      %add3A_553 = arith.addf %add3A_539, %mul3A_552 : vector<16xf32>
      %broadcast_in_dim3A_554 = arith.constant 13 : i32
      %broadcast_in_dim3A_555 = vector.broadcast %broadcast_in_dim3A_554 : i32 to vector<16x1xi32>
      %gather3A_556 = vector.shape_cast %broadcast_in_dim3A_555 : vector<16x1xi32> to vector<16xi32>
      %gather3A_557 = tpu.dynamic_gather %get3A_148[%gather3A_556] in [0] : vector<16xf32>, vector<16xi32> -> vector<16xf32>
      %mul3A_558 = arith.constant 32 : i32
      %mul3A_559 = arith.muli %scan3A_139, %mul3A_558 : i32
      %add3A_560 = arith.constant 29 : i32
      %add3A_561 = arith.addi %mul3A_559, %add3A_560 : i32
      %get3A_562 = arith.index_cast %add3A_561 : i32 to index
      %get3A_563 = arith.constant 0 : index
      %get3A_564 = tpu.vector_load %arg7[%get3A_562, %get3A_563] {strides = array<i32>} : memref<128x16xf32, #tpu.memory_space<vmem>>, vector<1x16xf32>,
      %get3A_565 = vector.shape_cast %get3A_564 : vector<1x16xf32> to vector<16xf32>
      %mul3A_566 = arith.mulf %gather3A_557, %get3A_565 : vector<16xf32>
      %add3A_567 = arith.addf %add3A_553, %mul3A_566 : vector<16xf32>
      %broadcast_in_dim3A_568 = arith.constant 14 : i32
      %broadcast_in_dim3A_569 = vector.broadcast %broadcast_in_dim3A_568 : i32 to vector<16x1xi32>
      %gather3A_570 = vector.shape_cast %broadcast_in_dim3A_569 : vector<16x1xi32> to vector<16xi32>
      %gather3A_571 = tpu.dynamic_gather %get3A_148[%gather3A_570] in [0] : vector<16xf32>, vector<16xi32> -> vector<16xf32>
      %mul3A_572 = arith.constant 32 : i32
      %mul3A_573 = arith.muli %scan3A_139, %mul3A_572 : i32
      %add3A_574 = arith.constant 30 : i32
      %add3A_575 = arith.addi %mul3A_573, %add3A_574 : i32
      %get3A_576 = arith.index_cast %add3A_575 : i32 to index
      %get3A_577 = arith.constant 0 : index
      %get3A_578 = tpu.vector_load %arg7[%get3A_576, %get3A_577] {strides = array<i32>} : memref<128x16xf32, #tpu.memory_space<vmem>>, vector<1x16xf32>,
      %get3A_579 = vector.shape_cast %get3A_578 : vector<1x16xf32> to vector<16xf32>
      %mul3A_580 = arith.mulf %gather3A_571, %get3A_579 : vector<16xf32>
      %add3A_581 = arith.addf %add3A_567, %mul3A_580 : vector<16xf32>
      %broadcast_in_dim3A_582 = arith.constant 15 : i32
      %broadcast_in_dim3A_583 = vector.broadcast %broadcast_in_dim3A_582 : i32 to vector<16x1xi32>
      %gather3A_584 = vector.shape_cast %broadcast_in_dim3A_583 : vector<16x1xi32> to vector<16xi32>
      %gather3A_585 = tpu.dynamic_gather %get3A_148[%gather3A_584] in [0] : vector<16xf32>, vector<16xi32> -> vector<16xf32>
      %mul3A_586 = arith.constant 32 : i32
      %mul3A_587 = arith.muli %scan3A_139, %mul3A_586 : i32
      %add3A_588 = arith.constant 31 : i32
      %add3A_589 = arith.addi %mul3A_587, %add3A_588 : i32
      %get3A_590 = arith.index_cast %add3A_589 : i32 to index
      %get3A_591 = arith.constant 0 : index
      %get3A_592 = tpu.vector_load %arg7[%get3A_590, %get3A_591] {strides = array<i32>} : memref<128x16xf32, #tpu.memory_space<vmem>>, vector<1x16xf32>,
      %get3A_593 = vector.shape_cast %get3A_592 : vector<1x16xf32> to vector<16xf32>
      %mul3A_594 = arith.mulf %gather3A_585, %get3A_593 : vector<16xf32>
      %add3A_595 = arith.addf %add3A_581, %mul3A_594 : vector<16xf32>
      %swap3A = arith.index_cast %add3A_141 : i32 to index
      %swap3A_596 = arith.constant 0 : index
      %swap3A_597 = tpu.vector_load %arg8[%swap3A, %swap3A_596] {strides = array<i32>} : memref<32x128xf32, #tpu.memory_space<vmem>>, vector<1x16xf32>,
      %swap3A_598 = vector.shape_cast %swap3A_597 : vector<1x16xf32> to vector<16xf32>
      %swap3A_599 = vector.shape_cast %add3A_595 : vector<16xf32> to vector<1x16xf32>
      tpu.vector_store %arg8[%swap3A, %swap3A_596], %swap3A_599 {strides = array<i32>} : memref<32x128xf32, #tpu.memory_space<vmem>>, vector<1x16xf32>,
      %swap3A_600 = arith.index_cast %add3A_141 : i32 to index
      %swap3A_601 = arith.constant 16 : index
      %swap3A_602 = tpu.vector_load %arg8[%swap3A_600, %swap3A_601] {strides = array<i32>} : memref<32x128xf32, #tpu.memory_space<vmem>>, vector<1x16xf32>,
      %swap3A_603 = vector.shape_cast %swap3A_602 : vector<1x16xf32> to vector<16xf32>
      %swap3A_604 = vector.shape_cast %broadcast_in_dim3A_8 : vector<16xf32> to vector<1x16xf32>
      tpu.vector_store %arg8[%swap3A_600, %swap3A_601], %swap3A_604 {strides = array<i32>} : memref<32x128xf32, #tpu.memory_space<vmem>>, vector<1x16xf32>,
      %swap3A_605 = arith.index_cast %add3A_141 : i32 to index
      %swap3A_606 = arith.constant 32 : index
      %swap3A_607 = tpu.vector_load %arg8[%swap3A_605, %swap3A_606] {strides = array<i32>} : memref<32x128xf32, #tpu.memory_space<vmem>>, vector<1x16xf32>,
      %swap3A_608 = vector.shape_cast %swap3A_607 : vector<1x16xf32> to vector<16xf32>
      %swap3A_609 = vector.shape_cast %broadcast_in_dim3A_8 : vector<16xf32> to vector<1x16xf32>
      tpu.vector_store %arg8[%swap3A_605, %swap3A_606], %swap3A_609 {strides = array<i32>} : memref<32x128xf32, #tpu.memory_space<vmem>>, vector<1x16xf32>,
      %swap3A_610 = arith.index_cast %add3A_141 : i32 to index
      %swap3A_611 = arith.constant 48 : index
      %swap3A_612 = tpu.vector_load %arg8[%swap3A_610, %swap3A_611] {strides = array<i32>} : memref<32x128xf32, #tpu.memory_space<vmem>>, vector<1x16xf32>,
      %swap3A_613 = vector.shape_cast %swap3A_612 : vector<1x16xf32> to vector<16xf32>
      %swap3A_614 = vector.shape_cast %broadcast_in_dim3A_8 : vector<16xf32> to vector<1x16xf32>
      tpu.vector_store %arg8[%swap3A_610, %swap3A_611], %swap3A_614 {strides = array<i32>} : memref<32x128xf32, #tpu.memory_space<vmem>>, vector<1x16xf32>,
      %swap3A_615 = arith.index_cast %add3A_141 : i32 to index
      %swap3A_616 = arith.constant 64 : index
      %swap3A_617 = tpu.vector_load %arg8[%swap3A_615, %swap3A_616] {strides = array<i32>} : memref<32x128xf32, #tpu.memory_space<vmem>>, vector<1x16xf32>,
      %swap3A_618 = vector.shape_cast %swap3A_617 : vector<1x16xf32> to vector<16xf32>
      %swap3A_619 = vector.shape_cast %broadcast_in_dim3A_8 : vector<16xf32> to vector<1x16xf32>
      tpu.vector_store %arg8[%swap3A_615, %swap3A_616], %swap3A_619 {strides = array<i32>} : memref<32x128xf32, #tpu.memory_space<vmem>>, vector<1x16xf32>,
      %swap3A_620 = arith.index_cast %add3A_141 : i32 to index
      %swap3A_621 = arith.constant 80 : index
      %swap3A_622 = tpu.vector_load %arg8[%swap3A_620, %swap3A_621] {strides = array<i32>} : memref<32x128xf32, #tpu.memory_space<vmem>>, vector<1x16xf32>,
      %swap3A_623 = vector.shape_cast %swap3A_622 : vector<1x16xf32> to vector<16xf32>
      %swap3A_624 = vector.shape_cast %broadcast_in_dim3A_8 : vector<16xf32> to vector<1x16xf32>
      tpu.vector_store %arg8[%swap3A_620, %swap3A_621], %swap3A_624 {strides = array<i32>} : memref<32x128xf32, #tpu.memory_space<vmem>>, vector<1x16xf32>,
      %swap3A_625 = arith.index_cast %add3A_141 : i32 to index
      %swap3A_626 = arith.constant 96 : index
      %swap3A_627 = tpu.vector_load %arg8[%swap3A_625, %swap3A_626] {strides = array<i32>} : memref<32x128xf32, #tpu.memory_space<vmem>>, vector<1x16xf32>,
      %swap3A_628 = vector.shape_cast %swap3A_627 : vector<1x16xf32> to vector<16xf32>
      %swap3A_629 = vector.shape_cast %broadcast_in_dim3A_8 : vector<16xf32> to vector<1x16xf32>
      tpu.vector_store %arg8[%swap3A_625, %swap3A_626], %swap3A_629 {strides = array<i32>} : memref<32x128xf32, #tpu.memory_space<vmem>>, vector<1x16xf32>,
      %swap3A_630 = arith.index_cast %add3A_141 : i32 to index
      %swap3A_631 = arith.constant 112 : index
      %swap3A_632 = tpu.vector_load %arg8[%swap3A_630, %swap3A_631] {strides = array<i32>} : memref<32x128xf32, #tpu.memory_space<vmem>>, vector<1x16xf32>,
      %swap3A_633 = vector.shape_cast %swap3A_632 : vector<1x16xf32> to vector<16xf32>
      %swap3A_634 = vector.shape_cast %broadcast_in_dim3A_8 : vector<16xf32> to vector<1x16xf32>
      tpu.vector_store %arg8[%swap3A_630, %swap3A_631], %swap3A_634 {strides = array<i32>} : memref<32x128xf32, #tpu.memory_space<vmem>>, vector<1x16xf32>,
    }
    %scan3A_108 = arith.constant 4 : i32
    %add3A_109 = arith.constant 896 : i32
    %add3A_110 = arith.addi %mul3A_4, %add3A_109 : i32
    %dma_start3A_111 = arith.constant 0 : i32
    %dma_start3A_112 = tpu.memref_slice %arg3[%add3A_110, %dma_start3A_111] : memref<32768x16xf32, #tpu.memory_space<hbm>> -> memref<128x16xf32, #tpu.memory_space<hbm>>
    %dma_start3A_113 = arith.constant 0 : i32
    %dma_start3A_114 = tpu.memref_slice %arg3[%add3A_110, %dma_start3A_113] : memref<32768x16xf32, #tpu.memory_space<hbm>> -> memref<128x16xf32, #tpu.memory_space<hbm>>
    tpu.enqueue_dma source(%dma_start3A_114 : memref<128x16xf32, #tpu.memory_space<hbm>>) target(%arg7 : memref<128x16xf32, #tpu.memory_space<vmem>>) target_semaphore(%arg10 : memref<!tpu.dma_semaphore, #tpu.memory_space<semaphore_mem>>)
    %add3A_115 = arith.constant 768 : i32
    %add3A_116 = arith.addi %mul3A_4, %add3A_115 : i32
    %dma_wait3A_117 = arith.constant 0 : i32
    %dma_wait3A_118 = tpu.memref_slice %arg3[%add3A_116, %dma_wait3A_117] : memref<32768x16xf32, #tpu.memory_space<hbm>> -> memref<128x16xf32, #tpu.memory_space<hbm>>
    %dma_wait3A_119 = arith.constant 0 : i32
    %dma_wait3A_120 = tpu.memref_slice %arg3[%add3A_116, %dma_wait3A_119] : memref<32768x16xf32, #tpu.memory_space<hbm>> -> memref<128x16xf32, #tpu.memory_space<hbm>>
    tpu.wait_dma2 semaphore(%arg9 : memref<!tpu.dma_semaphore, #tpu.memory_space<semaphore_mem>>) src(%dma_wait3A_120 : memref<128x16xf32, #tpu.memory_space<hbm>>) dst(%arg6 : memref<128x16xf32, #tpu.memory_space<vmem>>)
    %scan3A_121 = arith.constant 0 : i32
    %scan3A_122 = arith.constant 4 : i32
    %scan3A_123 = arith.addi %scan3A_121, %scan3A_122 : i32
    %scan3A_124 = arith.constant 1 : i32
    scf.for %scan3A_139 = %scan3A_121 to %scan3A_123 step %scan3A_124  : i32 {
      %add3A_140 = arith.constant 24 : i32
      %add3A_141 = arith.addi %add3A_140, %scan3A_139 : i32
      %get3A = arith.index_cast %add3A_141 : i32 to index
      %get3A_142 = arith.constant 0 : index
      %get3A_143 = tpu.vector_load %arg5[%get3A, %get3A_142] {strides = array<i32>} : memref<32x32xf32, #tpu.memory_space<vmem>>, vector<1x16xf32>,
      %get3A_144 = vector.shape_cast %get3A_143 : vector<1x16xf32> to vector<16xf32>
      %get3A_145 = arith.index_cast %add3A_141 : i32 to index
      %get3A_146 = arith.constant 16 : index
      %get3A_147 = tpu.vector_load %arg5[%get3A_145, %get3A_146] {strides = array<i32>} : memref<32x32xf32, #tpu.memory_space<vmem>>, vector<1x16xf32>,
      %get3A_148 = vector.shape_cast %get3A_147 : vector<1x16xf32> to vector<16xf32>
      %broadcast_in_dim3A_149 = arith.constant 0 : i32
      %broadcast_in_dim3A_150 = vector.broadcast %broadcast_in_dim3A_149 : i32 to vector<16x1xi32>
      %gather3A = vector.shape_cast %broadcast_in_dim3A_150 : vector<16x1xi32> to vector<16xi32>
      %gather3A_151 = tpu.dynamic_gather %get3A_144[%gather3A] in [0] : vector<16xf32>, vector<16xi32> -> vector<16xf32>
      %mul3A_152 = arith.constant 32 : i32
      %mul3A_153 = arith.muli %scan3A_139, %mul3A_152 : i32
      %add3A_154 = arith.constant 0 : i32
      %add3A_155 = arith.addi %mul3A_153, %add3A_154 : i32
      %get3A_156 = arith.index_cast %add3A_155 : i32 to index
      %get3A_157 = arith.constant 0 : index
      %get3A_158 = tpu.vector_load %arg6[%get3A_156, %get3A_157] {strides = array<i32>} : memref<128x16xf32, #tpu.memory_space<vmem>>, vector<1x16xf32>,
      %get3A_159 = vector.shape_cast %get3A_158 : vector<1x16xf32> to vector<16xf32>
      %mul3A_160 = arith.mulf %gather3A_151, %get3A_159 : vector<16xf32>
      %add3A_161 = arith.addf %broadcast_in_dim3A_8, %mul3A_160 : vector<16xf32>
      %broadcast_in_dim3A_162 = arith.constant 1 : i32
      %broadcast_in_dim3A_163 = vector.broadcast %broadcast_in_dim3A_162 : i32 to vector<16x1xi32>
      %gather3A_164 = vector.shape_cast %broadcast_in_dim3A_163 : vector<16x1xi32> to vector<16xi32>
      %gather3A_165 = tpu.dynamic_gather %get3A_144[%gather3A_164] in [0] : vector<16xf32>, vector<16xi32> -> vector<16xf32>
      %mul3A_166 = arith.constant 32 : i32
      %mul3A_167 = arith.muli %scan3A_139, %mul3A_166 : i32
      %add3A_168 = arith.constant 1 : i32
      %add3A_169 = arith.addi %mul3A_167, %add3A_168 : i32
      %get3A_170 = arith.index_cast %add3A_169 : i32 to index
      %get3A_171 = arith.constant 0 : index
      %get3A_172 = tpu.vector_load %arg6[%get3A_170, %get3A_171] {strides = array<i32>} : memref<128x16xf32, #tpu.memory_space<vmem>>, vector<1x16xf32>,
      %get3A_173 = vector.shape_cast %get3A_172 : vector<1x16xf32> to vector<16xf32>
      %mul3A_174 = arith.mulf %gather3A_165, %get3A_173 : vector<16xf32>
      %add3A_175 = arith.addf %add3A_161, %mul3A_174 : vector<16xf32>
      %broadcast_in_dim3A_176 = arith.constant 2 : i32
      %broadcast_in_dim3A_177 = vector.broadcast %broadcast_in_dim3A_176 : i32 to vector<16x1xi32>
      %gather3A_178 = vector.shape_cast %broadcast_in_dim3A_177 : vector<16x1xi32> to vector<16xi32>
      %gather3A_179 = tpu.dynamic_gather %get3A_144[%gather3A_178] in [0] : vector<16xf32>, vector<16xi32> -> vector<16xf32>
      %mul3A_180 = arith.constant 32 : i32
      %mul3A_181 = arith.muli %scan3A_139, %mul3A_180 : i32
      %add3A_182 = arith.constant 2 : i32
      %add3A_183 = arith.addi %mul3A_181, %add3A_182 : i32
      %get3A_184 = arith.index_cast %add3A_183 : i32 to index
      %get3A_185 = arith.constant 0 : index
      %get3A_186 = tpu.vector_load %arg6[%get3A_184, %get3A_185] {strides = array<i32>} : memref<128x16xf32, #tpu.memory_space<vmem>>, vector<1x16xf32>,
      %get3A_187 = vector.shape_cast %get3A_186 : vector<1x16xf32> to vector<16xf32>
      %mul3A_188 = arith.mulf %gather3A_179, %get3A_187 : vector<16xf32>
      %add3A_189 = arith.addf %add3A_175, %mul3A_188 : vector<16xf32>
      %broadcast_in_dim3A_190 = arith.constant 3 : i32
      %broadcast_in_dim3A_191 = vector.broadcast %broadcast_in_dim3A_190 : i32 to vector<16x1xi32>
      %gather3A_192 = vector.shape_cast %broadcast_in_dim3A_191 : vector<16x1xi32> to vector<16xi32>
      %gather3A_193 = tpu.dynamic_gather %get3A_144[%gather3A_192] in [0] : vector<16xf32>, vector<16xi32> -> vector<16xf32>
      %mul3A_194 = arith.constant 32 : i32
      %mul3A_195 = arith.muli %scan3A_139, %mul3A_194 : i32
      %add3A_196 = arith.constant 3 : i32
      %add3A_197 = arith.addi %mul3A_195, %add3A_196 : i32
      %get3A_198 = arith.index_cast %add3A_197 : i32 to index
      %get3A_199 = arith.constant 0 : index
      %get3A_200 = tpu.vector_load %arg6[%get3A_198, %get3A_199] {strides = array<i32>} : memref<128x16xf32, #tpu.memory_space<vmem>>, vector<1x16xf32>,
      %get3A_201 = vector.shape_cast %get3A_200 : vector<1x16xf32> to vector<16xf32>
      %mul3A_202 = arith.mulf %gather3A_193, %get3A_201 : vector<16xf32>
      %add3A_203 = arith.addf %add3A_189, %mul3A_202 : vector<16xf32>
      %broadcast_in_dim3A_204 = arith.constant 4 : i32
      %broadcast_in_dim3A_205 = vector.broadcast %broadcast_in_dim3A_204 : i32 to vector<16x1xi32>
      %gather3A_206 = vector.shape_cast %broadcast_in_dim3A_205 : vector<16x1xi32> to vector<16xi32>
      %gather3A_207 = tpu.dynamic_gather %get3A_144[%gather3A_206] in [0] : vector<16xf32>, vector<16xi32> -> vector<16xf32>
      %mul3A_208 = arith.constant 32 : i32
      %mul3A_209 = arith.muli %scan3A_139, %mul3A_208 : i32
      %add3A_210 = arith.constant 4 : i32
      %add3A_211 = arith.addi %mul3A_209, %add3A_210 : i32
      %get3A_212 = arith.index_cast %add3A_211 : i32 to index
      %get3A_213 = arith.constant 0 : index
      %get3A_214 = tpu.vector_load %arg6[%get3A_212, %get3A_213] {strides = array<i32>} : memref<128x16xf32, #tpu.memory_space<vmem>>, vector<1x16xf32>,
      %get3A_215 = vector.shape_cast %get3A_214 : vector<1x16xf32> to vector<16xf32>
      %mul3A_216 = arith.mulf %gather3A_207, %get3A_215 : vector<16xf32>
      %add3A_217 = arith.addf %add3A_203, %mul3A_216 : vector<16xf32>
      %broadcast_in_dim3A_218 = arith.constant 5 : i32
      %broadcast_in_dim3A_219 = vector.broadcast %broadcast_in_dim3A_218 : i32 to vector<16x1xi32>
      %gather3A_220 = vector.shape_cast %broadcast_in_dim3A_219 : vector<16x1xi32> to vector<16xi32>
      %gather3A_221 = tpu.dynamic_gather %get3A_144[%gather3A_220] in [0] : vector<16xf32>, vector<16xi32> -> vector<16xf32>
      %mul3A_222 = arith.constant 32 : i32
      %mul3A_223 = arith.muli %scan3A_139, %mul3A_222 : i32
      %add3A_224 = arith.constant 5 : i32
      %add3A_225 = arith.addi %mul3A_223, %add3A_224 : i32
      %get3A_226 = arith.index_cast %add3A_225 : i32 to index
      %get3A_227 = arith.constant 0 : index
      %get3A_228 = tpu.vector_load %arg6[%get3A_226, %get3A_227] {strides = array<i32>} : memref<128x16xf32, #tpu.memory_space<vmem>>, vector<1x16xf32>,
      %get3A_229 = vector.shape_cast %get3A_228 : vector<1x16xf32> to vector<16xf32>
      %mul3A_230 = arith.mulf %gather3A_221, %get3A_229 : vector<16xf32>
      %add3A_231 = arith.addf %add3A_217, %mul3A_230 : vector<16xf32>
      %broadcast_in_dim3A_232 = arith.constant 6 : i32
      %broadcast_in_dim3A_233 = vector.broadcast %broadcast_in_dim3A_232 : i32 to vector<16x1xi32>
      %gather3A_234 = vector.shape_cast %broadcast_in_dim3A_233 : vector<16x1xi32> to vector<16xi32>
      %gather3A_235 = tpu.dynamic_gather %get3A_144[%gather3A_234] in [0] : vector<16xf32>, vector<16xi32> -> vector<16xf32>
      %mul3A_236 = arith.constant 32 : i32
      %mul3A_237 = arith.muli %scan3A_139, %mul3A_236 : i32
      %add3A_238 = arith.constant 6 : i32
      %add3A_239 = arith.addi %mul3A_237, %add3A_238 : i32
      %get3A_240 = arith.index_cast %add3A_239 : i32 to index
      %get3A_241 = arith.constant 0 : index
      %get3A_242 = tpu.vector_load %arg6[%get3A_240, %get3A_241] {strides = array<i32>} : memref<128x16xf32, #tpu.memory_space<vmem>>, vector<1x16xf32>,
      %get3A_243 = vector.shape_cast %get3A_242 : vector<1x16xf32> to vector<16xf32>
      %mul3A_244 = arith.mulf %gather3A_235, %get3A_243 : vector<16xf32>
      %add3A_245 = arith.addf %add3A_231, %mul3A_244 : vector<16xf32>
      %broadcast_in_dim3A_246 = arith.constant 7 : i32
      %broadcast_in_dim3A_247 = vector.broadcast %broadcast_in_dim3A_246 : i32 to vector<16x1xi32>
      %gather3A_248 = vector.shape_cast %broadcast_in_dim3A_247 : vector<16x1xi32> to vector<16xi32>
      %gather3A_249 = tpu.dynamic_gather %get3A_144[%gather3A_248] in [0] : vector<16xf32>, vector<16xi32> -> vector<16xf32>
      %mul3A_250 = arith.constant 32 : i32
      %mul3A_251 = arith.muli %scan3A_139, %mul3A_250 : i32
      %add3A_252 = arith.constant 7 : i32
      %add3A_253 = arith.addi %mul3A_251, %add3A_252 : i32
      %get3A_254 = arith.index_cast %add3A_253 : i32 to index
      %get3A_255 = arith.constant 0 : index
      %get3A_256 = tpu.vector_load %arg6[%get3A_254, %get3A_255] {strides = array<i32>} : memref<128x16xf32, #tpu.memory_space<vmem>>, vector<1x16xf32>,
      %get3A_257 = vector.shape_cast %get3A_256 : vector<1x16xf32> to vector<16xf32>
      %mul3A_258 = arith.mulf %gather3A_249, %get3A_257 : vector<16xf32>
      %add3A_259 = arith.addf %add3A_245, %mul3A_258 : vector<16xf32>
      %broadcast_in_dim3A_260 = arith.constant 8 : i32
      %broadcast_in_dim3A_261 = vector.broadcast %broadcast_in_dim3A_260 : i32 to vector<16x1xi32>
      %gather3A_262 = vector.shape_cast %broadcast_in_dim3A_261 : vector<16x1xi32> to vector<16xi32>
      %gather3A_263 = tpu.dynamic_gather %get3A_144[%gather3A_262] in [0] : vector<16xf32>, vector<16xi32> -> vector<16xf32>
      %mul3A_264 = arith.constant 32 : i32
      %mul3A_265 = arith.muli %scan3A_139, %mul3A_264 : i32
      %add3A_266 = arith.constant 8 : i32
      %add3A_267 = arith.addi %mul3A_265, %add3A_266 : i32
      %get3A_268 = arith.index_cast %add3A_267 : i32 to index
      %get3A_269 = arith.constant 0 : index
      %get3A_270 = tpu.vector_load %arg6[%get3A_268, %get3A_269] {strides = array<i32>} : memref<128x16xf32, #tpu.memory_space<vmem>>, vector<1x16xf32>,
      %get3A_271 = vector.shape_cast %get3A_270 : vector<1x16xf32> to vector<16xf32>
      %mul3A_272 = arith.mulf %gather3A_263, %get3A_271 : vector<16xf32>
      %add3A_273 = arith.addf %add3A_259, %mul3A_272 : vector<16xf32>
      %broadcast_in_dim3A_274 = arith.constant 9 : i32
      %broadcast_in_dim3A_275 = vector.broadcast %broadcast_in_dim3A_274 : i32 to vector<16x1xi32>
      %gather3A_276 = vector.shape_cast %broadcast_in_dim3A_275 : vector<16x1xi32> to vector<16xi32>
      %gather3A_277 = tpu.dynamic_gather %get3A_144[%gather3A_276] in [0] : vector<16xf32>, vector<16xi32> -> vector<16xf32>
      %mul3A_278 = arith.constant 32 : i32
      %mul3A_279 = arith.muli %scan3A_139, %mul3A_278 : i32
      %add3A_280 = arith.constant 9 : i32
      %add3A_281 = arith.addi %mul3A_279, %add3A_280 : i32
      %get3A_282 = arith.index_cast %add3A_281 : i32 to index
      %get3A_283 = arith.constant 0 : index
      %get3A_284 = tpu.vector_load %arg6[%get3A_282, %get3A_283] {strides = array<i32>} : memref<128x16xf32, #tpu.memory_space<vmem>>, vector<1x16xf32>,
      %get3A_285 = vector.shape_cast %get3A_284 : vector<1x16xf32> to vector<16xf32>
      %mul3A_286 = arith.mulf %gather3A_277, %get3A_285 : vector<16xf32>
      %add3A_287 = arith.addf %add3A_273, %mul3A_286 : vector<16xf32>
      %broadcast_in_dim3A_288 = arith.constant 10 : i32
      %broadcast_in_dim3A_289 = vector.broadcast %broadcast_in_dim3A_288 : i32 to vector<16x1xi32>
      %gather3A_290 = vector.shape_cast %broadcast_in_dim3A_289 : vector<16x1xi32> to vector<16xi32>
      %gather3A_291 = tpu.dynamic_gather %get3A_144[%gather3A_290] in [0] : vector<16xf32>, vector<16xi32> -> vector<16xf32>
      %mul3A_292 = arith.constant 32 : i32
      %mul3A_293 = arith.muli %scan3A_139, %mul3A_292 : i32
      %add3A_294 = arith.constant 10 : i32
      %add3A_295 = arith.addi %mul3A_293, %add3A_294 : i32
      %get3A_296 = arith.index_cast %add3A_295 : i32 to index
      %get3A_297 = arith.constant 0 : index
      %get3A_298 = tpu.vector_load %arg6[%get3A_296, %get3A_297] {strides = array<i32>} : memref<128x16xf32, #tpu.memory_space<vmem>>, vector<1x16xf32>,
      %get3A_299 = vector.shape_cast %get3A_298 : vector<1x16xf32> to vector<16xf32>
      %mul3A_300 = arith.mulf %gather3A_291, %get3A_299 : vector<16xf32>
      %add3A_301 = arith.addf %add3A_287, %mul3A_300 : vector<16xf32>
      %broadcast_in_dim3A_302 = arith.constant 11 : i32
      %broadcast_in_dim3A_303 = vector.broadcast %broadcast_in_dim3A_302 : i32 to vector<16x1xi32>
      %gather3A_304 = vector.shape_cast %broadcast_in_dim3A_303 : vector<16x1xi32> to vector<16xi32>
      %gather3A_305 = tpu.dynamic_gather %get3A_144[%gather3A_304] in [0] : vector<16xf32>, vector<16xi32> -> vector<16xf32>
      %mul3A_306 = arith.constant 32 : i32
      %mul3A_307 = arith.muli %scan3A_139, %mul3A_306 : i32
      %add3A_308 = arith.constant 11 : i32
      %add3A_309 = arith.addi %mul3A_307, %add3A_308 : i32
      %get3A_310 = arith.index_cast %add3A_309 : i32 to index
      %get3A_311 = arith.constant 0 : index
      %get3A_312 = tpu.vector_load %arg6[%get3A_310, %get3A_311] {strides = array<i32>} : memref<128x16xf32, #tpu.memory_space<vmem>>, vector<1x16xf32>,
      %get3A_313 = vector.shape_cast %get3A_312 : vector<1x16xf32> to vector<16xf32>
      %mul3A_314 = arith.mulf %gather3A_305, %get3A_313 : vector<16xf32>
      %add3A_315 = arith.addf %add3A_301, %mul3A_314 : vector<16xf32>
      %broadcast_in_dim3A_316 = arith.constant 12 : i32
      %broadcast_in_dim3A_317 = vector.broadcast %broadcast_in_dim3A_316 : i32 to vector<16x1xi32>
      %gather3A_318 = vector.shape_cast %broadcast_in_dim3A_317 : vector<16x1xi32> to vector<16xi32>
      %gather3A_319 = tpu.dynamic_gather %get3A_144[%gather3A_318] in [0] : vector<16xf32>, vector<16xi32> -> vector<16xf32>
      %mul3A_320 = arith.constant 32 : i32
      %mul3A_321 = arith.muli %scan3A_139, %mul3A_320 : i32
      %add3A_322 = arith.constant 12 : i32
      %add3A_323 = arith.addi %mul3A_321, %add3A_322 : i32
      %get3A_324 = arith.index_cast %add3A_323 : i32 to index
      %get3A_325 = arith.constant 0 : index
      %get3A_326 = tpu.vector_load %arg6[%get3A_324, %get3A_325] {strides = array<i32>} : memref<128x16xf32, #tpu.memory_space<vmem>>, vector<1x16xf32>,
      %get3A_327 = vector.shape_cast %get3A_326 : vector<1x16xf32> to vector<16xf32>
      %mul3A_328 = arith.mulf %gather3A_319, %get3A_327 : vector<16xf32>
      %add3A_329 = arith.addf %add3A_315, %mul3A_328 : vector<16xf32>
      %broadcast_in_dim3A_330 = arith.constant 13 : i32
      %broadcast_in_dim3A_331 = vector.broadcast %broadcast_in_dim3A_330 : i32 to vector<16x1xi32>
      %gather3A_332 = vector.shape_cast %broadcast_in_dim3A_331 : vector<16x1xi32> to vector<16xi32>
      %gather3A_333 = tpu.dynamic_gather %get3A_144[%gather3A_332] in [0] : vector<16xf32>, vector<16xi32> -> vector<16xf32>
      %mul3A_334 = arith.constant 32 : i32
      %mul3A_335 = arith.muli %scan3A_139, %mul3A_334 : i32
      %add3A_336 = arith.constant 13 : i32
      %add3A_337 = arith.addi %mul3A_335, %add3A_336 : i32
      %get3A_338 = arith.index_cast %add3A_337 : i32 to index
      %get3A_339 = arith.constant 0 : index
      %get3A_340 = tpu.vector_load %arg6[%get3A_338, %get3A_339] {strides = array<i32>} : memref<128x16xf32, #tpu.memory_space<vmem>>, vector<1x16xf32>,
      %get3A_341 = vector.shape_cast %get3A_340 : vector<1x16xf32> to vector<16xf32>
      %mul3A_342 = arith.mulf %gather3A_333, %get3A_341 : vector<16xf32>
      %add3A_343 = arith.addf %add3A_329, %mul3A_342 : vector<16xf32>
      %broadcast_in_dim3A_344 = arith.constant 14 : i32
      %broadcast_in_dim3A_345 = vector.broadcast %broadcast_in_dim3A_344 : i32 to vector<16x1xi32>
      %gather3A_346 = vector.shape_cast %broadcast_in_dim3A_345 : vector<16x1xi32> to vector<16xi32>
      %gather3A_347 = tpu.dynamic_gather %get3A_144[%gather3A_346] in [0] : vector<16xf32>, vector<16xi32> -> vector<16xf32>
      %mul3A_348 = arith.constant 32 : i32
      %mul3A_349 = arith.muli %scan3A_139, %mul3A_348 : i32
      %add3A_350 = arith.constant 14 : i32
      %add3A_351 = arith.addi %mul3A_349, %add3A_350 : i32
      %get3A_352 = arith.index_cast %add3A_351 : i32 to index
      %get3A_353 = arith.constant 0 : index
      %get3A_354 = tpu.vector_load %arg6[%get3A_352, %get3A_353] {strides = array<i32>} : memref<128x16xf32, #tpu.memory_space<vmem>>, vector<1x16xf32>,
      %get3A_355 = vector.shape_cast %get3A_354 : vector<1x16xf32> to vector<16xf32>
      %mul3A_356 = arith.mulf %gather3A_347, %get3A_355 : vector<16xf32>
      %add3A_357 = arith.addf %add3A_343, %mul3A_356 : vector<16xf32>
      %broadcast_in_dim3A_358 = arith.constant 15 : i32
      %broadcast_in_dim3A_359 = vector.broadcast %broadcast_in_dim3A_358 : i32 to vector<16x1xi32>
      %gather3A_360 = vector.shape_cast %broadcast_in_dim3A_359 : vector<16x1xi32> to vector<16xi32>
      %gather3A_361 = tpu.dynamic_gather %get3A_144[%gather3A_360] in [0] : vector<16xf32>, vector<16xi32> -> vector<16xf32>
      %mul3A_362 = arith.constant 32 : i32
      %mul3A_363 = arith.muli %scan3A_139, %mul3A_362 : i32
      %add3A_364 = arith.constant 15 : i32
      %add3A_365 = arith.addi %mul3A_363, %add3A_364 : i32
      %get3A_366 = arith.index_cast %add3A_365 : i32 to index
      %get3A_367 = arith.constant 0 : index
      %get3A_368 = tpu.vector_load %arg6[%get3A_366, %get3A_367] {strides = array<i32>} : memref<128x16xf32, #tpu.memory_space<vmem>>, vector<1x16xf32>,
      %get3A_369 = vector.shape_cast %get3A_368 : vector<1x16xf32> to vector<16xf32>
      %mul3A_370 = arith.mulf %gather3A_361, %get3A_369 : vector<16xf32>
      %add3A_371 = arith.addf %add3A_357, %mul3A_370 : vector<16xf32>
      %broadcast_in_dim3A_372 = arith.constant 0 : i32
      %broadcast_in_dim3A_373 = vector.broadcast %broadcast_in_dim3A_372 : i32 to vector<16x1xi32>
      %gather3A_374 = vector.shape_cast %broadcast_in_dim3A_373 : vector<16x1xi32> to vector<16xi32>
      %gather3A_375 = tpu.dynamic_gather %get3A_148[%gather3A_374] in [0] : vector<16xf32>, vector<16xi32> -> vector<16xf32>
      %mul3A_376 = arith.constant 32 : i32
      %mul3A_377 = arith.muli %scan3A_139, %mul3A_376 : i32
      %add3A_378 = arith.constant 16 : i32
      %add3A_379 = arith.addi %mul3A_377, %add3A_378 : i32
      %get3A_380 = arith.index_cast %add3A_379 : i32 to index
      %get3A_381 = arith.constant 0 : index
      %get3A_382 = tpu.vector_load %arg6[%get3A_380, %get3A_381] {strides = array<i32>} : memref<128x16xf32, #tpu.memory_space<vmem>>, vector<1x16xf32>,
      %get3A_383 = vector.shape_cast %get3A_382 : vector<1x16xf32> to vector<16xf32>
      %mul3A_384 = arith.mulf %gather3A_375, %get3A_383 : vector<16xf32>
      %add3A_385 = arith.addf %add3A_371, %mul3A_384 : vector<16xf32>
      %broadcast_in_dim3A_386 = arith.constant 1 : i32
      %broadcast_in_dim3A_387 = vector.broadcast %broadcast_in_dim3A_386 : i32 to vector<16x1xi32>
      %gather3A_388 = vector.shape_cast %broadcast_in_dim3A_387 : vector<16x1xi32> to vector<16xi32>
      %gather3A_389 = tpu.dynamic_gather %get3A_148[%gather3A_388] in [0] : vector<16xf32>, vector<16xi32> -> vector<16xf32>
      %mul3A_390 = arith.constant 32 : i32
      %mul3A_391 = arith.muli %scan3A_139, %mul3A_390 : i32
      %add3A_392 = arith.constant 17 : i32
      %add3A_393 = arith.addi %mul3A_391, %add3A_392 : i32
      %get3A_394 = arith.index_cast %add3A_393 : i32 to index
      %get3A_395 = arith.constant 0 : index
      %get3A_396 = tpu.vector_load %arg6[%get3A_394, %get3A_395] {strides = array<i32>} : memref<128x16xf32, #tpu.memory_space<vmem>>, vector<1x16xf32>,
      %get3A_397 = vector.shape_cast %get3A_396 : vector<1x16xf32> to vector<16xf32>
      %mul3A_398 = arith.mulf %gather3A_389, %get3A_397 : vector<16xf32>
      %add3A_399 = arith.addf %add3A_385, %mul3A_398 : vector<16xf32>
      %broadcast_in_dim3A_400 = arith.constant 2 : i32
      %broadcast_in_dim3A_401 = vector.broadcast %broadcast_in_dim3A_400 : i32 to vector<16x1xi32>
      %gather3A_402 = vector.shape_cast %broadcast_in_dim3A_401 : vector<16x1xi32> to vector<16xi32>
      %gather3A_403 = tpu.dynamic_gather %get3A_148[%gather3A_402] in [0] : vector<16xf32>, vector<16xi32> -> vector<16xf32>
      %mul3A_404 = arith.constant 32 : i32
      %mul3A_405 = arith.muli %scan3A_139, %mul3A_404 : i32
      %add3A_406 = arith.constant 18 : i32
      %add3A_407 = arith.addi %mul3A_405, %add3A_406 : i32
      %get3A_408 = arith.index_cast %add3A_407 : i32 to index
      %get3A_409 = arith.constant 0 : index
      %get3A_410 = tpu.vector_load %arg6[%get3A_408, %get3A_409] {strides = array<i32>} : memref<128x16xf32, #tpu.memory_space<vmem>>, vector<1x16xf32>,
      %get3A_411 = vector.shape_cast %get3A_410 : vector<1x16xf32> to vector<16xf32>
      %mul3A_412 = arith.mulf %gather3A_403, %get3A_411 : vector<16xf32>
      %add3A_413 = arith.addf %add3A_399, %mul3A_412 : vector<16xf32>
      %broadcast_in_dim3A_414 = arith.constant 3 : i32
      %broadcast_in_dim3A_415 = vector.broadcast %broadcast_in_dim3A_414 : i32 to vector<16x1xi32>
      %gather3A_416 = vector.shape_cast %broadcast_in_dim3A_415 : vector<16x1xi32> to vector<16xi32>
      %gather3A_417 = tpu.dynamic_gather %get3A_148[%gather3A_416] in [0] : vector<16xf32>, vector<16xi32> -> vector<16xf32>
      %mul3A_418 = arith.constant 32 : i32
      %mul3A_419 = arith.muli %scan3A_139, %mul3A_418 : i32
      %add3A_420 = arith.constant 19 : i32
      %add3A_421 = arith.addi %mul3A_419, %add3A_420 : i32
      %get3A_422 = arith.index_cast %add3A_421 : i32 to index
      %get3A_423 = arith.constant 0 : index
      %get3A_424 = tpu.vector_load %arg6[%get3A_422, %get3A_423] {strides = array<i32>} : memref<128x16xf32, #tpu.memory_space<vmem>>, vector<1x16xf32>,
      %get3A_425 = vector.shape_cast %get3A_424 : vector<1x16xf32> to vector<16xf32>
      %mul3A_426 = arith.mulf %gather3A_417, %get3A_425 : vector<16xf32>
      %add3A_427 = arith.addf %add3A_413, %mul3A_426 : vector<16xf32>
      %broadcast_in_dim3A_428 = arith.constant 4 : i32
      %broadcast_in_dim3A_429 = vector.broadcast %broadcast_in_dim3A_428 : i32 to vector<16x1xi32>
      %gather3A_430 = vector.shape_cast %broadcast_in_dim3A_429 : vector<16x1xi32> to vector<16xi32>
      %gather3A_431 = tpu.dynamic_gather %get3A_148[%gather3A_430] in [0] : vector<16xf32>, vector<16xi32> -> vector<16xf32>
      %mul3A_432 = arith.constant 32 : i32
      %mul3A_433 = arith.muli %scan3A_139, %mul3A_432 : i32
      %add3A_434 = arith.constant 20 : i32
      %add3A_435 = arith.addi %mul3A_433, %add3A_434 : i32
      %get3A_436 = arith.index_cast %add3A_435 : i32 to index
      %get3A_437 = arith.constant 0 : index
      %get3A_438 = tpu.vector_load %arg6[%get3A_436, %get3A_437] {strides = array<i32>} : memref<128x16xf32, #tpu.memory_space<vmem>>, vector<1x16xf32>,
      %get3A_439 = vector.shape_cast %get3A_438 : vector<1x16xf32> to vector<16xf32>
      %mul3A_440 = arith.mulf %gather3A_431, %get3A_439 : vector<16xf32>
      %add3A_441 = arith.addf %add3A_427, %mul3A_440 : vector<16xf32>
      %broadcast_in_dim3A_442 = arith.constant 5 : i32
      %broadcast_in_dim3A_443 = vector.broadcast %broadcast_in_dim3A_442 : i32 to vector<16x1xi32>
      %gather3A_444 = vector.shape_cast %broadcast_in_dim3A_443 : vector<16x1xi32> to vector<16xi32>
      %gather3A_445 = tpu.dynamic_gather %get3A_148[%gather3A_444] in [0] : vector<16xf32>, vector<16xi32> -> vector<16xf32>
      %mul3A_446 = arith.constant 32 : i32
      %mul3A_447 = arith.muli %scan3A_139, %mul3A_446 : i32
      %add3A_448 = arith.constant 21 : i32
      %add3A_449 = arith.addi %mul3A_447, %add3A_448 : i32
      %get3A_450 = arith.index_cast %add3A_449 : i32 to index
      %get3A_451 = arith.constant 0 : index
      %get3A_452 = tpu.vector_load %arg6[%get3A_450, %get3A_451] {strides = array<i32>} : memref<128x16xf32, #tpu.memory_space<vmem>>, vector<1x16xf32>,
      %get3A_453 = vector.shape_cast %get3A_452 : vector<1x16xf32> to vector<16xf32>
      %mul3A_454 = arith.mulf %gather3A_445, %get3A_453 : vector<16xf32>
      %add3A_455 = arith.addf %add3A_441, %mul3A_454 : vector<16xf32>
      %broadcast_in_dim3A_456 = arith.constant 6 : i32
      %broadcast_in_dim3A_457 = vector.broadcast %broadcast_in_dim3A_456 : i32 to vector<16x1xi32>
      %gather3A_458 = vector.shape_cast %broadcast_in_dim3A_457 : vector<16x1xi32> to vector<16xi32>
      %gather3A_459 = tpu.dynamic_gather %get3A_148[%gather3A_458] in [0] : vector<16xf32>, vector<16xi32> -> vector<16xf32>
      %mul3A_460 = arith.constant 32 : i32
      %mul3A_461 = arith.muli %scan3A_139, %mul3A_460 : i32
      %add3A_462 = arith.constant 22 : i32
      %add3A_463 = arith.addi %mul3A_461, %add3A_462 : i32
      %get3A_464 = arith.index_cast %add3A_463 : i32 to index
      %get3A_465 = arith.constant 0 : index
      %get3A_466 = tpu.vector_load %arg6[%get3A_464, %get3A_465] {strides = array<i32>} : memref<128x16xf32, #tpu.memory_space<vmem>>, vector<1x16xf32>,
      %get3A_467 = vector.shape_cast %get3A_466 : vector<1x16xf32> to vector<16xf32>
      %mul3A_468 = arith.mulf %gather3A_459, %get3A_467 : vector<16xf32>
      %add3A_469 = arith.addf %add3A_455, %mul3A_468 : vector<16xf32>
      %broadcast_in_dim3A_470 = arith.constant 7 : i32
      %broadcast_in_dim3A_471 = vector.broadcast %broadcast_in_dim3A_470 : i32 to vector<16x1xi32>
      %gather3A_472 = vector.shape_cast %broadcast_in_dim3A_471 : vector<16x1xi32> to vector<16xi32>
      %gather3A_473 = tpu.dynamic_gather %get3A_148[%gather3A_472] in [0] : vector<16xf32>, vector<16xi32> -> vector<16xf32>
      %mul3A_474 = arith.constant 32 : i32
      %mul3A_475 = arith.muli %scan3A_139, %mul3A_474 : i32
      %add3A_476 = arith.constant 23 : i32
      %add3A_477 = arith.addi %mul3A_475, %add3A_476 : i32
      %get3A_478 = arith.index_cast %add3A_477 : i32 to index
      %get3A_479 = arith.constant 0 : index
      %get3A_480 = tpu.vector_load %arg6[%get3A_478, %get3A_479] {strides = array<i32>} : memref<128x16xf32, #tpu.memory_space<vmem>>, vector<1x16xf32>,
      %get3A_481 = vector.shape_cast %get3A_480 : vector<1x16xf32> to vector<16xf32>
      %mul3A_482 = arith.mulf %gather3A_473, %get3A_481 : vector<16xf32>
      %add3A_483 = arith.addf %add3A_469, %mul3A_482 : vector<16xf32>
      %broadcast_in_dim3A_484 = arith.constant 8 : i32
      %broadcast_in_dim3A_485 = vector.broadcast %broadcast_in_dim3A_484 : i32 to vector<16x1xi32>
      %gather3A_486 = vector.shape_cast %broadcast_in_dim3A_485 : vector<16x1xi32> to vector<16xi32>
      %gather3A_487 = tpu.dynamic_gather %get3A_148[%gather3A_486] in [0] : vector<16xf32>, vector<16xi32> -> vector<16xf32>
      %mul3A_488 = arith.constant 32 : i32
      %mul3A_489 = arith.muli %scan3A_139, %mul3A_488 : i32
      %add3A_490 = arith.constant 24 : i32
      %add3A_491 = arith.addi %mul3A_489, %add3A_490 : i32
      %get3A_492 = arith.index_cast %add3A_491 : i32 to index
      %get3A_493 = arith.constant 0 : index
      %get3A_494 = tpu.vector_load %arg6[%get3A_492, %get3A_493] {strides = array<i32>} : memref<128x16xf32, #tpu.memory_space<vmem>>, vector<1x16xf32>,
      %get3A_495 = vector.shape_cast %get3A_494 : vector<1x16xf32> to vector<16xf32>
      %mul3A_496 = arith.mulf %gather3A_487, %get3A_495 : vector<16xf32>
      %add3A_497 = arith.addf %add3A_483, %mul3A_496 : vector<16xf32>
      %broadcast_in_dim3A_498 = arith.constant 9 : i32
      %broadcast_in_dim3A_499 = vector.broadcast %broadcast_in_dim3A_498 : i32 to vector<16x1xi32>
      %gather3A_500 = vector.shape_cast %broadcast_in_dim3A_499 : vector<16x1xi32> to vector<16xi32>
      %gather3A_501 = tpu.dynamic_gather %get3A_148[%gather3A_500] in [0] : vector<16xf32>, vector<16xi32> -> vector<16xf32>
      %mul3A_502 = arith.constant 32 : i32
      %mul3A_503 = arith.muli %scan3A_139, %mul3A_502 : i32
      %add3A_504 = arith.constant 25 : i32
      %add3A_505 = arith.addi %mul3A_503, %add3A_504 : i32
      %get3A_506 = arith.index_cast %add3A_505 : i32 to index
      %get3A_507 = arith.constant 0 : index
      %get3A_508 = tpu.vector_load %arg6[%get3A_506, %get3A_507] {strides = array<i32>} : memref<128x16xf32, #tpu.memory_space<vmem>>, vector<1x16xf32>,
      %get3A_509 = vector.shape_cast %get3A_508 : vector<1x16xf32> to vector<16xf32>
      %mul3A_510 = arith.mulf %gather3A_501, %get3A_509 : vector<16xf32>
      %add3A_511 = arith.addf %add3A_497, %mul3A_510 : vector<16xf32>
      %broadcast_in_dim3A_512 = arith.constant 10 : i32
      %broadcast_in_dim3A_513 = vector.broadcast %broadcast_in_dim3A_512 : i32 to vector<16x1xi32>
      %gather3A_514 = vector.shape_cast %broadcast_in_dim3A_513 : vector<16x1xi32> to vector<16xi32>
      %gather3A_515 = tpu.dynamic_gather %get3A_148[%gather3A_514] in [0] : vector<16xf32>, vector<16xi32> -> vector<16xf32>
      %mul3A_516 = arith.constant 32 : i32
      %mul3A_517 = arith.muli %scan3A_139, %mul3A_516 : i32
      %add3A_518 = arith.constant 26 : i32
      %add3A_519 = arith.addi %mul3A_517, %add3A_518 : i32
      %get3A_520 = arith.index_cast %add3A_519 : i32 to index
      %get3A_521 = arith.constant 0 : index
      %get3A_522 = tpu.vector_load %arg6[%get3A_520, %get3A_521] {strides = array<i32>} : memref<128x16xf32, #tpu.memory_space<vmem>>, vector<1x16xf32>,
      %get3A_523 = vector.shape_cast %get3A_522 : vector<1x16xf32> to vector<16xf32>
      %mul3A_524 = arith.mulf %gather3A_515, %get3A_523 : vector<16xf32>
      %add3A_525 = arith.addf %add3A_511, %mul3A_524 : vector<16xf32>
      %broadcast_in_dim3A_526 = arith.constant 11 : i32
      %broadcast_in_dim3A_527 = vector.broadcast %broadcast_in_dim3A_526 : i32 to vector<16x1xi32>
      %gather3A_528 = vector.shape_cast %broadcast_in_dim3A_527 : vector<16x1xi32> to vector<16xi32>
      %gather3A_529 = tpu.dynamic_gather %get3A_148[%gather3A_528] in [0] : vector<16xf32>, vector<16xi32> -> vector<16xf32>
      %mul3A_530 = arith.constant 32 : i32
      %mul3A_531 = arith.muli %scan3A_139, %mul3A_530 : i32
      %add3A_532 = arith.constant 27 : i32
      %add3A_533 = arith.addi %mul3A_531, %add3A_532 : i32
      %get3A_534 = arith.index_cast %add3A_533 : i32 to index
      %get3A_535 = arith.constant 0 : index
      %get3A_536 = tpu.vector_load %arg6[%get3A_534, %get3A_535] {strides = array<i32>} : memref<128x16xf32, #tpu.memory_space<vmem>>, vector<1x16xf32>,
      %get3A_537 = vector.shape_cast %get3A_536 : vector<1x16xf32> to vector<16xf32>
      %mul3A_538 = arith.mulf %gather3A_529, %get3A_537 : vector<16xf32>
      %add3A_539 = arith.addf %add3A_525, %mul3A_538 : vector<16xf32>
      %broadcast_in_dim3A_540 = arith.constant 12 : i32
      %broadcast_in_dim3A_541 = vector.broadcast %broadcast_in_dim3A_540 : i32 to vector<16x1xi32>
      %gather3A_542 = vector.shape_cast %broadcast_in_dim3A_541 : vector<16x1xi32> to vector<16xi32>
      %gather3A_543 = tpu.dynamic_gather %get3A_148[%gather3A_542] in [0] : vector<16xf32>, vector<16xi32> -> vector<16xf32>
      %mul3A_544 = arith.constant 32 : i32
      %mul3A_545 = arith.muli %scan3A_139, %mul3A_544 : i32
      %add3A_546 = arith.constant 28 : i32
      %add3A_547 = arith.addi %mul3A_545, %add3A_546 : i32
      %get3A_548 = arith.index_cast %add3A_547 : i32 to index
      %get3A_549 = arith.constant 0 : index
      %get3A_550 = tpu.vector_load %arg6[%get3A_548, %get3A_549] {strides = array<i32>} : memref<128x16xf32, #tpu.memory_space<vmem>>, vector<1x16xf32>,
      %get3A_551 = vector.shape_cast %get3A_550 : vector<1x16xf32> to vector<16xf32>
      %mul3A_552 = arith.mulf %gather3A_543, %get3A_551 : vector<16xf32>
      %add3A_553 = arith.addf %add3A_539, %mul3A_552 : vector<16xf32>
      %broadcast_in_dim3A_554 = arith.constant 13 : i32
      %broadcast_in_dim3A_555 = vector.broadcast %broadcast_in_dim3A_554 : i32 to vector<16x1xi32>
      %gather3A_556 = vector.shape_cast %broadcast_in_dim3A_555 : vector<16x1xi32> to vector<16xi32>
      %gather3A_557 = tpu.dynamic_gather %get3A_148[%gather3A_556] in [0] : vector<16xf32>, vector<16xi32> -> vector<16xf32>
      %mul3A_558 = arith.constant 32 : i32
      %mul3A_559 = arith.muli %scan3A_139, %mul3A_558 : i32
      %add3A_560 = arith.constant 29 : i32
      %add3A_561 = arith.addi %mul3A_559, %add3A_560 : i32
      %get3A_562 = arith.index_cast %add3A_561 : i32 to index
      %get3A_563 = arith.constant 0 : index
      %get3A_564 = tpu.vector_load %arg6[%get3A_562, %get3A_563] {strides = array<i32>} : memref<128x16xf32, #tpu.memory_space<vmem>>, vector<1x16xf32>,
      %get3A_565 = vector.shape_cast %get3A_564 : vector<1x16xf32> to vector<16xf32>
      %mul3A_566 = arith.mulf %gather3A_557, %get3A_565 : vector<16xf32>
      %add3A_567 = arith.addf %add3A_553, %mul3A_566 : vector<16xf32>
      %broadcast_in_dim3A_568 = arith.constant 14 : i32
      %broadcast_in_dim3A_569 = vector.broadcast %broadcast_in_dim3A_568 : i32 to vector<16x1xi32>
      %gather3A_570 = vector.shape_cast %broadcast_in_dim3A_569 : vector<16x1xi32> to vector<16xi32>
      %gather3A_571 = tpu.dynamic_gather %get3A_148[%gather3A_570] in [0] : vector<16xf32>, vector<16xi32> -> vector<16xf32>
      %mul3A_572 = arith.constant 32 : i32
      %mul3A_573 = arith.muli %scan3A_139, %mul3A_572 : i32
      %add3A_574 = arith.constant 30 : i32
      %add3A_575 = arith.addi %mul3A_573, %add3A_574 : i32
      %get3A_576 = arith.index_cast %add3A_575 : i32 to index
      %get3A_577 = arith.constant 0 : index
      %get3A_578 = tpu.vector_load %arg6[%get3A_576, %get3A_577] {strides = array<i32>} : memref<128x16xf32, #tpu.memory_space<vmem>>, vector<1x16xf32>,
      %get3A_579 = vector.shape_cast %get3A_578 : vector<1x16xf32> to vector<16xf32>
      %mul3A_580 = arith.mulf %gather3A_571, %get3A_579 : vector<16xf32>
      %add3A_581 = arith.addf %add3A_567, %mul3A_580 : vector<16xf32>
      %broadcast_in_dim3A_582 = arith.constant 15 : i32
      %broadcast_in_dim3A_583 = vector.broadcast %broadcast_in_dim3A_582 : i32 to vector<16x1xi32>
      %gather3A_584 = vector.shape_cast %broadcast_in_dim3A_583 : vector<16x1xi32> to vector<16xi32>
      %gather3A_585 = tpu.dynamic_gather %get3A_148[%gather3A_584] in [0] : vector<16xf32>, vector<16xi32> -> vector<16xf32>
      %mul3A_586 = arith.constant 32 : i32
      %mul3A_587 = arith.muli %scan3A_139, %mul3A_586 : i32
      %add3A_588 = arith.constant 31 : i32
      %add3A_589 = arith.addi %mul3A_587, %add3A_588 : i32
      %get3A_590 = arith.index_cast %add3A_589 : i32 to index
      %get3A_591 = arith.constant 0 : index
      %get3A_592 = tpu.vector_load %arg6[%get3A_590, %get3A_591] {strides = array<i32>} : memref<128x16xf32, #tpu.memory_space<vmem>>, vector<1x16xf32>,
      %get3A_593 = vector.shape_cast %get3A_592 : vector<1x16xf32> to vector<16xf32>
      %mul3A_594 = arith.mulf %gather3A_585, %get3A_593 : vector<16xf32>
      %add3A_595 = arith.addf %add3A_581, %mul3A_594 : vector<16xf32>
      %swap3A = arith.index_cast %add3A_141 : i32 to index
      %swap3A_596 = arith.constant 0 : index
      %swap3A_597 = tpu.vector_load %arg8[%swap3A, %swap3A_596] {strides = array<i32>} : memref<32x128xf32, #tpu.memory_space<vmem>>, vector<1x16xf32>,
      %swap3A_598 = vector.shape_cast %swap3A_597 : vector<1x16xf32> to vector<16xf32>
      %swap3A_599 = vector.shape_cast %add3A_595 : vector<16xf32> to vector<1x16xf32>
      tpu.vector_store %arg8[%swap3A, %swap3A_596], %swap3A_599 {strides = array<i32>} : memref<32x128xf32, #tpu.memory_space<vmem>>, vector<1x16xf32>,
      %swap3A_600 = arith.index_cast %add3A_141 : i32 to index
      %swap3A_601 = arith.constant 16 : index
      %swap3A_602 = tpu.vector_load %arg8[%swap3A_600, %swap3A_601] {strides = array<i32>} : memref<32x128xf32, #tpu.memory_space<vmem>>, vector<1x16xf32>,
      %swap3A_603 = vector.shape_cast %swap3A_602 : vector<1x16xf32> to vector<16xf32>
      %swap3A_604 = vector.shape_cast %broadcast_in_dim3A_8 : vector<16xf32> to vector<1x16xf32>
      tpu.vector_store %arg8[%swap3A_600, %swap3A_601], %swap3A_604 {strides = array<i32>} : memref<32x128xf32, #tpu.memory_space<vmem>>, vector<1x16xf32>,
      %swap3A_605 = arith.index_cast %add3A_141 : i32 to index
      %swap3A_606 = arith.constant 32 : index
      %swap3A_607 = tpu.vector_load %arg8[%swap3A_605, %swap3A_606] {strides = array<i32>} : memref<32x128xf32, #tpu.memory_space<vmem>>, vector<1x16xf32>,
      %swap3A_608 = vector.shape_cast %swap3A_607 : vector<1x16xf32> to vector<16xf32>
      %swap3A_609 = vector.shape_cast %broadcast_in_dim3A_8 : vector<16xf32> to vector<1x16xf32>
      tpu.vector_store %arg8[%swap3A_605, %swap3A_606], %swap3A_609 {strides = array<i32>} : memref<32x128xf32, #tpu.memory_space<vmem>>, vector<1x16xf32>,
      %swap3A_610 = arith.index_cast %add3A_141 : i32 to index
      %swap3A_611 = arith.constant 48 : index
      %swap3A_612 = tpu.vector_load %arg8[%swap3A_610, %swap3A_611] {strides = array<i32>} : memref<32x128xf32, #tpu.memory_space<vmem>>, vector<1x16xf32>,
      %swap3A_613 = vector.shape_cast %swap3A_612 : vector<1x16xf32> to vector<16xf32>
      %swap3A_614 = vector.shape_cast %broadcast_in_dim3A_8 : vector<16xf32> to vector<1x16xf32>
      tpu.vector_store %arg8[%swap3A_610, %swap3A_611], %swap3A_614 {strides = array<i32>} : memref<32x128xf32, #tpu.memory_space<vmem>>, vector<1x16xf32>,
      %swap3A_615 = arith.index_cast %add3A_141 : i32 to index
      %swap3A_616 = arith.constant 64 : index
      %swap3A_617 = tpu.vector_load %arg8[%swap3A_615, %swap3A_616] {strides = array<i32>} : memref<32x128xf32, #tpu.memory_space<vmem>>, vector<1x16xf32>,
      %swap3A_618 = vector.shape_cast %swap3A_617 : vector<1x16xf32> to vector<16xf32>
      %swap3A_619 = vector.shape_cast %broadcast_in_dim3A_8 : vector<16xf32> to vector<1x16xf32>
      tpu.vector_store %arg8[%swap3A_615, %swap3A_616], %swap3A_619 {strides = array<i32>} : memref<32x128xf32, #tpu.memory_space<vmem>>, vector<1x16xf32>,
      %swap3A_620 = arith.index_cast %add3A_141 : i32 to index
      %swap3A_621 = arith.constant 80 : index
      %swap3A_622 = tpu.vector_load %arg8[%swap3A_620, %swap3A_621] {strides = array<i32>} : memref<32x128xf32, #tpu.memory_space<vmem>>, vector<1x16xf32>,
      %swap3A_623 = vector.shape_cast %swap3A_622 : vector<1x16xf32> to vector<16xf32>
      %swap3A_624 = vector.shape_cast %broadcast_in_dim3A_8 : vector<16xf32> to vector<1x16xf32>
      tpu.vector_store %arg8[%swap3A_620, %swap3A_621], %swap3A_624 {strides = array<i32>} : memref<32x128xf32, #tpu.memory_space<vmem>>, vector<1x16xf32>,
      %swap3A_625 = arith.index_cast %add3A_141 : i32 to index
      %swap3A_626 = arith.constant 96 : index
      %swap3A_627 = tpu.vector_load %arg8[%swap3A_625, %swap3A_626] {strides = array<i32>} : memref<32x128xf32, #tpu.memory_space<vmem>>, vector<1x16xf32>,
      %swap3A_628 = vector.shape_cast %swap3A_627 : vector<1x16xf32> to vector<16xf32>
      %swap3A_629 = vector.shape_cast %broadcast_in_dim3A_8 : vector<16xf32> to vector<1x16xf32>
      tpu.vector_store %arg8[%swap3A_625, %swap3A_626], %swap3A_629 {strides = array<i32>} : memref<32x128xf32, #tpu.memory_space<vmem>>, vector<1x16xf32>,
      %swap3A_630 = arith.index_cast %add3A_141 : i32 to index
      %swap3A_631 = arith.constant 112 : index
      %swap3A_632 = tpu.vector_load %arg8[%swap3A_630, %swap3A_631] {strides = array<i32>} : memref<32x128xf32, #tpu.memory_space<vmem>>, vector<1x16xf32>,
      %swap3A_633 = vector.shape_cast %swap3A_632 : vector<1x16xf32> to vector<16xf32>
      %swap3A_634 = vector.shape_cast %broadcast_in_dim3A_8 : vector<16xf32> to vector<1x16xf32>
      tpu.vector_store %arg8[%swap3A_630, %swap3A_631], %swap3A_634 {strides = array<i32>} : memref<32x128xf32, #tpu.memory_space<vmem>>, vector<1x16xf32>,
    }
    %scan3A_125 = arith.constant 4 : i32
    %add3A_126 = arith.constant 896 : i32
    %add3A_127 = arith.addi %mul3A_4, %add3A_126 : i32
    %dma_wait3A_128 = arith.constant 0 : i32
    %dma_wait3A_129 = tpu.memref_slice %arg3[%add3A_127, %dma_wait3A_128] : memref<32768x16xf32, #tpu.memory_space<hbm>> -> memref<128x16xf32, #tpu.memory_space<hbm>>
    %dma_wait3A_130 = arith.constant 0 : i32
    %dma_wait3A_131 = tpu.memref_slice %arg3[%add3A_127, %dma_wait3A_130] : memref<32768x16xf32, #tpu.memory_space<hbm>> -> memref<128x16xf32, #tpu.memory_space<hbm>>
    tpu.wait_dma2 semaphore(%arg10 : memref<!tpu.dma_semaphore, #tpu.memory_space<semaphore_mem>>) src(%dma_wait3A_131 : memref<128x16xf32, #tpu.memory_space<hbm>>) dst(%arg7 : memref<128x16xf32, #tpu.memory_space<vmem>>)
    %scan3A_132 = arith.constant 0 : i32
    %scan3A_133 = arith.constant 4 : i32
    %scan3A_134 = arith.addi %scan3A_132, %scan3A_133 : i32
    %scan3A_135 = arith.constant 1 : i32
    scf.for %scan3A_139 = %scan3A_132 to %scan3A_134 step %scan3A_135  : i32 {
      %add3A_140 = arith.constant 28 : i32
      %add3A_141 = arith.addi %add3A_140, %scan3A_139 : i32
      %get3A = arith.index_cast %add3A_141 : i32 to index
      %get3A_142 = arith.constant 0 : index
      %get3A_143 = tpu.vector_load %arg5[%get3A, %get3A_142] {strides = array<i32>} : memref<32x32xf32, #tpu.memory_space<vmem>>, vector<1x16xf32>,
      %get3A_144 = vector.shape_cast %get3A_143 : vector<1x16xf32> to vector<16xf32>
      %get3A_145 = arith.index_cast %add3A_141 : i32 to index
      %get3A_146 = arith.constant 16 : index
      %get3A_147 = tpu.vector_load %arg5[%get3A_145, %get3A_146] {strides = array<i32>} : memref<32x32xf32, #tpu.memory_space<vmem>>, vector<1x16xf32>,
      %get3A_148 = vector.shape_cast %get3A_147 : vector<1x16xf32> to vector<16xf32>
      %broadcast_in_dim3A_149 = arith.constant 0 : i32
      %broadcast_in_dim3A_150 = vector.broadcast %broadcast_in_dim3A_149 : i32 to vector<16x1xi32>
      %gather3A = vector.shape_cast %broadcast_in_dim3A_150 : vector<16x1xi32> to vector<16xi32>
      %gather3A_151 = tpu.dynamic_gather %get3A_144[%gather3A] in [0] : vector<16xf32>, vector<16xi32> -> vector<16xf32>
      %mul3A_152 = arith.constant 32 : i32
      %mul3A_153 = arith.muli %scan3A_139, %mul3A_152 : i32
      %add3A_154 = arith.constant 0 : i32
      %add3A_155 = arith.addi %mul3A_153, %add3A_154 : i32
      %get3A_156 = arith.index_cast %add3A_155 : i32 to index
      %get3A_157 = arith.constant 0 : index
      %get3A_158 = tpu.vector_load %arg7[%get3A_156, %get3A_157] {strides = array<i32>} : memref<128x16xf32, #tpu.memory_space<vmem>>, vector<1x16xf32>,
      %get3A_159 = vector.shape_cast %get3A_158 : vector<1x16xf32> to vector<16xf32>
      %mul3A_160 = arith.mulf %gather3A_151, %get3A_159 : vector<16xf32>
      %add3A_161 = arith.addf %broadcast_in_dim3A_8, %mul3A_160 : vector<16xf32>
      %broadcast_in_dim3A_162 = arith.constant 1 : i32
      %broadcast_in_dim3A_163 = vector.broadcast %broadcast_in_dim3A_162 : i32 to vector<16x1xi32>
      %gather3A_164 = vector.shape_cast %broadcast_in_dim3A_163 : vector<16x1xi32> to vector<16xi32>
      %gather3A_165 = tpu.dynamic_gather %get3A_144[%gather3A_164] in [0] : vector<16xf32>, vector<16xi32> -> vector<16xf32>
      %mul3A_166 = arith.constant 32 : i32
      %mul3A_167 = arith.muli %scan3A_139, %mul3A_166 : i32
      %add3A_168 = arith.constant 1 : i32
      %add3A_169 = arith.addi %mul3A_167, %add3A_168 : i32
      %get3A_170 = arith.index_cast %add3A_169 : i32 to index
      %get3A_171 = arith.constant 0 : index
      %get3A_172 = tpu.vector_load %arg7[%get3A_170, %get3A_171] {strides = array<i32>} : memref<128x16xf32, #tpu.memory_space<vmem>>, vector<1x16xf32>,
      %get3A_173 = vector.shape_cast %get3A_172 : vector<1x16xf32> to vector<16xf32>
      %mul3A_174 = arith.mulf %gather3A_165, %get3A_173 : vector<16xf32>
      %add3A_175 = arith.addf %add3A_161, %mul3A_174 : vector<16xf32>
      %broadcast_in_dim3A_176 = arith.constant 2 : i32
      %broadcast_in_dim3A_177 = vector.broadcast %broadcast_in_dim3A_176 : i32 to vector<16x1xi32>
      %gather3A_178 = vector.shape_cast %broadcast_in_dim3A_177 : vector<16x1xi32> to vector<16xi32>
      %gather3A_179 = tpu.dynamic_gather %get3A_144[%gather3A_178] in [0] : vector<16xf32>, vector<16xi32> -> vector<16xf32>
      %mul3A_180 = arith.constant 32 : i32
      %mul3A_181 = arith.muli %scan3A_139, %mul3A_180 : i32
      %add3A_182 = arith.constant 2 : i32
      %add3A_183 = arith.addi %mul3A_181, %add3A_182 : i32
      %get3A_184 = arith.index_cast %add3A_183 : i32 to index
      %get3A_185 = arith.constant 0 : index
      %get3A_186 = tpu.vector_load %arg7[%get3A_184, %get3A_185] {strides = array<i32>} : memref<128x16xf32, #tpu.memory_space<vmem>>, vector<1x16xf32>,
      %get3A_187 = vector.shape_cast %get3A_186 : vector<1x16xf32> to vector<16xf32>
      %mul3A_188 = arith.mulf %gather3A_179, %get3A_187 : vector<16xf32>
      %add3A_189 = arith.addf %add3A_175, %mul3A_188 : vector<16xf32>
      %broadcast_in_dim3A_190 = arith.constant 3 : i32
      %broadcast_in_dim3A_191 = vector.broadcast %broadcast_in_dim3A_190 : i32 to vector<16x1xi32>
      %gather3A_192 = vector.shape_cast %broadcast_in_dim3A_191 : vector<16x1xi32> to vector<16xi32>
      %gather3A_193 = tpu.dynamic_gather %get3A_144[%gather3A_192] in [0] : vector<16xf32>, vector<16xi32> -> vector<16xf32>
      %mul3A_194 = arith.constant 32 : i32
      %mul3A_195 = arith.muli %scan3A_139, %mul3A_194 : i32
      %add3A_196 = arith.constant 3 : i32
      %add3A_197 = arith.addi %mul3A_195, %add3A_196 : i32
      %get3A_198 = arith.index_cast %add3A_197 : i32 to index
      %get3A_199 = arith.constant 0 : index
      %get3A_200 = tpu.vector_load %arg7[%get3A_198, %get3A_199] {strides = array<i32>} : memref<128x16xf32, #tpu.memory_space<vmem>>, vector<1x16xf32>,
      %get3A_201 = vector.shape_cast %get3A_200 : vector<1x16xf32> to vector<16xf32>
      %mul3A_202 = arith.mulf %gather3A_193, %get3A_201 : vector<16xf32>
      %add3A_203 = arith.addf %add3A_189, %mul3A_202 : vector<16xf32>
      %broadcast_in_dim3A_204 = arith.constant 4 : i32
      %broadcast_in_dim3A_205 = vector.broadcast %broadcast_in_dim3A_204 : i32 to vector<16x1xi32>
      %gather3A_206 = vector.shape_cast %broadcast_in_dim3A_205 : vector<16x1xi32> to vector<16xi32>
      %gather3A_207 = tpu.dynamic_gather %get3A_144[%gather3A_206] in [0] : vector<16xf32>, vector<16xi32> -> vector<16xf32>
      %mul3A_208 = arith.constant 32 : i32
      %mul3A_209 = arith.muli %scan3A_139, %mul3A_208 : i32
      %add3A_210 = arith.constant 4 : i32
      %add3A_211 = arith.addi %mul3A_209, %add3A_210 : i32
      %get3A_212 = arith.index_cast %add3A_211 : i32 to index
      %get3A_213 = arith.constant 0 : index
      %get3A_214 = tpu.vector_load %arg7[%get3A_212, %get3A_213] {strides = array<i32>} : memref<128x16xf32, #tpu.memory_space<vmem>>, vector<1x16xf32>,
      %get3A_215 = vector.shape_cast %get3A_214 : vector<1x16xf32> to vector<16xf32>
      %mul3A_216 = arith.mulf %gather3A_207, %get3A_215 : vector<16xf32>
      %add3A_217 = arith.addf %add3A_203, %mul3A_216 : vector<16xf32>
      %broadcast_in_dim3A_218 = arith.constant 5 : i32
      %broadcast_in_dim3A_219 = vector.broadcast %broadcast_in_dim3A_218 : i32 to vector<16x1xi32>
      %gather3A_220 = vector.shape_cast %broadcast_in_dim3A_219 : vector<16x1xi32> to vector<16xi32>
      %gather3A_221 = tpu.dynamic_gather %get3A_144[%gather3A_220] in [0] : vector<16xf32>, vector<16xi32> -> vector<16xf32>
      %mul3A_222 = arith.constant 32 : i32
      %mul3A_223 = arith.muli %scan3A_139, %mul3A_222 : i32
      %add3A_224 = arith.constant 5 : i32
      %add3A_225 = arith.addi %mul3A_223, %add3A_224 : i32
      %get3A_226 = arith.index_cast %add3A_225 : i32 to index
      %get3A_227 = arith.constant 0 : index
      %get3A_228 = tpu.vector_load %arg7[%get3A_226, %get3A_227] {strides = array<i32>} : memref<128x16xf32, #tpu.memory_space<vmem>>, vector<1x16xf32>,
      %get3A_229 = vector.shape_cast %get3A_228 : vector<1x16xf32> to vector<16xf32>
      %mul3A_230 = arith.mulf %gather3A_221, %get3A_229 : vector<16xf32>
      %add3A_231 = arith.addf %add3A_217, %mul3A_230 : vector<16xf32>
      %broadcast_in_dim3A_232 = arith.constant 6 : i32
      %broadcast_in_dim3A_233 = vector.broadcast %broadcast_in_dim3A_232 : i32 to vector<16x1xi32>
      %gather3A_234 = vector.shape_cast %broadcast_in_dim3A_233 : vector<16x1xi32> to vector<16xi32>
      %gather3A_235 = tpu.dynamic_gather %get3A_144[%gather3A_234] in [0] : vector<16xf32>, vector<16xi32> -> vector<16xf32>
      %mul3A_236 = arith.constant 32 : i32
      %mul3A_237 = arith.muli %scan3A_139, %mul3A_236 : i32
      %add3A_238 = arith.constant 6 : i32
      %add3A_239 = arith.addi %mul3A_237, %add3A_238 : i32
      %get3A_240 = arith.index_cast %add3A_239 : i32 to index
      %get3A_241 = arith.constant 0 : index
      %get3A_242 = tpu.vector_load %arg7[%get3A_240, %get3A_241] {strides = array<i32>} : memref<128x16xf32, #tpu.memory_space<vmem>>, vector<1x16xf32>,
      %get3A_243 = vector.shape_cast %get3A_242 : vector<1x16xf32> to vector<16xf32>
      %mul3A_244 = arith.mulf %gather3A_235, %get3A_243 : vector<16xf32>
      %add3A_245 = arith.addf %add3A_231, %mul3A_244 : vector<16xf32>
      %broadcast_in_dim3A_246 = arith.constant 7 : i32
      %broadcast_in_dim3A_247 = vector.broadcast %broadcast_in_dim3A_246 : i32 to vector<16x1xi32>
      %gather3A_248 = vector.shape_cast %broadcast_in_dim3A_247 : vector<16x1xi32> to vector<16xi32>
      %gather3A_249 = tpu.dynamic_gather %get3A_144[%gather3A_248] in [0] : vector<16xf32>, vector<16xi32> -> vector<16xf32>
      %mul3A_250 = arith.constant 32 : i32
      %mul3A_251 = arith.muli %scan3A_139, %mul3A_250 : i32
      %add3A_252 = arith.constant 7 : i32
      %add3A_253 = arith.addi %mul3A_251, %add3A_252 : i32
      %get3A_254 = arith.index_cast %add3A_253 : i32 to index
      %get3A_255 = arith.constant 0 : index
      %get3A_256 = tpu.vector_load %arg7[%get3A_254, %get3A_255] {strides = array<i32>} : memref<128x16xf32, #tpu.memory_space<vmem>>, vector<1x16xf32>,
      %get3A_257 = vector.shape_cast %get3A_256 : vector<1x16xf32> to vector<16xf32>
      %mul3A_258 = arith.mulf %gather3A_249, %get3A_257 : vector<16xf32>
      %add3A_259 = arith.addf %add3A_245, %mul3A_258 : vector<16xf32>
      %broadcast_in_dim3A_260 = arith.constant 8 : i32
      %broadcast_in_dim3A_261 = vector.broadcast %broadcast_in_dim3A_260 : i32 to vector<16x1xi32>
      %gather3A_262 = vector.shape_cast %broadcast_in_dim3A_261 : vector<16x1xi32> to vector<16xi32>
      %gather3A_263 = tpu.dynamic_gather %get3A_144[%gather3A_262] in [0] : vector<16xf32>, vector<16xi32> -> vector<16xf32>
      %mul3A_264 = arith.constant 32 : i32
      %mul3A_265 = arith.muli %scan3A_139, %mul3A_264 : i32
      %add3A_266 = arith.constant 8 : i32
      %add3A_267 = arith.addi %mul3A_265, %add3A_266 : i32
      %get3A_268 = arith.index_cast %add3A_267 : i32 to index
      %get3A_269 = arith.constant 0 : index
      %get3A_270 = tpu.vector_load %arg7[%get3A_268, %get3A_269] {strides = array<i32>} : memref<128x16xf32, #tpu.memory_space<vmem>>, vector<1x16xf32>,
      %get3A_271 = vector.shape_cast %get3A_270 : vector<1x16xf32> to vector<16xf32>
      %mul3A_272 = arith.mulf %gather3A_263, %get3A_271 : vector<16xf32>
      %add3A_273 = arith.addf %add3A_259, %mul3A_272 : vector<16xf32>
      %broadcast_in_dim3A_274 = arith.constant 9 : i32
      %broadcast_in_dim3A_275 = vector.broadcast %broadcast_in_dim3A_274 : i32 to vector<16x1xi32>
      %gather3A_276 = vector.shape_cast %broadcast_in_dim3A_275 : vector<16x1xi32> to vector<16xi32>
      %gather3A_277 = tpu.dynamic_gather %get3A_144[%gather3A_276] in [0] : vector<16xf32>, vector<16xi32> -> vector<16xf32>
      %mul3A_278 = arith.constant 32 : i32
      %mul3A_279 = arith.muli %scan3A_139, %mul3A_278 : i32
      %add3A_280 = arith.constant 9 : i32
      %add3A_281 = arith.addi %mul3A_279, %add3A_280 : i32
      %get3A_282 = arith.index_cast %add3A_281 : i32 to index
      %get3A_283 = arith.constant 0 : index
      %get3A_284 = tpu.vector_load %arg7[%get3A_282, %get3A_283] {strides = array<i32>} : memref<128x16xf32, #tpu.memory_space<vmem>>, vector<1x16xf32>,
      %get3A_285 = vector.shape_cast %get3A_284 : vector<1x16xf32> to vector<16xf32>
      %mul3A_286 = arith.mulf %gather3A_277, %get3A_285 : vector<16xf32>
      %add3A_287 = arith.addf %add3A_273, %mul3A_286 : vector<16xf32>
      %broadcast_in_dim3A_288 = arith.constant 10 : i32
      %broadcast_in_dim3A_289 = vector.broadcast %broadcast_in_dim3A_288 : i32 to vector<16x1xi32>
      %gather3A_290 = vector.shape_cast %broadcast_in_dim3A_289 : vector<16x1xi32> to vector<16xi32>
      %gather3A_291 = tpu.dynamic_gather %get3A_144[%gather3A_290] in [0] : vector<16xf32>, vector<16xi32> -> vector<16xf32>
      %mul3A_292 = arith.constant 32 : i32
      %mul3A_293 = arith.muli %scan3A_139, %mul3A_292 : i32
      %add3A_294 = arith.constant 10 : i32
      %add3A_295 = arith.addi %mul3A_293, %add3A_294 : i32
      %get3A_296 = arith.index_cast %add3A_295 : i32 to index
      %get3A_297 = arith.constant 0 : index
      %get3A_298 = tpu.vector_load %arg7[%get3A_296, %get3A_297] {strides = array<i32>} : memref<128x16xf32, #tpu.memory_space<vmem>>, vector<1x16xf32>,
      %get3A_299 = vector.shape_cast %get3A_298 : vector<1x16xf32> to vector<16xf32>
      %mul3A_300 = arith.mulf %gather3A_291, %get3A_299 : vector<16xf32>
      %add3A_301 = arith.addf %add3A_287, %mul3A_300 : vector<16xf32>
      %broadcast_in_dim3A_302 = arith.constant 11 : i32
      %broadcast_in_dim3A_303 = vector.broadcast %broadcast_in_dim3A_302 : i32 to vector<16x1xi32>
      %gather3A_304 = vector.shape_cast %broadcast_in_dim3A_303 : vector<16x1xi32> to vector<16xi32>
      %gather3A_305 = tpu.dynamic_gather %get3A_144[%gather3A_304] in [0] : vector<16xf32>, vector<16xi32> -> vector<16xf32>
      %mul3A_306 = arith.constant 32 : i32
      %mul3A_307 = arith.muli %scan3A_139, %mul3A_306 : i32
      %add3A_308 = arith.constant 11 : i32
      %add3A_309 = arith.addi %mul3A_307, %add3A_308 : i32
      %get3A_310 = arith.index_cast %add3A_309 : i32 to index
      %get3A_311 = arith.constant 0 : index
      %get3A_312 = tpu.vector_load %arg7[%get3A_310, %get3A_311] {strides = array<i32>} : memref<128x16xf32, #tpu.memory_space<vmem>>, vector<1x16xf32>,
      %get3A_313 = vector.shape_cast %get3A_312 : vector<1x16xf32> to vector<16xf32>
      %mul3A_314 = arith.mulf %gather3A_305, %get3A_313 : vector<16xf32>
      %add3A_315 = arith.addf %add3A_301, %mul3A_314 : vector<16xf32>
      %broadcast_in_dim3A_316 = arith.constant 12 : i32
      %broadcast_in_dim3A_317 = vector.broadcast %broadcast_in_dim3A_316 : i32 to vector<16x1xi32>
      %gather3A_318 = vector.shape_cast %broadcast_in_dim3A_317 : vector<16x1xi32> to vector<16xi32>
      %gather3A_319 = tpu.dynamic_gather %get3A_144[%gather3A_318] in [0] : vector<16xf32>, vector<16xi32> -> vector<16xf32>
      %mul3A_320 = arith.constant 32 : i32
      %mul3A_321 = arith.muli %scan3A_139, %mul3A_320 : i32
      %add3A_322 = arith.constant 12 : i32
      %add3A_323 = arith.addi %mul3A_321, %add3A_322 : i32
      %get3A_324 = arith.index_cast %add3A_323 : i32 to index
      %get3A_325 = arith.constant 0 : index
      %get3A_326 = tpu.vector_load %arg7[%get3A_324, %get3A_325] {strides = array<i32>} : memref<128x16xf32, #tpu.memory_space<vmem>>, vector<1x16xf32>,
      %get3A_327 = vector.shape_cast %get3A_326 : vector<1x16xf32> to vector<16xf32>
      %mul3A_328 = arith.mulf %gather3A_319, %get3A_327 : vector<16xf32>
      %add3A_329 = arith.addf %add3A_315, %mul3A_328 : vector<16xf32>
      %broadcast_in_dim3A_330 = arith.constant 13 : i32
      %broadcast_in_dim3A_331 = vector.broadcast %broadcast_in_dim3A_330 : i32 to vector<16x1xi32>
      %gather3A_332 = vector.shape_cast %broadcast_in_dim3A_331 : vector<16x1xi32> to vector<16xi32>
      %gather3A_333 = tpu.dynamic_gather %get3A_144[%gather3A_332] in [0] : vector<16xf32>, vector<16xi32> -> vector<16xf32>
      %mul3A_334 = arith.constant 32 : i32
      %mul3A_335 = arith.muli %scan3A_139, %mul3A_334 : i32
      %add3A_336 = arith.constant 13 : i32
      %add3A_337 = arith.addi %mul3A_335, %add3A_336 : i32
      %get3A_338 = arith.index_cast %add3A_337 : i32 to index
      %get3A_339 = arith.constant 0 : index
      %get3A_340 = tpu.vector_load %arg7[%get3A_338, %get3A_339] {strides = array<i32>} : memref<128x16xf32, #tpu.memory_space<vmem>>, vector<1x16xf32>,
      %get3A_341 = vector.shape_cast %get3A_340 : vector<1x16xf32> to vector<16xf32>
      %mul3A_342 = arith.mulf %gather3A_333, %get3A_341 : vector<16xf32>
      %add3A_343 = arith.addf %add3A_329, %mul3A_342 : vector<16xf32>
      %broadcast_in_dim3A_344 = arith.constant 14 : i32
      %broadcast_in_dim3A_345 = vector.broadcast %broadcast_in_dim3A_344 : i32 to vector<16x1xi32>
      %gather3A_346 = vector.shape_cast %broadcast_in_dim3A_345 : vector<16x1xi32> to vector<16xi32>
      %gather3A_347 = tpu.dynamic_gather %get3A_144[%gather3A_346] in [0] : vector<16xf32>, vector<16xi32> -> vector<16xf32>
      %mul3A_348 = arith.constant 32 : i32
      %mul3A_349 = arith.muli %scan3A_139, %mul3A_348 : i32
      %add3A_350 = arith.constant 14 : i32
      %add3A_351 = arith.addi %mul3A_349, %add3A_350 : i32
      %get3A_352 = arith.index_cast %add3A_351 : i32 to index
      %get3A_353 = arith.constant 0 : index
      %get3A_354 = tpu.vector_load %arg7[%get3A_352, %get3A_353] {strides = array<i32>} : memref<128x16xf32, #tpu.memory_space<vmem>>, vector<1x16xf32>,
      %get3A_355 = vector.shape_cast %get3A_354 : vector<1x16xf32> to vector<16xf32>
      %mul3A_356 = arith.mulf %gather3A_347, %get3A_355 : vector<16xf32>
      %add3A_357 = arith.addf %add3A_343, %mul3A_356 : vector<16xf32>
      %broadcast_in_dim3A_358 = arith.constant 15 : i32
      %broadcast_in_dim3A_359 = vector.broadcast %broadcast_in_dim3A_358 : i32 to vector<16x1xi32>
      %gather3A_360 = vector.shape_cast %broadcast_in_dim3A_359 : vector<16x1xi32> to vector<16xi32>
      %gather3A_361 = tpu.dynamic_gather %get3A_144[%gather3A_360] in [0] : vector<16xf32>, vector<16xi32> -> vector<16xf32>
      %mul3A_362 = arith.constant 32 : i32
      %mul3A_363 = arith.muli %scan3A_139, %mul3A_362 : i32
      %add3A_364 = arith.constant 15 : i32
      %add3A_365 = arith.addi %mul3A_363, %add3A_364 : i32
      %get3A_366 = arith.index_cast %add3A_365 : i32 to index
      %get3A_367 = arith.constant 0 : index
      %get3A_368 = tpu.vector_load %arg7[%get3A_366, %get3A_367] {strides = array<i32>} : memref<128x16xf32, #tpu.memory_space<vmem>>, vector<1x16xf32>,
      %get3A_369 = vector.shape_cast %get3A_368 : vector<1x16xf32> to vector<16xf32>
      %mul3A_370 = arith.mulf %gather3A_361, %get3A_369 : vector<16xf32>
      %add3A_371 = arith.addf %add3A_357, %mul3A_370 : vector<16xf32>
      %broadcast_in_dim3A_372 = arith.constant 0 : i32
      %broadcast_in_dim3A_373 = vector.broadcast %broadcast_in_dim3A_372 : i32 to vector<16x1xi32>
      %gather3A_374 = vector.shape_cast %broadcast_in_dim3A_373 : vector<16x1xi32> to vector<16xi32>
      %gather3A_375 = tpu.dynamic_gather %get3A_148[%gather3A_374] in [0] : vector<16xf32>, vector<16xi32> -> vector<16xf32>
      %mul3A_376 = arith.constant 32 : i32
      %mul3A_377 = arith.muli %scan3A_139, %mul3A_376 : i32
      %add3A_378 = arith.constant 16 : i32
      %add3A_379 = arith.addi %mul3A_377, %add3A_378 : i32
      %get3A_380 = arith.index_cast %add3A_379 : i32 to index
      %get3A_381 = arith.constant 0 : index
      %get3A_382 = tpu.vector_load %arg7[%get3A_380, %get3A_381] {strides = array<i32>} : memref<128x16xf32, #tpu.memory_space<vmem>>, vector<1x16xf32>,
      %get3A_383 = vector.shape_cast %get3A_382 : vector<1x16xf32> to vector<16xf32>
      %mul3A_384 = arith.mulf %gather3A_375, %get3A_383 : vector<16xf32>
      %add3A_385 = arith.addf %add3A_371, %mul3A_384 : vector<16xf32>
      %broadcast_in_dim3A_386 = arith.constant 1 : i32
      %broadcast_in_dim3A_387 = vector.broadcast %broadcast_in_dim3A_386 : i32 to vector<16x1xi32>
      %gather3A_388 = vector.shape_cast %broadcast_in_dim3A_387 : vector<16x1xi32> to vector<16xi32>
      %gather3A_389 = tpu.dynamic_gather %get3A_148[%gather3A_388] in [0] : vector<16xf32>, vector<16xi32> -> vector<16xf32>
      %mul3A_390 = arith.constant 32 : i32
      %mul3A_391 = arith.muli %scan3A_139, %mul3A_390 : i32
      %add3A_392 = arith.constant 17 : i32
      %add3A_393 = arith.addi %mul3A_391, %add3A_392 : i32
      %get3A_394 = arith.index_cast %add3A_393 : i32 to index
      %get3A_395 = arith.constant 0 : index
      %get3A_396 = tpu.vector_load %arg7[%get3A_394, %get3A_395] {strides = array<i32>} : memref<128x16xf32, #tpu.memory_space<vmem>>, vector<1x16xf32>,
      %get3A_397 = vector.shape_cast %get3A_396 : vector<1x16xf32> to vector<16xf32>
      %mul3A_398 = arith.mulf %gather3A_389, %get3A_397 : vector<16xf32>
      %add3A_399 = arith.addf %add3A_385, %mul3A_398 : vector<16xf32>
      %broadcast_in_dim3A_400 = arith.constant 2 : i32
      %broadcast_in_dim3A_401 = vector.broadcast %broadcast_in_dim3A_400 : i32 to vector<16x1xi32>
      %gather3A_402 = vector.shape_cast %broadcast_in_dim3A_401 : vector<16x1xi32> to vector<16xi32>
      %gather3A_403 = tpu.dynamic_gather %get3A_148[%gather3A_402] in [0] : vector<16xf32>, vector<16xi32> -> vector<16xf32>
      %mul3A_404 = arith.constant 32 : i32
      %mul3A_405 = arith.muli %scan3A_139, %mul3A_404 : i32
      %add3A_406 = arith.constant 18 : i32
      %add3A_407 = arith.addi %mul3A_405, %add3A_406 : i32
      %get3A_408 = arith.index_cast %add3A_407 : i32 to index
      %get3A_409 = arith.constant 0 : index
      %get3A_410 = tpu.vector_load %arg7[%get3A_408, %get3A_409] {strides = array<i32>} : memref<128x16xf32, #tpu.memory_space<vmem>>, vector<1x16xf32>,
      %get3A_411 = vector.shape_cast %get3A_410 : vector<1x16xf32> to vector<16xf32>
      %mul3A_412 = arith.mulf %gather3A_403, %get3A_411 : vector<16xf32>
      %add3A_413 = arith.addf %add3A_399, %mul3A_412 : vector<16xf32>
      %broadcast_in_dim3A_414 = arith.constant 3 : i32
      %broadcast_in_dim3A_415 = vector.broadcast %broadcast_in_dim3A_414 : i32 to vector<16x1xi32>
      %gather3A_416 = vector.shape_cast %broadcast_in_dim3A_415 : vector<16x1xi32> to vector<16xi32>
      %gather3A_417 = tpu.dynamic_gather %get3A_148[%gather3A_416] in [0] : vector<16xf32>, vector<16xi32> -> vector<16xf32>
      %mul3A_418 = arith.constant 32 : i32
      %mul3A_419 = arith.muli %scan3A_139, %mul3A_418 : i32
      %add3A_420 = arith.constant 19 : i32
      %add3A_421 = arith.addi %mul3A_419, %add3A_420 : i32
      %get3A_422 = arith.index_cast %add3A_421 : i32 to index
      %get3A_423 = arith.constant 0 : index
      %get3A_424 = tpu.vector_load %arg7[%get3A_422, %get3A_423] {strides = array<i32>} : memref<128x16xf32, #tpu.memory_space<vmem>>, vector<1x16xf32>,
      %get3A_425 = vector.shape_cast %get3A_424 : vector<1x16xf32> to vector<16xf32>
      %mul3A_426 = arith.mulf %gather3A_417, %get3A_425 : vector<16xf32>
      %add3A_427 = arith.addf %add3A_413, %mul3A_426 : vector<16xf32>
      %broadcast_in_dim3A_428 = arith.constant 4 : i32
      %broadcast_in_dim3A_429 = vector.broadcast %broadcast_in_dim3A_428 : i32 to vector<16x1xi32>
      %gather3A_430 = vector.shape_cast %broadcast_in_dim3A_429 : vector<16x1xi32> to vector<16xi32>
      %gather3A_431 = tpu.dynamic_gather %get3A_148[%gather3A_430] in [0] : vector<16xf32>, vector<16xi32> -> vector<16xf32>
      %mul3A_432 = arith.constant 32 : i32
      %mul3A_433 = arith.muli %scan3A_139, %mul3A_432 : i32
      %add3A_434 = arith.constant 20 : i32
      %add3A_435 = arith.addi %mul3A_433, %add3A_434 : i32
      %get3A_436 = arith.index_cast %add3A_435 : i32 to index
      %get3A_437 = arith.constant 0 : index
      %get3A_438 = tpu.vector_load %arg7[%get3A_436, %get3A_437] {strides = array<i32>} : memref<128x16xf32, #tpu.memory_space<vmem>>, vector<1x16xf32>,
      %get3A_439 = vector.shape_cast %get3A_438 : vector<1x16xf32> to vector<16xf32>
      %mul3A_440 = arith.mulf %gather3A_431, %get3A_439 : vector<16xf32>
      %add3A_441 = arith.addf %add3A_427, %mul3A_440 : vector<16xf32>
      %broadcast_in_dim3A_442 = arith.constant 5 : i32
      %broadcast_in_dim3A_443 = vector.broadcast %broadcast_in_dim3A_442 : i32 to vector<16x1xi32>
      %gather3A_444 = vector.shape_cast %broadcast_in_dim3A_443 : vector<16x1xi32> to vector<16xi32>
      %gather3A_445 = tpu.dynamic_gather %get3A_148[%gather3A_444] in [0] : vector<16xf32>, vector<16xi32> -> vector<16xf32>
      %mul3A_446 = arith.constant 32 : i32
      %mul3A_447 = arith.muli %scan3A_139, %mul3A_446 : i32
      %add3A_448 = arith.constant 21 : i32
      %add3A_449 = arith.addi %mul3A_447, %add3A_448 : i32
      %get3A_450 = arith.index_cast %add3A_449 : i32 to index
      %get3A_451 = arith.constant 0 : index
      %get3A_452 = tpu.vector_load %arg7[%get3A_450, %get3A_451] {strides = array<i32>} : memref<128x16xf32, #tpu.memory_space<vmem>>, vector<1x16xf32>,
      %get3A_453 = vector.shape_cast %get3A_452 : vector<1x16xf32> to vector<16xf32>
      %mul3A_454 = arith.mulf %gather3A_445, %get3A_453 : vector<16xf32>
      %add3A_455 = arith.addf %add3A_441, %mul3A_454 : vector<16xf32>
      %broadcast_in_dim3A_456 = arith.constant 6 : i32
      %broadcast_in_dim3A_457 = vector.broadcast %broadcast_in_dim3A_456 : i32 to vector<16x1xi32>
      %gather3A_458 = vector.shape_cast %broadcast_in_dim3A_457 : vector<16x1xi32> to vector<16xi32>
      %gather3A_459 = tpu.dynamic_gather %get3A_148[%gather3A_458] in [0] : vector<16xf32>, vector<16xi32> -> vector<16xf32>
      %mul3A_460 = arith.constant 32 : i32
      %mul3A_461 = arith.muli %scan3A_139, %mul3A_460 : i32
      %add3A_462 = arith.constant 22 : i32
      %add3A_463 = arith.addi %mul3A_461, %add3A_462 : i32
      %get3A_464 = arith.index_cast %add3A_463 : i32 to index
      %get3A_465 = arith.constant 0 : index
      %get3A_466 = tpu.vector_load %arg7[%get3A_464, %get3A_465] {strides = array<i32>} : memref<128x16xf32, #tpu.memory_space<vmem>>, vector<1x16xf32>,
      %get3A_467 = vector.shape_cast %get3A_466 : vector<1x16xf32> to vector<16xf32>
      %mul3A_468 = arith.mulf %gather3A_459, %get3A_467 : vector<16xf32>
      %add3A_469 = arith.addf %add3A_455, %mul3A_468 : vector<16xf32>
      %broadcast_in_dim3A_470 = arith.constant 7 : i32
      %broadcast_in_dim3A_471 = vector.broadcast %broadcast_in_dim3A_470 : i32 to vector<16x1xi32>
      %gather3A_472 = vector.shape_cast %broadcast_in_dim3A_471 : vector<16x1xi32> to vector<16xi32>
      %gather3A_473 = tpu.dynamic_gather %get3A_148[%gather3A_472] in [0] : vector<16xf32>, vector<16xi32> -> vector<16xf32>
      %mul3A_474 = arith.constant 32 : i32
      %mul3A_475 = arith.muli %scan3A_139, %mul3A_474 : i32
      %add3A_476 = arith.constant 23 : i32
      %add3A_477 = arith.addi %mul3A_475, %add3A_476 : i32
      %get3A_478 = arith.index_cast %add3A_477 : i32 to index
      %get3A_479 = arith.constant 0 : index
      %get3A_480 = tpu.vector_load %arg7[%get3A_478, %get3A_479] {strides = array<i32>} : memref<128x16xf32, #tpu.memory_space<vmem>>, vector<1x16xf32>,
      %get3A_481 = vector.shape_cast %get3A_480 : vector<1x16xf32> to vector<16xf32>
      %mul3A_482 = arith.mulf %gather3A_473, %get3A_481 : vector<16xf32>
      %add3A_483 = arith.addf %add3A_469, %mul3A_482 : vector<16xf32>
      %broadcast_in_dim3A_484 = arith.constant 8 : i32
      %broadcast_in_dim3A_485 = vector.broadcast %broadcast_in_dim3A_484 : i32 to vector<16x1xi32>
      %gather3A_486 = vector.shape_cast %broadcast_in_dim3A_485 : vector<16x1xi32> to vector<16xi32>
      %gather3A_487 = tpu.dynamic_gather %get3A_148[%gather3A_486] in [0] : vector<16xf32>, vector<16xi32> -> vector<16xf32>
      %mul3A_488 = arith.constant 32 : i32
      %mul3A_489 = arith.muli %scan3A_139, %mul3A_488 : i32
      %add3A_490 = arith.constant 24 : i32
      %add3A_491 = arith.addi %mul3A_489, %add3A_490 : i32
      %get3A_492 = arith.index_cast %add3A_491 : i32 to index
      %get3A_493 = arith.constant 0 : index
      %get3A_494 = tpu.vector_load %arg7[%get3A_492, %get3A_493] {strides = array<i32>} : memref<128x16xf32, #tpu.memory_space<vmem>>, vector<1x16xf32>,
      %get3A_495 = vector.shape_cast %get3A_494 : vector<1x16xf32> to vector<16xf32>
      %mul3A_496 = arith.mulf %gather3A_487, %get3A_495 : vector<16xf32>
      %add3A_497 = arith.addf %add3A_483, %mul3A_496 : vector<16xf32>
      %broadcast_in_dim3A_498 = arith.constant 9 : i32
      %broadcast_in_dim3A_499 = vector.broadcast %broadcast_in_dim3A_498 : i32 to vector<16x1xi32>
      %gather3A_500 = vector.shape_cast %broadcast_in_dim3A_499 : vector<16x1xi32> to vector<16xi32>
      %gather3A_501 = tpu.dynamic_gather %get3A_148[%gather3A_500] in [0] : vector<16xf32>, vector<16xi32> -> vector<16xf32>
      %mul3A_502 = arith.constant 32 : i32
      %mul3A_503 = arith.muli %scan3A_139, %mul3A_502 : i32
      %add3A_504 = arith.constant 25 : i32
      %add3A_505 = arith.addi %mul3A_503, %add3A_504 : i32
      %get3A_506 = arith.index_cast %add3A_505 : i32 to index
      %get3A_507 = arith.constant 0 : index
      %get3A_508 = tpu.vector_load %arg7[%get3A_506, %get3A_507] {strides = array<i32>} : memref<128x16xf32, #tpu.memory_space<vmem>>, vector<1x16xf32>,
      %get3A_509 = vector.shape_cast %get3A_508 : vector<1x16xf32> to vector<16xf32>
      %mul3A_510 = arith.mulf %gather3A_501, %get3A_509 : vector<16xf32>
      %add3A_511 = arith.addf %add3A_497, %mul3A_510 : vector<16xf32>
      %broadcast_in_dim3A_512 = arith.constant 10 : i32
      %broadcast_in_dim3A_513 = vector.broadcast %broadcast_in_dim3A_512 : i32 to vector<16x1xi32>
      %gather3A_514 = vector.shape_cast %broadcast_in_dim3A_513 : vector<16x1xi32> to vector<16xi32>
      %gather3A_515 = tpu.dynamic_gather %get3A_148[%gather3A_514] in [0] : vector<16xf32>, vector<16xi32> -> vector<16xf32>
      %mul3A_516 = arith.constant 32 : i32
      %mul3A_517 = arith.muli %scan3A_139, %mul3A_516 : i32
      %add3A_518 = arith.constant 26 : i32
      %add3A_519 = arith.addi %mul3A_517, %add3A_518 : i32
      %get3A_520 = arith.index_cast %add3A_519 : i32 to index
      %get3A_521 = arith.constant 0 : index
      %get3A_522 = tpu.vector_load %arg7[%get3A_520, %get3A_521] {strides = array<i32>} : memref<128x16xf32, #tpu.memory_space<vmem>>, vector<1x16xf32>,
      %get3A_523 = vector.shape_cast %get3A_522 : vector<1x16xf32> to vector<16xf32>
      %mul3A_524 = arith.mulf %gather3A_515, %get3A_523 : vector<16xf32>
      %add3A_525 = arith.addf %add3A_511, %mul3A_524 : vector<16xf32>
      %broadcast_in_dim3A_526 = arith.constant 11 : i32
      %broadcast_in_dim3A_527 = vector.broadcast %broadcast_in_dim3A_526 : i32 to vector<16x1xi32>
      %gather3A_528 = vector.shape_cast %broadcast_in_dim3A_527 : vector<16x1xi32> to vector<16xi32>
      %gather3A_529 = tpu.dynamic_gather %get3A_148[%gather3A_528] in [0] : vector<16xf32>, vector<16xi32> -> vector<16xf32>
      %mul3A_530 = arith.constant 32 : i32
      %mul3A_531 = arith.muli %scan3A_139, %mul3A_530 : i32
      %add3A_532 = arith.constant 27 : i32
      %add3A_533 = arith.addi %mul3A_531, %add3A_532 : i32
      %get3A_534 = arith.index_cast %add3A_533 : i32 to index
      %get3A_535 = arith.constant 0 : index
      %get3A_536 = tpu.vector_load %arg7[%get3A_534, %get3A_535] {strides = array<i32>} : memref<128x16xf32, #tpu.memory_space<vmem>>, vector<1x16xf32>,
      %get3A_537 = vector.shape_cast %get3A_536 : vector<1x16xf32> to vector<16xf32>
      %mul3A_538 = arith.mulf %gather3A_529, %get3A_537 : vector<16xf32>
      %add3A_539 = arith.addf %add3A_525, %mul3A_538 : vector<16xf32>
      %broadcast_in_dim3A_540 = arith.constant 12 : i32
      %broadcast_in_dim3A_541 = vector.broadcast %broadcast_in_dim3A_540 : i32 to vector<16x1xi32>
      %gather3A_542 = vector.shape_cast %broadcast_in_dim3A_541 : vector<16x1xi32> to vector<16xi32>
      %gather3A_543 = tpu.dynamic_gather %get3A_148[%gather3A_542] in [0] : vector<16xf32>, vector<16xi32> -> vector<16xf32>
      %mul3A_544 = arith.constant 32 : i32
      %mul3A_545 = arith.muli %scan3A_139, %mul3A_544 : i32
      %add3A_546 = arith.constant 28 : i32
      %add3A_547 = arith.addi %mul3A_545, %add3A_546 : i32
      %get3A_548 = arith.index_cast %add3A_547 : i32 to index
      %get3A_549 = arith.constant 0 : index
      %get3A_550 = tpu.vector_load %arg7[%get3A_548, %get3A_549] {strides = array<i32>} : memref<128x16xf32, #tpu.memory_space<vmem>>, vector<1x16xf32>,
      %get3A_551 = vector.shape_cast %get3A_550 : vector<1x16xf32> to vector<16xf32>
      %mul3A_552 = arith.mulf %gather3A_543, %get3A_551 : vector<16xf32>
      %add3A_553 = arith.addf %add3A_539, %mul3A_552 : vector<16xf32>
      %broadcast_in_dim3A_554 = arith.constant 13 : i32
      %broadcast_in_dim3A_555 = vector.broadcast %broadcast_in_dim3A_554 : i32 to vector<16x1xi32>
      %gather3A_556 = vector.shape_cast %broadcast_in_dim3A_555 : vector<16x1xi32> to vector<16xi32>
      %gather3A_557 = tpu.dynamic_gather %get3A_148[%gather3A_556] in [0] : vector<16xf32>, vector<16xi32> -> vector<16xf32>
      %mul3A_558 = arith.constant 32 : i32
      %mul3A_559 = arith.muli %scan3A_139, %mul3A_558 : i32
      %add3A_560 = arith.constant 29 : i32
      %add3A_561 = arith.addi %mul3A_559, %add3A_560 : i32
      %get3A_562 = arith.index_cast %add3A_561 : i32 to index
      %get3A_563 = arith.constant 0 : index
      %get3A_564 = tpu.vector_load %arg7[%get3A_562, %get3A_563] {strides = array<i32>} : memref<128x16xf32, #tpu.memory_space<vmem>>, vector<1x16xf32>,
      %get3A_565 = vector.shape_cast %get3A_564 : vector<1x16xf32> to vector<16xf32>
      %mul3A_566 = arith.mulf %gather3A_557, %get3A_565 : vector<16xf32>
      %add3A_567 = arith.addf %add3A_553, %mul3A_566 : vector<16xf32>
      %broadcast_in_dim3A_568 = arith.constant 14 : i32
      %broadcast_in_dim3A_569 = vector.broadcast %broadcast_in_dim3A_568 : i32 to vector<16x1xi32>
      %gather3A_570 = vector.shape_cast %broadcast_in_dim3A_569 : vector<16x1xi32> to vector<16xi32>
      %gather3A_571 = tpu.dynamic_gather %get3A_148[%gather3A_570] in [0] : vector<16xf32>, vector<16xi32> -> vector<16xf32>
      %mul3A_572 = arith.constant 32 : i32
      %mul3A_573 = arith.muli %scan3A_139, %mul3A_572 : i32
      %add3A_574 = arith.constant 30 : i32
      %add3A_575 = arith.addi %mul3A_573, %add3A_574 : i32
      %get3A_576 = arith.index_cast %add3A_575 : i32 to index
      %get3A_577 = arith.constant 0 : index
      %get3A_578 = tpu.vector_load %arg7[%get3A_576, %get3A_577] {strides = array<i32>} : memref<128x16xf32, #tpu.memory_space<vmem>>, vector<1x16xf32>,
      %get3A_579 = vector.shape_cast %get3A_578 : vector<1x16xf32> to vector<16xf32>
      %mul3A_580 = arith.mulf %gather3A_571, %get3A_579 : vector<16xf32>
      %add3A_581 = arith.addf %add3A_567, %mul3A_580 : vector<16xf32>
      %broadcast_in_dim3A_582 = arith.constant 15 : i32
      %broadcast_in_dim3A_583 = vector.broadcast %broadcast_in_dim3A_582 : i32 to vector<16x1xi32>
      %gather3A_584 = vector.shape_cast %broadcast_in_dim3A_583 : vector<16x1xi32> to vector<16xi32>
      %gather3A_585 = tpu.dynamic_gather %get3A_148[%gather3A_584] in [0] : vector<16xf32>, vector<16xi32> -> vector<16xf32>
      %mul3A_586 = arith.constant 32 : i32
      %mul3A_587 = arith.muli %scan3A_139, %mul3A_586 : i32
      %add3A_588 = arith.constant 31 : i32
      %add3A_589 = arith.addi %mul3A_587, %add3A_588 : i32
      %get3A_590 = arith.index_cast %add3A_589 : i32 to index
      %get3A_591 = arith.constant 0 : index
      %get3A_592 = tpu.vector_load %arg7[%get3A_590, %get3A_591] {strides = array<i32>} : memref<128x16xf32, #tpu.memory_space<vmem>>, vector<1x16xf32>,
      %get3A_593 = vector.shape_cast %get3A_592 : vector<1x16xf32> to vector<16xf32>
      %mul3A_594 = arith.mulf %gather3A_585, %get3A_593 : vector<16xf32>
      %add3A_595 = arith.addf %add3A_581, %mul3A_594 : vector<16xf32>
      %swap3A = arith.index_cast %add3A_141 : i32 to index
      %swap3A_596 = arith.constant 0 : index
      %swap3A_597 = tpu.vector_load %arg8[%swap3A, %swap3A_596] {strides = array<i32>} : memref<32x128xf32, #tpu.memory_space<vmem>>, vector<1x16xf32>,
      %swap3A_598 = vector.shape_cast %swap3A_597 : vector<1x16xf32> to vector<16xf32>
      %swap3A_599 = vector.shape_cast %add3A_595 : vector<16xf32> to vector<1x16xf32>
      tpu.vector_store %arg8[%swap3A, %swap3A_596], %swap3A_599 {strides = array<i32>} : memref<32x128xf32, #tpu.memory_space<vmem>>, vector<1x16xf32>,
      %swap3A_600 = arith.index_cast %add3A_141 : i32 to index
      %swap3A_601 = arith.constant 16 : index
      %swap3A_602 = tpu.vector_load %arg8[%swap3A_600, %swap3A_601] {strides = array<i32>} : memref<32x128xf32, #tpu.memory_space<vmem>>, vector<1x16xf32>,
      %swap3A_603 = vector.shape_cast %swap3A_602 : vector<1x16xf32> to vector<16xf32>
      %swap3A_604 = vector.shape_cast %broadcast_in_dim3A_8 : vector<16xf32> to vector<1x16xf32>
      tpu.vector_store %arg8[%swap3A_600, %swap3A_601], %swap3A_604 {strides = array<i32>} : memref<32x128xf32, #tpu.memory_space<vmem>>, vector<1x16xf32>,
      %swap3A_605 = arith.index_cast %add3A_141 : i32 to index
      %swap3A_606 = arith.constant 32 : index
      %swap3A_607 = tpu.vector_load %arg8[%swap3A_605, %swap3A_606] {strides = array<i32>} : memref<32x128xf32, #tpu.memory_space<vmem>>, vector<1x16xf32>,
      %swap3A_608 = vector.shape_cast %swap3A_607 : vector<1x16xf32> to vector<16xf32>
      %swap3A_609 = vector.shape_cast %broadcast_in_dim3A_8 : vector<16xf32> to vector<1x16xf32>
      tpu.vector_store %arg8[%swap3A_605, %swap3A_606], %swap3A_609 {strides = array<i32>} : memref<32x128xf32, #tpu.memory_space<vmem>>, vector<1x16xf32>,
      %swap3A_610 = arith.index_cast %add3A_141 : i32 to index
      %swap3A_611 = arith.constant 48 : index
      %swap3A_612 = tpu.vector_load %arg8[%swap3A_610, %swap3A_611] {strides = array<i32>} : memref<32x128xf32, #tpu.memory_space<vmem>>, vector<1x16xf32>,
      %swap3A_613 = vector.shape_cast %swap3A_612 : vector<1x16xf32> to vector<16xf32>
      %swap3A_614 = vector.shape_cast %broadcast_in_dim3A_8 : vector<16xf32> to vector<1x16xf32>
      tpu.vector_store %arg8[%swap3A_610, %swap3A_611], %swap3A_614 {strides = array<i32>} : memref<32x128xf32, #tpu.memory_space<vmem>>, vector<1x16xf32>,
      %swap3A_615 = arith.index_cast %add3A_141 : i32 to index
      %swap3A_616 = arith.constant 64 : index
      %swap3A_617 = tpu.vector_load %arg8[%swap3A_615, %swap3A_616] {strides = array<i32>} : memref<32x128xf32, #tpu.memory_space<vmem>>, vector<1x16xf32>,
      %swap3A_618 = vector.shape_cast %swap3A_617 : vector<1x16xf32> to vector<16xf32>
      %swap3A_619 = vector.shape_cast %broadcast_in_dim3A_8 : vector<16xf32> to vector<1x16xf32>
      tpu.vector_store %arg8[%swap3A_615, %swap3A_616], %swap3A_619 {strides = array<i32>} : memref<32x128xf32, #tpu.memory_space<vmem>>, vector<1x16xf32>,
      %swap3A_620 = arith.index_cast %add3A_141 : i32 to index
      %swap3A_621 = arith.constant 80 : index
      %swap3A_622 = tpu.vector_load %arg8[%swap3A_620, %swap3A_621] {strides = array<i32>} : memref<32x128xf32, #tpu.memory_space<vmem>>, vector<1x16xf32>,
      %swap3A_623 = vector.shape_cast %swap3A_622 : vector<1x16xf32> to vector<16xf32>
      %swap3A_624 = vector.shape_cast %broadcast_in_dim3A_8 : vector<16xf32> to vector<1x16xf32>
      tpu.vector_store %arg8[%swap3A_620, %swap3A_621], %swap3A_624 {strides = array<i32>} : memref<32x128xf32, #tpu.memory_space<vmem>>, vector<1x16xf32>,
      %swap3A_625 = arith.index_cast %add3A_141 : i32 to index
      %swap3A_626 = arith.constant 96 : index
      %swap3A_627 = tpu.vector_load %arg8[%swap3A_625, %swap3A_626] {strides = array<i32>} : memref<32x128xf32, #tpu.memory_space<vmem>>, vector<1x16xf32>,
      %swap3A_628 = vector.shape_cast %swap3A_627 : vector<1x16xf32> to vector<16xf32>
      %swap3A_629 = vector.shape_cast %broadcast_in_dim3A_8 : vector<16xf32> to vector<1x16xf32>
      tpu.vector_store %arg8[%swap3A_625, %swap3A_626], %swap3A_629 {strides = array<i32>} : memref<32x128xf32, #tpu.memory_space<vmem>>, vector<1x16xf32>,
      %swap3A_630 = arith.index_cast %add3A_141 : i32 to index
      %swap3A_631 = arith.constant 112 : index
      %swap3A_632 = tpu.vector_load %arg8[%swap3A_630, %swap3A_631] {strides = array<i32>} : memref<32x128xf32, #tpu.memory_space<vmem>>, vector<1x16xf32>,
      %swap3A_633 = vector.shape_cast %swap3A_632 : vector<1x16xf32> to vector<16xf32>
      %swap3A_634 = vector.shape_cast %broadcast_in_dim3A_8 : vector<16xf32> to vector<1x16xf32>
      tpu.vector_store %arg8[%swap3A_630, %swap3A_631], %swap3A_634 {strides = array<i32>} : memref<32x128xf32, #tpu.memory_space<vmem>>, vector<1x16xf32>,
    }
    %scan3A_136 = arith.constant 4 : i32
    %mul3A_137 = arith.constant 32 : i32
    %mul3A_138 = arith.muli %add3A, %mul3A_137 : i32
    "tpu.region"() ({
      %run_scoped3A = tpu.sem_alloc : memref<!tpu.dma_semaphore, #tpu.memory_space<semaphore_mem>>
      %dma_start3A_139 = arith.constant 0 : i32
      %dma_start3A_140 = tpu.memref_slice %arg4[%mul3A_138, %dma_start3A_139] : memref<1024x128xf32, #tpu.memory_space<hbm>> -> memref<32x128xf32, #tpu.memory_space<hbm>>
      %dma_start3A_141 = arith.constant 0 : i32
      %dma_start3A_142 = tpu.memref_slice %arg4[%mul3A_138, %dma_start3A_141] : memref<1024x128xf32, #tpu.memory_space<hbm>> -> memref<32x128xf32, #tpu.memory_space<hbm>>
      tpu.enqueue_dma source(%arg8 : memref<32x128xf32, #tpu.memory_space<vmem>>) target(%dma_start3A_142 : memref<32x128xf32, #tpu.memory_space<hbm>>) target_semaphore(%run_scoped3A : memref<!tpu.dma_semaphore, #tpu.memory_space<semaphore_mem>>)
      %dma_wait3A_143 = arith.constant 0 : i32
      %dma_wait3A_144 = tpu.memref_slice %arg4[%mul3A_138, %dma_wait3A_143] : memref<1024x128xf32, #tpu.memory_space<hbm>> -> memref<32x128xf32, #tpu.memory_space<hbm>>
      %dma_wait3A_145 = arith.constant 0 : i32
      %dma_wait3A_146 = tpu.memref_slice %arg4[%mul3A_138, %dma_wait3A_145] : memref<1024x128xf32, #tpu.memory_space<hbm>> -> memref<32x128xf32, #tpu.memory_space<hbm>>
      tpu.wait_dma2 semaphore(%run_scoped3A : memref<!tpu.dma_semaphore, #tpu.memory_space<semaphore_mem>>) src(%arg8 : memref<32x128xf32, #tpu.memory_space<vmem>>) dst(%dma_wait3A_146 : memref<32x128xf32, #tpu.memory_space<hbm>>)
      tpu.yield
    }) : () -> ()
    return
  }
}

module attributes {stable_mosaic.version = 14 : i64} {
  func.func @_mpnn_kernel(%arg0: memref<1024x32xf32, #tpu.memory_space<vmem>>, %arg1: memref<1024x128xf32, #tpu.memory_space<vmem>>, %arg2: memref<1024x128xf32, #tpu.memory_space<vmem>>, %arg3: memref<272x128xf32, #tpu.memory_space<vmem>>, %arg4: memref<256x128xf32, #tpu.memory_space<vmem>>, %arg5: memref<256x128xf32, #tpu.memory_space<vmem>>, %arg6: memref<32x128xf32, #tpu.memory_space<vmem>>) attributes {dimension_semantics = [], scalar_prefetch = 0 : i64, scratch_operands = 0 : i64, tpu.core_type = #tpu.core_type<tc>} {
    %get3A = arith.constant 0 : index
    %get3A_0 = arith.constant 0 : index
    %get3A_1 = vector.load %arg0[%get3A, %get3A_0] : memref<1024x32xf32, #tpu.memory_space<vmem>>, vector<1024x32xf32>
    %get3A_2 = arith.constant 0 : index
    %get3A_3 = arith.constant 0 : index
    %get3A_4 = vector.load %arg1[%get3A_2, %get3A_3] : memref<1024x128xf32, #tpu.memory_space<vmem>>, vector<1024x128xf32>
    %get3A_5 = arith.constant 0 : index
    %get3A_6 = arith.constant 0 : index
    %get3A_7 = vector.load %arg2[%get3A_5, %get3A_6] : memref<1024x128xf32, #tpu.memory_space<vmem>>, vector<1024x128xf32>
    %get3A_8 = arith.constant 0 : index
    %get3A_9 = arith.constant 0 : index
    %get3A_10 = vector.load %arg3[%get3A_8, %get3A_9] : memref<272x128xf32, #tpu.memory_space<vmem>>, vector<128x128xf32>
    %get3A_11 = arith.constant 128 : index
    %get3A_12 = arith.constant 0 : index
    %get3A_13 = vector.load %arg3[%get3A_11, %get3A_12] : memref<272x128xf32, #tpu.memory_space<vmem>>, vector<128x128xf32>
    %get3A_14 = arith.constant 256 : index
    %get3A_15 = arith.constant 0 : index
    %get3A_16 = vector.load %arg3[%get3A_14, %get3A_15] : memref<272x128xf32, #tpu.memory_space<vmem>>, vector<16x128xf32>
    %get3A_17 = arith.constant 0 : index
    %get3A_18 = arith.constant 0 : index
    %get3A_19 = vector.load %arg4[%get3A_17, %get3A_18] : memref<256x128xf32, #tpu.memory_space<vmem>>, vector<128x128xf32>
    %get3A_20 = arith.constant 128 : index
    %get3A_21 = arith.constant 0 : index
    %get3A_22 = vector.load %arg4[%get3A_20, %get3A_21] : memref<256x128xf32, #tpu.memory_space<vmem>>, vector<128x128xf32>
    %get3A_23 = arith.constant 0 : index
    %get3A_24 = arith.constant 0 : index
    %get3A_25 = vector.load %arg5[%get3A_23, %get3A_24] : memref<256x128xf32, #tpu.memory_space<vmem>>, vector<128x128xf32>
    %get3A_26 = arith.constant 128 : index
    %get3A_27 = arith.constant 0 : index
    %get3A_28 = vector.load %arg5[%get3A_26, %get3A_27] : memref<256x128xf32, #tpu.memory_space<vmem>>, vector<128x128xf32>
    %broadcast_in_dim3A = arith.constant 0.000000e+00 : f32
    %broadcast_in_dim3A_29 = vector.broadcast %broadcast_in_dim3A : f32 to vector<112x128xf32>
    %concatenate3A = tpu.concatenate %get3A_16, %broadcast_in_dim3A_29 in 0 : vector<16x128xf32>, vector<112x128xf32> -> vector<128x128xf32>
    %dot_general3A = arith.constant dense<0.000000e+00> : vector<1024x128xf32>
    %dot_general3A_30 = tpu.matmul %get3A_7, %concatenate3A, %dot_general3A {dimension_numbers = #tpu.dot_dimension_numbers<[1], [0], [0], [1], [0, 0, 1, 1], [], []>, transpose_lhs_hint = false} : vector<1024x128xf32>, vector<128x128xf32>, vector<1024x128xf32> -> vector<1024x128xf32>
    %reduce_sum3A = arith.constant dense<0.000000e+00> : vector<1024xf32>
    %reduce_sum3A_31 = vector.multi_reduction <add>, %get3A_1, %reduce_sum3A [1] : vector<1024x32xf32> to vector<1024xf32>
    %broadcast_in_dim3A_32 = vector.shape_cast %reduce_sum3A_31 : vector<1024xf32> to vector<1024x1xf32>
    %gt3A = arith.constant 0.000000e+00 : f32
    %gt3A_33 = vector.broadcast %gt3A : f32 to vector<1024x1xf32>
    %gt3A_34 = arith.cmpf ogt, %broadcast_in_dim3A_32, %gt3A_33 : vector<1024x1xf32>
    %convert_element_type3A = arith.extui %gt3A_34 : vector<1024x1xi1> to vector<1024x1xi32>
    %convert_element_type3A_35 = arith.sitofp %convert_element_type3A : vector<1024x1xi32> to vector<1024x1xf32>
    %reshape3A = vector.shape_cast %get3A_1 : vector<1024x32xf32> to vector<32x32x32xf32>
    %reshape3A_36 = vector.shape_cast %get3A_4 : vector<1024x128xf32> to vector<32x32x128xf32>
    %dot_general3A_37 = arith.constant dense<0.000000e+00> : vector<32x32x128xf32>
    %dot_general3A_38 = tpu.matmul %reshape3A, %reshape3A_36, %dot_general3A_37 {dimension_numbers = #tpu.dot_dimension_numbers<[2], [1], [1], [2], [0, 0, 0, 1, 1, 2], [0], [0]>, transpose_lhs_hint = false} : vector<32x32x32xf32>, vector<32x32x128xf32>, vector<32x32x128xf32> -> vector<32x32x128xf32>
    %reshape3A_39 = vector.shape_cast %dot_general3A_38 : vector<32x32x128xf32> to vector<1024x128xf32>
    %dot_general3A_40 = arith.constant dense<0.000000e+00> : vector<1024x128xf32>
    %dot_general3A_41 = tpu.matmul %get3A_4, %get3A_10, %dot_general3A_40 {dimension_numbers = #tpu.dot_dimension_numbers<[1], [0], [0], [1], [0, 0, 1, 1], [], []>, transpose_lhs_hint = false} : vector<1024x128xf32>, vector<128x128xf32>, vector<1024x128xf32> -> vector<1024x128xf32>
    %mul3A = vector.broadcast %broadcast_in_dim3A_32 : vector<1024x1xf32> to vector<1024x128xf32>
    %mul3A_42 = arith.mulf %mul3A, %dot_general3A_41 : vector<1024x128xf32>
    %dot_general3A_43 = arith.constant dense<0.000000e+00> : vector<1024x128xf32>
    %dot_general3A_44 = tpu.matmul %reshape3A_39, %get3A_13, %dot_general3A_43 {dimension_numbers = #tpu.dot_dimension_numbers<[1], [0], [0], [1], [0, 0, 1, 1], [], []>, transpose_lhs_hint = false} : vector<1024x128xf32>, vector<128x128xf32>, vector<1024x128xf32> -> vector<1024x128xf32>
    %add3A = arith.addf %mul3A_42, %dot_general3A_44 : vector<1024x128xf32>
    %add3A_45 = arith.addf %add3A, %dot_general3A_30 : vector<1024x128xf32>
    %dot_general3A_46 = arith.constant dense<0.000000e+00> : vector<1024x128xf32>
    %dot_general3A_47 = tpu.matmul %get3A_4, %get3A_19, %dot_general3A_46 {dimension_numbers = #tpu.dot_dimension_numbers<[1], [0], [0], [1], [0, 0, 1, 1], [], []>, transpose_lhs_hint = false} : vector<1024x128xf32>, vector<128x128xf32>, vector<1024x128xf32> -> vector<1024x128xf32>
    %dot_general3A_48 = arith.constant dense<0.000000e+00> : vector<1024x128xf32>
    %dot_general3A_49 = tpu.matmul %add3A_45, %get3A_22, %dot_general3A_48 {dimension_numbers = #tpu.dot_dimension_numbers<[1], [0], [0], [1], [0, 0, 1, 1], [], []>, transpose_lhs_hint = false} : vector<1024x128xf32>, vector<128x128xf32>, vector<1024x128xf32> -> vector<1024x128xf32>
    %add3A_50 = arith.addf %dot_general3A_47, %dot_general3A_49 : vector<1024x128xf32>
    %tanh3A = math.tanh %add3A_50 : vector<1024x128xf32>
    %broadcast_in_dim3A_51 = vector.shape_cast %gt3A_34 : vector<1024x1xi1> to vector<1024x1xi1>
    %broadcast_in_dim3A_52 = vector.broadcast %broadcast_in_dim3A_51 : vector<1024x1xi1> to vector<1024x128xi1>
    %select_n3A = arith.select %broadcast_in_dim3A_52, %tanh3A, %get3A_4 : vector<1024x128xi1>, vector<1024x128xf32>
    %reshape3A_53 = vector.shape_cast %select_n3A : vector<1024x128xf32> to vector<32x32x128xf32>
    %dot_general3A_54 = arith.constant dense<0.000000e+00> : vector<32x32x128xf32>
    %dot_general3A_55 = tpu.matmul %reshape3A, %reshape3A_53, %dot_general3A_54 {dimension_numbers = #tpu.dot_dimension_numbers<[2], [1], [1], [2], [0, 0, 0, 1, 1, 2], [0], [0]>, transpose_lhs_hint = false} : vector<32x32x32xf32>, vector<32x32x128xf32>, vector<32x32x128xf32> -> vector<32x32x128xf32>
    %reshape3A_56 = vector.shape_cast %dot_general3A_55 : vector<32x32x128xf32> to vector<1024x128xf32>
    %dot_general3A_57 = arith.constant dense<0.000000e+00> : vector<1024x128xf32>
    %dot_general3A_58 = tpu.matmul %select_n3A, %get3A_10, %dot_general3A_57 {dimension_numbers = #tpu.dot_dimension_numbers<[1], [0], [0], [1], [0, 0, 1, 1], [], []>, transpose_lhs_hint = false} : vector<1024x128xf32>, vector<128x128xf32>, vector<1024x128xf32> -> vector<1024x128xf32>
    %mul3A_59 = vector.broadcast %broadcast_in_dim3A_32 : vector<1024x1xf32> to vector<1024x128xf32>
    %mul3A_60 = arith.mulf %mul3A_59, %dot_general3A_58 : vector<1024x128xf32>
    %dot_general3A_61 = arith.constant dense<0.000000e+00> : vector<1024x128xf32>
    %dot_general3A_62 = tpu.matmul %reshape3A_56, %get3A_13, %dot_general3A_61 {dimension_numbers = #tpu.dot_dimension_numbers<[1], [0], [0], [1], [0, 0, 1, 1], [], []>, transpose_lhs_hint = false} : vector<1024x128xf32>, vector<128x128xf32>, vector<1024x128xf32> -> vector<1024x128xf32>
    %add3A_63 = arith.addf %mul3A_60, %dot_general3A_62 : vector<1024x128xf32>
    %add3A_64 = arith.addf %add3A_63, %dot_general3A_30 : vector<1024x128xf32>
    %dot_general3A_65 = arith.constant dense<0.000000e+00> : vector<1024x128xf32>
    %dot_general3A_66 = tpu.matmul %select_n3A, %get3A_19, %dot_general3A_65 {dimension_numbers = #tpu.dot_dimension_numbers<[1], [0], [0], [1], [0, 0, 1, 1], [], []>, transpose_lhs_hint = false} : vector<1024x128xf32>, vector<128x128xf32>, vector<1024x128xf32> -> vector<1024x128xf32>
    %dot_general3A_67 = arith.constant dense<0.000000e+00> : vector<1024x128xf32>
    %dot_general3A_68 = tpu.matmul %add3A_64, %get3A_22, %dot_general3A_67 {dimension_numbers = #tpu.dot_dimension_numbers<[1], [0], [0], [1], [0, 0, 1, 1], [], []>, transpose_lhs_hint = false} : vector<1024x128xf32>, vector<128x128xf32>, vector<1024x128xf32> -> vector<1024x128xf32>
    %add3A_69 = arith.addf %dot_general3A_66, %dot_general3A_68 : vector<1024x128xf32>
    %tanh3A_70 = math.tanh %add3A_69 : vector<1024x128xf32>
    %broadcast_in_dim3A_71 = vector.shape_cast %gt3A_34 : vector<1024x1xi1> to vector<1024x1xi1>
    %broadcast_in_dim3A_72 = vector.broadcast %broadcast_in_dim3A_71 : vector<1024x1xi1> to vector<1024x128xi1>
    %select_n3A_73 = arith.select %broadcast_in_dim3A_72, %tanh3A_70, %select_n3A : vector<1024x128xi1>, vector<1024x128xf32>
    %reshape3A_74 = vector.shape_cast %select_n3A_73 : vector<1024x128xf32> to vector<32x32x128xf32>
    %dot_general3A_75 = arith.constant dense<0.000000e+00> : vector<32x32x128xf32>
    %dot_general3A_76 = tpu.matmul %reshape3A, %reshape3A_74, %dot_general3A_75 {dimension_numbers = #tpu.dot_dimension_numbers<[2], [1], [1], [2], [0, 0, 0, 1, 1, 2], [0], [0]>, transpose_lhs_hint = false} : vector<32x32x32xf32>, vector<32x32x128xf32>, vector<32x32x128xf32> -> vector<32x32x128xf32>
    %reshape3A_77 = vector.shape_cast %dot_general3A_76 : vector<32x32x128xf32> to vector<1024x128xf32>
    %dot_general3A_78 = arith.constant dense<0.000000e+00> : vector<1024x128xf32>
    %dot_general3A_79 = tpu.matmul %select_n3A_73, %get3A_10, %dot_general3A_78 {dimension_numbers = #tpu.dot_dimension_numbers<[1], [0], [0], [1], [0, 0, 1, 1], [], []>, transpose_lhs_hint = false} : vector<1024x128xf32>, vector<128x128xf32>, vector<1024x128xf32> -> vector<1024x128xf32>
    %mul3A_80 = vector.broadcast %broadcast_in_dim3A_32 : vector<1024x1xf32> to vector<1024x128xf32>
    %mul3A_81 = arith.mulf %mul3A_80, %dot_general3A_79 : vector<1024x128xf32>
    %dot_general3A_82 = arith.constant dense<0.000000e+00> : vector<1024x128xf32>
    %dot_general3A_83 = tpu.matmul %reshape3A_77, %get3A_13, %dot_general3A_82 {dimension_numbers = #tpu.dot_dimension_numbers<[1], [0], [0], [1], [0, 0, 1, 1], [], []>, transpose_lhs_hint = false} : vector<1024x128xf32>, vector<128x128xf32>, vector<1024x128xf32> -> vector<1024x128xf32>
    %add3A_84 = arith.addf %mul3A_81, %dot_general3A_83 : vector<1024x128xf32>
    %add3A_85 = arith.addf %add3A_84, %dot_general3A_30 : vector<1024x128xf32>
    %dot_general3A_86 = arith.constant dense<0.000000e+00> : vector<1024x128xf32>
    %dot_general3A_87 = tpu.matmul %select_n3A_73, %get3A_19, %dot_general3A_86 {dimension_numbers = #tpu.dot_dimension_numbers<[1], [0], [0], [1], [0, 0, 1, 1], [], []>, transpose_lhs_hint = false} : vector<1024x128xf32>, vector<128x128xf32>, vector<1024x128xf32> -> vector<1024x128xf32>
    %dot_general3A_88 = arith.constant dense<0.000000e+00> : vector<1024x128xf32>
    %dot_general3A_89 = tpu.matmul %add3A_85, %get3A_22, %dot_general3A_88 {dimension_numbers = #tpu.dot_dimension_numbers<[1], [0], [0], [1], [0, 0, 1, 1], [], []>, transpose_lhs_hint = false} : vector<1024x128xf32>, vector<128x128xf32>, vector<1024x128xf32> -> vector<1024x128xf32>
    %add3A_90 = arith.addf %dot_general3A_87, %dot_general3A_89 : vector<1024x128xf32>
    %tanh3A_91 = math.tanh %add3A_90 : vector<1024x128xf32>
    %broadcast_in_dim3A_92 = vector.shape_cast %gt3A_34 : vector<1024x1xi1> to vector<1024x1xi1>
    %broadcast_in_dim3A_93 = vector.broadcast %broadcast_in_dim3A_92 : vector<1024x1xi1> to vector<1024x128xi1>
    %select_n3A_94 = arith.select %broadcast_in_dim3A_93, %tanh3A_91, %select_n3A_73 : vector<1024x128xi1>, vector<1024x128xf32>
    %mul3A_95 = vector.broadcast %convert_element_type3A_35 : vector<1024x1xf32> to vector<1024x128xf32>
    %mul3A_96 = arith.mulf %select_n3A_94, %mul3A_95 : vector<1024x128xf32>
    %reshape3A_97 = vector.shape_cast %mul3A_96 : vector<1024x128xf32> to vector<32x32x128xf32>
    %reduce_sum3A_98 = arith.constant dense<0.000000e+00> : vector<32x128xf32>
    %reduce_sum3A_99 = vector.multi_reduction <add>, %reshape3A_97, %reduce_sum3A_98 [1] : vector<32x32x128xf32> to vector<32x128xf32>
    %mul3A_100 = vector.broadcast %convert_element_type3A_35 : vector<1024x1xf32> to vector<1024x128xf32>
    %mul3A_101 = arith.mulf %get3A_4, %mul3A_100 : vector<1024x128xf32>
    %reshape3A_102 = vector.shape_cast %mul3A_101 : vector<1024x128xf32> to vector<32x32x128xf32>
    %reduce_sum3A_103 = arith.constant dense<0.000000e+00> : vector<32x128xf32>
    %reduce_sum3A_104 = vector.multi_reduction <add>, %reshape3A_102, %reduce_sum3A_103 [1] : vector<32x32x128xf32> to vector<32x128xf32>
    %dot_general3A_105 = arith.constant dense<0.000000e+00> : vector<32x128xf32>
    %dot_general3A_106 = tpu.matmul %reduce_sum3A_99, %get3A_25, %dot_general3A_105 {dimension_numbers = #tpu.dot_dimension_numbers<[1], [0], [0], [1], [0, 0, 1, 1], [], []>, transpose_lhs_hint = false} : vector<32x128xf32>, vector<128x128xf32>, vector<32x128xf32> -> vector<32x128xf32>
    %dot_general3A_107 = arith.constant dense<0.000000e+00> : vector<32x128xf32>
    %dot_general3A_108 = tpu.matmul %reduce_sum3A_104, %get3A_28, %dot_general3A_107 {dimension_numbers = #tpu.dot_dimension_numbers<[1], [0], [0], [1], [0, 0, 1, 1], [], []>, transpose_lhs_hint = false} : vector<32x128xf32>, vector<128x128xf32>, vector<32x128xf32> -> vector<32x128xf32>
    %add3A_109 = arith.addf %dot_general3A_106, %dot_general3A_108 : vector<32x128xf32>
    %swap3A = arith.constant 0 : index
    %swap3A_110 = arith.constant 0 : index
    %swap3A_111 = vector.load %arg6[%swap3A, %swap3A_110] : memref<32x128xf32, #tpu.memory_space<vmem>>, vector<32x128xf32>
    tpu.vector_store %arg6[%swap3A, %swap3A_110], %add3A_109 {strides = array<i32>} : memref<32x128xf32, #tpu.memory_space<vmem>>, vector<32x128xf32>,
    return
  }
}

</mosaic_0001>

<sc_bundles>
// kernel: kernel.4.cloned.1.call-start
scs
__scs_entry_jumppad:
0x0: {  	(pc) =	sbr.rel $0x88, $3  }
0x1: {  	(tag) =	ssettag $0x0;
	lr =	simm.s32 $0x1  }
0x2: {  	[smem:$0x3F9B] =	sst lr;
	_ =	strace $0xD0000000  }
0x3: {  	_ = 	snop  }
0x4: {  	_ = 	snop  }
0x5: {  	_ = 	snop  }
0x6: {  	_ = 	snop  }
0x7: {  	_ = 	snop  }
__scs_overlays_trampoline_lowered:
0x8: {  	[smem:$0x3FAA] =	sst s0  }
0x9: {  	[smem:$0x3FAB] =	sst s1  }
0xa: {  	[smem:$0x3FAC] =	sst s2  }
0xb: {  	[smem:$0x3FAD] =	sst s3  }
0xc: {  	[smem:$0x3FAE] =	sst s4  }
0xd: {  	[smem:$0x3FAF] =	sst s5  }
0xe: {  	[smem:$0x3FB0] =	sst s6  }
0xf: {  	[smem:$0x3FB1] =	sst s7  }
0x10: {  	[smem:$0x3FB2] =	sst s8  }
0x11: {  	[smem:$0x3FB3] =	sst s9;
	s0 =	simm.s32 @!p0 $0x0  }
0x12: {  	s1 =	sld [smem:$0x3F99];
	s0 =	simm.s32 @p0 $0x1  }
0x13: {  	[smem:$0x3FB4] =	sst s0;
	s0 =	simm.s32 @!p1 $0x0  }
0x14: {  	s2 =	sld [smem:$0x3F98];
	s0 =	simm.s32 @p1 $0x1  }
0x15: {  	[smem:$0x3FB5] =	sst s0;
	s0 =	simm.s32 @!p2 $0x0  }
0x16: {  	s3 =	sld [smem:$0x3FDB];
	s0 =	simm.s32 @p2 $0x1  }
0x17: {  	s4 =	simm.s32 $0x1BF5;
	[smem:$0x3FB7] =	sst s0  }
0x18: {  	s0 =	sld [smem:$0x3F9A];
	_ =	swait.ge [sflag:s4], $0x0  }
0x19: {  	s7 =	sld [smem:$0x3F9B]  }
0x1a: {  	s8 =	sadd.s32 $0xFFFFE003, lr  }
0x1b: {  	s9 =	sadd.s32 $0xFFFFFEF7, lr;
	s5 =	simm.s32 $0xFFFFFFFF;
	p2 =	slt.u32 s8, $0xFFFFF086  }
0x1c: {  	p1 =	slt.u32 s9, $0xF7A;
	s5 =	simm.s32 @!p2 $0x0  }
0x1d: {  	s5 =	simm.s32 @p1 $0x1;
	p0 =	seq.s32 s7, s2  }
0x1e: {  	s7 =	smul.u32 @!p0 $0xF7A, s2;
	p2 =	seq.s32 @!p0 s5, $0x0  }
0x1f: {  	s9 =	smul.u32 $0xF7A, s1;
	s8 =	simm.s32 @!p0 $0x1BF5;
	p2 =	por !p2, p0  }
0x20: {  	[sflag:s8] =	ssyncset.s32 @!p0 $0xFFFFF086;
	s6 =	sadd.s32 @!p0 s3, s7;
	s7 =	simm.s32 @!p0 $0x108  }
0x21: {  	s3 =	sadd.s32 s3, s9;
	s6 =	sadd.s32 @!p0 $0x88, s6;
	s7 =	simm.s32 @p2 $0x1082  }
0x22: {  	[simem:s7], [sflag:s8] =	dma.local @!p0 [hbm:s6], $0xF7A  }
0x23: {  	s9 =	sor.u32 $0xD0000000, s2;
	s6 =	simm.s32 $0x108;
	_ =	swait.ge @!p0 [sflag:s8], $0x0  }
0x24: {  	s3 =	sadd.s32 $0x88, s3;
	s6 =	simm.s32 @!p1 $0x1082;
	[sflag:s4] =	ssyncset.s32 $0xFFFFF086  }
0x25: {  	[simem:s6], [sflag:s4] =	dma.local [hbm:s3], $0xF7A  }
0x26: {  	[smem:$0x3F9B] =	sst s1;
	(tag) =	ssettag s2;
	_ =	strace s9  }
0x27: {  	s1 =	sld [smem:$0x3FAB]  }
0x28: {  	s2 =	sld [smem:$0x3FAC]  }
0x29: {  	s4 =	sld [smem:$0x3FAE]  }
0x2a: {  	p0 =	seq.s32 s5, $0x0;
	s5 =	sld [smem:$0x3FAF]  }
0x2b: {  	s6 =	sld [smem:$0x3FB0]  }
0x2c: {  	s7 =	sld [smem:$0x3FB1]  }
0x2d: {  	s3 =	simm.s32 $0x108;
	s8 =	sld [smem:$0x3FB2]  }
0x2e: {  	s3 =	simm.s32 @!p0 $0x1082;
	s9 =	sld [smem:$0x3FB3]  }
0x2f: {  	lr =	sadd.s32 s0, s3;
	s0 =	sld [smem:$0x3FAA]  }
0x30: {  	s3 =	sld [smem:$0x3FAD]  }
0x31: {  	[smem:$0x3FB6] =	sst s10  }
0x32: {  	s10 =	sld [smem:$0x3FB4];
	_ =	sdelay $0x3  }
0x33: {  	p0 =	seq.s32 s10, $0x1;
	s10 =	sld [smem:$0x3FB6];
	_ =	sdelay $0x3  }
0x34: {  	[smem:$0x3FB6] =	sst s10  }
0x35: {  	s10 =	sld [smem:$0x3FB5];
	_ =	sdelay $0x3  }
0x36: {  	p1 =	seq.s32 s10, $0x1;
	s10 =	sld [smem:$0x3FB6];
	_ =	sdelay $0x3  }
0x37: {  	[smem:$0x3FB6] =	sst s10  }
0x38: {  	s10 =	sld [smem:$0x3FB7]  }
0x39: {  	_ = 	snop;
	(pc) =	sbr.ind lr, $3  }
0x3a: {  	_ = 	snop  }
0x3b: {  	_ = 	snop  }
0x3c: {  	p2 =	seq.s32 s10, $0x1;
	s10 =	sld [smem:$0x3FB6]  }
0x3d: {  	_ =	shalt  }
0x3e: {  	_ =	shalt  }
0x3f: {  	_ =	shalt  }
0x40: {  	_ =	shalt  }
0x41: {  	_ =	shalt  }
0x42: {  	_ =	shalt  }
0x43: {  	_ =	shalt  }
0x44: {  	_ =	shalt  }
0x45: {  	_ =	shalt  }
0x46: {  	_ =	shalt  }
0x47: {  	_ =	shalt  }
0x48: {  	_ =	shalt  }
0x49: {  	_ =	shalt  }
0x4a: {  	_ =	shalt  }
0x4b: {  	_ =	shalt  }
0x4c: {  	_ =	shalt  }
0x4d: {  	_ =	shalt  }
0x4e: {  	_ =	shalt  }
0x4f: {  	_ =	shalt  }
0x50: {  	_ =	shalt  }
0x51: {  	_ =	shalt  }
0x52: {  	_ =	shalt  }
0x53: {  	_ =	shalt  }
0x54: {  	_ =	shalt  }
0x55: {  	_ =	shalt  }
0x56: {  	_ =	shalt  }
0x57: {  	_ =	shalt  }
0x58: {  	_ =	shalt  }
0x59: {  	_ =	shalt  }
0x5a: {  	_ =	shalt  }
0x5b: {  	_ =	shalt  }
0x5c: {  	_ =	shalt  }
0x5d: {  	_ =	shalt  }
0x5e: {  	_ =	shalt  }
0x5f: {  	_ =	shalt  }
0x60: {  	_ =	shalt  }
0x61: {  	_ =	shalt  }
0x62: {  	_ =	shalt  }
0x63: {  	_ =	shalt  }
0x64: {  	_ =	shalt  }
0x65: {  	_ =	shalt  }
0x66: {  	_ =	shalt  }
0x67: {  	_ =	shalt  }
0x68: {  	_ =	shalt  }
0x69: {  	_ =	shalt  }
0x6a: {  	_ =	shalt  }
0x6b: {  	_ =	shalt  }
0x6c: {  	_ =	shalt  }
0x6d: {  	_ =	shalt  }
0x6e: {  	_ =	shalt  }
0x6f: {  	_ =	shalt  }
0x70: {  	_ =	shalt  }
0x71: {  	_ =	shalt  }
0x72: {  	_ =	shalt  }
0x73: {  	_ =	shalt  }
0x74: {  	_ =	shalt  }
0x75: {  	_ =	shalt  }
0x76: {  	_ =	shalt  }
0x77: {  	_ =	shalt  }
0x78: {  	_ =	shalt  }
0x79: {  	_ =	shalt  }
0x7a: {  	_ =	shalt  }
0x7b: {  	_ =	shalt  }
0x7c: {  	_ =	shalt  }
0x7d: {  	_ =	shalt  }
0x7e: {  	_ =	shalt  }
0x7f: {  	_ =	shalt  }
0x80: {  	_ =	shalt  }
0x81: {  	_ =	shalt  }
0x82: {  	_ =	shalt  }
0x83: {  	_ =	shalt  }
0x84: {  	_ =	shalt  }
0x85: {  	_ =	shalt  }
0x86: {  	_ =	shalt  }
0x87: {  	_ =	shalt  }
.Lfunc_end0:
.L_simem_size_0:
called_computation_lowered:
.L_overlay_start_0:
0x88: {  	s2 =	sld [smem:$0x3FD9]  }
0x89: {  	s3 =	sld [smem:$0x3FFE];
	_ =	sdelay $0x1  }
0x8a: {  	s1 =	srdreg.scid  }
0x8b: {  	s0 =	sand.u32 $0x1, s1  }
0x8c: {  	s17 =	sshll.u32 s0, $0xA;
	s2 =	sadd.s32 s3, s2  }
0x8d: {  	s2 =	sadd.s32 s2, s17  }
0x8e: {  	[smem:$0x3FC2] =	sst s2  }
0x8f: {  	_ = 	snop  }
0x90: {  	s2 =	sld [smem:$0x3FC9];
	(tm) =	ssettm $0x1  }
0x91: {  	s18 =	sld [smem:$0x3FFB];
	_ =	sdelay $0x3  }
0x92: {  	_ =	strace s18  }
0x93: {  	s3 =	sld [smem:$0x3FFC];
	_ =	sdelay $0x3  }
0x94: {  	_ =	strace s3  }
0x95: {  	s3 =	sld [smem:$0x3FFD];
	_ =	sdelay $0x3  }
0x96: {  	_ =	strace s3  }
0x97: {  	_ =	strace $0x8FFFFFFF  }
0x98: {  	s19 =	sld [smem:$0x3FDB];
	_ =	sdelay $0x1  }
0x99: {  	s4 =	simm.s32 $_scs_section_size  }
0x9a: {  	s5 =	simm.s32 $_size__tile_overlayer_lowered;
	s6 =	simm.s32 $_tile_overlayer_lowered  }
0x9b: {  	s22 =	simm.s32 $0x1BFF;
	s21 =	sshll.u32 s6, $0x1;
	s3 =	sadd.s32 s4, s19  }
0x9c: {  	s7 =	simm.s32 $0x0;
	s20 =	sshll.u32 s5, $0x1;
	s5 =	sadd.s32 s21, s3  }
0x9d: {  	[timem:s7], [sflag:s22] =	dma.local [hbm:s5], s20  }
0x9e: {  	_ =	swait.ge [sflag:s22], s20  }
0x9f: {  	s4 =	ssub.s32 $0x0, s20;
	[sflag:s22] =	ssyncset.done $0x0  }
0xa0: {  	[sflag:s22] =	ssyncadd.s32 s4;
	_ =	sdelay $0x1  }
0xa1: {  	s23 =	simm.s32 $0x1B8B  }
0xa2: {  	_ =	swait.ge [sflag:s23], $0x1  }
0xa3: {  	[sflag:s23] =	ssyncset.done $0x0  }
0xa4: {  	s25 =	simm.s32 $0x1B8E;
	s24 =	sld [smem:$0x3FFE];
	[sflag:s23] =	ssyncadd.s32 $0xFFFFFFFF  }
0xa5: {  	s26 =	simm.s32 $execute0_lowered;
	[smem:$0x3FD2] =	sst s25  }
0xa6: {  	s5 =	sshll.u32 s26, $0x1;
	_ =	strace $0x80000046;
	[dreg:$0x1] =	wrdreg $0xFFFFFFFF  }
0xa7: {  	s28 =	simm.s32 $_size_execute0_lowered;
	s3 =	sadd.s32 s3, s5;
	[dreg:$0x0] =	wrdreg $0x0  }
0xa8: {  	s5 =	sshll.u32 s28, $0x1;
	[dreg:$0x2] =	wrdreg s3  }
0xa9: {  	[dreg:$0x3] =	wrdreg s5  }
0xaa: {  	[dreg:$0x4] =	wrdreg $0xC0  }
0xab: {  	_ =	task [dreg:s7], $0x5FFFF  }
0xac: {  	[dreg:$0x1] =	wrdreg $0xFFFFFFFF  }
0xad: {  	[dreg:$0x0] =	wrdreg $0x60  }
0xae: {  	[dreg:$0x2] =	wrdreg s2  }
0xaf: {  	[dreg:$0x3] =	wrdreg s24  }
0xb0: {  	[dreg:$0x4] =	wrdreg $0x9  }
0xb1: {  	_ =	task.clear_ibuf [dreg:s7], $0x5FFFF;
	_ =	strace $0x90000046  }
0xb2: {  	s29 =	simm.s32 $0x9;
	_ =	strace $0x80000048  }
0xb3: {  	_ =	swait.ge [sflag:s29], $0x1  }
0xb4: {  	[sflag:s29] =	ssyncadd.s32 $0xFFFFFFFF  }
0xb5: {  	_ =	strace $0x90000048  }
0xb6: {  	_ =	sfence  }
0xb7: {  	s30 =	sld [smem:$0x0];
	_ =	sdelay $0x2  }
0xb8: {  	s31 =	sshll.u32 s1, $0xD;
	s1 =	sshrl.u32 s1, $0x2  }
0xb9: {  	s3 =	sand.u32 $0x4000, s31;
	s1 =	sadd.s32 s1, s30  }
0xba: {  	s0 =	sor.u32 s3, s0;
	s1 =	sshll.u32 s1, $0x11  }
0xbb: {  	s0 =	sor.u32 s1, s0  }
0xbc: {  	s0 =	sadd.s32 $0x8F2B, s0  }
0xbd: {  	[sflag:s0] =	ssyncadd.remote.s32 $0x1  }
0xbe: {  	_ =	sfence.sel $0xFFFF  }
0xbf: {  	[dreg:$0x0] =	wrdreg $0xFFFFFFFF;
	(pc) =	sbr.abs _section_cstart, $3  }
0xc0: {  	[dreg:$0x1] =	wrdreg $0xFFFFFFFF  }
0xc1: {  	_ =	task.clear_ibuf [dreg:s7], $0x2FFFF;
	_ =	strace $0x9FFFFFFF  }
0xc2: {  	(tm) =	ssettm $0x7FFFFFFF  }
0xc3: {  	_ =	shalt  }
tec
execute0_lowered:
.L_overlay_start_1:
0x0: {  	(tag) =	ssettag $0x1  }
0x1: {  	s3 =	rddreg [dreg:$0x0]  }
0x2: {  	s4 =	rddreg [dreg:$0x1]  }
0x3: {  	s0 =	rddreg [dreg:$0x2]  }
0x4: {  	s2 =	simm.s32 $0x0;
	s5 =	srdreg.scid;
	s1 =	stileid.u32  }
0x5: {  	s14 =	simm.s32 $0x3;
	s15 =	simm.s32 $0x1000;
	s16 =	simm.s32 $0x5000  }
0x6: {  	s17 =	simm.s32 $0x1;
	s18 =	simm.s32 $0x2;
	s19 =	simm.s32 $0x9000  }
0x7: {  	[smem:$0x7FF] =	sst s2;
	s5 =	sand.u32 $0x1, s5;
	s6 =	sshll.u32 s1, $0x1  }
0x8: {  	s20 =	simm.s32 $0x0;
	_ =	strace $0x80000047;
	s6 =	sor.u32 s5, s6  }
0x9: {  	v0 =	vimm.s32 $0x0;
	v1 =	vimm.f32 $0.0e+00;
	s5 =	ssub.s32 $0x2, s5;
	s7 =	sshll.u32 s6, $0xE;
	s6 =	sshll.u32 s6, $0x9  }
0xa: {  	v2 =	vimm.s32 $0x1;
	v3 =	vimm.s32 $0x2;
	v4 =	vimm.s32 $0x3;
	s8 =	sshrl.u32 s5, $0x1;
	s11 =	sadd.s32 s7, s4;
	s12 =	sadd.s32 s6, s4  }
0xb: {  	v5 =	vimm.s32 $0x4;
	v6 =	vimm.s32 $0x5;
	v7 =	vimm.s32 $0x6;
	s13 =	ssub.s32 s5, s8;
	s3 =	sadd.s32 s3, s6;
	s4 =	sadd.s32 $0x1000, s11  }
0xc: {  	v8 =	vimm.s32 $0x7;
	v9 =	vimm.s32 $0x8;
	v10 =	vimm.s32 $0x9;
	s5 =	sadd.s32 $0x1800, s11;
	s6 =	sadd.s32 $0x2000, s11;
	s7 =	sadd.s32 $0x2800, s11  }
0xd: {  	v11 =	vimm.s32 $0xA;
	v12 =	vimm.s32 $0xB;
	v13 =	vimm.s32 $0xC;
	s8 =	sadd.s32 $0x3000, s11;
	s9 =	sadd.s32 $0x3800, s11;
	s10 =	sadd.s32 $0x4000, s11  }
0xe: {  	v14 =	vimm.s32 $0xD;
	v15 =	vimm.s32 $0xE;
	v16 =	vimm.s32 $0xF;
	s11 =	sadd.s32 $0x4800, s11;
	s12 =	sadd.s32 $0x81000, s12;
	s13 =	smax.u32 s13, $0x1  }
.LBB2_1:
0xf: {  	[tilespmem:s2], [sflag:$0x3] =	stream.linear.gather [hbm4b:s3+s2], $0x1000, $0x38;
	[tilespmem:$0xA000] =	vst v63  }
0x10: {  	_ =	swait.ge [sflag:s14], $0x1000  }
0x11: {  	[sflag:s14] =	ssyncset.done $0x0  }
0x12: {  	[sflag:s14] =	ssyncadd.s32 $0xFFFFF000  }
0x13: {  	[tilespmem:s15], [sflag:$0x1] =	stream.linear.gather [hbm4b:s4+s2], $0x4000, $0x38;
	[tilespmem:$0xA000] =	vst v63  }
0x14: {  	_ = 	snop  }
0x15: {  	[tilespmem:s16], [sflag:$0x2] =	stream.linear.gather [hbm4b:s5+s2], $0x4000, $0x38;
	[tilespmem:$0xA000] =	vst v63  }
0x16: {  	_ =	swait.ge [sflag:s17], $0x4000  }
0x17: {  	[sflag:s17] =	ssyncset.done $0x0  }
0x18: {  	s22 =	simm.s32 $0x0;
	[sflag:s17] =	ssyncadd.s32 $0xFFFFC000  }
0x19: {  	v17 =	vld [tilespmem:s22+$0x0]  }
0x1a: {  	s21 =	simm.s32 $0x1800  }
0x1b: {  	v18 =	vld [tilespmem:s21+$0xFFFFF800];
	_ =	sdelay $0x1  }
0x1c: {  	v19 =	vld [tilespmem:s21+$0xFFFFF880]  }
0x1d: {  	v20 =	vperm.xlane v17, v0  }
0x1e: {  	v21 =	vld [tilespmem:s21+$0xFFFFF900]  }
0x1f: {  	v22 =	vperm.xlane v17, v2;
	v18 =	vmul.f32 v18, v20  }
0x20: {  	v20 =	vld [tilespmem:s21+$0xFFFFF980]  }
0x21: {  	v23 =	vperm.xlane v17, v3;
	v19 =	vmul.f32 v19, v22;
	v18 =	vadd.f32 $0.0e+00, v18  }
0x22: {  	v30 =	vld [tilespmem:s21+$0xFFFFFA00]  }
0x23: {  	v24 =	vperm.xlane v17, v4;
	v18 =	vadd.f32 v19, v18;
	v19 =	vmul.f32 v21, v23  }
0x24: {  	v31 =	vld [tilespmem:s21+$0xFFFFFA80]  }
0x25: {  	v32 =	vperm.xlane v17, v5;
	v18 =	vadd.f32 v19, v18;
	v19 =	vmul.f32 v20, v24  }
0x26: {  	v20 =	vld [tilespmem:s21+$0xFFFFFB00]  }
0x27: {  	v33 =	vperm.xlane v17, v6;
	v18 =	vadd.f32 v19, v18;
	v19 =	vmul.f32 v30, v32  }
0x28: {  	v34 =	vld [tilespmem:s21+$0xFFFFFB80]  }
0x29: {  	v35 =	vperm.xlane v17, v7;
	v18 =	vadd.f32 v19, v18;
	v19 =	vmul.f32 v31, v33  }
0x2a: {  	v36 =	vld [tilespmem:s21+$0xFFFFFC00]  }
0x2b: {  	v37 =	vperm.xlane v17, v8;
	v18 =	vadd.f32 v19, v18;
	v19 =	vmul.f32 v20, v35  }
0x2c: {  	v20 =	vld [tilespmem:s21+$0xFFFFFC80]  }
0x2d: {  	v38 =	vperm.xlane v17, v9;
	v18 =	vadd.f32 v19, v18;
	v19 =	vmul.f32 v34, v37  }
0x2e: {  	v39 =	vld [tilespmem:s21+$0xFFFFFD00]  }
0x2f: {  	v40 =	vperm.xlane v17, v10;
	v18 =	vadd.f32 v19, v18;
	v19 =	vmul.f32 v36, v38  }
0x30: {  	v41 =	vld [tilespmem:s21+$0xFFFFFD80]  }
0x31: {  	v42 =	vperm.xlane v17, v11;
	v18 =	vadd.f32 v19, v18;
	v19 =	vmul.f32 v20, v40  }
0x32: {  	v20 =	vld [tilespmem:s21+$0xFFFFFE00]  }
0x33: {  	v43 =	vperm.xlane v17, v12;
	v18 =	vadd.f32 v19, v18;
	v19 =	vmul.f32 v39, v42  }
0x34: {  	v44 =	vld [tilespmem:s21+$0xFFFFFE80]  }
0x35: {  	v45 =	vperm.xlane v17, v13;
	v18 =	vadd.f32 v19, v18;
	v19 =	vmul.f32 v41, v43  }
0x36: {  	v46 =	vld [tilespmem:s21+$0xFFFFFF00]  }
0x37: {  	v47 =	vld [tilespmem:s22+$0x10];
	v25 =	vperm.xlane v17, v14;
	v18 =	vadd.f32 v19, v18;
	v19 =	vmul.f32 v20, v45  }
0x38: {  	v20 =	vld [tilespmem:s21+$0xFFFFFF80]  }
0x39: {  	v48 =	vperm.xlane v17, v15;
	v18 =	vadd.f32 v19, v18;
	v19 =	vmul.f32 v44, v25  }
0x3a: {  	v49 =	vld [tilespmem:s21+$0x0]  }
0x3b: {  	v17 =	vperm.xlane v17, v16;
	v18 =	vadd.f32 v19, v18;
	v19 =	vmul.f32 v46, v48  }
0x3c: {  	v50 =	vld [tilespmem:s21+$0x80]  }
0x3d: {  	v51 =	vperm.xlane v47, v0;
	v17 =	vmul.f32 v20, v17;
	v18 =	vadd.f32 v19, v18  }
0x3e: {  	v19 =	vld [tilespmem:s21+$0x100]  }
0x3f: {  	v20 =	vperm.xlane v47, v2;
	v17 =	vadd.f32 v17, v18;
	v18 =	vmul.f32 v49, v51  }
0x40: {  	v52 =	vld [tilespmem:s21+$0x180]  }
0x41: {  	v53 =	vperm.xlane v47, v3;
	v17 =	vadd.f32 v18, v17;
	v18 =	vmul.f32 v50, v20  }
0x42: {  	v20 =	vld [tilespmem:s21+$0x200]  }
0x43: {  	v54 =	vperm.xlane v47, v4;
	v17 =	vadd.f32 v18, v17;
	v18 =	vmul.f32 v19, v53  }
0x44: {  	v19 =	vld [tilespmem:s21+$0x280]  }
0x45: {  	v21 =	vmul.f32 v52, v54;
	v17 =	vadd.f32 v18, v17;
	v18 =	vperm.xlane v47, v5  }
0x46: {  	v55 =	vld [tilespmem:s21+$0x300]  }
0x47: {  	v17 =	vadd.f32 v21, v17;
	v18 =	vmul.f32 v20, v18;
	v20 =	vperm.xlane v47, v6  }
0x48: {  	v56 =	vld [tilespmem:s21+$0x380]  }
0x49: {  	v17 =	vadd.f32 v18, v17;
	v18 =	vmul.f32 v19, v20;
	v19 =	vperm.xlane v47, v7  }
0x4a: {  	v20 =	vld [tilespmem:s21+$0x400]  }
0x4b: {  	v17 =	vadd.f32 v18, v17;
	v18 =	vmul.f32 v55, v19;
	v19 =	vperm.xlane v47, v8  }
0x4c: {  	v57 =	vld [tilespmem:s21+$0x480]  }
0x4d: {  	v17 =	vadd.f32 v18, v17;
	v18 =	vmul.f32 v56, v19;
	v19 =	vperm.xlane v47, v9  }
0x4e: {  	v58 =	vld [tilespmem:s21+$0x500]  }
0x4f: {  	v59 =	vperm.xlane v47, v10;
	v17 =	vadd.f32 v18, v17;
	v18 =	vmul.f32 v20, v19  }
0x50: {  	v19 =	vld [tilespmem:s21+$0x580]  }
0x51: {  	v22 =	vmul.f32 v57, v59;
	v20 =	vperm.xlane v47, v11;
	v17 =	vadd.f32 v18, v17  }
0x52: {  	v18 =	vld [tilespmem:s21+$0x600]  }
0x53: {  	v60 =	vperm.xlane v47, v12;
	v20 =	vmul.f32 v58, v20;
	v17 =	vadd.f32 v22, v17  }
0x54: {  	v61 =	vld [tilespmem:s21+$0x680]  }
0x55: {  	v19 =	vmul.f32 v19, v60;
	v17 =	vadd.f32 v20, v17;
	v20 =	vperm.xlane v47, v13  }
0x56: {  	v62 =	vld [tilespmem:s21+$0x700]  }
0x57: {  	v17 =	vadd.f32 v19, v17;
	v18 =	vmul.f32 v18, v20;
	v19 =	vperm.xlane v47, v14  }
0x58: {  	v63 =	vld [tilespmem:s21+$0x780];
	[tilespmem:s22+$0x9010] =	vst v1  }
0x59: {  	[tilespmem:s22+$0x9040] =	vst v1;
	v17 =	vadd.f32 v18, v17;
	v18 =	vmul.f32 v61, v19;
	v19 =	vperm.xlane v47, v15  }
0x5a: {  	[tilespmem:s22+$0x9050] =	vst v1  }
0x5b: {  	[tilespmem:s22+$0x9070] =	vst v1;
	v17 =	vadd.f32 v18, v17;
	v18 =	vmul.f32 v62, v19;
	v19 =	vperm.xlane v47, v16  }
0x5c: {  	[tilespmem:s22+$0x9020] =	vst v1  }
0x5d: {  	[tilespmem:s22+$0x9060] =	vst v1;
	v17 =	vadd.f32 v18, v17;
	v18 =	vmul.f32 v63, v19  }
0x5e: {  	s25 =	simm.s32 $0x80;
	[tilespmem:s22+$0x9030] =	vst v1  }
0x5f: {  	s23 =	simm.s32 $0x400;
	v19 =	vadd.f32 v18, v17;
	v18 =	vld [tilespmem:s25+$0x0]  }
.LBB2_2:
0x60: {  	p0 =	sne.s32 s23, $0x600;
	s21 =	sadd.s32 $0x1000, s21  }
0x61: {  	v17 =	vld [tilespmem:s25+$0x10];
	[tilespmem:s22+$0x9000] =	vst v19;
	s24 =	smov.u32 s23;
	s23 =	sadd.s32 $0x200, s23;
	s22 =	smov.u32 s25  }
0x62: {  	v19 =	vld [tilespmem:s21+$0xFFFFF800];
	_ =	sdelay $0x1  }
0x63: {  	v20 =	vld [tilespmem:s21+$0xFFFFF880]  }
0x64: {  	v21 =	vperm.xlane v18, v0;
	v22 =	vperm.xlane v18, v2  }
0x65: {  	v23 =	vperm.xlane v18, v3;
	v25 =	vperm.xlane v18, v4;
	v24 =	vld [tilespmem:s21+$0xFFFFF900]  }
0x66: {  	v19 =	vmul.f32 v19, v21;
	v21 =	vperm.xlane v18, v5  }
0x67: {  	v27 =	vperm.xlane v18, v6;
	v28 =	vperm.xlane v18, v7;
	v26 =	vld [tilespmem:s21+$0xFFFFF980]  }
0x68: {  	v19 =	vadd.f32 $0.0e+00, v19;
	v20 =	vmul.f32 v20, v22;
	v22 =	vperm.xlane v18, v8  }
0x69: {  	v30 =	vperm.xlane v18, v9;
	v31 =	vperm.xlane v18, v10;
	v29 =	vld [tilespmem:s21+$0xFFFFFA00]  }
0x6a: {  	v19 =	vadd.f32 v20, v19;
	v20 =	vmul.f32 v24, v23;
	v23 =	vperm.xlane v18, v11  }
0x6b: {  	v32 =	vperm.xlane v18, v12;
	v33 =	vperm.xlane v18, v13;
	v24 =	vld [tilespmem:s21+$0xFFFFFA80]  }
0x6c: {  	v19 =	vadd.f32 v20, v19;
	v20 =	vmul.f32 v26, v25;
	v25 =	vperm.xlane v18, v14;
	v26 =	vld [tilespmem:s21+$0x500]  }
0x6d: {  	v35 =	vperm.xlane v18, v15;
	v36 =	vperm.xlane v17, v0;
	v34 =	vld [tilespmem:s21+$0xFFFFFB00]  }
0x6e: {  	v19 =	vadd.f32 v20, v19;
	v20 =	vmul.f32 v29, v21;
	v21 =	vperm.xlane v17, v2;
	v29 =	vld [tilespmem:s21+$0x480]  }
0x6f: {  	v38 =	vperm.xlane v17, v3;
	v39 =	vperm.xlane v17, v4;
	v37 =	vld [tilespmem:s21+$0xFFFFFB80]  }
0x70: {  	v20 =	vadd.f32 v20, v19;
	v24 =	vmul.f32 v24, v27;
	v27 =	vperm.xlane v17, v10;
	v19 =	vld [tilespmem:s21+$0x700]  }
0x71: {  	v41 =	vperm.xlane v17, v11;
	v40 =	vld [tilespmem:s21+$0xFFFFFC00]  }
0x72: {  	v20 =	vadd.f32 v24, v20;
	v24 =	vmul.f32 v34, v28;
	v28 =	vld [tilespmem:s21+$0x600]  }
0x73: {  	v26 =	vmul.f32 v26, v41;
	v34 =	vld [tilespmem:s21+$0xFFFFFC80];
	v27 =	vmul.f32 v29, v27  }
0x74: {  	v20 =	vadd.f32 v24, v20;
	v22 =	vmul.f32 v37, v22;
	v24 =	vld [tilespmem:s21+$0x580]  }
0x75: {  	v29 =	vld [tilespmem:s21+$0xFFFFFD00]  }
0x76: {  	v20 =	vadd.f32 v22, v20;
	v22 =	vmul.f32 v40, v30;
	v30 =	vld [tilespmem:s21+$0x680]  }
0x77: {  	v37 =	vld [tilespmem:s21+$0xFFFFFD80]  }
0x78: {  	v20 =	vadd.f32 v22, v20;
	v22 =	vmul.f32 v34, v31;
	v31 =	vld [tilespmem:s21+$0x780]  }
0x79: {  	v34 =	vld [tilespmem:s21+$0xFFFFFE00]  }
0x7a: {  	v20 =	vadd.f32 v22, v20;
	v22 =	vmul.f32 v29, v23;
	v23 =	vld [tilespmem:s21+$0x400]  }
0x7b: {  	v29 =	vld [tilespmem:s21+$0xFFFFFE80]  }
0x7c: {  	v20 =	vadd.f32 v22, v20;
	v22 =	vmul.f32 v37, v32;
	v32 =	vld [tilespmem:s21+$0x380]  }
0x7d: {  	v37 =	vld [tilespmem:s21+$0xFFFFFF00]  }
0x7e: {  	v20 =	vadd.f32 v22, v20;
	v22 =	vmul.f32 v34, v33;
	v33 =	vld [tilespmem:s21+$0x200]  }
0x7f: {  	v34 =	vld [tilespmem:s21+$0xFFFFFF80]  }
0x80: {  	v20 =	vadd.f32 v22, v20;
	v22 =	vmul.f32 v29, v25;
	v25 =	vld [tilespmem:s21+$0x300]  }
0x81: {  	v29 =	vld [tilespmem:s21+$0x0]  }
0x82: {  	v18 =	vperm.xlane v18, v16;
	v20 =	vadd.f32 v22, v20;
	v22 =	vmul.f32 v37, v35;
	v35 =	vld [tilespmem:s21+$0x280]  }
0x83: {  	v37 =	vld [tilespmem:s21+$0x80]  }
0x84: {  	v20 =	vadd.f32 v22, v20;
	v18 =	vmul.f32 v34, v18;
	v22 =	vld [tilespmem:s21+$0x180]  }
0x85: {  	v34 =	vld [tilespmem:s21+$0x100]  }
0x86: {  	v18 =	vadd.f32 v18, v20;
	v20 =	vmul.f32 v29, v36;
	[tilespmem:s22+$0x9010] =	vst v1  }
0x87: {  	[tilespmem:s22+$0x9040] =	vst v1  }
0x88: {  	v18 =	vadd.f32 v20, v18;
	v20 =	vmul.f32 v37, v21;
	[tilespmem:s22+$0x9050] =	vst v1  }
0x89: {  	v21 =	vmul.f32 v22, v39;
	[tilespmem:s22+$0x9070] =	vst v1  }
0x8a: {  	v18 =	vadd.f32 v20, v18;
	v20 =	vmul.f32 v34, v38;
	[tilespmem:s22+$0x9020] =	vst v1  }
0x8b: {  	[tilespmem:s22+$0x9060] =	vst v1  }
0x8c: {  	v18 =	vadd.f32 v20, v18;
	v20 =	vperm.xlane v17, v5;
	[tilespmem:s22+$0x9030] =	vst v1;
	_ =	sdelay $0x1  }
0x8d: {  	v18 =	vadd.f32 v21, v18;
	v20 =	vmul.f32 v33, v20;
	v21 =	vperm.xlane v17, v6;
	_ =	sdelay $0x1  }
0x8e: {  	v18 =	vadd.f32 v20, v18;
	v20 =	vmul.f32 v35, v21;
	v21 =	vperm.xlane v17, v7;
	_ =	sdelay $0x1  }
0x8f: {  	v18 =	vadd.f32 v20, v18;
	v20 =	vmul.f32 v25, v21;
	v21 =	vperm.xlane v17, v8;
	_ =	sdelay $0x1  }
0x90: {  	v18 =	vadd.f32 v20, v18;
	v20 =	vmul.f32 v32, v21;
	v21 =	vperm.xlane v17, v9;
	_ =	sdelay $0x1  }
0x91: {  	v18 =	vadd.f32 v20, v18;
	v20 =	vmul.f32 v23, v21;
	_ =	sdelay $0x1  }
0x92: {  	v18 =	vadd.f32 v20, v18;
	_ =	sdelay $0x1  }
0x93: {  	v20 =	vperm.xlane v17, v12;
	v18 =	vadd.f32 v27, v18;
	_ =	sdelay $0x1  }
0x94: {  	v21 =	vperm.xlane v17, v13;
	v20 =	vmul.f32 v24, v20;
	v18 =	vadd.f32 v26, v18;
	_ =	sdelay $0x1  }
0x95: {  	v18 =	vadd.f32 v20, v18;
	v20 =	vmul.f32 v28, v21;
	v21 =	vperm.xlane v17, v14;
	_ =	sdelay $0x1  }
0x96: {  	v18 =	vadd.f32 v20, v18;
	v20 =	vmul.f32 v30, v21;
	v21 =	vperm.xlane v17, v15;
	_ =	sdelay $0x1  }
0x97: {  	v17 =	vperm.xlane v17, v16;
	v18 =	vadd.f32 v20, v18;
	v19 =	vmul.f32 v19, v21  }
.Ltmp0:
0x98: {  	(pc) =	sbr.rel @p0 .LBB2_2-.Ltmp0, $3  }
0x99: {  	v17 =	vmul.f32 v31, v17;
	v18 =	vadd.f32 v19, v18;
	_ =	sdelay $0x1  }
0x9a: {  	s25 =	sshra.s32 s24, $0x2;
	v19 =	vadd.f32 v17, v18  }
0x9b: {  	v18 =	vld [tilespmem:s25+$0x0]  }
0x9c: {  	v17 =	vld [tilespmem:s25+$0x10];
	[tilespmem:s22+$0x9000] =	vst v19;
	s21 =	sadd.s32 $0x1000, s21  }
0x9d: {  	v19 =	vld [tilespmem:s21+$0xFFFFF800];
	_ =	sdelay $0x1  }
0x9e: {  	v20 =	vld [tilespmem:s21+$0xFFFFF880]  }
0x9f: {  	v21 =	vperm.xlane v18, v0  }
0xa0: {  	v22 =	vld [tilespmem:s21+$0xFFFFF900]  }
0xa1: {  	v23 =	vperm.xlane v18, v2;
	v19 =	vmul.f32 v19, v21  }
0xa2: {  	v52 =	vld [tilespmem:s21+$0xFFFFF980]  }
0xa3: {  	v24 =	vperm.xlane v18, v3;
	v20 =	vmul.f32 v20, v23;
	v19 =	vadd.f32 $0.0e+00, v19  }
0xa4: {  	v53 =	vld [tilespmem:s21+$0xFFFFFA00]  }
0xa5: {  	v25 =	vperm.xlane v18, v4;
	v19 =	vadd.f32 v20, v19;
	v20 =	vmul.f32 v22, v24  }
0xa6: {  	v54 =	vld [tilespmem:s21+$0xFFFFFA80]  }
0xa7: {  	v55 =	vperm.xlane v18, v5;
	v19 =	vadd.f32 v20, v19;
	v20 =	vmul.f32 v52, v25  }
0xa8: {  	v56 =	vld [tilespmem:s21+$0xFFFFFB00]  }
0xa9: {  	v57 =	vperm.xlane v18, v6;
	v19 =	vadd.f32 v20, v19;
	v20 =	vmul.f32 v53, v55  }
0xaa: {  	v58 =	vld [tilespmem:s21+$0xFFFFFB80]  }
0xab: {  	v59 =	vperm.xlane v18, v7;
	v19 =	vadd.f32 v20, v19;
	v20 =	vmul.f32 v54, v57  }
0xac: {  	v60 =	vld [tilespmem:s21+$0xFFFFFC00]  }
0xad: {  	v61 =	vperm.xlane v18, v8;
	v19 =	vadd.f32 v20, v19;
	v20 =	vmul.f32 v56, v59  }
0xae: {  	v62 =	vld [tilespmem:s21+$0xFFFFFC80]  }
0xaf: {  	v63 =	vperm.xlane v18, v9;
	v19 =	vadd.f32 v20, v19;
	v20 =	vmul.f32 v58, v61  }
0xb0: {  	v28 =	vld [tilespmem:s21+$0xFFFFFD00]  }
0xb1: {  	v29 =	vperm.xlane v18, v10;
	v19 =	vadd.f32 v20, v19;
	v20 =	vmul.f32 v60, v63  }
0xb2: {  	v30 =	vld [tilespmem:s21+$0xFFFFFD80]  }
0xb3: {  	v31 =	vperm.xlane v18, v11;
	v19 =	vadd.f32 v20, v19;
	v20 =	vmul.f32 v62, v29  }
0xb4: {  	v32 =	vld [tilespmem:s21+$0xFFFFFE00]  }
0xb5: {  	v33 =	vperm.xlane v18, v12;
	v19 =	vadd.f32 v20, v19;
	v20 =	vmul.f32 v28, v31  }
0xb6: {  	v34 =	vld [tilespmem:s21+$0xFFFFFE80]  }
0xb7: {  	v35 =	vperm.xlane v18, v13;
	v19 =	vadd.f32 v20, v19;
	v20 =	vmul.f32 v30, v33  }
0xb8: {  	v36 =	vld [tilespmem:s21+$0xFFFFFF00]  }
0xb9: {  	v37 =	vperm.xlane v18, v14;
	v19 =	vadd.f32 v20, v19;
	v20 =	vmul.f32 v32, v35  }
0xba: {  	v38 =	vld [tilespmem:s21+$0xFFFFFF80]  }
0xbb: {  	v39 =	vperm.xlane v18, v15;
	v19 =	vadd.f32 v20, v19;
	v20 =	vmul.f32 v34, v37  }
0xbc: {  	v40 =	vld [tilespmem:s21+$0x0]  }
0xbd: {  	v18 =	vperm.xlane v18, v16;
	v19 =	vadd.f32 v20, v19;
	v20 =	vmul.f32 v36, v39  }
0xbe: {  	v41 =	vld [tilespmem:s21+$0x80]  }
0xbf: {  	v42 =	vperm.xlane v17, v0;
	v18 =	vmul.f32 v38, v18;
	v19 =	vadd.f32 v20, v19  }
0xc0: {  	v20 =	vld [tilespmem:s21+$0x100]  }
0xc1: {  	v43 =	vperm.xlane v17, v2;
	v18 =	vadd.f32 v18, v19;
	v19 =	vmul.f32 v40, v42  }
0xc2: {  	v44 =	vld [tilespmem:s21+$0x180]  }
0xc3: {  	v45 =	vperm.xlane v17, v3;
	v18 =	vadd.f32 v19, v18;
	v19 =	vmul.f32 v41, v43  }
0xc4: {  	v46 =	vld [tilespmem:s21+$0x200]  }
0xc5: {  	v47 =	vperm.xlane v17, v4;
	v18 =	vadd.f32 v19, v18;
	v19 =	vmul.f32 v20, v45  }
0xc6: {  	v20 =	vld [tilespmem:s21+$0x280]  }
0xc7: {  	v22 =	vmul.f32 v44, v47;
	v18 =	vadd.f32 v19, v18;
	v19 =	vperm.xlane v17, v5  }
0xc8: {  	v48 =	vld [tilespmem:s21+$0x300]  }
0xc9: {  	v49 =	vperm.xlane v17, v6;
	v18 =	vadd.f32 v22, v18;
	v19 =	vmul.f32 v46, v19  }
0xca: {  	v50 =	vld [tilespmem:s21+$0x380]  }
0xcb: {  	v18 =	vadd.f32 v19, v18;
	v19 =	vmul.f32 v20, v49;
	v20 =	vperm.xlane v17, v7  }
0xcc: {  	v51 =	vld [tilespmem:s21+$0x400]  }
0xcd: {  	v18 =	vadd.f32 v19, v18;
	v19 =	vmul.f32 v48, v20;
	v20 =	vperm.xlane v17, v8  }
0xce: {  	v52 =	vld [tilespmem:s21+$0x480]  }
0xcf: {  	v18 =	vadd.f32 v19, v18;
	v19 =	vmul.f32 v50, v20;
	v20 =	vperm.xlane v17, v9  }
0xd0: {  	v53 =	vld [tilespmem:s21+$0x500]  }
0xd1: {  	v54 =	vperm.xlane v17, v10;
	v18 =	vadd.f32 v19, v18;
	v19 =	vmul.f32 v51, v20  }
0xd2: {  	v20 =	vld [tilespmem:s21+$0x580]  }
0xd3: {  	v55 =	vperm.xlane v17, v11;
	v23 =	vmul.f32 v52, v54;
	v18 =	vadd.f32 v19, v18  }
0xd4: {  	v19 =	vld [tilespmem:s21+$0x600]  }
0xd5: {  	v56 =	vperm.xlane v17, v12;
	v21 =	vmul.f32 v53, v55;
	v18 =	vadd.f32 v23, v18  }
0xd6: {  	v57 =	vld [tilespmem:s21+$0x680]  }
0xd7: {  	v58 =	vperm.xlane v17, v13;
	v20 =	vmul.f32 v20, v56;
	v18 =	vadd.f32 v21, v18  }
0xd8: {  	v59 =	vld [tilespmem:s21+$0x700]  }
0xd9: {  	v19 =	vmul.f32 v19, v58;
	v18 =	vadd.f32 v20, v18;
	v20 =	vperm.xlane v17, v14  }
0xda: {  	v60 =	vld [tilespmem:s21+$0x780]  }
0xdb: {  	v18 =	vadd.f32 v19, v18;
	v19 =	vmul.f32 v57, v20;
	v20 =	vperm.xlane v17, v15  }
0xdc: {  	[tilespmem:s25+$0x9010] =	vst v1  }
0xdd: {  	[tilespmem:s25+$0x9040] =	vst v1;
	v17 =	vperm.xlane v17, v16;
	v18 =	vadd.f32 v19, v18;
	v19 =	vmul.f32 v59, v20  }
0xde: {  	[tilespmem:s25+$0x9050] =	vst v1  }
0xdf: {  	[tilespmem:s25+$0x9070] =	vst v1;
	v17 =	vmul.f32 v60, v17;
	v18 =	vadd.f32 v19, v18  }
0xe0: {  	[tilespmem:s25+$0x9020] =	vst v1  }
0xe1: {  	[tilespmem:s25+$0x9060] =	vst v1;
	v17 =	vadd.f32 v17, v18  }
0xe2: {  	[tilespmem:s25+$0x9030] =	vst v1  }
0xe3: {  	s31 =	simm.s32 $0x0;
	[tilespmem:s25+$0x9000] =	vst v17  }
0xe4: {  	[tilespmem:s15], [sflag:$0x1] =	stream.linear.gather [hbm4b:s6+s31], $0x4000, $0x38;
	[tilespmem:$0xA000] =	vst v63  }
0xe5: {  	_ =	swait.ge [sflag:s18], $0x4000  }
0xe6: {  	[sflag:s18] =	ssyncset.done $0x0  }
0xe7: {  	s22 =	simm.s32 $0x0;
	[sflag:s18] =	ssyncadd.s32 $0xFFFFC000  }
0xe8: {  	v17 =	vld [tilespmem:s22+$0x200]  }
0xe9: {  	s21 =	simm.s32 $0x5800  }
0xea: {  	v18 =	vld [tilespmem:s21+$0xFFFFF800];
	_ =	sdelay $0x1  }
0xeb: {  	v19 =	vld [tilespmem:s21+$0xFFFFF880]  }
0xec: {  	v20 =	vperm.xlane v17, v0  }
0xed: {  	v61 =	vld [tilespmem:s21+$0xFFFFF900]  }
0xee: {  	v62 =	vperm.xlane v17, v2;
	v18 =	vmul.f32 v18, v20  }
0xef: {  	v20 =	vld [tilespmem:s21+$0xFFFFF980]  }
0xf0: {  	v63 =	vperm.xlane v17, v3;
	v19 =	vmul.f32 v19, v62;
	v18 =	vadd.f32 $0.0e+00, v18  }
0xf1: {  	v28 =	vld [tilespmem:s21+$0xFFFFFA00]  }
0xf2: {  	v29 =	vperm.xlane v17, v4;
	v18 =	vadd.f32 v19, v18;
	v19 =	vmul.f32 v61, v63  }
0xf3: {  	v30 =	vld [tilespmem:s21+$0xFFFFFA80]  }
0xf4: {  	v31 =	vperm.xlane v17, v5;
	v18 =	vadd.f32 v19, v18;
	v19 =	vmul.f32 v20, v29  }
0xf5: {  	v20 =	vld [tilespmem:s21+$0xFFFFFB00]  }
0xf6: {  	v32 =	vperm.xlane v17, v6;
	v18 =	vadd.f32 v19, v18;
	v19 =	vmul.f32 v28, v31  }
0xf7: {  	v33 =	vld [tilespmem:s21+$0xFFFFFB80]  }
0xf8: {  	v34 =	vperm.xlane v17, v7;
	v18 =	vadd.f32 v19, v18;
	v19 =	vmul.f32 v30, v32  }
0xf9: {  	v35 =	vld [tilespmem:s21+$0xFFFFFC00]  }
0xfa: {  	v36 =	vperm.xlane v17, v8;
	v18 =	vadd.f32 v19, v18;
	v19 =	vmul.f32 v20, v34  }
0xfb: {  	v20 =	vld [tilespmem:s21+$0xFFFFFC80]  }
0xfc: {  	v37 =	vperm.xlane v17, v9;
	v18 =	vadd.f32 v19, v18;
	v19 =	vmul.f32 v33, v36  }
0xfd: {  	v38 =	vld [tilespmem:s21+$0xFFFFFD00]  }
0xfe: {  	v39 =	vperm.xlane v17, v10;
	v18 =	vadd.f32 v19, v18;
	v19 =	vmul.f32 v35, v37  }
0xff: {  	v40 =	vld [tilespmem:s21+$0xFFFFFD80]  }
0x100: {  	v41 =	vperm.xlane v17, v11;
	v18 =	vadd.f32 v19, v18;
	v19 =	vmul.f32 v20, v39  }
0x101: {  	v20 =	vld [tilespmem:s21+$0xFFFFFE00]  }
0x102: {  	v42 =	vperm.xlane v17, v12;
	v18 =	vadd.f32 v19, v18;
	v19 =	vmul.f32 v38, v41  }
0x103: {  	v43 =	vld [tilespmem:s21+$0xFFFFFE80]  }
0x104: {  	v44 =	vperm.xlane v17, v13;
	v18 =	vadd.f32 v19, v18;
	v19 =	vmul.f32 v40, v42  }
0x105: {  	v45 =	vld [tilespmem:s21+$0xFFFFFF00]  }
0x106: {  	v46 =	vld [tilespmem:s22+$0x210];
	v47 =	vperm.xlane v17, v14;
	v18 =	vadd.f32 v19, v18;
	v19 =	vmul.f32 v20, v44  }
0x107: {  	v20 =	vld [tilespmem:s21+$0xFFFFFF80]  }
0x108: {  	v48 =	vperm.xlane v17, v15;
	v18 =	vadd.f32 v19, v18;
	v19 =	vmul.f32 v43, v47  }
0x109: {  	v49 =	vld [tilespmem:s21+$0x0]  }
0x10a: {  	v17 =	vperm.xlane v17, v16;
	v18 =	vadd.f32 v19, v18;
	v19 =	vmul.f32 v45, v48  }
0x10b: {  	v50 =	vld [tilespmem:s21+$0x80]  }
0x10c: {  	v51 =	vperm.xlane v46, v0;
	v17 =	vmul.f32 v20, v17;
	v18 =	vadd.f32 v19, v18  }
0x10d: {  	v19 =	vld [tilespmem:s21+$0x100]  }
0x10e: {  	v20 =	vperm.xlane v46, v2;
	v17 =	vadd.f32 v17, v18;
	v18 =	vmul.f32 v49, v51  }
0x10f: {  	v52 =	vld [tilespmem:s21+$0x180]  }
0x110: {  	v53 =	vperm.xlane v46, v3;
	v17 =	vadd.f32 v18, v17;
	v18 =	vmul.f32 v50, v20  }
0x111: {  	v20 =	vld [tilespmem:s21+$0x200]  }
0x112: {  	v54 =	vperm.xlane v46, v4;
	v17 =	vadd.f32 v18, v17;
	v18 =	vmul.f32 v19, v53  }
0x113: {  	v19 =	vld [tilespmem:s21+$0x280]  }
0x114: {  	v21 =	vmul.f32 v52, v54;
	v17 =	vadd.f32 v18, v17;
	v18 =	vperm.xlane v46, v5  }
0x115: {  	v55 =	vld [tilespmem:s21+$0x300]  }
0x116: {  	v17 =	vadd.f32 v21, v17;
	v18 =	vmul.f32 v20, v18;
	v20 =	vperm.xlane v46, v6  }
0x117: {  	v56 =	vld [tilespmem:s21+$0x380]  }
0x118: {  	v17 =	vadd.f32 v18, v17;
	v18 =	vmul.f32 v19, v20;
	v19 =	vperm.xlane v46, v7  }
0x119: {  	v20 =	vld [tilespmem:s21+$0x400]  }
0x11a: {  	v17 =	vadd.f32 v18, v17;
	v18 =	vmul.f32 v55, v19;
	v19 =	vperm.xlane v46, v8  }
0x11b: {  	v57 =	vld [tilespmem:s21+$0x480]  }
0x11c: {  	v17 =	vadd.f32 v18, v17;
	v18 =	vmul.f32 v56, v19;
	v19 =	vperm.xlane v46, v9  }
0x11d: {  	v58 =	vld [tilespmem:s21+$0x500]  }
0x11e: {  	v59 =	vperm.xlane v46, v10;
	v17 =	vadd.f32 v18, v17;
	v18 =	vmul.f32 v20, v19  }
0x11f: {  	v19 =	vld [tilespmem:s21+$0x580]  }
0x120: {  	v22 =	vmul.f32 v57, v59;
	v20 =	vperm.xlane v46, v11;
	v17 =	vadd.f32 v18, v17  }
0x121: {  	v18 =	vld [tilespmem:s21+$0x600]  }
0x122: {  	v60 =	vperm.xlane v46, v12;
	v20 =	vmul.f32 v58, v20;
	v17 =	vadd.f32 v22, v17  }
0x123: {  	v61 =	vld [tilespmem:s21+$0x680]  }
0x124: {  	v19 =	vmul.f32 v19, v60;
	v17 =	vadd.f32 v20, v17;
	v20 =	vperm.xlane v46, v13  }
0x125: {  	v62 =	vld [tilespmem:s21+$0x700]  }
0x126: {  	v17 =	vadd.f32 v19, v17;
	v18 =	vmul.f32 v18, v20;
	v19 =	vperm.xlane v46, v14  }
0x127: {  	v63 =	vld [tilespmem:s21+$0x780];
	[tilespmem:s22+$0x9210] =	vst v1  }
0x128: {  	[tilespmem:s22+$0x9240] =	vst v1;
	v17 =	vadd.f32 v18, v17;
	v18 =	vmul.f32 v61, v19;
	v19 =	vperm.xlane v46, v15  }
0x129: {  	[tilespmem:s22+$0x9250] =	vst v1  }
0x12a: {  	[tilespmem:s22+$0x9270] =	vst v1;
	v17 =	vadd.f32 v18, v17;
	v18 =	vmul.f32 v62, v19;
	v19 =	vperm.xlane v46, v16  }
0x12b: {  	[tilespmem:s22+$0x9220] =	vst v1  }
0x12c: {  	[tilespmem:s22+$0x9260] =	vst v1;
	v17 =	vadd.f32 v18, v17;
	v18 =	vmul.f32 v63, v19  }
0x12d: {  	s25 =	simm.s32 $0x80;
	[tilespmem:s22+$0x9230] =	vst v1  }
0x12e: {  	s23 =	simm.s32 $0x400;
	v19 =	vadd.f32 v18, v17;
	v18 =	vld [tilespmem:s25+$0x200]  }
.LBB2_4:
0x12f: {  	p0 =	sne.s32 s23, $0x600;
	s21 =	sadd.s32 $0x1000, s21  }
0x130: {  	v17 =	vld [tilespmem:s25+$0x210];
	[tilespmem:s22+$0x9200] =	vst v19;
	s24 =	smov.u32 s23;
	s23 =	sadd.s32 $0x200, s23;
	s22 =	smov.u32 s25  }
0x131: {  	v19 =	vld [tilespmem:s21+$0xFFFFF800];
	_ =	sdelay $0x1  }
0x132: {  	v20 =	vld [tilespmem:s21+$0xFFFFF880]  }
0x133: {  	v21 =	vperm.xlane v18, v0;
	v22 =	vperm.xlane v18, v2  }
0x134: {  	v23 =	vperm.xlane v18, v3;
	v25 =	vperm.xlane v18, v4;
	v24 =	vld [tilespmem:s21+$0xFFFFF900]  }
0x135: {  	v19 =	vmul.f32 v19, v21;
	v21 =	vperm.xlane v18, v5  }
0x136: {  	v27 =	vperm.xlane v18, v6;
	v28 =	vperm.xlane v18, v7;
	v26 =	vld [tilespmem:s21+$0xFFFFF980]  }
0x137: {  	v19 =	vadd.f32 $0.0e+00, v19;
	v20 =	vmul.f32 v20, v22;
	v22 =	vperm.xlane v18, v8  }
0x138: {  	v30 =	vperm.xlane v18, v9;
	v31 =	vperm.xlane v18, v10;
	v29 =	vld [tilespmem:s21+$0xFFFFFA00]  }
0x139: {  	v19 =	vadd.f32 v20, v19;
	v20 =	vmul.f32 v24, v23;
	v23 =	vperm.xlane v18, v11  }
0x13a: {  	v32 =	vperm.xlane v18, v12;
	v33 =	vperm.xlane v18, v13;
	v24 =	vld [tilespmem:s21+$0xFFFFFA80]  }
0x13b: {  	v19 =	vadd.f32 v20, v19;
	v20 =	vmul.f32 v26, v25;
	v25 =	vperm.xlane v18, v14;
	v26 =	vld [tilespmem:s21+$0x500]  }
0x13c: {  	v35 =	vperm.xlane v18, v15;
	v36 =	vperm.xlane v17, v0;
	v34 =	vld [tilespmem:s21+$0xFFFFFB00]  }
0x13d: {  	v19 =	vadd.f32 v20, v19;
	v20 =	vmul.f32 v29, v21;
	v21 =	vperm.xlane v17, v2;
	v29 =	vld [tilespmem:s21+$0x480]  }
0x13e: {  	v38 =	vperm.xlane v17, v3;
	v39 =	vperm.xlane v17, v4;
	v37 =	vld [tilespmem:s21+$0xFFFFFB80]  }
0x13f: {  	v20 =	vadd.f32 v20, v19;
	v24 =	vmul.f32 v24, v27;
	v27 =	vperm.xlane v17, v10;
	v19 =	vld [tilespmem:s21+$0x700]  }
0x140: {  	v41 =	vperm.xlane v17, v11;
	v40 =	vld [tilespmem:s21+$0xFFFFFC00]  }
0x141: {  	v20 =	vadd.f32 v24, v20;
	v24 =	vmul.f32 v34, v28;
	v28 =	vld [tilespmem:s21+$0x600]  }
0x142: {  	v26 =	vmul.f32 v26, v41;
	v34 =	vld [tilespmem:s21+$0xFFFFFC80];
	v27 =	vmul.f32 v29, v27  }
0x143: {  	v20 =	vadd.f32 v24, v20;
	v22 =	vmul.f32 v37, v22;
	v24 =	vld [tilespmem:s21+$0x580]  }
0x144: {  	v29 =	vld [tilespmem:s21+$0xFFFFFD00]  }
0x145: {  	v20 =	vadd.f32 v22, v20;
	v22 =	vmul.f32 v40, v30;
	v30 =	vld [tilespmem:s21+$0x680]  }
0x146: {  	v37 =	vld [tilespmem:s21+$0xFFFFFD80]  }
0x147: {  	v20 =	vadd.f32 v22, v20;
	v22 =	vmul.f32 v34, v31;
	v31 =	vld [tilespmem:s21+$0x780]  }
0x148: {  	v34 =	vld [tilespmem:s21+$0xFFFFFE00]  }
0x149: {  	v20 =	vadd.f32 v22, v20;
	v22 =	vmul.f32 v29, v23;
	v23 =	vld [tilespmem:s21+$0x400]  }
0x14a: {  	v29 =	vld [tilespmem:s21+$0xFFFFFE80]  }
0x14b: {  	v20 =	vadd.f32 v22, v20;
	v22 =	vmul.f32 v37, v32;
	v32 =	vld [tilespmem:s21+$0x380]  }
0x14c: {  	v37 =	vld [tilespmem:s21+$0xFFFFFF00]  }
0x14d: {  	v20 =	vadd.f32 v22, v20;
	v22 =	vmul.f32 v34, v33;
	v33 =	vld [tilespmem:s21+$0x200]  }
0x14e: {  	v34 =	vld [tilespmem:s21+$0xFFFFFF80]  }
0x14f: {  	v20 =	vadd.f32 v22, v20;
	v22 =	vmul.f32 v29, v25;
	v25 =	vld [tilespmem:s21+$0x300]  }
0x150: {  	v29 =	vld [tilespmem:s21+$0x0]  }
0x151: {  	v18 =	vperm.xlane v18, v16;
	v20 =	vadd.f32 v22, v20;
	v22 =	vmul.f32 v37, v35;
	v35 =	vld [tilespmem:s21+$0x280]  }
0x152: {  	v37 =	vld [tilespmem:s21+$0x80]  }
0x153: {  	v20 =	vadd.f32 v22, v20;
	v18 =	vmul.f32 v34, v18;
	v22 =	vld [tilespmem:s21+$0x180]  }
0x154: {  	v34 =	vld [tilespmem:s21+$0x100]  }
0x155: {  	v18 =	vadd.f32 v18, v20;
	v20 =	vmul.f32 v29, v36;
	[tilespmem:s22+$0x9210] =	vst v1  }
0x156: {  	[tilespmem:s22+$0x9240] =	vst v1  }
0x157: {  	v18 =	vadd.f32 v20, v18;
	v20 =	vmul.f32 v37, v21;
	[tilespmem:s22+$0x9250] =	vst v1  }
0x158: {  	v21 =	vmul.f32 v22, v39;
	[tilespmem:s22+$0x9270] =	vst v1  }
0x159: {  	v18 =	vadd.f32 v20, v18;
	v20 =	vmul.f32 v34, v38;
	[tilespmem:s22+$0x9220] =	vst v1  }
0x15a: {  	[tilespmem:s22+$0x9260] =	vst v1  }
0x15b: {  	v18 =	vadd.f32 v20, v18;
	v20 =	vperm.xlane v17, v5;
	[tilespmem:s22+$0x9230] =	vst v1;
	_ =	sdelay $0x1  }
0x15c: {  	v18 =	vadd.f32 v21, v18;
	v20 =	vmul.f32 v33, v20;
	v21 =	vperm.xlane v17, v6;
	_ =	sdelay $0x1  }
0x15d: {  	v18 =	vadd.f32 v20, v18;
	v20 =	vmul.f32 v35, v21;
	v21 =	vperm.xlane v17, v7;
	_ =	sdelay $0x1  }
0x15e: {  	v18 =	vadd.f32 v20, v18;
	v20 =	vmul.f32 v25, v21;
	v21 =	vperm.xlane v17, v8;
	_ =	sdelay $0x1  }
0x15f: {  	v18 =	vadd.f32 v20, v18;
	v20 =	vmul.f32 v32, v21;
	v21 =	vperm.xlane v17, v9;
	_ =	sdelay $0x1  }
0x160: {  	v18 =	vadd.f32 v20, v18;
	v20 =	vmul.f32 v23, v21;
	_ =	sdelay $0x1  }
0x161: {  	v18 =	vadd.f32 v20, v18;
	_ =	sdelay $0x1  }
0x162: {  	v20 =	vperm.xlane v17, v12;
	v18 =	vadd.f32 v27, v18;
	_ =	sdelay $0x1  }
0x163: {  	v21 =	vperm.xlane v17, v13;
	v20 =	vmul.f32 v24, v20;
	v18 =	vadd.f32 v26, v18;
	_ =	sdelay $0x1  }
0x164: {  	v18 =	vadd.f32 v20, v18;
	v20 =	vmul.f32 v28, v21;
	v21 =	vperm.xlane v17, v14;
	_ =	sdelay $0x1  }
0x165: {  	v18 =	vadd.f32 v20, v18;
	v20 =	vmul.f32 v30, v21;
	v21 =	vperm.xlane v17, v15;
	_ =	sdelay $0x1  }
0x166: {  	v17 =	vperm.xlane v17, v16;
	v18 =	vadd.f32 v20, v18;
	v19 =	vmul.f32 v19, v21  }
.Ltmp1:
0x167: {  	(pc) =	sbr.rel @p0 .LBB2_4-.Ltmp1, $3  }
0x168: {  	v17 =	vmul.f32 v31, v17;
	v18 =	vadd.f32 v19, v18;
	_ =	sdelay $0x1  }
0x169: {  	s25 =	sshra.s32 s24, $0x2;
	v19 =	vadd.f32 v17, v18  }
0x16a: {  	v18 =	vld [tilespmem:s25+$0x200]  }
0x16b: {  	v17 =	vld [tilespmem:s25+$0x210];
	[tilespmem:s22+$0x9200] =	vst v19;
	s21 =	sadd.s32 $0x1000, s21  }
0x16c: {  	v19 =	vld [tilespmem:s21+$0xFFFFF800];
	_ =	sdelay $0x1  }
0x16d: {  	v20 =	vld [tilespmem:s21+$0xFFFFF880]  }
0x16e: {  	v21 =	vperm.xlane v18, v0  }
0x16f: {  	v22 =	vld [tilespmem:s21+$0xFFFFF900]  }
0x170: {  	v23 =	vperm.xlane v18, v2;
	v19 =	vmul.f32 v19, v21  }
0x171: {  	v52 =	vld [tilespmem:s21+$0xFFFFF980]  }
0x172: {  	v24 =	vperm.xlane v18, v3;
	v20 =	vmul.f32 v20, v23;
	v19 =	vadd.f32 $0.0e+00, v19  }
0x173: {  	v53 =	vld [tilespmem:s21+$0xFFFFFA00]  }
0x174: {  	v25 =	vperm.xlane v18, v4;
	v19 =	vadd.f32 v20, v19;
	v20 =	vmul.f32 v22, v24  }
0x175: {  	v54 =	vld [tilespmem:s21+$0xFFFFFA80]  }
0x176: {  	v55 =	vperm.xlane v18, v5;
	v19 =	vadd.f32 v20, v19;
	v20 =	vmul.f32 v52, v25  }
0x177: {  	v56 =	vld [tilespmem:s21+$0xFFFFFB00]  }
0x178: {  	v57 =	vperm.xlane v18, v6;
	v19 =	vadd.f32 v20, v19;
	v20 =	vmul.f32 v53, v55  }
0x179: {  	v58 =	vld [tilespmem:s21+$0xFFFFFB80]  }
0x17a: {  	v59 =	vperm.xlane v18, v7;
	v19 =	vadd.f32 v20, v19;
	v20 =	vmul.f32 v54, v57  }
0x17b: {  	v60 =	vld [tilespmem:s21+$0xFFFFFC00]  }
0x17c: {  	v61 =	vperm.xlane v18, v8;
	v19 =	vadd.f32 v20, v19;
	v20 =	vmul.f32 v56, v59  }
0x17d: {  	v62 =	vld [tilespmem:s21+$0xFFFFFC80]  }
0x17e: {  	v63 =	vperm.xlane v18, v9;
	v19 =	vadd.f32 v20, v19;
	v20 =	vmul.f32 v58, v61  }
0x17f: {  	v28 =	vld [tilespmem:s21+$0xFFFFFD00]  }
0x180: {  	v29 =	vperm.xlane v18, v10;
	v19 =	vadd.f32 v20, v19;
	v20 =	vmul.f32 v60, v63  }
0x181: {  	v30 =	vld [tilespmem:s21+$0xFFFFFD80]  }
0x182: {  	v31 =	vperm.xlane v18, v11;
	v19 =	vadd.f32 v20, v19;
	v20 =	vmul.f32 v62, v29  }
0x183: {  	v32 =	vld [tilespmem:s21+$0xFFFFFE00]  }
0x184: {  	v33 =	vperm.xlane v18, v12;
	v19 =	vadd.f32 v20, v19;
	v20 =	vmul.f32 v28, v31  }
0x185: {  	v34 =	vld [tilespmem:s21+$0xFFFFFE80]  }
0x186: {  	v35 =	vperm.xlane v18, v13;
	v19 =	vadd.f32 v20, v19;
	v20 =	vmul.f32 v30, v33  }
0x187: {  	v36 =	vld [tilespmem:s21+$0xFFFFFF00]  }
0x188: {  	v37 =	vperm.xlane v18, v14;
	v19 =	vadd.f32 v20, v19;
	v20 =	vmul.f32 v32, v35  }
0x189: {  	v38 =	vld [tilespmem:s21+$0xFFFFFF80]  }
0x18a: {  	v39 =	vperm.xlane v18, v15;
	v19 =	vadd.f32 v20, v19;
	v20 =	vmul.f32 v34, v37  }
0x18b: {  	v40 =	vld [tilespmem:s21+$0x0]  }
0x18c: {  	v18 =	vperm.xlane v18, v16;
	v19 =	vadd.f32 v20, v19;
	v20 =	vmul.f32 v36, v39  }
0x18d: {  	v41 =	vld [tilespmem:s21+$0x80]  }
0x18e: {  	v42 =	vperm.xlane v17, v0;
	v18 =	vmul.f32 v38, v18;
	v19 =	vadd.f32 v20, v19  }
0x18f: {  	v20 =	vld [tilespmem:s21+$0x100]  }
0x190: {  	v43 =	vperm.xlane v17, v2;
	v18 =	vadd.f32 v18, v19;
	v19 =	vmul.f32 v40, v42  }
0x191: {  	v44 =	vld [tilespmem:s21+$0x180]  }
0x192: {  	v45 =	vperm.xlane v17, v3;
	v18 =	vadd.f32 v19, v18;
	v19 =	vmul.f32 v41, v43  }
0x193: {  	v46 =	vld [tilespmem:s21+$0x200]  }
0x194: {  	v47 =	vperm.xlane v17, v4;
	v18 =	vadd.f32 v19, v18;
	v19 =	vmul.f32 v20, v45  }
0x195: {  	v20 =	vld [tilespmem:s21+$0x280]  }
0x196: {  	v22 =	vmul.f32 v44, v47;
	v18 =	vadd.f32 v19, v18;
	v19 =	vperm.xlane v17, v5  }
0x197: {  	v48 =	vld [tilespmem:s21+$0x300]  }
0x198: {  	v49 =	vperm.xlane v17, v6;
	v18 =	vadd.f32 v22, v18;
	v19 =	vmul.f32 v46, v19  }
0x199: {  	v50 =	vld [tilespmem:s21+$0x380]  }
0x19a: {  	v18 =	vadd.f32 v19, v18;
	v19 =	vmul.f32 v20, v49;
	v20 =	vperm.xlane v17, v7  }
0x19b: {  	v51 =	vld [tilespmem:s21+$0x400]  }
0x19c: {  	v18 =	vadd.f32 v19, v18;
	v19 =	vmul.f32 v48, v20;
	v20 =	vperm.xlane v17, v8  }
0x19d: {  	v52 =	vld [tilespmem:s21+$0x480]  }
0x19e: {  	v18 =	vadd.f32 v19, v18;
	v19 =	vmul.f32 v50, v20;
	v20 =	vperm.xlane v17, v9  }
0x19f: {  	v53 =	vld [tilespmem:s21+$0x500]  }
0x1a0: {  	v54 =	vperm.xlane v17, v10;
	v18 =	vadd.f32 v19, v18;
	v19 =	vmul.f32 v51, v20  }
0x1a1: {  	v20 =	vld [tilespmem:s21+$0x580]  }
0x1a2: {  	v55 =	vperm.xlane v17, v11;
	v23 =	vmul.f32 v52, v54;
	v18 =	vadd.f32 v19, v18  }
0x1a3: {  	v19 =	vld [tilespmem:s21+$0x600]  }
0x1a4: {  	v56 =	vperm.xlane v17, v12;
	v21 =	vmul.f32 v53, v55;
	v18 =	vadd.f32 v23, v18  }
0x1a5: {  	v57 =	vld [tilespmem:s21+$0x680]  }
0x1a6: {  	v58 =	vperm.xlane v17, v13;
	v20 =	vmul.f32 v20, v56;
	v18 =	vadd.f32 v21, v18  }
0x1a7: {  	v59 =	vld [tilespmem:s21+$0x700]  }
0x1a8: {  	v19 =	vmul.f32 v19, v58;
	v18 =	vadd.f32 v20, v18;
	v20 =	vperm.xlane v17, v14  }
0x1a9: {  	v60 =	vld [tilespmem:s21+$0x780]  }
0x1aa: {  	v18 =	vadd.f32 v19, v18;
	v19 =	vmul.f32 v57, v20;
	v20 =	vperm.xlane v17, v15  }
0x1ab: {  	[tilespmem:s25+$0x9210] =	vst v1  }
0x1ac: {  	[tilespmem:s25+$0x9240] =	vst v1;
	v17 =	vperm.xlane v17, v16;
	v18 =	vadd.f32 v19, v18;
	v19 =	vmul.f32 v59, v20  }
0x1ad: {  	[tilespmem:s25+$0x9250] =	vst v1  }
0x1ae: {  	[tilespmem:s25+$0x9270] =	vst v1;
	v17 =	vmul.f32 v60, v17;
	v18 =	vadd.f32 v19, v18  }
0x1af: {  	[tilespmem:s25+$0x9220] =	vst v1  }
0x1b0: {  	[tilespmem:s25+$0x9260] =	vst v1;
	v17 =	vadd.f32 v17, v18  }
0x1b1: {  	[tilespmem:s25+$0x9230] =	vst v1  }
0x1b2: {  	s31 =	simm.s32 $0x0;
	[tilespmem:s25+$0x9200] =	vst v17  }
0x1b3: {  	[tilespmem:s16], [sflag:$0x2] =	stream.linear.gather [hbm4b:s7+s31], $0x4000, $0x38;
	[tilespmem:$0xA000] =	vst v63  }
0x1b4: {  	_ =	swait.ge [sflag:s17], $0x4000  }
0x1b5: {  	[sflag:s17] =	ssyncset.done $0x0  }
0x1b6: {  	s22 =	simm.s32 $0x0;
	[sflag:s17] =	ssyncadd.s32 $0xFFFFC000  }
0x1b7: {  	v17 =	vld [tilespmem:s22+$0x400]  }
0x1b8: {  	s21 =	simm.s32 $0x1800  }
0x1b9: {  	v18 =	vld [tilespmem:s21+$0xFFFFF800];
	_ =	sdelay $0x1  }
0x1ba: {  	v19 =	vld [tilespmem:s21+$0xFFFFF880]  }
0x1bb: {  	v20 =	vperm.xlane v17, v0  }
0x1bc: {  	v61 =	vld [tilespmem:s21+$0xFFFFF900]  }
0x1bd: {  	v62 =	vperm.xlane v17, v2;
	v18 =	vmul.f32 v18, v20  }
0x1be: {  	v20 =	vld [tilespmem:s21+$0xFFFFF980]  }
0x1bf: {  	v63 =	vperm.xlane v17, v3;
	v19 =	vmul.f32 v19, v62;
	v18 =	vadd.f32 $0.0e+00, v18  }
0x1c0: {  	v28 =	vld [tilespmem:s21+$0xFFFFFA00]  }
0x1c1: {  	v29 =	vperm.xlane v17, v4;
	v18 =	vadd.f32 v19, v18;
	v19 =	vmul.f32 v61, v63  }
0x1c2: {  	v30 =	vld [tilespmem:s21+$0xFFFFFA80]  }
0x1c3: {  	v31 =	vperm.xlane v17, v5;
	v18 =	vadd.f32 v19, v18;
	v19 =	vmul.f32 v20, v29  }
0x1c4: {  	v20 =	vld [tilespmem:s21+$0xFFFFFB00]  }
0x1c5: {  	v32 =	vperm.xlane v17, v6;
	v18 =	vadd.f32 v19, v18;
	v19 =	vmul.f32 v28, v31  }
0x1c6: {  	v33 =	vld [tilespmem:s21+$0xFFFFFB80]  }
0x1c7: {  	v34 =	vperm.xlane v17, v7;
	v18 =	vadd.f32 v19, v18;
	v19 =	vmul.f32 v30, v32  }
0x1c8: {  	v35 =	vld [tilespmem:s21+$0xFFFFFC00]  }
0x1c9: {  	v36 =	vperm.xlane v17, v8;
	v18 =	vadd.f32 v19, v18;
	v19 =	vmul.f32 v20, v34  }
0x1ca: {  	v20 =	vld [tilespmem:s21+$0xFFFFFC80]  }
0x1cb: {  	v37 =	vperm.xlane v17, v9;
	v18 =	vadd.f32 v19, v18;
	v19 =	vmul.f32 v33, v36  }
0x1cc: {  	v38 =	vld [tilespmem:s21+$0xFFFFFD00]  }
0x1cd: {  	v39 =	vperm.xlane v17, v10;
	v18 =	vadd.f32 v19, v18;
	v19 =	vmul.f32 v35, v37  }
0x1ce: {  	v40 =	vld [tilespmem:s21+$0xFFFFFD80]  }
0x1cf: {  	v41 =	vperm.xlane v17, v11;
	v18 =	vadd.f32 v19, v18;
	v19 =	vmul.f32 v20, v39  }
0x1d0: {  	v20 =	vld [tilespmem:s21+$0xFFFFFE00]  }
0x1d1: {  	v42 =	vperm.xlane v17, v12;
	v18 =	vadd.f32 v19, v18;
	v19 =	vmul.f32 v38, v41  }
0x1d2: {  	v43 =	vld [tilespmem:s21+$0xFFFFFE80]  }
0x1d3: {  	v44 =	vperm.xlane v17, v13;
	v18 =	vadd.f32 v19, v18;
	v19 =	vmul.f32 v40, v42  }
0x1d4: {  	v45 =	vld [tilespmem:s21+$0xFFFFFF00]  }
0x1d5: {  	v46 =	vld [tilespmem:s22+$0x410];
	v47 =	vperm.xlane v17, v14;
	v18 =	vadd.f32 v19, v18;
	v19 =	vmul.f32 v20, v44  }
0x1d6: {  	v20 =	vld [tilespmem:s21+$0xFFFFFF80]  }
0x1d7: {  	v48 =	vperm.xlane v17, v15;
	v18 =	vadd.f32 v19, v18;
	v19 =	vmul.f32 v43, v47  }
0x1d8: {  	v49 =	vld [tilespmem:s21+$0x0]  }
0x1d9: {  	v17 =	vperm.xlane v17, v16;
	v18 =	vadd.f32 v19, v18;
	v19 =	vmul.f32 v45, v48  }
0x1da: {  	v50 =	vld [tilespmem:s21+$0x80]  }
0x1db: {  	v51 =	vperm.xlane v46, v0;
	v17 =	vmul.f32 v20, v17;
	v18 =	vadd.f32 v19, v18  }
0x1dc: {  	v19 =	vld [tilespmem:s21+$0x100]  }
0x1dd: {  	v20 =	vperm.xlane v46, v2;
	v17 =	vadd.f32 v17, v18;
	v18 =	vmul.f32 v49, v51  }
0x1de: {  	v52 =	vld [tilespmem:s21+$0x180]  }
0x1df: {  	v53 =	vperm.xlane v46, v3;
	v17 =	vadd.f32 v18, v17;
	v18 =	vmul.f32 v50, v20  }
0x1e0: {  	v20 =	vld [tilespmem:s21+$0x200]  }
0x1e1: {  	v54 =	vperm.xlane v46, v4;
	v17 =	vadd.f32 v18, v17;
	v18 =	vmul.f32 v19, v53  }
0x1e2: {  	v19 =	vld [tilespmem:s21+$0x280]  }
0x1e3: {  	v21 =	vmul.f32 v52, v54;
	v17 =	vadd.f32 v18, v17;
	v18 =	vperm.xlane v46, v5  }
0x1e4: {  	v55 =	vld [tilespmem:s21+$0x300]  }
0x1e5: {  	v17 =	vadd.f32 v21, v17;
	v18 =	vmul.f32 v20, v18;
	v20 =	vperm.xlane v46, v6  }
0x1e6: {  	v56 =	vld [tilespmem:s21+$0x380]  }
0x1e7: {  	v17 =	vadd.f32 v18, v17;
	v18 =	vmul.f32 v19, v20;
	v19 =	vperm.xlane v46, v7  }
0x1e8: {  	v20 =	vld [tilespmem:s21+$0x400]  }
0x1e9: {  	v17 =	vadd.f32 v18, v17;
	v18 =	vmul.f32 v55, v19;
	v19 =	vperm.xlane v46, v8  }
0x1ea: {  	v57 =	vld [tilespmem:s21+$0x480]  }
0x1eb: {  	v17 =	vadd.f32 v18, v17;
	v18 =	vmul.f32 v56, v19;
	v19 =	vperm.xlane v46, v9  }
0x1ec: {  	v58 =	vld [tilespmem:s21+$0x500]  }
0x1ed: {  	v59 =	vperm.xlane v46, v10;
	v17 =	vadd.f32 v18, v17;
	v18 =	vmul.f32 v20, v19  }
0x1ee: {  	v19 =	vld [tilespmem:s21+$0x580]  }
0x1ef: {  	v22 =	vmul.f32 v57, v59;
	v20 =	vperm.xlane v46, v11;
	v17 =	vadd.f32 v18, v17  }
0x1f0: {  	v18 =	vld [tilespmem:s21+$0x600]  }
0x1f1: {  	v60 =	vperm.xlane v46, v12;
	v20 =	vmul.f32 v58, v20;
	v17 =	vadd.f32 v22, v17  }
0x1f2: {  	v61 =	vld [tilespmem:s21+$0x680]  }
0x1f3: {  	v19 =	vmul.f32 v19, v60;
	v17 =	vadd.f32 v20, v17;
	v20 =	vperm.xlane v46, v13  }
0x1f4: {  	v62 =	vld [tilespmem:s21+$0x700]  }
0x1f5: {  	v17 =	vadd.f32 v19, v17;
	v18 =	vmul.f32 v18, v20;
	v19 =	vperm.xlane v46, v14  }
0x1f6: {  	v63 =	vld [tilespmem:s21+$0x780];
	[tilespmem:s22+$0x9410] =	vst v1  }
0x1f7: {  	[tilespmem:s22+$0x9440] =	vst v1;
	v17 =	vadd.f32 v18, v17;
	v18 =	vmul.f32 v61, v19;
	v19 =	vperm.xlane v46, v15  }
0x1f8: {  	[tilespmem:s22+$0x9450] =	vst v1  }
0x1f9: {  	[tilespmem:s22+$0x9470] =	vst v1;
	v17 =	vadd.f32 v18, v17;
	v18 =	vmul.f32 v62, v19;
	v19 =	vperm.xlane v46, v16  }
0x1fa: {  	[tilespmem:s22+$0x9420] =	vst v1  }
0x1fb: {  	[tilespmem:s22+$0x9460] =	vst v1;
	v17 =	vadd.f32 v18, v17;
	v18 =	vmul.f32 v63, v19  }
0x1fc: {  	s25 =	simm.s32 $0x80;
	[tilespmem:s22+$0x9430] =	vst v1  }
0x1fd: {  	s23 =	simm.s32 $0x400;
	v19 =	vadd.f32 v18, v17;
	v18 =	vld [tilespmem:s25+$0x400]  }
.LBB2_6:
0x1fe: {  	p0 =	sne.s32 s23, $0x600;
	s21 =	sadd.s32 $0x1000, s21  }
0x1ff: {  	v17 =	vld [tilespmem:s25+$0x410];
	[tilespmem:s22+$0x9400] =	vst v19;
	s24 =	smov.u32 s23;
	s23 =	sadd.s32 $0x200, s23;
	s22 =	smov.u32 s25  }
0x200: {  	v19 =	vld [tilespmem:s21+$0xFFFFF800];
	_ =	sdelay $0x1  }
0x201: {  	v20 =	vld [tilespmem:s21+$0xFFFFF880]  }
0x202: {  	v21 =	vperm.xlane v18, v0;
	v22 =	vperm.xlane v18, v2  }
0x203: {  	v23 =	vperm.xlane v18, v3;
	v25 =	vperm.xlane v18, v4;
	v24 =	vld [tilespmem:s21+$0xFFFFF900]  }
0x204: {  	v19 =	vmul.f32 v19, v21;
	v21 =	vperm.xlane v18, v5  }
0x205: {  	v27 =	vperm.xlane v18, v6;
	v28 =	vperm.xlane v18, v7;
	v26 =	vld [tilespmem:s21+$0xFFFFF980]  }
0x206: {  	v19 =	vadd.f32 $0.0e+00, v19;
	v20 =	vmul.f32 v20, v22;
	v22 =	vperm.xlane v18, v8  }
0x207: {  	v30 =	vperm.xlane v18, v9;
	v31 =	vperm.xlane v18, v10;
	v29 =	vld [tilespmem:s21+$0xFFFFFA00]  }
0x208: {  	v19 =	vadd.f32 v20, v19;
	v20 =	vmul.f32 v24, v23;
	v23 =	vperm.xlane v18, v11  }
0x209: {  	v32 =	vperm.xlane v18, v12;
	v33 =	vperm.xlane v18, v13;
	v24 =	vld [tilespmem:s21+$0xFFFFFA80]  }
0x20a: {  	v19 =	vadd.f32 v20, v19;
	v20 =	vmul.f32 v26, v25;
	v25 =	vperm.xlane v18, v14;
	v26 =	vld [tilespmem:s21+$0x500]  }
0x20b: {  	v35 =	vperm.xlane v18, v15;
	v36 =	vperm.xlane v17, v0;
	v34 =	vld [tilespmem:s21+$0xFFFFFB00]  }
0x20c: {  	v19 =	vadd.f32 v20, v19;
	v20 =	vmul.f32 v29, v21;
	v21 =	vperm.xlane v17, v2;
	v29 =	vld [tilespmem:s21+$0x480]  }
0x20d: {  	v38 =	vperm.xlane v17, v3;
	v39 =	vperm.xlane v17, v4;
	v37 =	vld [tilespmem:s21+$0xFFFFFB80]  }
0x20e: {  	v20 =	vadd.f32 v20, v19;
	v24 =	vmul.f32 v24, v27;
	v27 =	vperm.xlane v17, v10;
	v19 =	vld [tilespmem:s21+$0x700]  }
0x20f: {  	v41 =	vperm.xlane v17, v11;
	v40 =	vld [tilespmem:s21+$0xFFFFFC00]  }
0x210: {  	v20 =	vadd.f32 v24, v20;
	v24 =	vmul.f32 v34, v28;
	v28 =	vld [tilespmem:s21+$0x600]  }
0x211: {  	v26 =	vmul.f32 v26, v41;
	v34 =	vld [tilespmem:s21+$0xFFFFFC80];
	v27 =	vmul.f32 v29, v27  }
0x212: {  	v20 =	vadd.f32 v24, v20;
	v22 =	vmul.f32 v37, v22;
	v24 =	vld [tilespmem:s21+$0x580]  }
0x213: {  	v29 =	vld [tilespmem:s21+$0xFFFFFD00]  }
0x214: {  	v20 =	vadd.f32 v22, v20;
	v22 =	vmul.f32 v40, v30;
	v30 =	vld [tilespmem:s21+$0x680]  }
0x215: {  	v37 =	vld [tilespmem:s21+$0xFFFFFD80]  }
0x216: {  	v20 =	vadd.f32 v22, v20;
	v22 =	vmul.f32 v34, v31;
	v31 =	vld [tilespmem:s21+$0x780]  }
0x217: {  	v34 =	vld [tilespmem:s21+$0xFFFFFE00]  }
0x218: {  	v20 =	vadd.f32 v22, v20;
	v22 =	vmul.f32 v29, v23;
	v23 =	vld [tilespmem:s21+$0x400]  }
0x219: {  	v29 =	vld [tilespmem:s21+$0xFFFFFE80]  }
0x21a: {  	v20 =	vadd.f32 v22, v20;
	v22 =	vmul.f32 v37, v32;
	v32 =	vld [tilespmem:s21+$0x380]  }
0x21b: {  	v37 =	vld [tilespmem:s21+$0xFFFFFF00]  }
0x21c: {  	v20 =	vadd.f32 v22, v20;
	v22 =	vmul.f32 v34, v33;
	v33 =	vld [tilespmem:s21+$0x200]  }
0x21d: {  	v34 =	vld [tilespmem:s21+$0xFFFFFF80]  }
0x21e: {  	v20 =	vadd.f32 v22, v20;
	v22 =	vmul.f32 v29, v25;
	v25 =	vld [tilespmem:s21+$0x300]  }
0x21f: {  	v29 =	vld [tilespmem:s21+$0x0]  }
0x220: {  	v18 =	vperm.xlane v18, v16;
	v20 =	vadd.f32 v22, v20;
	v22 =	vmul.f32 v37, v35;
	v35 =	vld [tilespmem:s21+$0x280]  }
0x221: {  	v37 =	vld [tilespmem:s21+$0x80]  }
0x222: {  	v20 =	vadd.f32 v22, v20;
	v18 =	vmul.f32 v34, v18;
	v22 =	vld [tilespmem:s21+$0x180]  }
0x223: {  	v34 =	vld [tilespmem:s21+$0x100]  }
0x224: {  	v18 =	vadd.f32 v18, v20;
	v20 =	vmul.f32 v29, v36;
	[tilespmem:s22+$0x9410] =	vst v1  }
0x225: {  	[tilespmem:s22+$0x9440] =	vst v1  }
0x226: {  	v18 =	vadd.f32 v20, v18;
	v20 =	vmul.f32 v37, v21;
	[tilespmem:s22+$0x9450] =	vst v1  }
0x227: {  	v21 =	vmul.f32 v22, v39;
	[tilespmem:s22+$0x9470] =	vst v1  }
0x228: {  	v18 =	vadd.f32 v20, v18;
	v20 =	vmul.f32 v34, v38;
	[tilespmem:s22+$0x9420] =	vst v1  }
0x229: {  	[tilespmem:s22+$0x9460] =	vst v1  }
0x22a: {  	v18 =	vadd.f32 v20, v18;
	v20 =	vperm.xlane v17, v5;
	[tilespmem:s22+$0x9430] =	vst v1;
	_ =	sdelay $0x1  }
0x22b: {  	v18 =	vadd.f32 v21, v18;
	v20 =	vmul.f32 v33, v20;
	v21 =	vperm.xlane v17, v6;
	_ =	sdelay $0x1  }
0x22c: {  	v18 =	vadd.f32 v20, v18;
	v20 =	vmul.f32 v35, v21;
	v21 =	vperm.xlane v17, v7;
	_ =	sdelay $0x1  }
0x22d: {  	v18 =	vadd.f32 v20, v18;
	v20 =	vmul.f32 v25, v21;
	v21 =	vperm.xlane v17, v8;
	_ =	sdelay $0x1  }
0x22e: {  	v18 =	vadd.f32 v20, v18;
	v20 =	vmul.f32 v32, v21;
	v21 =	vperm.xlane v17, v9;
	_ =	sdelay $0x1  }
0x22f: {  	v18 =	vadd.f32 v20, v18;
	v20 =	vmul.f32 v23, v21;
	_ =	sdelay $0x1  }
0x230: {  	v18 =	vadd.f32 v20, v18;
	_ =	sdelay $0x1  }
0x231: {  	v20 =	vperm.xlane v17, v12;
	v18 =	vadd.f32 v27, v18;
	_ =	sdelay $0x1  }
0x232: {  	v21 =	vperm.xlane v17, v13;
	v20 =	vmul.f32 v24, v20;
	v18 =	vadd.f32 v26, v18;
	_ =	sdelay $0x1  }
0x233: {  	v18 =	vadd.f32 v20, v18;
	v20 =	vmul.f32 v28, v21;
	v21 =	vperm.xlane v17, v14;
	_ =	sdelay $0x1  }
0x234: {  	v18 =	vadd.f32 v20, v18;
	v20 =	vmul.f32 v30, v21;
	v21 =	vperm.xlane v17, v15;
	_ =	sdelay $0x1  }
0x235: {  	v17 =	vperm.xlane v17, v16;
	v18 =	vadd.f32 v20, v18;
	v19 =	vmul.f32 v19, v21  }
.Ltmp2:
0x236: {  	(pc) =	sbr.rel @p0 .LBB2_6-.Ltmp2, $3  }
0x237: {  	v17 =	vmul.f32 v31, v17;
	v18 =	vadd.f32 v19, v18;
	_ =	sdelay $0x1  }
0x238: {  	s25 =	sshra.s32 s24, $0x2;
	v19 =	vadd.f32 v17, v18  }
0x239: {  	v18 =	vld [tilespmem:s25+$0x400]  }
0x23a: {  	v17 =	vld [tilespmem:s25+$0x410];
	[tilespmem:s22+$0x9400] =	vst v19;
	s21 =	sadd.s32 $0x1000, s21  }
0x23b: {  	v19 =	vld [tilespmem:s21+$0xFFFFF800];
	_ =	sdelay $0x1  }
0x23c: {  	v20 =	vld [tilespmem:s21+$0xFFFFF880]  }
0x23d: {  	v21 =	vperm.xlane v18, v0  }
0x23e: {  	v22 =	vld [tilespmem:s21+$0xFFFFF900]  }
0x23f: {  	v23 =	vperm.xlane v18, v2;
	v19 =	vmul.f32 v19, v21  }
0x240: {  	v52 =	vld [tilespmem:s21+$0xFFFFF980]  }
0x241: {  	v24 =	vperm.xlane v18, v3;
	v20 =	vmul.f32 v20, v23;
	v19 =	vadd.f32 $0.0e+00, v19  }
0x242: {  	v53 =	vld [tilespmem:s21+$0xFFFFFA00]  }
0x243: {  	v25 =	vperm.xlane v18, v4;
	v19 =	vadd.f32 v20, v19;
	v20 =	vmul.f32 v22, v24  }
0x244: {  	v54 =	vld [tilespmem:s21+$0xFFFFFA80]  }
0x245: {  	v55 =	vperm.xlane v18, v5;
	v19 =	vadd.f32 v20, v19;
	v20 =	vmul.f32 v52, v25  }
0x246: {  	v56 =	vld [tilespmem:s21+$0xFFFFFB00]  }
0x247: {  	v57 =	vperm.xlane v18, v6;
	v19 =	vadd.f32 v20, v19;
	v20 =	vmul.f32 v53, v55  }
0x248: {  	v58 =	vld [tilespmem:s21+$0xFFFFFB80]  }
0x249: {  	v59 =	vperm.xlane v18, v7;
	v19 =	vadd.f32 v20, v19;
	v20 =	vmul.f32 v54, v57  }
0x24a: {  	v60 =	vld [tilespmem:s21+$0xFFFFFC00]  }
0x24b: {  	v61 =	vperm.xlane v18, v8;
	v19 =	vadd.f32 v20, v19;
	v20 =	vmul.f32 v56, v59  }
0x24c: {  	v62 =	vld [tilespmem:s21+$0xFFFFFC80]  }
0x24d: {  	v63 =	vperm.xlane v18, v9;
	v19 =	vadd.f32 v20, v19;
	v20 =	vmul.f32 v58, v61  }
0x24e: {  	v28 =	vld [tilespmem:s21+$0xFFFFFD00]  }
0x24f: {  	v29 =	vperm.xlane v18, v10;
	v19 =	vadd.f32 v20, v19;
	v20 =	vmul.f32 v60, v63  }
0x250: {  	v30 =	vld [tilespmem:s21+$0xFFFFFD80]  }
0x251: {  	v31 =	vperm.xlane v18, v11;
	v19 =	vadd.f32 v20, v19;
	v20 =	vmul.f32 v62, v29  }
0x252: {  	v32 =	vld [tilespmem:s21+$0xFFFFFE00]  }
0x253: {  	v33 =	vperm.xlane v18, v12;
	v19 =	vadd.f32 v20, v19;
	v20 =	vmul.f32 v28, v31  }
0x254: {  	v34 =	vld [tilespmem:s21+$0xFFFFFE80]  }
0x255: {  	v35 =	vperm.xlane v18, v13;
	v19 =	vadd.f32 v20, v19;
	v20 =	vmul.f32 v30, v33  }
0x256: {  	v36 =	vld [tilespmem:s21+$0xFFFFFF00]  }
0x257: {  	v37 =	vperm.xlane v18, v14;
	v19 =	vadd.f32 v20, v19;
	v20 =	vmul.f32 v32, v35  }
0x258: {  	v38 =	vld [tilespmem:s21+$0xFFFFFF80]  }
0x259: {  	v39 =	vperm.xlane v18, v15;
	v19 =	vadd.f32 v20, v19;
	v20 =	vmul.f32 v34, v37  }
0x25a: {  	v40 =	vld [tilespmem:s21+$0x0]  }
0x25b: {  	v18 =	vperm.xlane v18, v16;
	v19 =	vadd.f32 v20, v19;
	v20 =	vmul.f32 v36, v39  }
0x25c: {  	v41 =	vld [tilespmem:s21+$0x80]  }
0x25d: {  	v42 =	vperm.xlane v17, v0;
	v18 =	vmul.f32 v38, v18;
	v19 =	vadd.f32 v20, v19  }
0x25e: {  	v20 =	vld [tilespmem:s21+$0x100]  }
0x25f: {  	v43 =	vperm.xlane v17, v2;
	v18 =	vadd.f32 v18, v19;
	v19 =	vmul.f32 v40, v42  }
0x260: {  	v44 =	vld [tilespmem:s21+$0x180]  }
0x261: {  	v45 =	vperm.xlane v17, v3;
	v18 =	vadd.f32 v19, v18;
	v19 =	vmul.f32 v41, v43  }
0x262: {  	v46 =	vld [tilespmem:s21+$0x200]  }
0x263: {  	v47 =	vperm.xlane v17, v4;
	v18 =	vadd.f32 v19, v18;
	v19 =	vmul.f32 v20, v45  }
0x264: {  	v20 =	vld [tilespmem:s21+$0x280]  }
0x265: {  	v22 =	vmul.f32 v44, v47;
	v18 =	vadd.f32 v19, v18;
	v19 =	vperm.xlane v17, v5  }
0x266: {  	v48 =	vld [tilespmem:s21+$0x300]  }
0x267: {  	v49 =	vperm.xlane v17, v6;
	v18 =	vadd.f32 v22, v18;
	v19 =	vmul.f32 v46, v19  }
0x268: {  	v50 =	vld [tilespmem:s21+$0x380]  }
0x269: {  	v18 =	vadd.f32 v19, v18;
	v19 =	vmul.f32 v20, v49;
	v20 =	vperm.xlane v17, v7  }
0x26a: {  	v51 =	vld [tilespmem:s21+$0x400]  }
0x26b: {  	v18 =	vadd.f32 v19, v18;
	v19 =	vmul.f32 v48, v20;
	v20 =	vperm.xlane v17, v8  }
0x26c: {  	v52 =	vld [tilespmem:s21+$0x480]  }
0x26d: {  	v18 =	vadd.f32 v19, v18;
	v19 =	vmul.f32 v50, v20;
	v20 =	vperm.xlane v17, v9  }
0x26e: {  	v53 =	vld [tilespmem:s21+$0x500]  }
0x26f: {  	v54 =	vperm.xlane v17, v10;
	v18 =	vadd.f32 v19, v18;
	v19 =	vmul.f32 v51, v20  }
0x270: {  	v20 =	vld [tilespmem:s21+$0x580]  }
0x271: {  	v55 =	vperm.xlane v17, v11;
	v23 =	vmul.f32 v52, v54;
	v18 =	vadd.f32 v19, v18  }
0x272: {  	v19 =	vld [tilespmem:s21+$0x600]  }
0x273: {  	v56 =	vperm.xlane v17, v12;
	v21 =	vmul.f32 v53, v55;
	v18 =	vadd.f32 v23, v18  }
0x274: {  	v57 =	vld [tilespmem:s21+$0x680]  }
0x275: {  	v58 =	vperm.xlane v17, v13;
	v20 =	vmul.f32 v20, v56;
	v18 =	vadd.f32 v21, v18  }
0x276: {  	v59 =	vld [tilespmem:s21+$0x700]  }
0x277: {  	v19 =	vmul.f32 v19, v58;
	v18 =	vadd.f32 v20, v18;
	v20 =	vperm.xlane v17, v14  }
0x278: {  	v60 =	vld [tilespmem:s21+$0x780]  }
0x279: {  	v18 =	vadd.f32 v19, v18;
	v19 =	vmul.f32 v57, v20;
	v20 =	vperm.xlane v17, v15  }
0x27a: {  	[tilespmem:s25+$0x9410] =	vst v1  }
0x27b: {  	[tilespmem:s25+$0x9440] =	vst v1;
	v17 =	vperm.xlane v17, v16;
	v18 =	vadd.f32 v19, v18;
	v19 =	vmul.f32 v59, v20  }
0x27c: {  	[tilespmem:s25+$0x9450] =	vst v1  }
0x27d: {  	[tilespmem:s25+$0x9470] =	vst v1;
	v17 =	vmul.f32 v60, v17;
	v18 =	vadd.f32 v19, v18  }
0x27e: {  	[tilespmem:s25+$0x9420] =	vst v1  }
0x27f: {  	[tilespmem:s25+$0x9460] =	vst v1;
	v17 =	vadd.f32 v17, v18  }
0x280: {  	[tilespmem:s25+$0x9430] =	vst v1  }
0x281: {  	s31 =	simm.s32 $0x0;
	[tilespmem:s25+$0x9400] =	vst v17  }
0x282: {  	[tilespmem:s15], [sflag:$0x1] =	stream.linear.gather [hbm4b:s8+s31], $0x4000, $0x38;
	[tilespmem:$0xA000] =	vst v63  }
0x283: {  	_ =	swait.ge [sflag:s18], $0x4000  }
0x284: {  	[sflag:s18] =	ssyncset.done $0x0  }
0x285: {  	s22 =	simm.s32 $0x0;
	[sflag:s18] =	ssyncadd.s32 $0xFFFFC000  }
0x286: {  	v17 =	vld [tilespmem:s22+$0x600]  }
0x287: {  	s21 =	simm.s32 $0x5800  }
0x288: {  	v18 =	vld [tilespmem:s21+$0xFFFFF800];
	_ =	sdelay $0x1  }
0x289: {  	v19 =	vld [tilespmem:s21+$0xFFFFF880]  }
0x28a: {  	v20 =	vperm.xlane v17, v0  }
0x28b: {  	v61 =	vld [tilespmem:s21+$0xFFFFF900]  }
0x28c: {  	v62 =	vperm.xlane v17, v2;
	v18 =	vmul.f32 v18, v20  }
0x28d: {  	v20 =	vld [tilespmem:s21+$0xFFFFF980]  }
0x28e: {  	v63 =	vperm.xlane v17, v3;
	v19 =	vmul.f32 v19, v62;
	v18 =	vadd.f32 $0.0e+00, v18  }
0x28f: {  	v28 =	vld [tilespmem:s21+$0xFFFFFA00]  }
0x290: {  	v29 =	vperm.xlane v17, v4;
	v18 =	vadd.f32 v19, v18;
	v19 =	vmul.f32 v61, v63  }
0x291: {  	v30 =	vld [tilespmem:s21+$0xFFFFFA80]  }
0x292: {  	v31 =	vperm.xlane v17, v5;
	v18 =	vadd.f32 v19, v18;
	v19 =	vmul.f32 v20, v29  }
0x293: {  	v20 =	vld [tilespmem:s21+$0xFFFFFB00]  }
0x294: {  	v32 =	vperm.xlane v17, v6;
	v18 =	vadd.f32 v19, v18;
	v19 =	vmul.f32 v28, v31  }
0x295: {  	v33 =	vld [tilespmem:s21+$0xFFFFFB80]  }
0x296: {  	v34 =	vperm.xlane v17, v7;
	v18 =	vadd.f32 v19, v18;
	v19 =	vmul.f32 v30, v32  }
0x297: {  	v35 =	vld [tilespmem:s21+$0xFFFFFC00]  }
0x298: {  	v36 =	vperm.xlane v17, v8;
	v18 =	vadd.f32 v19, v18;
	v19 =	vmul.f32 v20, v34  }
0x299: {  	v20 =	vld [tilespmem:s21+$0xFFFFFC80]  }
0x29a: {  	v37 =	vperm.xlane v17, v9;
	v18 =	vadd.f32 v19, v18;
	v19 =	vmul.f32 v33, v36  }
0x29b: {  	v38 =	vld [tilespmem:s21+$0xFFFFFD00]  }
0x29c: {  	v39 =	vperm.xlane v17, v10;
	v18 =	vadd.f32 v19, v18;
	v19 =	vmul.f32 v35, v37  }
0x29d: {  	v40 =	vld [tilespmem:s21+$0xFFFFFD80]  }
0x29e: {  	v41 =	vperm.xlane v17, v11;
	v18 =	vadd.f32 v19, v18;
	v19 =	vmul.f32 v20, v39  }
0x29f: {  	v20 =	vld [tilespmem:s21+$0xFFFFFE00]  }
0x2a0: {  	v42 =	vperm.xlane v17, v12;
	v18 =	vadd.f32 v19, v18;
	v19 =	vmul.f32 v38, v41  }
0x2a1: {  	v43 =	vld [tilespmem:s21+$0xFFFFFE80]  }
0x2a2: {  	v44 =	vperm.xlane v17, v13;
	v18 =	vadd.f32 v19, v18;
	v19 =	vmul.f32 v40, v42  }
0x2a3: {  	v45 =	vld [tilespmem:s21+$0xFFFFFF00]  }
0x2a4: {  	v46 =	vld [tilespmem:s22+$0x610];
	v47 =	vperm.xlane v17, v14;
	v18 =	vadd.f32 v19, v18;
	v19 =	vmul.f32 v20, v44  }
0x2a5: {  	v20 =	vld [tilespmem:s21+$0xFFFFFF80]  }
0x2a6: {  	v48 =	vperm.xlane v17, v15;
	v18 =	vadd.f32 v19, v18;
	v19 =	vmul.f32 v43, v47  }
0x2a7: {  	v49 =	vld [tilespmem:s21+$0x0]  }
0x2a8: {  	v17 =	vperm.xlane v17, v16;
	v18 =	vadd.f32 v19, v18;
	v19 =	vmul.f32 v45, v48  }
0x2a9: {  	v50 =	vld [tilespmem:s21+$0x80]  }
0x2aa: {  	v51 =	vperm.xlane v46, v0;
	v17 =	vmul.f32 v20, v17;
	v18 =	vadd.f32 v19, v18  }
0x2ab: {  	v19 =	vld [tilespmem:s21+$0x100]  }
0x2ac: {  	v20 =	vperm.xlane v46, v2;
	v17 =	vadd.f32 v17, v18;
	v18 =	vmul.f32 v49, v51  }
0x2ad: {  	v52 =	vld [tilespmem:s21+$0x180]  }
0x2ae: {  	v53 =	vperm.xlane v46, v3;
	v17 =	vadd.f32 v18, v17;
	v18 =	vmul.f32 v50, v20  }
0x2af: {  	v20 =	vld [tilespmem:s21+$0x200]  }
0x2b0: {  	v54 =	vperm.xlane v46, v4;
	v17 =	vadd.f32 v18, v17;
	v18 =	vmul.f32 v19, v53  }
0x2b1: {  	v19 =	vld [tilespmem:s21+$0x280]  }
0x2b2: {  	v21 =	vmul.f32 v52, v54;
	v17 =	vadd.f32 v18, v17;
	v18 =	vperm.xlane v46, v5  }
0x2b3: {  	v55 =	vld [tilespmem:s21+$0x300]  }
0x2b4: {  	v17 =	vadd.f32 v21, v17;
	v18 =	vmul.f32 v20, v18;
	v20 =	vperm.xlane v46, v6  }
0x2b5: {  	v56 =	vld [tilespmem:s21+$0x380]  }
0x2b6: {  	v17 =	vadd.f32 v18, v17;
	v18 =	vmul.f32 v19, v20;
	v19 =	vperm.xlane v46, v7  }
0x2b7: {  	v20 =	vld [tilespmem:s21+$0x400]  }
0x2b8: {  	v17 =	vadd.f32 v18, v17;
	v18 =	vmul.f32 v55, v19;
	v19 =	vperm.xlane v46, v8  }
0x2b9: {  	v57 =	vld [tilespmem:s21+$0x480]  }
0x2ba: {  	v17 =	vadd.f32 v18, v17;
	v18 =	vmul.f32 v56, v19;
	v19 =	vperm.xlane v46, v9  }
0x2bb: {  	v58 =	vld [tilespmem:s21+$0x500]  }
0x2bc: {  	v59 =	vperm.xlane v46, v10;
	v17 =	vadd.f32 v18, v17;
	v18 =	vmul.f32 v20, v19  }
0x2bd: {  	v19 =	vld [tilespmem:s21+$0x580]  }
0x2be: {  	v22 =	vmul.f32 v57, v59;
	v20 =	vperm.xlane v46, v11;
	v17 =	vadd.f32 v18, v17  }
0x2bf: {  	v18 =	vld [tilespmem:s21+$0x600]  }
0x2c0: {  	v60 =	vperm.xlane v46, v12;
	v20 =	vmul.f32 v58, v20;
	v17 =	vadd.f32 v22, v17  }
0x2c1: {  	v61 =	vld [tilespmem:s21+$0x680]  }
0x2c2: {  	v19 =	vmul.f32 v19, v60;
	v17 =	vadd.f32 v20, v17;
	v20 =	vperm.xlane v46, v13  }
0x2c3: {  	v62 =	vld [tilespmem:s21+$0x700]  }
0x2c4: {  	v17 =	vadd.f32 v19, v17;
	v18 =	vmul.f32 v18, v20;
	v19 =	vperm.xlane v46, v14  }
0x2c5: {  	v63 =	vld [tilespmem:s21+$0x780];
	[tilespmem:s22+$0x9610] =	vst v1  }
0x2c6: {  	[tilespmem:s22+$0x9640] =	vst v1;
	v17 =	vadd.f32 v18, v17;
	v18 =	vmul.f32 v61, v19;
	v19 =	vperm.xlane v46, v15  }
0x2c7: {  	[tilespmem:s22+$0x9650] =	vst v1  }
0x2c8: {  	[tilespmem:s22+$0x9670] =	vst v1;
	v17 =	vadd.f32 v18, v17;
	v18 =	vmul.f32 v62, v19;
	v19 =	vperm.xlane v46, v16  }
0x2c9: {  	[tilespmem:s22+$0x9620] =	vst v1  }
0x2ca: {  	[tilespmem:s22+$0x9660] =	vst v1;
	v17 =	vadd.f32 v18, v17;
	v18 =	vmul.f32 v63, v19  }
0x2cb: {  	s25 =	simm.s32 $0x80;
	[tilespmem:s22+$0x9630] =	vst v1  }
0x2cc: {  	s23 =	simm.s32 $0x400;
	v19 =	vadd.f32 v18, v17;
	v18 =	vld [tilespmem:s25+$0x600]  }
.LBB2_8:
0x2cd: {  	p0 =	sne.s32 s23, $0x600;
	s21 =	sadd.s32 $0x1000, s21  }
0x2ce: {  	v17 =	vld [tilespmem:s25+$0x610];
	[tilespmem:s22+$0x9600] =	vst v19;
	s24 =	smov.u32 s23;
	s23 =	sadd.s32 $0x200, s23;
	s22 =	smov.u32 s25  }
0x2cf: {  	v19 =	vld [tilespmem:s21+$0xFFFFF800];
	_ =	sdelay $0x1  }
0x2d0: {  	v20 =	vld [tilespmem:s21+$0xFFFFF880]  }
0x2d1: {  	v21 =	vperm.xlane v18, v0;
	v22 =	vperm.xlane v18, v2  }
0x2d2: {  	v23 =	vperm.xlane v18, v3;
	v25 =	vperm.xlane v18, v4;
	v24 =	vld [tilespmem:s21+$0xFFFFF900]  }
0x2d3: {  	v19 =	vmul.f32 v19, v21;
	v21 =	vperm.xlane v18, v5  }
0x2d4: {  	v27 =	vperm.xlane v18, v6;
	v28 =	vperm.xlane v18, v7;
	v26 =	vld [tilespmem:s21+$0xFFFFF980]  }
0x2d5: {  	v19 =	vadd.f32 $0.0e+00, v19;
	v20 =	vmul.f32 v20, v22;
	v22 =	vperm.xlane v18, v8  }
0x2d6: {  	v30 =	vperm.xlane v18, v9;
	v31 =	vperm.xlane v18, v10;
	v29 =	vld [tilespmem:s21+$0xFFFFFA00]  }
0x2d7: {  	v19 =	vadd.f32 v20, v19;
	v20 =	vmul.f32 v24, v23;
	v23 =	vperm.xlane v18, v11  }
0x2d8: {  	v32 =	vperm.xlane v18, v12;
	v33 =	vperm.xlane v18, v13;
	v24 =	vld [tilespmem:s21+$0xFFFFFA80]  }
0x2d9: {  	v19 =	vadd.f32 v20, v19;
	v20 =	vmul.f32 v26, v25;
	v25 =	vperm.xlane v18, v14;
	v26 =	vld [tilespmem:s21+$0x500]  }
0x2da: {  	v35 =	vperm.xlane v18, v15;
	v36 =	vperm.xlane v17, v0;
	v34 =	vld [tilespmem:s21+$0xFFFFFB00]  }
0x2db: {  	v19 =	vadd.f32 v20, v19;
	v20 =	vmul.f32 v29, v21;
	v21 =	vperm.xlane v17, v2;
	v29 =	vld [tilespmem:s21+$0x480]  }
0x2dc: {  	v38 =	vperm.xlane v17, v3;
	v39 =	vperm.xlane v17, v4;
	v37 =	vld [tilespmem:s21+$0xFFFFFB80]  }
0x2dd: {  	v20 =	vadd.f32 v20, v19;
	v24 =	vmul.f32 v24, v27;
	v27 =	vperm.xlane v17, v10;
	v19 =	vld [tilespmem:s21+$0x700]  }
0x2de: {  	v41 =	vperm.xlane v17, v11;
	v40 =	vld [tilespmem:s21+$0xFFFFFC00]  }
0x2df: {  	v20 =	vadd.f32 v24, v20;
	v24 =	vmul.f32 v34, v28;
	v28 =	vld [tilespmem:s21+$0x600]  }
0x2e0: {  	v26 =	vmul.f32 v26, v41;
	v34 =	vld [tilespmem:s21+$0xFFFFFC80];
	v27 =	vmul.f32 v29, v27  }
0x2e1: {  	v20 =	vadd.f32 v24, v20;
	v22 =	vmul.f32 v37, v22;
	v24 =	vld [tilespmem:s21+$0x580]  }
0x2e2: {  	v29 =	vld [tilespmem:s21+$0xFFFFFD00]  }
0x2e3: {  	v20 =	vadd.f32 v22, v20;
	v22 =	vmul.f32 v40, v30;
	v30 =	vld [tilespmem:s21+$0x680]  }
0x2e4: {  	v37 =	vld [tilespmem:s21+$0xFFFFFD80]  }
0x2e5: {  	v20 =	vadd.f32 v22, v20;
	v22 =	vmul.f32 v34, v31;
	v31 =	vld [tilespmem:s21+$0x780]  }
0x2e6: {  	v34 =	vld [tilespmem:s21+$0xFFFFFE00]  }
0x2e7: {  	v20 =	vadd.f32 v22, v20;
	v22 =	vmul.f32 v29, v23;
	v23 =	vld [tilespmem:s21+$0x400]  }
0x2e8: {  	v29 =	vld [tilespmem:s21+$0xFFFFFE80]  }
0x2e9: {  	v20 =	vadd.f32 v22, v20;
	v22 =	vmul.f32 v37, v32;
	v32 =	vld [tilespmem:s21+$0x380]  }
0x2ea: {  	v37 =	vld [tilespmem:s21+$0xFFFFFF00]  }
0x2eb: {  	v20 =	vadd.f32 v22, v20;
	v22 =	vmul.f32 v34, v33;
	v33 =	vld [tilespmem:s21+$0x200]  }
0x2ec: {  	v34 =	vld [tilespmem:s21+$0xFFFFFF80]  }
0x2ed: {  	v20 =	vadd.f32 v22, v20;
	v22 =	vmul.f32 v29, v25;
	v25 =	vld [tilespmem:s21+$0x300]  }
0x2ee: {  	v29 =	vld [tilespmem:s21+$0x0]  }
0x2ef: {  	v18 =	vperm.xlane v18, v16;
	v20 =	vadd.f32 v22, v20;
	v22 =	vmul.f32 v37, v35;
	v35 =	vld [tilespmem:s21+$0x280]  }
0x2f0: {  	v37 =	vld [tilespmem:s21+$0x80]  }
0x2f1: {  	v20 =	vadd.f32 v22, v20;
	v18 =	vmul.f32 v34, v18;
	v22 =	vld [tilespmem:s21+$0x180]  }
0x2f2: {  	v34 =	vld [tilespmem:s21+$0x100]  }
0x2f3: {  	v18 =	vadd.f32 v18, v20;
	v20 =	vmul.f32 v29, v36;
	[tilespmem:s22+$0x9610] =	vst v1  }
0x2f4: {  	[tilespmem:s22+$0x9640] =	vst v1  }
0x2f5: {  	v18 =	vadd.f32 v20, v18;
	v20 =	vmul.f32 v37, v21;
	[tilespmem:s22+$0x9650] =	vst v1  }
0x2f6: {  	v21 =	vmul.f32 v22, v39;
	[tilespmem:s22+$0x9670] =	vst v1  }
0x2f7: {  	v18 =	vadd.f32 v20, v18;
	v20 =	vmul.f32 v34, v38;
	[tilespmem:s22+$0x9620] =	vst v1  }
0x2f8: {  	[tilespmem:s22+$0x9660] =	vst v1  }
0x2f9: {  	v18 =	vadd.f32 v20, v18;
	v20 =	vperm.xlane v17, v5;
	[tilespmem:s22+$0x9630] =	vst v1;
	_ =	sdelay $0x1  }
0x2fa: {  	v18 =	vadd.f32 v21, v18;
	v20 =	vmul.f32 v33, v20;
	v21 =	vperm.xlane v17, v6;
	_ =	sdelay $0x1  }
0x2fb: {  	v18 =	vadd.f32 v20, v18;
	v20 =	vmul.f32 v35, v21;
	v21 =	vperm.xlane v17, v7;
	_ =	sdelay $0x1  }
0x2fc: {  	v18 =	vadd.f32 v20, v18;
	v20 =	vmul.f32 v25, v21;
	v21 =	vperm.xlane v17, v8;
	_ =	sdelay $0x1  }
0x2fd: {  	v18 =	vadd.f32 v20, v18;
	v20 =	vmul.f32 v32, v21;
	v21 =	vperm.xlane v17, v9;
	_ =	sdelay $0x1  }
0x2fe: {  	v18 =	vadd.f32 v20, v18;
	v20 =	vmul.f32 v23, v21;
	_ =	sdelay $0x1  }
0x2ff: {  	v18 =	vadd.f32 v20, v18;
	_ =	sdelay $0x1  }
0x300: {  	v20 =	vperm.xlane v17, v12;
	v18 =	vadd.f32 v27, v18;
	_ =	sdelay $0x1  }
0x301: {  	v21 =	vperm.xlane v17, v13;
	v20 =	vmul.f32 v24, v20;
	v18 =	vadd.f32 v26, v18;
	_ =	sdelay $0x1  }
0x302: {  	v18 =	vadd.f32 v20, v18;
	v20 =	vmul.f32 v28, v21;
	v21 =	vperm.xlane v17, v14;
	_ =	sdelay $0x1  }
0x303: {  	v18 =	vadd.f32 v20, v18;
	v20 =	vmul.f32 v30, v21;
	v21 =	vperm.xlane v17, v15;
	_ =	sdelay $0x1  }
0x304: {  	v17 =	vperm.xlane v17, v16;
	v18 =	vadd.f32 v20, v18;
	v19 =	vmul.f32 v19, v21  }
.Ltmp3:
0x305: {  	(pc) =	sbr.rel @p0 .LBB2_8-.Ltmp3, $3  }
0x306: {  	v17 =	vmul.f32 v31, v17;
	v18 =	vadd.f32 v19, v18;
	_ =	sdelay $0x1  }
0x307: {  	s25 =	sshra.s32 s24, $0x2;
	v19 =	vadd.f32 v17, v18  }
0x308: {  	v18 =	vld [tilespmem:s25+$0x600]  }
0x309: {  	v17 =	vld [tilespmem:s25+$0x610];
	[tilespmem:s22+$0x9600] =	vst v19;
	s21 =	sadd.s32 $0x1000, s21  }
0x30a: {  	v19 =	vld [tilespmem:s21+$0xFFFFF800];
	_ =	sdelay $0x1  }
0x30b: {  	v20 =	vld [tilespmem:s21+$0xFFFFF880]  }
0x30c: {  	v21 =	vperm.xlane v18, v0  }
0x30d: {  	v22 =	vld [tilespmem:s21+$0xFFFFF900]  }
0x30e: {  	v23 =	vperm.xlane v18, v2;
	v19 =	vmul.f32 v19, v21  }
0x30f: {  	v52 =	vld [tilespmem:s21+$0xFFFFF980]  }
0x310: {  	v24 =	vperm.xlane v18, v3;
	v20 =	vmul.f32 v20, v23;
	v19 =	vadd.f32 $0.0e+00, v19  }
0x311: {  	v53 =	vld [tilespmem:s21+$0xFFFFFA00]  }
0x312: {  	v25 =	vperm.xlane v18, v4;
	v19 =	vadd.f32 v20, v19;
	v20 =	vmul.f32 v22, v24  }
0x313: {  	v54 =	vld [tilespmem:s21+$0xFFFFFA80]  }
0x314: {  	v55 =	vperm.xlane v18, v5;
	v19 =	vadd.f32 v20, v19;
	v20 =	vmul.f32 v52, v25  }
0x315: {  	v56 =	vld [tilespmem:s21+$0xFFFFFB00]  }
0x316: {  	v57 =	vperm.xlane v18, v6;
	v19 =	vadd.f32 v20, v19;
	v20 =	vmul.f32 v53, v55  }
0x317: {  	v58 =	vld [tilespmem:s21+$0xFFFFFB80]  }
0x318: {  	v59 =	vperm.xlane v18, v7;
	v19 =	vadd.f32 v20, v19;
	v20 =	vmul.f32 v54, v57  }
0x319: {  	v60 =	vld [tilespmem:s21+$0xFFFFFC00]  }
0x31a: {  	v61 =	vperm.xlane v18, v8;
	v19 =	vadd.f32 v20, v19;
	v20 =	vmul.f32 v56, v59  }
0x31b: {  	v62 =	vld [tilespmem:s21+$0xFFFFFC80]  }
0x31c: {  	v63 =	vperm.xlane v18, v9;
	v19 =	vadd.f32 v20, v19;
	v20 =	vmul.f32 v58, v61  }
0x31d: {  	v28 =	vld [tilespmem:s21+$0xFFFFFD00]  }
0x31e: {  	v29 =	vperm.xlane v18, v10;
	v19 =	vadd.f32 v20, v19;
	v20 =	vmul.f32 v60, v63  }
0x31f: {  	v30 =	vld [tilespmem:s21+$0xFFFFFD80]  }
0x320: {  	v31 =	vperm.xlane v18, v11;
	v19 =	vadd.f32 v20, v19;
	v20 =	vmul.f32 v62, v29  }
0x321: {  	v32 =	vld [tilespmem:s21+$0xFFFFFE00]  }
0x322: {  	v33 =	vperm.xlane v18, v12;
	v19 =	vadd.f32 v20, v19;
	v20 =	vmul.f32 v28, v31  }
0x323: {  	v34 =	vld [tilespmem:s21+$0xFFFFFE80]  }
0x324: {  	v35 =	vperm.xlane v18, v13;
	v19 =	vadd.f32 v20, v19;
	v20 =	vmul.f32 v30, v33  }
0x325: {  	v36 =	vld [tilespmem:s21+$0xFFFFFF00]  }
0x326: {  	v37 =	vperm.xlane v18, v14;
	v19 =	vadd.f32 v20, v19;
	v20 =	vmul.f32 v32, v35  }
0x327: {  	v38 =	vld [tilespmem:s21+$0xFFFFFF80]  }
0x328: {  	v39 =	vperm.xlane v18, v15;
	v19 =	vadd.f32 v20, v19;
	v20 =	vmul.f32 v34, v37  }
0x329: {  	v40 =	vld [tilespmem:s21+$0x0]  }
0x32a: {  	v18 =	vperm.xlane v18, v16;
	v19 =	vadd.f32 v20, v19;
	v20 =	vmul.f32 v36, v39  }
0x32b: {  	v41 =	vld [tilespmem:s21+$0x80]  }
0x32c: {  	v42 =	vperm.xlane v17, v0;
	v18 =	vmul.f32 v38, v18;
	v19 =	vadd.f32 v20, v19  }
0x32d: {  	v20 =	vld [tilespmem:s21+$0x100]  }
0x32e: {  	v43 =	vperm.xlane v17, v2;
	v18 =	vadd.f32 v18, v19;
	v19 =	vmul.f32 v40, v42  }
0x32f: {  	v44 =	vld [tilespmem:s21+$0x180]  }
0x330: {  	v45 =	vperm.xlane v17, v3;
	v18 =	vadd.f32 v19, v18;
	v19 =	vmul.f32 v41, v43  }
0x331: {  	v46 =	vld [tilespmem:s21+$0x200]  }
0x332: {  	v47 =	vperm.xlane v17, v4;
	v18 =	vadd.f32 v19, v18;
	v19 =	vmul.f32 v20, v45  }
0x333: {  	v20 =	vld [tilespmem:s21+$0x280]  }
0x334: {  	v22 =	vmul.f32 v44, v47;
	v18 =	vadd.f32 v19, v18;
	v19 =	vperm.xlane v17, v5  }
0x335: {  	v48 =	vld [tilespmem:s21+$0x300]  }
0x336: {  	v49 =	vperm.xlane v17, v6;
	v18 =	vadd.f32 v22, v18;
	v19 =	vmul.f32 v46, v19  }
0x337: {  	v50 =	vld [tilespmem:s21+$0x380]  }
0x338: {  	v18 =	vadd.f32 v19, v18;
	v19 =	vmul.f32 v20, v49;
	v20 =	vperm.xlane v17, v7  }
0x339: {  	v51 =	vld [tilespmem:s21+$0x400]  }
0x33a: {  	v18 =	vadd.f32 v19, v18;
	v19 =	vmul.f32 v48, v20;
	v20 =	vperm.xlane v17, v8  }
0x33b: {  	v52 =	vld [tilespmem:s21+$0x480]  }
0x33c: {  	v18 =	vadd.f32 v19, v18;
	v19 =	vmul.f32 v50, v20;
	v20 =	vperm.xlane v17, v9  }
0x33d: {  	v53 =	vld [tilespmem:s21+$0x500]  }
0x33e: {  	v54 =	vperm.xlane v17, v10;
	v18 =	vadd.f32 v19, v18;
	v19 =	vmul.f32 v51, v20  }
0x33f: {  	v20 =	vld [tilespmem:s21+$0x580]  }
0x340: {  	v55 =	vperm.xlane v17, v11;
	v23 =	vmul.f32 v52, v54;
	v18 =	vadd.f32 v19, v18  }
0x341: {  	v19 =	vld [tilespmem:s21+$0x600]  }
0x342: {  	v56 =	vperm.xlane v17, v12;
	v21 =	vmul.f32 v53, v55;
	v18 =	vadd.f32 v23, v18  }
0x343: {  	v57 =	vld [tilespmem:s21+$0x680]  }
0x344: {  	v58 =	vperm.xlane v17, v13;
	v20 =	vmul.f32 v20, v56;
	v18 =	vadd.f32 v21, v18  }
0x345: {  	v59 =	vld [tilespmem:s21+$0x700]  }
0x346: {  	v19 =	vmul.f32 v19, v58;
	v18 =	vadd.f32 v20, v18;
	v20 =	vperm.xlane v17, v14  }
0x347: {  	v60 =	vld [tilespmem:s21+$0x780]  }
0x348: {  	v18 =	vadd.f32 v19, v18;
	v19 =	vmul.f32 v57, v20;
	v20 =	vperm.xlane v17, v15  }
0x349: {  	[tilespmem:s25+$0x9610] =	vst v1  }
0x34a: {  	[tilespmem:s25+$0x9640] =	vst v1;
	v17 =	vperm.xlane v17, v16;
	v18 =	vadd.f32 v19, v18;
	v19 =	vmul.f32 v59, v20  }
0x34b: {  	[tilespmem:s25+$0x9650] =	vst v1  }
0x34c: {  	[tilespmem:s25+$0x9670] =	vst v1;
	v17 =	vmul.f32 v60, v17;
	v18 =	vadd.f32 v19, v18  }
0x34d: {  	[tilespmem:s25+$0x9620] =	vst v1  }
0x34e: {  	[tilespmem:s25+$0x9660] =	vst v1;
	v17 =	vadd.f32 v17, v18  }
0x34f: {  	[tilespmem:s25+$0x9630] =	vst v1  }
0x350: {  	s31 =	simm.s32 $0x0;
	[tilespmem:s25+$0x9600] =	vst v17  }
0x351: {  	[tilespmem:s16], [sflag:$0x2] =	stream.linear.gather [hbm4b:s9+s31], $0x4000, $0x38;
	[tilespmem:$0xA000] =	vst v63  }
0x352: {  	_ =	swait.ge [sflag:s17], $0x4000  }
0x353: {  	[sflag:s17] =	ssyncset.done $0x0  }
0x354: {  	s22 =	simm.s32 $0x0;
	[sflag:s17] =	ssyncadd.s32 $0xFFFFC000  }
0x355: {  	v17 =	vld [tilespmem:s22+$0x800]  }
0x356: {  	s21 =	simm.s32 $0x1800  }
0x357: {  	v18 =	vld [tilespmem:s21+$0xFFFFF800];
	_ =	sdelay $0x1  }
0x358: {  	v19 =	vld [tilespmem:s21+$0xFFFFF880]  }
0x359: {  	v20 =	vperm.xlane v17, v0  }
0x35a: {  	v61 =	vld [tilespmem:s21+$0xFFFFF900]  }
0x35b: {  	v62 =	vperm.xlane v17, v2;
	v18 =	vmul.f32 v18, v20  }
0x35c: {  	v20 =	vld [tilespmem:s21+$0xFFFFF980]  }
0x35d: {  	v63 =	vperm.xlane v17, v3;
	v19 =	vmul.f32 v19, v62;
	v18 =	vadd.f32 $0.0e+00, v18  }
0x35e: {  	v28 =	vld [tilespmem:s21+$0xFFFFFA00]  }
0x35f: {  	v29 =	vperm.xlane v17, v4;
	v18 =	vadd.f32 v19, v18;
	v19 =	vmul.f32 v61, v63  }
0x360: {  	v30 =	vld [tilespmem:s21+$0xFFFFFA80]  }
0x361: {  	v31 =	vperm.xlane v17, v5;
	v18 =	vadd.f32 v19, v18;
	v19 =	vmul.f32 v20, v29  }
0x362: {  	v20 =	vld [tilespmem:s21+$0xFFFFFB00]  }
0x363: {  	v32 =	vperm.xlane v17, v6;
	v18 =	vadd.f32 v19, v18;
	v19 =	vmul.f32 v28, v31  }
0x364: {  	v33 =	vld [tilespmem:s21+$0xFFFFFB80]  }
0x365: {  	v34 =	vperm.xlane v17, v7;
	v18 =	vadd.f32 v19, v18;
	v19 =	vmul.f32 v30, v32  }
0x366: {  	v35 =	vld [tilespmem:s21+$0xFFFFFC00]  }
0x367: {  	v36 =	vperm.xlane v17, v8;
	v18 =	vadd.f32 v19, v18;
	v19 =	vmul.f32 v20, v34  }
0x368: {  	v20 =	vld [tilespmem:s21+$0xFFFFFC80]  }
0x369: {  	v37 =	vperm.xlane v17, v9;
	v18 =	vadd.f32 v19, v18;
	v19 =	vmul.f32 v33, v36  }
0x36a: {  	v38 =	vld [tilespmem:s21+$0xFFFFFD00]  }
0x36b: {  	v39 =	vperm.xlane v17, v10;
	v18 =	vadd.f32 v19, v18;
	v19 =	vmul.f32 v35, v37  }
0x36c: {  	v40 =	vld [tilespmem:s21+$0xFFFFFD80]  }
0x36d: {  	v41 =	vperm.xlane v17, v11;
	v18 =	vadd.f32 v19, v18;
	v19 =	vmul.f32 v20, v39  }
0x36e: {  	v20 =	vld [tilespmem:s21+$0xFFFFFE00]  }
0x36f: {  	v42 =	vperm.xlane v17, v12;
	v18 =	vadd.f32 v19, v18;
	v19 =	vmul.f32 v38, v41  }
0x370: {  	v43 =	vld [tilespmem:s21+$0xFFFFFE80]  }
0x371: {  	v44 =	vperm.xlane v17, v13;
	v18 =	vadd.f32 v19, v18;
	v19 =	vmul.f32 v40, v42  }
0x372: {  	v45 =	vld [tilespmem:s21+$0xFFFFFF00]  }
0x373: {  	v46 =	vld [tilespmem:s22+$0x810];
	v47 =	vperm.xlane v17, v14;
	v18 =	vadd.f32 v19, v18;
	v19 =	vmul.f32 v20, v44  }
0x374: {  	v20 =	vld [tilespmem:s21+$0xFFFFFF80]  }
0x375: {  	v48 =	vperm.xlane v17, v15;
	v18 =	vadd.f32 v19, v18;
	v19 =	vmul.f32 v43, v47  }
0x376: {  	v49 =	vld [tilespmem:s21+$0x0]  }
0x377: {  	v17 =	vperm.xlane v17, v16;
	v18 =	vadd.f32 v19, v18;
	v19 =	vmul.f32 v45, v48  }
0x378: {  	v50 =	vld [tilespmem:s21+$0x80]  }
0x379: {  	v51 =	vperm.xlane v46, v0;
	v17 =	vmul.f32 v20, v17;
	v18 =	vadd.f32 v19, v18  }
0x37a: {  	v19 =	vld [tilespmem:s21+$0x100]  }
0x37b: {  	v20 =	vperm.xlane v46, v2;
	v17 =	vadd.f32 v17, v18;
	v18 =	vmul.f32 v49, v51  }
0x37c: {  	v52 =	vld [tilespmem:s21+$0x180]  }
0x37d: {  	v53 =	vperm.xlane v46, v3;
	v17 =	vadd.f32 v18, v17;
	v18 =	vmul.f32 v50, v20  }
0x37e: {  	v20 =	vld [tilespmem:s21+$0x200]  }
0x37f: {  	v54 =	vperm.xlane v46, v4;
	v17 =	vadd.f32 v18, v17;
	v18 =	vmul.f32 v19, v53  }
0x380: {  	v19 =	vld [tilespmem:s21+$0x280]  }
0x381: {  	v21 =	vmul.f32 v52, v54;
	v17 =	vadd.f32 v18, v17;
	v18 =	vperm.xlane v46, v5  }
0x382: {  	v55 =	vld [tilespmem:s21+$0x300]  }
0x383: {  	v17 =	vadd.f32 v21, v17;
	v18 =	vmul.f32 v20, v18;
	v20 =	vperm.xlane v46, v6  }
0x384: {  	v56 =	vld [tilespmem:s21+$0x380]  }
0x385: {  	v17 =	vadd.f32 v18, v17;
	v18 =	vmul.f32 v19, v20;
	v19 =	vperm.xlane v46, v7  }
0x386: {  	v20 =	vld [tilespmem:s21+$0x400]  }
0x387: {  	v17 =	vadd.f32 v18, v17;
	v18 =	vmul.f32 v55, v19;
	v19 =	vperm.xlane v46, v8  }
0x388: {  	v57 =	vld [tilespmem:s21+$0x480]  }
0x389: {  	v17 =	vadd.f32 v18, v17;
	v18 =	vmul.f32 v56, v19;
	v19 =	vperm.xlane v46, v9  }
0x38a: {  	v58 =	vld [tilespmem:s21+$0x500]  }
0x38b: {  	v59 =	vperm.xlane v46, v10;
	v17 =	vadd.f32 v18, v17;
	v18 =	vmul.f32 v20, v19  }
0x38c: {  	v19 =	vld [tilespmem:s21+$0x580]  }
0x38d: {  	v22 =	vmul.f32 v57, v59;
	v20 =	vperm.xlane v46, v11;
	v17 =	vadd.f32 v18, v17  }
0x38e: {  	v18 =	vld [tilespmem:s21+$0x600]  }
0x38f: {  	v60 =	vperm.xlane v46, v12;
	v20 =	vmul.f32 v58, v20;
	v17 =	vadd.f32 v22, v17  }
0x390: {  	v61 =	vld [tilespmem:s21+$0x680]  }
0x391: {  	v19 =	vmul.f32 v19, v60;
	v17 =	vadd.f32 v20, v17;
	v20 =	vperm.xlane v46, v13  }
0x392: {  	v62 =	vld [tilespmem:s21+$0x700]  }
0x393: {  	v17 =	vadd.f32 v19, v17;
	v18 =	vmul.f32 v18, v20;
	v19 =	vperm.xlane v46, v14  }
0x394: {  	v63 =	vld [tilespmem:s21+$0x780];
	[tilespmem:s22+$0x9810] =	vst v1  }
0x395: {  	[tilespmem:s22+$0x9840] =	vst v1;
	v17 =	vadd.f32 v18, v17;
	v18 =	vmul.f32 v61, v19;
	v19 =	vperm.xlane v46, v15  }
0x396: {  	[tilespmem:s22+$0x9850] =	vst v1  }
0x397: {  	[tilespmem:s22+$0x9870] =	vst v1;
	v17 =	vadd.f32 v18, v17;
	v18 =	vmul.f32 v62, v19;
	v19 =	vperm.xlane v46, v16  }
0x398: {  	[tilespmem:s22+$0x9820] =	vst v1  }
0x399: {  	[tilespmem:s22+$0x9860] =	vst v1;
	v17 =	vadd.f32 v18, v17;
	v18 =	vmul.f32 v63, v19  }
0x39a: {  	s25 =	simm.s32 $0x80;
	[tilespmem:s22+$0x9830] =	vst v1  }
0x39b: {  	s23 =	simm.s32 $0x400;
	v19 =	vadd.f32 v18, v17;
	v18 =	vld [tilespmem:s25+$0x800]  }
.LBB2_10:
0x39c: {  	p0 =	sne.s32 s23, $0x600;
	s21 =	sadd.s32 $0x1000, s21  }
0x39d: {  	v17 =	vld [tilespmem:s25+$0x810];
	[tilespmem:s22+$0x9800] =	vst v19;
	s24 =	smov.u32 s23;
	s23 =	sadd.s32 $0x200, s23;
	s22 =	smov.u32 s25  }
0x39e: {  	v19 =	vld [tilespmem:s21+$0xFFFFF800];
	_ =	sdelay $0x1  }
0x39f: {  	v20 =	vld [tilespmem:s21+$0xFFFFF880]  }
0x3a0: {  	v21 =	vperm.xlane v18, v0;
	v22 =	vperm.xlane v18, v2  }
0x3a1: {  	v23 =	vperm.xlane v18, v3;
	v25 =	vperm.xlane v18, v4;
	v24 =	vld [tilespmem:s21+$0xFFFFF900]  }
0x3a2: {  	v19 =	vmul.f32 v19, v21;
	v21 =	vperm.xlane v18, v5  }
0x3a3: {  	v27 =	vperm.xlane v18, v6;
	v28 =	vperm.xlane v18, v7;
	v26 =	vld [tilespmem:s21+$0xFFFFF980]  }
0x3a4: {  	v19 =	vadd.f32 $0.0e+00, v19;
	v20 =	vmul.f32 v20, v22;
	v22 =	vperm.xlane v18, v8  }
0x3a5: {  	v30 =	vperm.xlane v18, v9;
	v31 =	vperm.xlane v18, v10;
	v29 =	vld [tilespmem:s21+$0xFFFFFA00]  }
0x3a6: {  	v19 =	vadd.f32 v20, v19;
	v20 =	vmul.f32 v24, v23;
	v23 =	vperm.xlane v18, v11  }
0x3a7: {  	v32 =	vperm.xlane v18, v12;
	v33 =	vperm.xlane v18, v13;
	v24 =	vld [tilespmem:s21+$0xFFFFFA80]  }
0x3a8: {  	v19 =	vadd.f32 v20, v19;
	v20 =	vmul.f32 v26, v25;
	v25 =	vperm.xlane v18, v14;
	v26 =	vld [tilespmem:s21+$0x500]  }
0x3a9: {  	v35 =	vperm.xlane v18, v15;
	v36 =	vperm.xlane v17, v0;
	v34 =	vld [tilespmem:s21+$0xFFFFFB00]  }
0x3aa: {  	v19 =	vadd.f32 v20, v19;
	v20 =	vmul.f32 v29, v21;
	v21 =	vperm.xlane v17, v2;
	v29 =	vld [tilespmem:s21+$0x480]  }
0x3ab: {  	v38 =	vperm.xlane v17, v3;
	v39 =	vperm.xlane v17, v4;
	v37 =	vld [tilespmem:s21+$0xFFFFFB80]  }
0x3ac: {  	v20 =	vadd.f32 v20, v19;
	v24 =	vmul.f32 v24, v27;
	v27 =	vperm.xlane v17, v10;
	v19 =	vld [tilespmem:s21+$0x700]  }
0x3ad: {  	v41 =	vperm.xlane v17, v11;
	v40 =	vld [tilespmem:s21+$0xFFFFFC00]  }
0x3ae: {  	v20 =	vadd.f32 v24, v20;
	v24 =	vmul.f32 v34, v28;
	v28 =	vld [tilespmem:s21+$0x600]  }
0x3af: {  	v26 =	vmul.f32 v26, v41;
	v34 =	vld [tilespmem:s21+$0xFFFFFC80];
	v27 =	vmul.f32 v29, v27  }
0x3b0: {  	v20 =	vadd.f32 v24, v20;
	v22 =	vmul.f32 v37, v22;
	v24 =	vld [tilespmem:s21+$0x580]  }
0x3b1: {  	v29 =	vld [tilespmem:s21+$0xFFFFFD00]  }
0x3b2: {  	v20 =	vadd.f32 v22, v20;
	v22 =	vmul.f32 v40, v30;
	v30 =	vld [tilespmem:s21+$0x680]  }
0x3b3: {  	v37 =	vld [tilespmem:s21+$0xFFFFFD80]  }
0x3b4: {  	v20 =	vadd.f32 v22, v20;
	v22 =	vmul.f32 v34, v31;
	v31 =	vld [tilespmem:s21+$0x780]  }
0x3b5: {  	v34 =	vld [tilespmem:s21+$0xFFFFFE00]  }
0x3b6: {  	v20 =	vadd.f32 v22, v20;
	v22 =	vmul.f32 v29, v23;
	v23 =	vld [tilespmem:s21+$0x400]  }
0x3b7: {  	v29 =	vld [tilespmem:s21+$0xFFFFFE80]  }
0x3b8: {  	v20 =	vadd.f32 v22, v20;
	v22 =	vmul.f32 v37, v32;
	v32 =	vld [tilespmem:s21+$0x380]  }
0x3b9: {  	v37 =	vld [tilespmem:s21+$0xFFFFFF00]  }
0x3ba: {  	v20 =	vadd.f32 v22, v20;
	v22 =	vmul.f32 v34, v33;
	v33 =	vld [tilespmem:s21+$0x200]  }
0x3bb: {  	v34 =	vld [tilespmem:s21+$0xFFFFFF80]  }
0x3bc: {  	v20 =	vadd.f32 v22, v20;
	v22 =	vmul.f32 v29, v25;
	v25 =	vld [tilespmem:s21+$0x300]  }
0x3bd: {  	v29 =	vld [tilespmem:s21+$0x0]  }
0x3be: {  	v18 =	vperm.xlane v18, v16;
	v20 =	vadd.f32 v22, v20;
	v22 =	vmul.f32 v37, v35;
	v35 =	vld [tilespmem:s21+$0x280]  }
0x3bf: {  	v37 =	vld [tilespmem:s21+$0x80]  }
0x3c0: {  	v20 =	vadd.f32 v22, v20;
	v18 =	vmul.f32 v34, v18;
	v22 =	vld [tilespmem:s21+$0x180]  }
0x3c1: {  	v34 =	vld [tilespmem:s21+$0x100]  }
0x3c2: {  	v18 =	vadd.f32 v18, v20;
	v20 =	vmul.f32 v29, v36;
	[tilespmem:s22+$0x9810] =	vst v1  }
0x3c3: {  	[tilespmem:s22+$0x9840] =	vst v1  }
0x3c4: {  	v18 =	vadd.f32 v20, v18;
	v20 =	vmul.f32 v37, v21;
	[tilespmem:s22+$0x9850] =	vst v1  }
0x3c5: {  	v21 =	vmul.f32 v22, v39;
	[tilespmem:s22+$0x9870] =	vst v1  }
0x3c6: {  	v18 =	vadd.f32 v20, v18;
	v20 =	vmul.f32 v34, v38;
	[tilespmem:s22+$0x9820] =	vst v1  }
0x3c7: {  	[tilespmem:s22+$0x9860] =	vst v1  }
0x3c8: {  	v18 =	vadd.f32 v20, v18;
	v20 =	vperm.xlane v17, v5;
	[tilespmem:s22+$0x9830] =	vst v1;
	_ =	sdelay $0x1  }
0x3c9: {  	v18 =	vadd.f32 v21, v18;
	v20 =	vmul.f32 v33, v20;
	v21 =	vperm.xlane v17, v6;
	_ =	sdelay $0x1  }
0x3ca: {  	v18 =	vadd.f32 v20, v18;
	v20 =	vmul.f32 v35, v21;
	v21 =	vperm.xlane v17, v7;
	_ =	sdelay $0x1  }
0x3cb: {  	v18 =	vadd.f32 v20, v18;
	v20 =	vmul.f32 v25, v21;
	v21 =	vperm.xlane v17, v8;
	_ =	sdelay $0x1  }
0x3cc: {  	v18 =	vadd.f32 v20, v18;
	v20 =	vmul.f32 v32, v21;
	v21 =	vperm.xlane v17, v9;
	_ =	sdelay $0x1  }
0x3cd: {  	v18 =	vadd.f32 v20, v18;
	v20 =	vmul.f32 v23, v21;
	_ =	sdelay $0x1  }
0x3ce: {  	v18 =	vadd.f32 v20, v18;
	_ =	sdelay $0x1  }
0x3cf: {  	v20 =	vperm.xlane v17, v12;
	v18 =	vadd.f32 v27, v18;
	_ =	sdelay $0x1  }
0x3d0: {  	v21 =	vperm.xlane v17, v13;
	v20 =	vmul.f32 v24, v20;
	v18 =	vadd.f32 v26, v18;
	_ =	sdelay $0x1  }
0x3d1: {  	v18 =	vadd.f32 v20, v18;
	v20 =	vmul.f32 v28, v21;
	v21 =	vperm.xlane v17, v14;
	_ =	sdelay $0x1  }
0x3d2: {  	v18 =	vadd.f32 v20, v18;
	v20 =	vmul.f32 v30, v21;
	v21 =	vperm.xlane v17, v15;
	_ =	sdelay $0x1  }
0x3d3: {  	v17 =	vperm.xlane v17, v16;
	v18 =	vadd.f32 v20, v18;
	v19 =	vmul.f32 v19, v21  }
.Ltmp4:
0x3d4: {  	(pc) =	sbr.rel @p0 .LBB2_10-.Ltmp4, $3  }
0x3d5: {  	v17 =	vmul.f32 v31, v17;
	v18 =	vadd.f32 v19, v18;
	_ =	sdelay $0x1  }
0x3d6: {  	s25 =	sshra.s32 s24, $0x2;
	v19 =	vadd.f32 v17, v18  }
0x3d7: {  	v18 =	vld [tilespmem:s25+$0x800]  }
0x3d8: {  	v17 =	vld [tilespmem:s25+$0x810];
	[tilespmem:s22+$0x9800] =	vst v19;
	s21 =	sadd.s32 $0x1000, s21  }
0x3d9: {  	v19 =	vld [tilespmem:s21+$0xFFFFF800];
	_ =	sdelay $0x1  }
0x3da: {  	v20 =	vld [tilespmem:s21+$0xFFFFF880]  }
0x3db: {  	v21 =	vperm.xlane v18, v0  }
0x3dc: {  	v22 =	vld [tilespmem:s21+$0xFFFFF900]  }
0x3dd: {  	v23 =	vperm.xlane v18, v2;
	v19 =	vmul.f32 v19, v21  }
0x3de: {  	v52 =	vld [tilespmem:s21+$0xFFFFF980]  }
0x3df: {  	v24 =	vperm.xlane v18, v3;
	v20 =	vmul.f32 v20, v23;
	v19 =	vadd.f32 $0.0e+00, v19  }
0x3e0: {  	v53 =	vld [tilespmem:s21+$0xFFFFFA00]  }
0x3e1: {  	v25 =	vperm.xlane v18, v4;
	v19 =	vadd.f32 v20, v19;
	v20 =	vmul.f32 v22, v24  }
0x3e2: {  	v54 =	vld [tilespmem:s21+$0xFFFFFA80]  }
0x3e3: {  	v55 =	vperm.xlane v18, v5;
	v19 =	vadd.f32 v20, v19;
	v20 =	vmul.f32 v52, v25  }
0x3e4: {  	v56 =	vld [tilespmem:s21+$0xFFFFFB00]  }
0x3e5: {  	v57 =	vperm.xlane v18, v6;
	v19 =	vadd.f32 v20, v19;
	v20 =	vmul.f32 v53, v55  }
0x3e6: {  	v58 =	vld [tilespmem:s21+$0xFFFFFB80]  }
0x3e7: {  	v59 =	vperm.xlane v18, v7;
	v19 =	vadd.f32 v20, v19;
	v20 =	vmul.f32 v54, v57  }
0x3e8: {  	v60 =	vld [tilespmem:s21+$0xFFFFFC00]  }
0x3e9: {  	v61 =	vperm.xlane v18, v8;
	v19 =	vadd.f32 v20, v19;
	v20 =	vmul.f32 v56, v59  }
0x3ea: {  	v62 =	vld [tilespmem:s21+$0xFFFFFC80]  }
0x3eb: {  	v63 =	vperm.xlane v18, v9;
	v19 =	vadd.f32 v20, v19;
	v20 =	vmul.f32 v58, v61  }
0x3ec: {  	v28 =	vld [tilespmem:s21+$0xFFFFFD00]  }
0x3ed: {  	v29 =	vperm.xlane v18, v10;
	v19 =	vadd.f32 v20, v19;
	v20 =	vmul.f32 v60, v63  }
0x3ee: {  	v30 =	vld [tilespmem:s21+$0xFFFFFD80]  }
0x3ef: {  	v31 =	vperm.xlane v18, v11;
	v19 =	vadd.f32 v20, v19;
	v20 =	vmul.f32 v62, v29  }
0x3f0: {  	v32 =	vld [tilespmem:s21+$0xFFFFFE00]  }
0x3f1: {  	v33 =	vperm.xlane v18, v12;
	v19 =	vadd.f32 v20, v19;
	v20 =	vmul.f32 v28, v31  }
0x3f2: {  	v34 =	vld [tilespmem:s21+$0xFFFFFE80]  }
0x3f3: {  	v35 =	vperm.xlane v18, v13;
	v19 =	vadd.f32 v20, v19;
	v20 =	vmul.f32 v30, v33  }
0x3f4: {  	v36 =	vld [tilespmem:s21+$0xFFFFFF00]  }
0x3f5: {  	v37 =	vperm.xlane v18, v14;
	v19 =	vadd.f32 v20, v19;
	v20 =	vmul.f32 v32, v35  }
0x3f6: {  	v38 =	vld [tilespmem:s21+$0xFFFFFF80]  }
0x3f7: {  	v39 =	vperm.xlane v18, v15;
	v19 =	vadd.f32 v20, v19;
	v20 =	vmul.f32 v34, v37  }
0x3f8: {  	v40 =	vld [tilespmem:s21+$0x0]  }
0x3f9: {  	v18 =	vperm.xlane v18, v16;
	v19 =	vadd.f32 v20, v19;
	v20 =	vmul.f32 v36, v39  }
0x3fa: {  	v41 =	vld [tilespmem:s21+$0x80]  }
0x3fb: {  	v42 =	vperm.xlane v17, v0;
	v18 =	vmul.f32 v38, v18;
	v19 =	vadd.f32 v20, v19  }
0x3fc: {  	v20 =	vld [tilespmem:s21+$0x100]  }
0x3fd: {  	v43 =	vperm.xlane v17, v2;
	v18 =	vadd.f32 v18, v19;
	v19 =	vmul.f32 v40, v42  }
0x3fe: {  	v44 =	vld [tilespmem:s21+$0x180]  }
0x3ff: {  	v45 =	vperm.xlane v17, v3;
	v18 =	vadd.f32 v19, v18;
	v19 =	vmul.f32 v41, v43  }
0x400: {  	v46 =	vld [tilespmem:s21+$0x200]  }
0x401: {  	v47 =	vperm.xlane v17, v4;
	v18 =	vadd.f32 v19, v18;
	v19 =	vmul.f32 v20, v45  }
0x402: {  	v20 =	vld [tilespmem:s21+$0x280]  }
0x403: {  	v22 =	vmul.f32 v44, v47;
	v18 =	vadd.f32 v19, v18;
	v19 =	vperm.xlane v17, v5  }
0x404: {  	v48 =	vld [tilespmem:s21+$0x300]  }
0x405: {  	v49 =	vperm.xlane v17, v6;
	v18 =	vadd.f32 v22, v18;
	v19 =	vmul.f32 v46, v19  }
0x406: {  	v50 =	vld [tilespmem:s21+$0x380]  }
0x407: {  	v18 =	vadd.f32 v19, v18;
	v19 =	vmul.f32 v20, v49;
	v20 =	vperm.xlane v17, v7  }
0x408: {  	v51 =	vld [tilespmem:s21+$0x400]  }
0x409: {  	v18 =	vadd.f32 v19, v18;
	v19 =	vmul.f32 v48, v20;
	v20 =	vperm.xlane v17, v8  }
0x40a: {  	v52 =	vld [tilespmem:s21+$0x480]  }
0x40b: {  	v18 =	vadd.f32 v19, v18;
	v19 =	vmul.f32 v50, v20;
	v20 =	vperm.xlane v17, v9  }
0x40c: {  	v53 =	vld [tilespmem:s21+$0x500]  }
0x40d: {  	v54 =	vperm.xlane v17, v10;
	v18 =	vadd.f32 v19, v18;
	v19 =	vmul.f32 v51, v20  }
0x40e: {  	v20 =	vld [tilespmem:s21+$0x580]  }
0x40f: {  	v55 =	vperm.xlane v17, v11;
	v23 =	vmul.f32 v52, v54;
	v18 =	vadd.f32 v19, v18  }
0x410: {  	v19 =	vld [tilespmem:s21+$0x600]  }
0x411: {  	v56 =	vperm.xlane v17, v12;
	v21 =	vmul.f32 v53, v55;
	v18 =	vadd.f32 v23, v18  }
0x412: {  	v57 =	vld [tilespmem:s21+$0x680]  }
0x413: {  	v58 =	vperm.xlane v17, v13;
	v20 =	vmul.f32 v20, v56;
	v18 =	vadd.f32 v21, v18  }
0x414: {  	v59 =	vld [tilespmem:s21+$0x700]  }
0x415: {  	v19 =	vmul.f32 v19, v58;
	v18 =	vadd.f32 v20, v18;
	v20 =	vperm.xlane v17, v14  }
0x416: {  	v60 =	vld [tilespmem:s21+$0x780]  }
0x417: {  	v18 =	vadd.f32 v19, v18;
	v19 =	vmul.f32 v57, v20;
	v20 =	vperm.xlane v17, v15  }
0x418: {  	[tilespmem:s25+$0x9810] =	vst v1  }
0x419: {  	[tilespmem:s25+$0x9840] =	vst v1;
	v17 =	vperm.xlane v17, v16;
	v18 =	vadd.f32 v19, v18;
	v19 =	vmul.f32 v59, v20  }
0x41a: {  	[tilespmem:s25+$0x9850] =	vst v1  }
0x41b: {  	[tilespmem:s25+$0x9870] =	vst v1;
	v17 =	vmul.f32 v60, v17;
	v18 =	vadd.f32 v19, v18  }
0x41c: {  	[tilespmem:s25+$0x9820] =	vst v1  }
0x41d: {  	[tilespmem:s25+$0x9860] =	vst v1;
	v17 =	vadd.f32 v17, v18  }
0x41e: {  	[tilespmem:s25+$0x9830] =	vst v1  }
0x41f: {  	s31 =	simm.s32 $0x0;
	[tilespmem:s25+$0x9800] =	vst v17  }
0x420: {  	[tilespmem:s15], [sflag:$0x1] =	stream.linear.gather [hbm4b:s10+s31], $0x4000, $0x38;
	[tilespmem:$0xA000] =	vst v63  }
0x421: {  	_ =	swait.ge [sflag:s18], $0x4000  }
0x422: {  	[sflag:s18] =	ssyncset.done $0x0  }
0x423: {  	s22 =	simm.s32 $0x0;
	[sflag:s18] =	ssyncadd.s32 $0xFFFFC000  }
0x424: {  	v17 =	vld [tilespmem:s22+$0xA00]  }
0x425: {  	s21 =	simm.s32 $0x5800  }
0x426: {  	v18 =	vld [tilespmem:s21+$0xFFFFF800];
	_ =	sdelay $0x1  }
0x427: {  	v19 =	vld [tilespmem:s21+$0xFFFFF880]  }
0x428: {  	v20 =	vperm.xlane v17, v0  }
0x429: {  	v61 =	vld [tilespmem:s21+$0xFFFFF900]  }
0x42a: {  	v62 =	vperm.xlane v17, v2;
	v18 =	vmul.f32 v18, v20  }
0x42b: {  	v20 =	vld [tilespmem:s21+$0xFFFFF980]  }
0x42c: {  	v63 =	vperm.xlane v17, v3;
	v19 =	vmul.f32 v19, v62;
	v18 =	vadd.f32 $0.0e+00, v18  }
0x42d: {  	v28 =	vld [tilespmem:s21+$0xFFFFFA00]  }
0x42e: {  	v29 =	vperm.xlane v17, v4;
	v18 =	vadd.f32 v19, v18;
	v19 =	vmul.f32 v61, v63  }
0x42f: {  	v30 =	vld [tilespmem:s21+$0xFFFFFA80]  }
0x430: {  	v31 =	vperm.xlane v17, v5;
	v18 =	vadd.f32 v19, v18;
	v19 =	vmul.f32 v20, v29  }
0x431: {  	v20 =	vld [tilespmem:s21+$0xFFFFFB00]  }
0x432: {  	v32 =	vperm.xlane v17, v6;
	v18 =	vadd.f32 v19, v18;
	v19 =	vmul.f32 v28, v31  }
0x433: {  	v33 =	vld [tilespmem:s21+$0xFFFFFB80]  }
0x434: {  	v34 =	vperm.xlane v17, v7;
	v18 =	vadd.f32 v19, v18;
	v19 =	vmul.f32 v30, v32  }
0x435: {  	v35 =	vld [tilespmem:s21+$0xFFFFFC00]  }
0x436: {  	v36 =	vperm.xlane v17, v8;
	v18 =	vadd.f32 v19, v18;
	v19 =	vmul.f32 v20, v34  }
0x437: {  	v20 =	vld [tilespmem:s21+$0xFFFFFC80]  }
0x438: {  	v37 =	vperm.xlane v17, v9;
	v18 =	vadd.f32 v19, v18;
	v19 =	vmul.f32 v33, v36  }
0x439: {  	v38 =	vld [tilespmem:s21+$0xFFFFFD00]  }
0x43a: {  	v39 =	vperm.xlane v17, v10;
	v18 =	vadd.f32 v19, v18;
	v19 =	vmul.f32 v35, v37  }
0x43b: {  	v40 =	vld [tilespmem:s21+$0xFFFFFD80]  }
0x43c: {  	v41 =	vperm.xlane v17, v11;
	v18 =	vadd.f32 v19, v18;
	v19 =	vmul.f32 v20, v39  }
0x43d: {  	v20 =	vld [tilespmem:s21+$0xFFFFFE00]  }
0x43e: {  	v42 =	vperm.xlane v17, v12;
	v18 =	vadd.f32 v19, v18;
	v19 =	vmul.f32 v38, v41  }
0x43f: {  	v43 =	vld [tilespmem:s21+$0xFFFFFE80]  }
0x440: {  	v44 =	vperm.xlane v17, v13;
	v18 =	vadd.f32 v19, v18;
	v19 =	vmul.f32 v40, v42  }
0x441: {  	v45 =	vld [tilespmem:s21+$0xFFFFFF00]  }
0x442: {  	v46 =	vld [tilespmem:s22+$0xA10];
	v47 =	vperm.xlane v17, v14;
	v18 =	vadd.f32 v19, v18;
	v19 =	vmul.f32 v20, v44  }
0x443: {  	v20 =	vld [tilespmem:s21+$0xFFFFFF80]  }
0x444: {  	v48 =	vperm.xlane v17, v15;
	v18 =	vadd.f32 v19, v18;
	v19 =	vmul.f32 v43, v47  }
0x445: {  	v49 =	vld [tilespmem:s21+$0x0]  }
0x446: {  	v17 =	vperm.xlane v17, v16;
	v18 =	vadd.f32 v19, v18;
	v19 =	vmul.f32 v45, v48  }
0x447: {  	v50 =	vld [tilespmem:s21+$0x80]  }
0x448: {  	v51 =	vperm.xlane v46, v0;
	v17 =	vmul.f32 v20, v17;
	v18 =	vadd.f32 v19, v18  }
0x449: {  	v19 =	vld [tilespmem:s21+$0x100]  }
0x44a: {  	v20 =	vperm.xlane v46, v2;
	v17 =	vadd.f32 v17, v18;
	v18 =	vmul.f32 v49, v51  }
0x44b: {  	v52 =	vld [tilespmem:s21+$0x180]  }
0x44c: {  	v53 =	vperm.xlane v46, v3;
	v17 =	vadd.f32 v18, v17;
	v18 =	vmul.f32 v50, v20  }
0x44d: {  	v20 =	vld [tilespmem:s21+$0x200]  }
0x44e: {  	v54 =	vperm.xlane v46, v4;
	v17 =	vadd.f32 v18, v17;
	v18 =	vmul.f32 v19, v53  }
0x44f: {  	v19 =	vld [tilespmem:s21+$0x280]  }
0x450: {  	v21 =	vmul.f32 v52, v54;
	v17 =	vadd.f32 v18, v17;
	v18 =	vperm.xlane v46, v5  }
0x451: {  	v55 =	vld [tilespmem:s21+$0x300]  }
0x452: {  	v17 =	vadd.f32 v21, v17;
	v18 =	vmul.f32 v20, v18;
	v20 =	vperm.xlane v46, v6  }
0x453: {  	v56 =	vld [tilespmem:s21+$0x380]  }
0x454: {  	v17 =	vadd.f32 v18, v17;
	v18 =	vmul.f32 v19, v20;
	v19 =	vperm.xlane v46, v7  }
0x455: {  	v20 =	vld [tilespmem:s21+$0x400]  }
0x456: {  	v17 =	vadd.f32 v18, v17;
	v18 =	vmul.f32 v55, v19;
	v19 =	vperm.xlane v46, v8  }
0x457: {  	v57 =	vld [tilespmem:s21+$0x480]  }
0x458: {  	v17 =	vadd.f32 v18, v17;
	v18 =	vmul.f32 v56, v19;
	v19 =	vperm.xlane v46, v9  }
0x459: {  	v58 =	vld [tilespmem:s21+$0x500]  }
0x45a: {  	v59 =	vperm.xlane v46, v10;
	v17 =	vadd.f32 v18, v17;
	v18 =	vmul.f32 v20, v19  }
0x45b: {  	v19 =	vld [tilespmem:s21+$0x580]  }
0x45c: {  	v22 =	vmul.f32 v57, v59;
	v20 =	vperm.xlane v46, v11;
	v17 =	vadd.f32 v18, v17  }
0x45d: {  	v18 =	vld [tilespmem:s21+$0x600]  }
0x45e: {  	v60 =	vperm.xlane v46, v12;
	v20 =	vmul.f32 v58, v20;
	v17 =	vadd.f32 v22, v17  }
0x45f: {  	v61 =	vld [tilespmem:s21+$0x680]  }
0x460: {  	v19 =	vmul.f32 v19, v60;
	v17 =	vadd.f32 v20, v17;
	v20 =	vperm.xlane v46, v13  }
0x461: {  	v62 =	vld [tilespmem:s21+$0x700]  }
0x462: {  	v17 =	vadd.f32 v19, v17;
	v18 =	vmul.f32 v18, v20;
	v19 =	vperm.xlane v46, v14  }
0x463: {  	v63 =	vld [tilespmem:s21+$0x780];
	[tilespmem:s22+$0x9A10] =	vst v1  }
0x464: {  	[tilespmem:s22+$0x9A40] =	vst v1;
	v17 =	vadd.f32 v18, v17;
	v18 =	vmul.f32 v61, v19;
	v19 =	vperm.xlane v46, v15  }
0x465: {  	[tilespmem:s22+$0x9A50] =	vst v1  }
0x466: {  	[tilespmem:s22+$0x9A70] =	vst v1;
	v17 =	vadd.f32 v18, v17;
	v18 =	vmul.f32 v62, v19;
	v19 =	vperm.xlane v46, v16  }
0x467: {  	[tilespmem:s22+$0x9A20] =	vst v1  }
0x468: {  	[tilespmem:s22+$0x9A60] =	vst v1;
	v17 =	vadd.f32 v18, v17;
	v18 =	vmul.f32 v63, v19  }
0x469: {  	s25 =	simm.s32 $0x80;
	[tilespmem:s22+$0x9A30] =	vst v1  }
0x46a: {  	s23 =	simm.s32 $0x400;
	v19 =	vadd.f32 v18, v17;
	v18 =	vld [tilespmem:s25+$0xA00]  }
.LBB2_12:
0x46b: {  	p0 =	sne.s32 s23, $0x600;
	s21 =	sadd.s32 $0x1000, s21  }
0x46c: {  	v17 =	vld [tilespmem:s25+$0xA10];
	[tilespmem:s22+$0x9A00] =	vst v19;
	s24 =	smov.u32 s23;
	s23 =	sadd.s32 $0x200, s23;
	s22 =	smov.u32 s25  }
0x46d: {  	v19 =	vld [tilespmem:s21+$0xFFFFF800];
	_ =	sdelay $0x1  }
0x46e: {  	v20 =	vld [tilespmem:s21+$0xFFFFF880]  }
0x46f: {  	v21 =	vperm.xlane v18, v0;
	v22 =	vperm.xlane v18, v2  }
0x470: {  	v23 =	vperm.xlane v18, v3;
	v25 =	vperm.xlane v18, v4;
	v24 =	vld [tilespmem:s21+$0xFFFFF900]  }
0x471: {  	v19 =	vmul.f32 v19, v21;
	v21 =	vperm.xlane v18, v5  }
0x472: {  	v27 =	vperm.xlane v18, v6;
	v28 =	vperm.xlane v18, v7;
	v26 =	vld [tilespmem:s21+$0xFFFFF980]  }
0x473: {  	v19 =	vadd.f32 $0.0e+00, v19;
	v20 =	vmul.f32 v20, v22;
	v22 =	vperm.xlane v18, v8  }
0x474: {  	v30 =	vperm.xlane v18, v9;
	v31 =	vperm.xlane v18, v10;
	v29 =	vld [tilespmem:s21+$0xFFFFFA00]  }
0x475: {  	v19 =	vadd.f32 v20, v19;
	v20 =	vmul.f32 v24, v23;
	v23 =	vperm.xlane v18, v11  }
0x476: {  	v32 =	vperm.xlane v18, v12;
	v33 =	vperm.xlane v18, v13;
	v24 =	vld [tilespmem:s21+$0xFFFFFA80]  }
0x477: {  	v19 =	vadd.f32 v20, v19;
	v20 =	vmul.f32 v26, v25;
	v25 =	vperm.xlane v18, v14;
	v26 =	vld [tilespmem:s21+$0x500]  }
0x478: {  	v35 =	vperm.xlane v18, v15;
	v36 =	vperm.xlane v17, v0;
	v34 =	vld [tilespmem:s21+$0xFFFFFB00]  }
0x479: {  	v19 =	vadd.f32 v20, v19;
	v20 =	vmul.f32 v29, v21;
	v21 =	vperm.xlane v17, v2;
	v29 =	vld [tilespmem:s21+$0x480]  }
0x47a: {  	v38 =	vperm.xlane v17, v3;
	v39 =	vperm.xlane v17, v4;
	v37 =	vld [tilespmem:s21+$0xFFFFFB80]  }
0x47b: {  	v20 =	vadd.f32 v20, v19;
	v24 =	vmul.f32 v24, v27;
	v27 =	vperm.xlane v17, v10;
	v19 =	vld [tilespmem:s21+$0x700]  }
0x47c: {  	v41 =	vperm.xlane v17, v11;
	v40 =	vld [tilespmem:s21+$0xFFFFFC00]  }
0x47d: {  	v20 =	vadd.f32 v24, v20;
	v24 =	vmul.f32 v34, v28;
	v28 =	vld [tilespmem:s21+$0x600]  }
0x47e: {  	v26 =	vmul.f32 v26, v41;
	v34 =	vld [tilespmem:s21+$0xFFFFFC80];
	v27 =	vmul.f32 v29, v27  }
0x47f: {  	v20 =	vadd.f32 v24, v20;
	v22 =	vmul.f32 v37, v22;
	v24 =	vld [tilespmem:s21+$0x580]  }
0x480: {  	v29 =	vld [tilespmem:s21+$0xFFFFFD00]  }
0x481: {  	v20 =	vadd.f32 v22, v20;
	v22 =	vmul.f32 v40, v30;
	v30 =	vld [tilespmem:s21+$0x680]  }
0x482: {  	v37 =	vld [tilespmem:s21+$0xFFFFFD80]  }
0x483: {  	v20 =	vadd.f32 v22, v20;
	v22 =	vmul.f32 v34, v31;
	v31 =	vld [tilespmem:s21+$0x780]  }
0x484: {  	v34 =	vld [tilespmem:s21+$0xFFFFFE00]  }
0x485: {  	v20 =	vadd.f32 v22, v20;
	v22 =	vmul.f32 v29, v23;
	v23 =	vld [tilespmem:s21+$0x400]  }
0x486: {  	v29 =	vld [tilespmem:s21+$0xFFFFFE80]  }
0x487: {  	v20 =	vadd.f32 v22, v20;
	v22 =	vmul.f32 v37, v32;
	v32 =	vld [tilespmem:s21+$0x380]  }
0x488: {  	v37 =	vld [tilespmem:s21+$0xFFFFFF00]  }
0x489: {  	v20 =	vadd.f32 v22, v20;
	v22 =	vmul.f32 v34, v33;
	v33 =	vld [tilespmem:s21+$0x200]  }
0x48a: {  	v34 =	vld [tilespmem:s21+$0xFFFFFF80]  }
0x48b: {  	v20 =	vadd.f32 v22, v20;
	v22 =	vmul.f32 v29, v25;
	v25 =	vld [tilespmem:s21+$0x300]  }
0x48c: {  	v29 =	vld [tilespmem:s21+$0x0]  }
0x48d: {  	v18 =	vperm.xlane v18, v16;
	v20 =	vadd.f32 v22, v20;
	v22 =	vmul.f32 v37, v35;
	v35 =	vld [tilespmem:s21+$0x280]  }
0x48e: {  	v37 =	vld [tilespmem:s21+$0x80]  }
0x48f: {  	v20 =	vadd.f32 v22, v20;
	v18 =	vmul.f32 v34, v18;
	v22 =	vld [tilespmem:s21+$0x180]  }
0x490: {  	v34 =	vld [tilespmem:s21+$0x100]  }
0x491: {  	v18 =	vadd.f32 v18, v20;
	v20 =	vmul.f32 v29, v36;
	[tilespmem:s22+$0x9A10] =	vst v1  }
0x492: {  	[tilespmem:s22+$0x9A40] =	vst v1  }
0x493: {  	v18 =	vadd.f32 v20, v18;
	v20 =	vmul.f32 v37, v21;
	[tilespmem:s22+$0x9A50] =	vst v1  }
0x494: {  	v21 =	vmul.f32 v22, v39;
	[tilespmem:s22+$0x9A70] =	vst v1  }
0x495: {  	v18 =	vadd.f32 v20, v18;
	v20 =	vmul.f32 v34, v38;
	[tilespmem:s22+$0x9A20] =	vst v1  }
0x496: {  	[tilespmem:s22+$0x9A60] =	vst v1  }
0x497: {  	v18 =	vadd.f32 v20, v18;
	v20 =	vperm.xlane v17, v5;
	[tilespmem:s22+$0x9A30] =	vst v1;
	_ =	sdelay $0x1  }
0x498: {  	v18 =	vadd.f32 v21, v18;
	v20 =	vmul.f32 v33, v20;
	v21 =	vperm.xlane v17, v6;
	_ =	sdelay $0x1  }
0x499: {  	v18 =	vadd.f32 v20, v18;
	v20 =	vmul.f32 v35, v21;
	v21 =	vperm.xlane v17, v7;
	_ =	sdelay $0x1  }
0x49a: {  	v18 =	vadd.f32 v20, v18;
	v20 =	vmul.f32 v25, v21;
	v21 =	vperm.xlane v17, v8;
	_ =	sdelay $0x1  }
0x49b: {  	v18 =	vadd.f32 v20, v18;
	v20 =	vmul.f32 v32, v21;
	v21 =	vperm.xlane v17, v9;
	_ =	sdelay $0x1  }
0x49c: {  	v18 =	vadd.f32 v20, v18;
	v20 =	vmul.f32 v23, v21;
	_ =	sdelay $0x1  }
0x49d: {  	v18 =	vadd.f32 v20, v18;
	_ =	sdelay $0x1  }
0x49e: {  	v20 =	vperm.xlane v17, v12;
	v18 =	vadd.f32 v27, v18;
	_ =	sdelay $0x1  }
0x49f: {  	v21 =	vperm.xlane v17, v13;
	v20 =	vmul.f32 v24, v20;
	v18 =	vadd.f32 v26, v18;
	_ =	sdelay $0x1  }
0x4a0: {  	v18 =	vadd.f32 v20, v18;
	v20 =	vmul.f32 v28, v21;
	v21 =	vperm.xlane v17, v14;
	_ =	sdelay $0x1  }
0x4a1: {  	v18 =	vadd.f32 v20, v18;
	v20 =	vmul.f32 v30, v21;
	v21 =	vperm.xlane v17, v15;
	_ =	sdelay $0x1  }
0x4a2: {  	v17 =	vperm.xlane v17, v16;
	v18 =	vadd.f32 v20, v18;
	v19 =	vmul.f32 v19, v21  }
.Ltmp5:
0x4a3: {  	(pc) =	sbr.rel @p0 .LBB2_12-.Ltmp5, $3  }
0x4a4: {  	v17 =	vmul.f32 v31, v17;
	v18 =	vadd.f32 v19, v18;
	_ =	sdelay $0x1  }
0x4a5: {  	s25 =	sshra.s32 s24, $0x2;
	v19 =	vadd.f32 v17, v18  }
0x4a6: {  	v18 =	vld [tilespmem:s25+$0xA00]  }
0x4a7: {  	v17 =	vld [tilespmem:s25+$0xA10];
	[tilespmem:s22+$0x9A00] =	vst v19;
	s21 =	sadd.s32 $0x1000, s21  }
0x4a8: {  	v19 =	vld [tilespmem:s21+$0xFFFFF800];
	_ =	sdelay $0x1  }
0x4a9: {  	v20 =	vld [tilespmem:s21+$0xFFFFF880]  }
0x4aa: {  	v21 =	vperm.xlane v18, v0  }
0x4ab: {  	v22 =	vld [tilespmem:s21+$0xFFFFF900]  }
0x4ac: {  	v23 =	vperm.xlane v18, v2;
	v19 =	vmul.f32 v19, v21  }
0x4ad: {  	v52 =	vld [tilespmem:s21+$0xFFFFF980]  }
0x4ae: {  	v24 =	vperm.xlane v18, v3;
	v20 =	vmul.f32 v20, v23;
	v19 =	vadd.f32 $0.0e+00, v19  }
0x4af: {  	v53 =	vld [tilespmem:s21+$0xFFFFFA00]  }
0x4b0: {  	v25 =	vperm.xlane v18, v4;
	v19 =	vadd.f32 v20, v19;
	v20 =	vmul.f32 v22, v24  }
0x4b1: {  	v54 =	vld [tilespmem:s21+$0xFFFFFA80]  }
0x4b2: {  	v55 =	vperm.xlane v18, v5;
	v19 =	vadd.f32 v20, v19;
	v20 =	vmul.f32 v52, v25  }
0x4b3: {  	v56 =	vld [tilespmem:s21+$0xFFFFFB00]  }
0x4b4: {  	v57 =	vperm.xlane v18, v6;
	v19 =	vadd.f32 v20, v19;
	v20 =	vmul.f32 v53, v55  }
0x4b5: {  	v58 =	vld [tilespmem:s21+$0xFFFFFB80]  }
0x4b6: {  	v59 =	vperm.xlane v18, v7;
	v19 =	vadd.f32 v20, v19;
	v20 =	vmul.f32 v54, v57  }
0x4b7: {  	v60 =	vld [tilespmem:s21+$0xFFFFFC00]  }
0x4b8: {  	v61 =	vperm.xlane v18, v8;
	v19 =	vadd.f32 v20, v19;
	v20 =	vmul.f32 v56, v59  }
0x4b9: {  	v62 =	vld [tilespmem:s21+$0xFFFFFC80]  }
0x4ba: {  	v63 =	vperm.xlane v18, v9;
	v19 =	vadd.f32 v20, v19;
	v20 =	vmul.f32 v58, v61  }
0x4bb: {  	v28 =	vld [tilespmem:s21+$0xFFFFFD00]  }
0x4bc: {  	v29 =	vperm.xlane v18, v10;
	v19 =	vadd.f32 v20, v19;
	v20 =	vmul.f32 v60, v63  }
0x4bd: {  	v30 =	vld [tilespmem:s21+$0xFFFFFD80]  }
0x4be: {  	v31 =	vperm.xlane v18, v11;
	v19 =	vadd.f32 v20, v19;
	v20 =	vmul.f32 v62, v29  }
0x4bf: {  	v32 =	vld [tilespmem:s21+$0xFFFFFE00]  }
0x4c0: {  	v33 =	vperm.xlane v18, v12;
	v19 =	vadd.f32 v20, v19;
	v20 =	vmul.f32 v28, v31  }
0x4c1: {  	v34 =	vld [tilespmem:s21+$0xFFFFFE80]  }
0x4c2: {  	v35 =	vperm.xlane v18, v13;
	v19 =	vadd.f32 v20, v19;
	v20 =	vmul.f32 v30, v33  }
0x4c3: {  	v36 =	vld [tilespmem:s21+$0xFFFFFF00]  }
0x4c4: {  	v37 =	vperm.xlane v18, v14;
	v19 =	vadd.f32 v20, v19;
	v20 =	vmul.f32 v32, v35  }
0x4c5: {  	v38 =	vld [tilespmem:s21+$0xFFFFFF80]  }
0x4c6: {  	v39 =	vperm.xlane v18, v15;
	v19 =	vadd.f32 v20, v19;
	v20 =	vmul.f32 v34, v37  }
0x4c7: {  	v40 =	vld [tilespmem:s21+$0x0]  }
0x4c8: {  	v18 =	vperm.xlane v18, v16;
	v19 =	vadd.f32 v20, v19;
	v20 =	vmul.f32 v36, v39  }
0x4c9: {  	v41 =	vld [tilespmem:s21+$0x80]  }
0x4ca: {  	v42 =	vperm.xlane v17, v0;
	v18 =	vmul.f32 v38, v18;
	v19 =	vadd.f32 v20, v19  }
0x4cb: {  	v20 =	vld [tilespmem:s21+$0x100]  }
0x4cc: {  	v43 =	vperm.xlane v17, v2;
	v18 =	vadd.f32 v18, v19;
	v19 =	vmul.f32 v40, v42  }
0x4cd: {  	v44 =	vld [tilespmem:s21+$0x180]  }
0x4ce: {  	v45 =	vperm.xlane v17, v3;
	v18 =	vadd.f32 v19, v18;
	v19 =	vmul.f32 v41, v43  }
0x4cf: {  	v46 =	vld [tilespmem:s21+$0x200]  }
0x4d0: {  	v47 =	vperm.xlane v17, v4;
	v18 =	vadd.f32 v19, v18;
	v19 =	vmul.f32 v20, v45  }
0x4d1: {  	v20 =	vld [tilespmem:s21+$0x280]  }
0x4d2: {  	v22 =	vmul.f32 v44, v47;
	v18 =	vadd.f32 v19, v18;
	v19 =	vperm.xlane v17, v5  }
0x4d3: {  	v48 =	vld [tilespmem:s21+$0x300]  }
0x4d4: {  	v49 =	vperm.xlane v17, v6;
	v18 =	vadd.f32 v22, v18;
	v19 =	vmul.f32 v46, v19  }
0x4d5: {  	v50 =	vld [tilespmem:s21+$0x380]  }
0x4d6: {  	v18 =	vadd.f32 v19, v18;
	v19 =	vmul.f32 v20, v49;
	v20 =	vperm.xlane v17, v7  }
0x4d7: {  	v51 =	vld [tilespmem:s21+$0x400]  }
0x4d8: {  	v18 =	vadd.f32 v19, v18;
	v19 =	vmul.f32 v48, v20;
	v20 =	vperm.xlane v17, v8  }
0x4d9: {  	v52 =	vld [tilespmem:s21+$0x480]  }
0x4da: {  	v18 =	vadd.f32 v19, v18;
	v19 =	vmul.f32 v50, v20;
	v20 =	vperm.xlane v17, v9  }
0x4db: {  	v53 =	vld [tilespmem:s21+$0x500]  }
0x4dc: {  	v54 =	vperm.xlane v17, v10;
	v18 =	vadd.f32 v19, v18;
	v19 =	vmul.f32 v51, v20  }
0x4dd: {  	v20 =	vld [tilespmem:s21+$0x580]  }
0x4de: {  	v55 =	vperm.xlane v17, v11;
	v23 =	vmul.f32 v52, v54;
	v18 =	vadd.f32 v19, v18  }
0x4df: {  	v19 =	vld [tilespmem:s21+$0x600]  }
0x4e0: {  	v56 =	vperm.xlane v17, v12;
	v21 =	vmul.f32 v53, v55;
	v18 =	vadd.f32 v23, v18  }
0x4e1: {  	v57 =	vld [tilespmem:s21+$0x680]  }
0x4e2: {  	v58 =	vperm.xlane v17, v13;
	v20 =	vmul.f32 v20, v56;
	v18 =	vadd.f32 v21, v18  }
0x4e3: {  	v59 =	vld [tilespmem:s21+$0x700]  }
0x4e4: {  	v19 =	vmul.f32 v19, v58;
	v18 =	vadd.f32 v20, v18;
	v20 =	vperm.xlane v17, v14  }
0x4e5: {  	v60 =	vld [tilespmem:s21+$0x780]  }
0x4e6: {  	v18 =	vadd.f32 v19, v18;
	v19 =	vmul.f32 v57, v20;
	v20 =	vperm.xlane v17, v15  }
0x4e7: {  	[tilespmem:s25+$0x9A10] =	vst v1  }
0x4e8: {  	[tilespmem:s25+$0x9A40] =	vst v1;
	v17 =	vperm.xlane v17, v16;
	v18 =	vadd.f32 v19, v18;
	v19 =	vmul.f32 v59, v20  }
0x4e9: {  	[tilespmem:s25+$0x9A50] =	vst v1  }
0x4ea: {  	[tilespmem:s25+$0x9A70] =	vst v1;
	v17 =	vmul.f32 v60, v17;
	v18 =	vadd.f32 v19, v18  }
0x4eb: {  	[tilespmem:s25+$0x9A20] =	vst v1  }
0x4ec: {  	[tilespmem:s25+$0x9A60] =	vst v1;
	v17 =	vadd.f32 v17, v18  }
0x4ed: {  	[tilespmem:s25+$0x9A30] =	vst v1  }
0x4ee: {  	s31 =	simm.s32 $0x0;
	[tilespmem:s25+$0x9A00] =	vst v17  }
0x4ef: {  	[tilespmem:s16], [sflag:$0x2] =	stream.linear.gather [hbm4b:s11+s31], $0x4000, $0x38;
	[tilespmem:$0xA000] =	vst v63  }
0x4f0: {  	_ =	swait.ge [sflag:s17], $0x4000  }
0x4f1: {  	[sflag:s17] =	ssyncset.done $0x0  }
0x4f2: {  	s22 =	simm.s32 $0x0;
	[sflag:s17] =	ssyncadd.s32 $0xFFFFC000  }
0x4f3: {  	v17 =	vld [tilespmem:s22+$0xC00]  }
0x4f4: {  	s21 =	simm.s32 $0x1800  }
0x4f5: {  	v18 =	vld [tilespmem:s21+$0xFFFFF800];
	_ =	sdelay $0x1  }
0x4f6: {  	v19 =	vld [tilespmem:s21+$0xFFFFF880]  }
0x4f7: {  	v20 =	vperm.xlane v17, v0  }
0x4f8: {  	v61 =	vld [tilespmem:s21+$0xFFFFF900]  }
0x4f9: {  	v62 =	vperm.xlane v17, v2;
	v18 =	vmul.f32 v18, v20  }
0x4fa: {  	v20 =	vld [tilespmem:s21+$0xFFFFF980]  }
0x4fb: {  	v63 =	vperm.xlane v17, v3;
	v19 =	vmul.f32 v19, v62;
	v18 =	vadd.f32 $0.0e+00, v18  }
0x4fc: {  	v28 =	vld [tilespmem:s21+$0xFFFFFA00]  }
0x4fd: {  	v29 =	vperm.xlane v17, v4;
	v18 =	vadd.f32 v19, v18;
	v19 =	vmul.f32 v61, v63  }
0x4fe: {  	v30 =	vld [tilespmem:s21+$0xFFFFFA80]  }
0x4ff: {  	v31 =	vperm.xlane v17, v5;
	v18 =	vadd.f32 v19, v18;
	v19 =	vmul.f32 v20, v29  }
0x500: {  	v20 =	vld [tilespmem:s21+$0xFFFFFB00]  }
0x501: {  	v32 =	vperm.xlane v17, v6;
	v18 =	vadd.f32 v19, v18;
	v19 =	vmul.f32 v28, v31  }
0x502: {  	v33 =	vld [tilespmem:s21+$0xFFFFFB80]  }
0x503: {  	v34 =	vperm.xlane v17, v7;
	v18 =	vadd.f32 v19, v18;
	v19 =	vmul.f32 v30, v32  }
0x504: {  	v35 =	vld [tilespmem:s21+$0xFFFFFC00]  }
0x505: {  	v36 =	vperm.xlane v17, v8;
	v18 =	vadd.f32 v19, v18;
	v19 =	vmul.f32 v20, v34  }
0x506: {  	v20 =	vld [tilespmem:s21+$0xFFFFFC80]  }
0x507: {  	v37 =	vperm.xlane v17, v9;
	v18 =	vadd.f32 v19, v18;
	v19 =	vmul.f32 v33, v36  }
0x508: {  	v38 =	vld [tilespmem:s21+$0xFFFFFD00]  }
0x509: {  	v39 =	vperm.xlane v17, v10;
	v18 =	vadd.f32 v19, v18;
	v19 =	vmul.f32 v35, v37  }
0x50a: {  	v40 =	vld [tilespmem:s21+$0xFFFFFD80]  }
0x50b: {  	v41 =	vperm.xlane v17, v11;
	v18 =	vadd.f32 v19, v18;
	v19 =	vmul.f32 v20, v39  }
0x50c: {  	v20 =	vld [tilespmem:s21+$0xFFFFFE00]  }
0x50d: {  	v42 =	vperm.xlane v17, v12;
	v18 =	vadd.f32 v19, v18;
	v19 =	vmul.f32 v38, v41  }
0x50e: {  	v43 =	vld [tilespmem:s21+$0xFFFFFE80]  }
0x50f: {  	v44 =	vperm.xlane v17, v13;
	v18 =	vadd.f32 v19, v18;
	v19 =	vmul.f32 v40, v42  }
0x510: {  	v45 =	vld [tilespmem:s21+$0xFFFFFF00]  }
0x511: {  	v46 =	vld [tilespmem:s22+$0xC10];
	v47 =	vperm.xlane v17, v14;
	v18 =	vadd.f32 v19, v18;
	v19 =	vmul.f32 v20, v44  }
0x512: {  	v20 =	vld [tilespmem:s21+$0xFFFFFF80]  }
0x513: {  	v48 =	vperm.xlane v17, v15;
	v18 =	vadd.f32 v19, v18;
	v19 =	vmul.f32 v43, v47  }
0x514: {  	v49 =	vld [tilespmem:s21+$0x0]  }
0x515: {  	v17 =	vperm.xlane v17, v16;
	v18 =	vadd.f32 v19, v18;
	v19 =	vmul.f32 v45, v48  }
0x516: {  	v50 =	vld [tilespmem:s21+$0x80]  }
0x517: {  	v51 =	vperm.xlane v46, v0;
	v17 =	vmul.f32 v20, v17;
	v18 =	vadd.f32 v19, v18  }
0x518: {  	v19 =	vld [tilespmem:s21+$0x100]  }
0x519: {  	v20 =	vperm.xlane v46, v2;
	v17 =	vadd.f32 v17, v18;
	v18 =	vmul.f32 v49, v51  }
0x51a: {  	v52 =	vld [tilespmem:s21+$0x180]  }
0x51b: {  	v53 =	vperm.xlane v46, v3;
	v17 =	vadd.f32 v18, v17;
	v18 =	vmul.f32 v50, v20  }
0x51c: {  	v20 =	vld [tilespmem:s21+$0x200]  }
0x51d: {  	v54 =	vperm.xlane v46, v4;
	v17 =	vadd.f32 v18, v17;
	v18 =	vmul.f32 v19, v53  }
0x51e: {  	v19 =	vld [tilespmem:s21+$0x280]  }
0x51f: {  	v21 =	vmul.f32 v52, v54;
	v17 =	vadd.f32 v18, v17;
	v18 =	vperm.xlane v46, v5  }
0x520: {  	v55 =	vld [tilespmem:s21+$0x300]  }
0x521: {  	v17 =	vadd.f32 v21, v17;
	v18 =	vmul.f32 v20, v18;
	v20 =	vperm.xlane v46, v6  }
0x522: {  	v56 =	vld [tilespmem:s21+$0x380]  }
0x523: {  	v17 =	vadd.f32 v18, v17;
	v18 =	vmul.f32 v19, v20;
	v19 =	vperm.xlane v46, v7  }
0x524: {  	v20 =	vld [tilespmem:s21+$0x400]  }
0x525: {  	v17 =	vadd.f32 v18, v17;
	v18 =	vmul.f32 v55, v19;
	v19 =	vperm.xlane v46, v8  }
0x526: {  	v57 =	vld [tilespmem:s21+$0x480]  }
0x527: {  	v17 =	vadd.f32 v18, v17;
	v18 =	vmul.f32 v56, v19;
	v19 =	vperm.xlane v46, v9  }
0x528: {  	v58 =	vld [tilespmem:s21+$0x500]  }
0x529: {  	v59 =	vperm.xlane v46, v10;
	v17 =	vadd.f32 v18, v17;
	v18 =	vmul.f32 v20, v19  }
0x52a: {  	v19 =	vld [tilespmem:s21+$0x580]  }
0x52b: {  	v22 =	vmul.f32 v57, v59;
	v20 =	vperm.xlane v46, v11;
	v17 =	vadd.f32 v18, v17  }
0x52c: {  	v18 =	vld [tilespmem:s21+$0x600]  }
0x52d: {  	v60 =	vperm.xlane v46, v12;
	v20 =	vmul.f32 v58, v20;
	v17 =	vadd.f32 v22, v17  }
0x52e: {  	v61 =	vld [tilespmem:s21+$0x680]  }
0x52f: {  	v19 =	vmul.f32 v19, v60;
	v17 =	vadd.f32 v20, v17;
	v20 =	vperm.xlane v46, v13  }
0x530: {  	v62 =	vld [tilespmem:s21+$0x700]  }
0x531: {  	v17 =	vadd.f32 v19, v17;
	v18 =	vmul.f32 v18, v20;
	v19 =	vperm.xlane v46, v14  }
0x532: {  	v63 =	vld [tilespmem:s21+$0x780];
	[tilespmem:s22+$0x9C10] =	vst v1  }
0x533: {  	[tilespmem:s22+$0x9C40] =	vst v1;
	v17 =	vadd.f32 v18, v17;
	v18 =	vmul.f32 v61, v19;
	v19 =	vperm.xlane v46, v15  }
0x534: {  	[tilespmem:s22+$0x9C50] =	vst v1  }
0x535: {  	[tilespmem:s22+$0x9C70] =	vst v1;
	v17 =	vadd.f32 v18, v17;
	v18 =	vmul.f32 v62, v19;
	v19 =	vperm.xlane v46, v16  }
0x536: {  	[tilespmem:s22+$0x9C20] =	vst v1  }
0x537: {  	[tilespmem:s22+$0x9C60] =	vst v1;
	v17 =	vadd.f32 v18, v17;
	v18 =	vmul.f32 v63, v19  }
0x538: {  	s25 =	simm.s32 $0x80;
	[tilespmem:s22+$0x9C30] =	vst v1  }
0x539: {  	s23 =	simm.s32 $0x400;
	v19 =	vadd.f32 v18, v17;
	v18 =	vld [tilespmem:s25+$0xC00]  }
.LBB2_14:
0x53a: {  	p0 =	sne.s32 s23, $0x600;
	s21 =	sadd.s32 $0x1000, s21  }
0x53b: {  	v17 =	vld [tilespmem:s25+$0xC10];
	[tilespmem:s22+$0x9C00] =	vst v19;
	s24 =	smov.u32 s23;
	s23 =	sadd.s32 $0x200, s23;
	s22 =	smov.u32 s25  }
0x53c: {  	v19 =	vld [tilespmem:s21+$0xFFFFF800];
	_ =	sdelay $0x1  }
0x53d: {  	v20 =	vld [tilespmem:s21+$0xFFFFF880]  }
0x53e: {  	v21 =	vperm.xlane v18, v0;
	v22 =	vperm.xlane v18, v2  }
0x53f: {  	v23 =	vperm.xlane v18, v3;
	v25 =	vperm.xlane v18, v4;
	v24 =	vld [tilespmem:s21+$0xFFFFF900]  }
0x540: {  	v19 =	vmul.f32 v19, v21;
	v21 =	vperm.xlane v18, v5  }
0x541: {  	v27 =	vperm.xlane v18, v6;
	v28 =	vperm.xlane v18, v7;
	v26 =	vld [tilespmem:s21+$0xFFFFF980]  }
0x542: {  	v19 =	vadd.f32 $0.0e+00, v19;
	v20 =	vmul.f32 v20, v22;
	v22 =	vperm.xlane v18, v8  }
0x543: {  	v30 =	vperm.xlane v18, v9;
	v31 =	vperm.xlane v18, v10;
	v29 =	vld [tilespmem:s21+$0xFFFFFA00]  }
0x544: {  	v19 =	vadd.f32 v20, v19;
	v20 =	vmul.f32 v24, v23;
	v23 =	vperm.xlane v18, v11  }
0x545: {  	v32 =	vperm.xlane v18, v12;
	v33 =	vperm.xlane v18, v13;
	v24 =	vld [tilespmem:s21+$0xFFFFFA80]  }
0x546: {  	v19 =	vadd.f32 v20, v19;
	v20 =	vmul.f32 v26, v25;
	v25 =	vperm.xlane v18, v14;
	v26 =	vld [tilespmem:s21+$0x500]  }
0x547: {  	v35 =	vperm.xlane v18, v15;
	v36 =	vperm.xlane v17, v0;
	v34 =	vld [tilespmem:s21+$0xFFFFFB00]  }
0x548: {  	v19 =	vadd.f32 v20, v19;
	v20 =	vmul.f32 v29, v21;
	v21 =	vperm.xlane v17, v2;
	v29 =	vld [tilespmem:s21+$0x480]  }
0x549: {  	v38 =	vperm.xlane v17, v3;
	v39 =	vperm.xlane v17, v4;
	v37 =	vld [tilespmem:s21+$0xFFFFFB80]  }
0x54a: {  	v20 =	vadd.f32 v20, v19;
	v24 =	vmul.f32 v24, v27;
	v27 =	vperm.xlane v17, v10;
	v19 =	vld [tilespmem:s21+$0x700]  }
0x54b: {  	v41 =	vperm.xlane v17, v11;
	v40 =	vld [tilespmem:s21+$0xFFFFFC00]  }
0x54c: {  	v20 =	vadd.f32 v24, v20;
	v24 =	vmul.f32 v34, v28;
	v28 =	vld [tilespmem:s21+$0x600]  }
0x54d: {  	v26 =	vmul.f32 v26, v41;
	v34 =	vld [tilespmem:s21+$0xFFFFFC80];
	v27 =	vmul.f32 v29, v27  }
0x54e: {  	v20 =	vadd.f32 v24, v20;
	v22 =	vmul.f32 v37, v22;
	v24 =	vld [tilespmem:s21+$0x580]  }
0x54f: {  	v29 =	vld [tilespmem:s21+$0xFFFFFD00]  }
0x550: {  	v20 =	vadd.f32 v22, v20;
	v22 =	vmul.f32 v40, v30;
	v30 =	vld [tilespmem:s21+$0x680]  }
0x551: {  	v37 =	vld [tilespmem:s21+$0xFFFFFD80]  }
0x552: {  	v20 =	vadd.f32 v22, v20;
	v22 =	vmul.f32 v34, v31;
	v31 =	vld [tilespmem:s21+$0x780]  }
0x553: {  	v34 =	vld [tilespmem:s21+$0xFFFFFE00]  }
0x554: {  	v20 =	vadd.f32 v22, v20;
	v22 =	vmul.f32 v29, v23;
	v23 =	vld [tilespmem:s21+$0x400]  }
0x555: {  	v29 =	vld [tilespmem:s21+$0xFFFFFE80]  }
0x556: {  	v20 =	vadd.f32 v22, v20;
	v22 =	vmul.f32 v37, v32;
	v32 =	vld [tilespmem:s21+$0x380]  }
0x557: {  	v37 =	vld [tilespmem:s21+$0xFFFFFF00]  }
0x558: {  	v20 =	vadd.f32 v22, v20;
	v22 =	vmul.f32 v34, v33;
	v33 =	vld [tilespmem:s21+$0x200]  }
0x559: {  	v34 =	vld [tilespmem:s21+$0xFFFFFF80]  }
0x55a: {  	v20 =	vadd.f32 v22, v20;
	v22 =	vmul.f32 v29, v25;
	v25 =	vld [tilespmem:s21+$0x300]  }
0x55b: {  	v29 =	vld [tilespmem:s21+$0x0]  }
0x55c: {  	v18 =	vperm.xlane v18, v16;
	v20 =	vadd.f32 v22, v20;
	v22 =	vmul.f32 v37, v35;
	v35 =	vld [tilespmem:s21+$0x280]  }
0x55d: {  	v37 =	vld [tilespmem:s21+$0x80]  }
0x55e: {  	v20 =	vadd.f32 v22, v20;
	v18 =	vmul.f32 v34, v18;
	v22 =	vld [tilespmem:s21+$0x180]  }
0x55f: {  	v34 =	vld [tilespmem:s21+$0x100]  }
0x560: {  	v18 =	vadd.f32 v18, v20;
	v20 =	vmul.f32 v29, v36;
	[tilespmem:s22+$0x9C10] =	vst v1  }
0x561: {  	[tilespmem:s22+$0x9C40] =	vst v1  }
0x562: {  	v18 =	vadd.f32 v20, v18;
	v20 =	vmul.f32 v37, v21;
	[tilespmem:s22+$0x9C50] =	vst v1  }
0x563: {  	v21 =	vmul.f32 v22, v39;
	[tilespmem:s22+$0x9C70] =	vst v1  }
0x564: {  	v18 =	vadd.f32 v20, v18;
	v20 =	vmul.f32 v34, v38;
	[tilespmem:s22+$0x9C20] =	vst v1  }
0x565: {  	[tilespmem:s22+$0x9C60] =	vst v1  }
0x566: {  	v18 =	vadd.f32 v20, v18;
	v20 =	vperm.xlane v17, v5;
	[tilespmem:s22+$0x9C30] =	vst v1;
	_ =	sdelay $0x1  }
0x567: {  	v18 =	vadd.f32 v21, v18;
	v20 =	vmul.f32 v33, v20;
	v21 =	vperm.xlane v17, v6;
	_ =	sdelay $0x1  }
0x568: {  	v18 =	vadd.f32 v20, v18;
	v20 =	vmul.f32 v35, v21;
	v21 =	vperm.xlane v17, v7;
	_ =	sdelay $0x1  }
0x569: {  	v18 =	vadd.f32 v20, v18;
	v20 =	vmul.f32 v25, v21;
	v21 =	vperm.xlane v17, v8;
	_ =	sdelay $0x1  }
0x56a: {  	v18 =	vadd.f32 v20, v18;
	v20 =	vmul.f32 v32, v21;
	v21 =	vperm.xlane v17, v9;
	_ =	sdelay $0x1  }
0x56b: {  	v18 =	vadd.f32 v20, v18;
	v20 =	vmul.f32 v23, v21;
	_ =	sdelay $0x1  }
0x56c: {  	v18 =	vadd.f32 v20, v18;
	_ =	sdelay $0x1  }
0x56d: {  	v20 =	vperm.xlane v17, v12;
	v18 =	vadd.f32 v27, v18;
	_ =	sdelay $0x1  }
0x56e: {  	v21 =	vperm.xlane v17, v13;
	v20 =	vmul.f32 v24, v20;
	v18 =	vadd.f32 v26, v18;
	_ =	sdelay $0x1  }
0x56f: {  	v18 =	vadd.f32 v20, v18;
	v20 =	vmul.f32 v28, v21;
	v21 =	vperm.xlane v17, v14;
	_ =	sdelay $0x1  }
0x570: {  	v18 =	vadd.f32 v20, v18;
	v20 =	vmul.f32 v30, v21;
	v21 =	vperm.xlane v17, v15;
	_ =	sdelay $0x1  }
0x571: {  	v17 =	vperm.xlane v17, v16;
	v18 =	vadd.f32 v20, v18;
	v19 =	vmul.f32 v19, v21  }
.Ltmp6:
0x572: {  	(pc) =	sbr.rel @p0 .LBB2_14-.Ltmp6, $3  }
0x573: {  	v17 =	vmul.f32 v31, v17;
	v18 =	vadd.f32 v19, v18;
	_ =	sdelay $0x1  }
0x574: {  	s25 =	sshra.s32 s24, $0x2;
	v19 =	vadd.f32 v17, v18  }
0x575: {  	v18 =	vld [tilespmem:s25+$0xC00]  }
0x576: {  	v17 =	vld [tilespmem:s25+$0xC10];
	[tilespmem:s22+$0x9C00] =	vst v19;
	s21 =	sadd.s32 $0x1000, s21  }
0x577: {  	v19 =	vld [tilespmem:s21+$0xFFFFF800];
	_ =	sdelay $0x1  }
0x578: {  	v20 =	vld [tilespmem:s21+$0xFFFFF880]  }
0x579: {  	v21 =	vperm.xlane v18, v0  }
0x57a: {  	v22 =	vld [tilespmem:s21+$0xFFFFF900]  }
0x57b: {  	v23 =	vperm.xlane v18, v2;
	v19 =	vmul.f32 v19, v21  }
0x57c: {  	v52 =	vld [tilespmem:s21+$0xFFFFF980]  }
0x57d: {  	v24 =	vperm.xlane v18, v3;
	v20 =	vmul.f32 v20, v23;
	v19 =	vadd.f32 $0.0e+00, v19  }
0x57e: {  	v53 =	vld [tilespmem:s21+$0xFFFFFA00]  }
0x57f: {  	v25 =	vperm.xlane v18, v4;
	v19 =	vadd.f32 v20, v19;
	v20 =	vmul.f32 v22, v24  }
0x580: {  	v54 =	vld [tilespmem:s21+$0xFFFFFA80]  }
0x581: {  	v55 =	vperm.xlane v18, v5;
	v19 =	vadd.f32 v20, v19;
	v20 =	vmul.f32 v52, v25  }
0x582: {  	v56 =	vld [tilespmem:s21+$0xFFFFFB00]  }
0x583: {  	v57 =	vperm.xlane v18, v6;
	v19 =	vadd.f32 v20, v19;
	v20 =	vmul.f32 v53, v55  }
0x584: {  	v58 =	vld [tilespmem:s21+$0xFFFFFB80]  }
0x585: {  	v59 =	vperm.xlane v18, v7;
	v19 =	vadd.f32 v20, v19;
	v20 =	vmul.f32 v54, v57  }
0x586: {  	v60 =	vld [tilespmem:s21+$0xFFFFFC00]  }
0x587: {  	v61 =	vperm.xlane v18, v8;
	v19 =	vadd.f32 v20, v19;
	v20 =	vmul.f32 v56, v59  }
0x588: {  	v62 =	vld [tilespmem:s21+$0xFFFFFC80]  }
0x589: {  	v63 =	vperm.xlane v18, v9;
	v19 =	vadd.f32 v20, v19;
	v20 =	vmul.f32 v58, v61  }
0x58a: {  	v28 =	vld [tilespmem:s21+$0xFFFFFD00]  }
0x58b: {  	v29 =	vperm.xlane v18, v10;
	v19 =	vadd.f32 v20, v19;
	v20 =	vmul.f32 v60, v63  }
0x58c: {  	v30 =	vld [tilespmem:s21+$0xFFFFFD80]  }
0x58d: {  	v31 =	vperm.xlane v18, v11;
	v19 =	vadd.f32 v20, v19;
	v20 =	vmul.f32 v62, v29  }
0x58e: {  	v32 =	vld [tilespmem:s21+$0xFFFFFE00]  }
0x58f: {  	v33 =	vperm.xlane v18, v12;
	v19 =	vadd.f32 v20, v19;
	v20 =	vmul.f32 v28, v31  }
0x590: {  	v34 =	vld [tilespmem:s21+$0xFFFFFE80]  }
0x591: {  	v35 =	vperm.xlane v18, v13;
	v19 =	vadd.f32 v20, v19;
	v20 =	vmul.f32 v30, v33  }
0x592: {  	v36 =	vld [tilespmem:s21+$0xFFFFFF00]  }
0x593: {  	v37 =	vperm.xlane v18, v14;
	v19 =	vadd.f32 v20, v19;
	v20 =	vmul.f32 v32, v35  }
0x594: {  	v38 =	vld [tilespmem:s21+$0xFFFFFF80]  }
0x595: {  	v39 =	vperm.xlane v18, v15;
	v19 =	vadd.f32 v20, v19;
	v20 =	vmul.f32 v34, v37  }
0x596: {  	v40 =	vld [tilespmem:s21+$0x0]  }
0x597: {  	v18 =	vperm.xlane v18, v16;
	v19 =	vadd.f32 v20, v19;
	v20 =	vmul.f32 v36, v39  }
0x598: {  	v41 =	vld [tilespmem:s21+$0x80]  }
0x599: {  	v42 =	vperm.xlane v17, v0;
	v18 =	vmul.f32 v38, v18;
	v19 =	vadd.f32 v20, v19  }
0x59a: {  	v20 =	vld [tilespmem:s21+$0x100]  }
0x59b: {  	v43 =	vperm.xlane v17, v2;
	v18 =	vadd.f32 v18, v19;
	v19 =	vmul.f32 v40, v42  }
0x59c: {  	v44 =	vld [tilespmem:s21+$0x180]  }
0x59d: {  	v45 =	vperm.xlane v17, v3;
	v18 =	vadd.f32 v19, v18;
	v19 =	vmul.f32 v41, v43  }
0x59e: {  	v46 =	vld [tilespmem:s21+$0x200]  }
0x59f: {  	v47 =	vperm.xlane v17, v4;
	v18 =	vadd.f32 v19, v18;
	v19 =	vmul.f32 v20, v45  }
0x5a0: {  	v20 =	vld [tilespmem:s21+$0x280]  }
0x5a1: {  	v22 =	vmul.f32 v44, v47;
	v18 =	vadd.f32 v19, v18;
	v19 =	vperm.xlane v17, v5  }
0x5a2: {  	v48 =	vld [tilespmem:s21+$0x300]  }
0x5a3: {  	v49 =	vperm.xlane v17, v6;
	v18 =	vadd.f32 v22, v18;
	v19 =	vmul.f32 v46, v19  }
0x5a4: {  	v50 =	vld [tilespmem:s21+$0x380]  }
0x5a5: {  	v18 =	vadd.f32 v19, v18;
	v19 =	vmul.f32 v20, v49;
	v20 =	vperm.xlane v17, v7  }
0x5a6: {  	v51 =	vld [tilespmem:s21+$0x400]  }
0x5a7: {  	v18 =	vadd.f32 v19, v18;
	v19 =	vmul.f32 v48, v20;
	v20 =	vperm.xlane v17, v8  }
0x5a8: {  	v52 =	vld [tilespmem:s21+$0x480]  }
0x5a9: {  	v18 =	vadd.f32 v19, v18;
	v19 =	vmul.f32 v50, v20;
	v20 =	vperm.xlane v17, v9  }
0x5aa: {  	v53 =	vld [tilespmem:s21+$0x500]  }
0x5ab: {  	v54 =	vperm.xlane v17, v10;
	v18 =	vadd.f32 v19, v18;
	v19 =	vmul.f32 v51, v20  }
0x5ac: {  	v20 =	vld [tilespmem:s21+$0x580]  }
0x5ad: {  	v55 =	vperm.xlane v17, v11;
	v23 =	vmul.f32 v52, v54;
	v18 =	vadd.f32 v19, v18  }
0x5ae: {  	v19 =	vld [tilespmem:s21+$0x600]  }
0x5af: {  	v56 =	vperm.xlane v17, v12;
	v21 =	vmul.f32 v53, v55;
	v18 =	vadd.f32 v23, v18  }
0x5b0: {  	v57 =	vld [tilespmem:s21+$0x680]  }
0x5b1: {  	v58 =	vperm.xlane v17, v13;
	v20 =	vmul.f32 v20, v56;
	v18 =	vadd.f32 v21, v18  }
0x5b2: {  	v59 =	vld [tilespmem:s21+$0x700]  }
0x5b3: {  	v19 =	vmul.f32 v19, v58;
	v18 =	vadd.f32 v20, v18;
	v20 =	vperm.xlane v17, v14  }
0x5b4: {  	v60 =	vld [tilespmem:s21+$0x780]  }
0x5b5: {  	v18 =	vadd.f32 v19, v18;
	v19 =	vmul.f32 v57, v20;
	v20 =	vperm.xlane v17, v15  }
0x5b6: {  	[tilespmem:s25+$0x9C10] =	vst v1  }
0x5b7: {  	[tilespmem:s25+$0x9C40] =	vst v1;
	v17 =	vperm.xlane v17, v16;
	v18 =	vadd.f32 v19, v18;
	v19 =	vmul.f32 v59, v20  }
0x5b8: {  	[tilespmem:s25+$0x9C50] =	vst v1  }
0x5b9: {  	[tilespmem:s25+$0x9C70] =	vst v1;
	v17 =	vmul.f32 v60, v17;
	v18 =	vadd.f32 v19, v18  }
0x5ba: {  	[tilespmem:s25+$0x9C20] =	vst v1  }
0x5bb: {  	[tilespmem:s25+$0x9C60] =	vst v1;
	v17 =	vadd.f32 v17, v18  }
0x5bc: {  	[tilespmem:s25+$0x9C30] =	vst v1  }
0x5bd: {  	[tilespmem:s25+$0x9C00] =	vst v17  }
0x5be: {  	_ =	swait.ge [sflag:s18], $0x4000  }
0x5bf: {  	[sflag:s18] =	ssyncset.done $0x0  }
0x5c0: {  	s22 =	simm.s32 $0x0;
	[sflag:s18] =	ssyncadd.s32 $0xFFFFC000  }
0x5c1: {  	v17 =	vld [tilespmem:s22+$0xE00]  }
0x5c2: {  	s21 =	simm.s32 $0x5800  }
0x5c3: {  	v18 =	vld [tilespmem:s21+$0xFFFFF800];
	_ =	sdelay $0x1  }
0x5c4: {  	v19 =	vld [tilespmem:s21+$0xFFFFF880]  }
0x5c5: {  	v20 =	vperm.xlane v17, v0  }
0x5c6: {  	v61 =	vld [tilespmem:s21+$0xFFFFF900]  }
0x5c7: {  	v62 =	vperm.xlane v17, v2;
	v18 =	vmul.f32 v18, v20  }
0x5c8: {  	v20 =	vld [tilespmem:s21+$0xFFFFF980]  }
0x5c9: {  	v63 =	vperm.xlane v17, v3;
	v19 =	vmul.f32 v19, v62;
	v18 =	vadd.f32 $0.0e+00, v18  }
0x5ca: {  	v28 =	vld [tilespmem:s21+$0xFFFFFA00]  }
0x5cb: {  	v29 =	vperm.xlane v17, v4;
	v18 =	vadd.f32 v19, v18;
	v19 =	vmul.f32 v61, v63  }
0x5cc: {  	v30 =	vld [tilespmem:s21+$0xFFFFFA80]  }
0x5cd: {  	v31 =	vperm.xlane v17, v5;
	v18 =	vadd.f32 v19, v18;
	v19 =	vmul.f32 v20, v29  }
0x5ce: {  	v20 =	vld [tilespmem:s21+$0xFFFFFB00]  }
0x5cf: {  	v32 =	vperm.xlane v17, v6;
	v18 =	vadd.f32 v19, v18;
	v19 =	vmul.f32 v28, v31  }
0x5d0: {  	v33 =	vld [tilespmem:s21+$0xFFFFFB80]  }
0x5d1: {  	v34 =	vperm.xlane v17, v7;
	v18 =	vadd.f32 v19, v18;
	v19 =	vmul.f32 v30, v32  }
0x5d2: {  	v35 =	vld [tilespmem:s21+$0xFFFFFC00]  }
0x5d3: {  	v36 =	vperm.xlane v17, v8;
	v18 =	vadd.f32 v19, v18;
	v19 =	vmul.f32 v20, v34  }
0x5d4: {  	v20 =	vld [tilespmem:s21+$0xFFFFFC80]  }
0x5d5: {  	v37 =	vperm.xlane v17, v9;
	v18 =	vadd.f32 v19, v18;
	v19 =	vmul.f32 v33, v36  }
0x5d6: {  	v38 =	vld [tilespmem:s21+$0xFFFFFD00]  }
0x5d7: {  	v39 =	vperm.xlane v17, v10;
	v18 =	vadd.f32 v19, v18;
	v19 =	vmul.f32 v35, v37  }
0x5d8: {  	v40 =	vld [tilespmem:s21+$0xFFFFFD80]  }
0x5d9: {  	v41 =	vperm.xlane v17, v11;
	v18 =	vadd.f32 v19, v18;
	v19 =	vmul.f32 v20, v39  }
0x5da: {  	v20 =	vld [tilespmem:s21+$0xFFFFFE00]  }
0x5db: {  	v42 =	vperm.xlane v17, v12;
	v18 =	vadd.f32 v19, v18;
	v19 =	vmul.f32 v38, v41  }
0x5dc: {  	v43 =	vld [tilespmem:s21+$0xFFFFFE80]  }
0x5dd: {  	v44 =	vperm.xlane v17, v13;
	v18 =	vadd.f32 v19, v18;
	v19 =	vmul.f32 v40, v42  }
0x5de: {  	v45 =	vld [tilespmem:s21+$0xFFFFFF00]  }
0x5df: {  	v46 =	vld [tilespmem:s22+$0xE10];
	v47 =	vperm.xlane v17, v14;
	v18 =	vadd.f32 v19, v18;
	v19 =	vmul.f32 v20, v44  }
0x5e0: {  	v20 =	vld [tilespmem:s21+$0xFFFFFF80]  }
0x5e1: {  	v48 =	vperm.xlane v17, v15;
	v18 =	vadd.f32 v19, v18;
	v19 =	vmul.f32 v43, v47  }
0x5e2: {  	v49 =	vld [tilespmem:s21+$0x0]  }
0x5e3: {  	v17 =	vperm.xlane v17, v16;
	v18 =	vadd.f32 v19, v18;
	v19 =	vmul.f32 v45, v48  }
0x5e4: {  	v50 =	vld [tilespmem:s21+$0x80]  }
0x5e5: {  	v51 =	vperm.xlane v46, v0;
	v17 =	vmul.f32 v20, v17;
	v18 =	vadd.f32 v19, v18  }
0x5e6: {  	v19 =	vld [tilespmem:s21+$0x100]  }
0x5e7: {  	v20 =	vperm.xlane v46, v2;
	v17 =	vadd.f32 v17, v18;
	v18 =	vmul.f32 v49, v51  }
0x5e8: {  	v52 =	vld [tilespmem:s21+$0x180]  }
0x5e9: {  	v53 =	vperm.xlane v46, v3;
	v17 =	vadd.f32 v18, v17;
	v18 =	vmul.f32 v50, v20  }
0x5ea: {  	v20 =	vld [tilespmem:s21+$0x200]  }
0x5eb: {  	v54 =	vperm.xlane v46, v4;
	v17 =	vadd.f32 v18, v17;
	v18 =	vmul.f32 v19, v53  }
0x5ec: {  	v19 =	vld [tilespmem:s21+$0x280]  }
0x5ed: {  	v21 =	vmul.f32 v52, v54;
	v17 =	vadd.f32 v18, v17;
	v18 =	vperm.xlane v46, v5  }
0x5ee: {  	v55 =	vld [tilespmem:s21+$0x300]  }
0x5ef: {  	v17 =	vadd.f32 v21, v17;
	v18 =	vmul.f32 v20, v18;
	v20 =	vperm.xlane v46, v6  }
0x5f0: {  	v56 =	vld [tilespmem:s21+$0x380]  }
0x5f1: {  	v17 =	vadd.f32 v18, v17;
	v18 =	vmul.f32 v19, v20;
	v19 =	vperm.xlane v46, v7  }
0x5f2: {  	v20 =	vld [tilespmem:s21+$0x400]  }
0x5f3: {  	v17 =	vadd.f32 v18, v17;
	v18 =	vmul.f32 v55, v19;
	v19 =	vperm.xlane v46, v8  }
0x5f4: {  	v57 =	vld [tilespmem:s21+$0x480]  }
0x5f5: {  	v17 =	vadd.f32 v18, v17;
	v18 =	vmul.f32 v56, v19;
	v19 =	vperm.xlane v46, v9  }
0x5f6: {  	v58 =	vld [tilespmem:s21+$0x500]  }
0x5f7: {  	v59 =	vperm.xlane v46, v10;
	v17 =	vadd.f32 v18, v17;
	v18 =	vmul.f32 v20, v19  }
0x5f8: {  	v19 =	vld [tilespmem:s21+$0x580]  }
0x5f9: {  	v22 =	vmul.f32 v57, v59;
	v20 =	vperm.xlane v46, v11;
	v17 =	vadd.f32 v18, v17  }
0x5fa: {  	v18 =	vld [tilespmem:s21+$0x600]  }
0x5fb: {  	v60 =	vperm.xlane v46, v12;
	v20 =	vmul.f32 v58, v20;
	v17 =	vadd.f32 v22, v17  }
0x5fc: {  	v61 =	vld [tilespmem:s21+$0x680]  }
0x5fd: {  	v19 =	vmul.f32 v19, v60;
	v17 =	vadd.f32 v20, v17;
	v20 =	vperm.xlane v46, v13  }
0x5fe: {  	v62 =	vld [tilespmem:s21+$0x700]  }
0x5ff: {  	v17 =	vadd.f32 v19, v17;
	v18 =	vmul.f32 v18, v20;
	v19 =	vperm.xlane v46, v14  }
0x600: {  	v63 =	vld [tilespmem:s21+$0x780];
	[tilespmem:s22+$0x9E10] =	vst v1  }
0x601: {  	[tilespmem:s22+$0x9E40] =	vst v1;
	v17 =	vadd.f32 v18, v17;
	v18 =	vmul.f32 v61, v19;
	v19 =	vperm.xlane v46, v15  }
0x602: {  	[tilespmem:s22+$0x9E50] =	vst v1  }
0x603: {  	[tilespmem:s22+$0x9E70] =	vst v1;
	v17 =	vadd.f32 v18, v17;
	v18 =	vmul.f32 v62, v19;
	v19 =	vperm.xlane v46, v16  }
0x604: {  	[tilespmem:s22+$0x9E20] =	vst v1  }
0x605: {  	[tilespmem:s22+$0x9E60] =	vst v1;
	v17 =	vadd.f32 v18, v17;
	v18 =	vmul.f32 v63, v19  }
0x606: {  	s25 =	simm.s32 $0x80;
	[tilespmem:s22+$0x9E30] =	vst v1  }
0x607: {  	s23 =	simm.s32 $0x400;
	v19 =	vadd.f32 v18, v17;
	v18 =	vld [tilespmem:s25+$0xE00]  }
.LBB2_16:
0x608: {  	p0 =	sne.s32 s23, $0x600;
	s21 =	sadd.s32 $0x1000, s21  }
0x609: {  	v17 =	vld [tilespmem:s25+$0xE10];
	[tilespmem:s22+$0x9E00] =	vst v19;
	s24 =	smov.u32 s23;
	s23 =	sadd.s32 $0x200, s23;
	s22 =	smov.u32 s25  }
0x60a: {  	v19 =	vld [tilespmem:s21+$0xFFFFF800];
	_ =	sdelay $0x1  }
0x60b: {  	v20 =	vld [tilespmem:s21+$0xFFFFF880]  }
0x60c: {  	v21 =	vperm.xlane v18, v0;
	v22 =	vperm.xlane v18, v2  }
0x60d: {  	v23 =	vperm.xlane v18, v3;
	v25 =	vperm.xlane v18, v4;
	v24 =	vld [tilespmem:s21+$0xFFFFF900]  }
0x60e: {  	v19 =	vmul.f32 v19, v21;
	v21 =	vperm.xlane v18, v5  }
0x60f: {  	v27 =	vperm.xlane v18, v6;
	v28 =	vperm.xlane v18, v7;
	v26 =	vld [tilespmem:s21+$0xFFFFF980]  }
0x610: {  	v19 =	vadd.f32 $0.0e+00, v19;
	v20 =	vmul.f32 v20, v22;
	v22 =	vperm.xlane v18, v8  }
0x611: {  	v30 =	vperm.xlane v18, v9;
	v31 =	vperm.xlane v18, v10;
	v29 =	vld [tilespmem:s21+$0xFFFFFA00]  }
0x612: {  	v19 =	vadd.f32 v20, v19;
	v20 =	vmul.f32 v24, v23;
	v23 =	vperm.xlane v18, v11  }
0x613: {  	v32 =	vperm.xlane v18, v12;
	v33 =	vperm.xlane v18, v13;
	v24 =	vld [tilespmem:s21+$0xFFFFFA80]  }
0x614: {  	v19 =	vadd.f32 v20, v19;
	v20 =	vmul.f32 v26, v25;
	v25 =	vperm.xlane v18, v14;
	v26 =	vld [tilespmem:s21+$0x500]  }
0x615: {  	v35 =	vperm.xlane v18, v15;
	v36 =	vperm.xlane v17, v0;
	v34 =	vld [tilespmem:s21+$0xFFFFFB00]  }
0x616: {  	v19 =	vadd.f32 v20, v19;
	v20 =	vmul.f32 v29, v21;
	v21 =	vperm.xlane v17, v2;
	v29 =	vld [tilespmem:s21+$0x480]  }
0x617: {  	v38 =	vperm.xlane v17, v3;
	v39 =	vperm.xlane v17, v4;
	v37 =	vld [tilespmem:s21+$0xFFFFFB80]  }
0x618: {  	v20 =	vadd.f32 v20, v19;
	v24 =	vmul.f32 v24, v27;
	v27 =	vperm.xlane v17, v10;
	v19 =	vld [tilespmem:s21+$0x700]  }
0x619: {  	v41 =	vperm.xlane v17, v11;
	v40 =	vld [tilespmem:s21+$0xFFFFFC00]  }
0x61a: {  	v20 =	vadd.f32 v24, v20;
	v24 =	vmul.f32 v34, v28;
	v28 =	vld [tilespmem:s21+$0x600]  }
0x61b: {  	v26 =	vmul.f32 v26, v41;
	v34 =	vld [tilespmem:s21+$0xFFFFFC80];
	v27 =	vmul.f32 v29, v27  }
0x61c: {  	v20 =	vadd.f32 v24, v20;
	v22 =	vmul.f32 v37, v22;
	v24 =	vld [tilespmem:s21+$0x580]  }
0x61d: {  	v29 =	vld [tilespmem:s21+$0xFFFFFD00]  }
0x61e: {  	v20 =	vadd.f32 v22, v20;
	v22 =	vmul.f32 v40, v30;
	v30 =	vld [tilespmem:s21+$0x680]  }
0x61f: {  	v37 =	vld [tilespmem:s21+$0xFFFFFD80]  }
0x620: {  	v20 =	vadd.f32 v22, v20;
	v22 =	vmul.f32 v34, v31;
	v31 =	vld [tilespmem:s21+$0x780]  }
0x621: {  	v34 =	vld [tilespmem:s21+$0xFFFFFE00]  }
0x622: {  	v20 =	vadd.f32 v22, v20;
	v22 =	vmul.f32 v29, v23;
	v23 =	vld [tilespmem:s21+$0x400]  }
0x623: {  	v29 =	vld [tilespmem:s21+$0xFFFFFE80]  }
0x624: {  	v20 =	vadd.f32 v22, v20;
	v22 =	vmul.f32 v37, v32;
	v32 =	vld [tilespmem:s21+$0x380]  }
0x625: {  	v37 =	vld [tilespmem:s21+$0xFFFFFF00]  }
0x626: {  	v20 =	vadd.f32 v22, v20;
	v22 =	vmul.f32 v34, v33;
	v33 =	vld [tilespmem:s21+$0x200]  }
0x627: {  	v34 =	vld [tilespmem:s21+$0xFFFFFF80]  }
0x628: {  	v20 =	vadd.f32 v22, v20;
	v22 =	vmul.f32 v29, v25;
	v25 =	vld [tilespmem:s21+$0x300]  }
0x629: {  	v29 =	vld [tilespmem:s21+$0x0]  }
0x62a: {  	v18 =	vperm.xlane v18, v16;
	v20 =	vadd.f32 v22, v20;
	v22 =	vmul.f32 v37, v35;
	v35 =	vld [tilespmem:s21+$0x280]  }
0x62b: {  	v37 =	vld [tilespmem:s21+$0x80]  }
0x62c: {  	v20 =	vadd.f32 v22, v20;
	v18 =	vmul.f32 v34, v18;
	v22 =	vld [tilespmem:s21+$0x180]  }
0x62d: {  	v34 =	vld [tilespmem:s21+$0x100]  }
0x62e: {  	v18 =	vadd.f32 v18, v20;
	v20 =	vmul.f32 v29, v36;
	[tilespmem:s22+$0x9E10] =	vst v1  }
0x62f: {  	[tilespmem:s22+$0x9E40] =	vst v1  }
0x630: {  	v18 =	vadd.f32 v20, v18;
	v20 =	vmul.f32 v37, v21;
	[tilespmem:s22+$0x9E50] =	vst v1  }
0x631: {  	v21 =	vmul.f32 v22, v39;
	[tilespmem:s22+$0x9E70] =	vst v1  }
0x632: {  	v18 =	vadd.f32 v20, v18;
	v20 =	vmul.f32 v34, v38;
	[tilespmem:s22+$0x9E20] =	vst v1  }
0x633: {  	[tilespmem:s22+$0x9E60] =	vst v1  }
0x634: {  	v18 =	vadd.f32 v20, v18;
	v20 =	vperm.xlane v17, v5;
	[tilespmem:s22+$0x9E30] =	vst v1;
	_ =	sdelay $0x1  }
0x635: {  	v18 =	vadd.f32 v21, v18;
	v20 =	vmul.f32 v33, v20;
	v21 =	vperm.xlane v17, v6;
	_ =	sdelay $0x1  }
0x636: {  	v18 =	vadd.f32 v20, v18;
	v20 =	vmul.f32 v35, v21;
	v21 =	vperm.xlane v17, v7;
	_ =	sdelay $0x1  }
0x637: {  	v18 =	vadd.f32 v20, v18;
	v20 =	vmul.f32 v25, v21;
	v21 =	vperm.xlane v17, v8;
	_ =	sdelay $0x1  }
0x638: {  	v18 =	vadd.f32 v20, v18;
	v20 =	vmul.f32 v32, v21;
	v21 =	vperm.xlane v17, v9;
	_ =	sdelay $0x1  }
0x639: {  	v18 =	vadd.f32 v20, v18;
	v20 =	vmul.f32 v23, v21;
	_ =	sdelay $0x1  }
0x63a: {  	v18 =	vadd.f32 v20, v18;
	_ =	sdelay $0x1  }
0x63b: {  	v20 =	vperm.xlane v17, v12;
	v18 =	vadd.f32 v27, v18;
	_ =	sdelay $0x1  }
0x63c: {  	v21 =	vperm.xlane v17, v13;
	v20 =	vmul.f32 v24, v20;
	v18 =	vadd.f32 v26, v18;
	_ =	sdelay $0x1  }
0x63d: {  	v18 =	vadd.f32 v20, v18;
	v20 =	vmul.f32 v28, v21;
	v21 =	vperm.xlane v17, v14;
	_ =	sdelay $0x1  }
0x63e: {  	v18 =	vadd.f32 v20, v18;
	v20 =	vmul.f32 v30, v21;
	v21 =	vperm.xlane v17, v15;
	_ =	sdelay $0x1  }
0x63f: {  	v17 =	vperm.xlane v17, v16;
	v18 =	vadd.f32 v20, v18;
	v19 =	vmul.f32 v19, v21  }
.Ltmp7:
0x640: {  	(pc) =	sbr.rel @p0 .LBB2_16-.Ltmp7, $3  }
0x641: {  	v17 =	vmul.f32 v31, v17;
	v18 =	vadd.f32 v19, v18;
	_ =	sdelay $0x1  }
0x642: {  	s25 =	sshra.s32 s24, $0x2;
	v19 =	vadd.f32 v17, v18  }
0x643: {  	v18 =	vld [tilespmem:s25+$0xE00]  }
0x644: {  	v17 =	vld [tilespmem:s25+$0xE10];
	[tilespmem:s22+$0x9E00] =	vst v19;
	s21 =	sadd.s32 $0x1000, s21  }
0x645: {  	v19 =	vld [tilespmem:s21+$0xFFFFF800];
	_ =	sdelay $0x1  }
0x646: {  	v20 =	vld [tilespmem:s21+$0xFFFFF880]  }
0x647: {  	v21 =	vperm.xlane v18, v0  }
0x648: {  	v22 =	vld [tilespmem:s21+$0xFFFFF900]  }
0x649: {  	v23 =	vperm.xlane v18, v2;
	v19 =	vmul.f32 v19, v21  }
0x64a: {  	v34 =	vld [tilespmem:s21+$0xFFFFF980]  }
0x64b: {  	v24 =	vperm.xlane v18, v3;
	v20 =	vmul.f32 v20, v23;
	v19 =	vadd.f32 $0.0e+00, v19  }
0x64c: {  	v35 =	vld [tilespmem:s21+$0xFFFFFA00]  }
0x64d: {  	v25 =	vperm.xlane v18, v4;
	v36 =	vmul.f32 v22, v24;
	v19 =	vadd.f32 v20, v19  }
0x64e: {  	v37 =	vld [tilespmem:s21+$0xFFFFFA80]  }
0x64f: {  	v38 =	vperm.xlane v18, v5;
	v39 =	vmul.f32 v34, v25;
	v19 =	vadd.f32 v36, v19  }
0x650: {  	v40 =	vld [tilespmem:s21+$0xFFFFFB00]  }
0x651: {  	v41 =	vperm.xlane v18, v6;
	v42 =	vmul.f32 v35, v38;
	v19 =	vadd.f32 v39, v19  }
0x652: {  	v43 =	vld [tilespmem:s21+$0xFFFFFB80]  }
0x653: {  	v44 =	vperm.xlane v18, v7;
	v45 =	vmul.f32 v37, v41;
	v19 =	vadd.f32 v42, v19  }
0x654: {  	v46 =	vld [tilespmem:s21+$0xFFFFFC00]  }
0x655: {  	v47 =	vperm.xlane v18, v8;
	v48 =	vmul.f32 v40, v44;
	v19 =	vadd.f32 v45, v19  }
0x656: {  	v49 =	vld [tilespmem:s21+$0xFFFFFC80]  }
0x657: {  	v50 =	vperm.xlane v18, v9;
	v51 =	vmul.f32 v43, v47;
	v19 =	vadd.f32 v48, v19  }
0x658: {  	v52 =	vld [tilespmem:s21+$0xFFFFFD00]  }
0x659: {  	v53 =	vperm.xlane v18, v10;
	v54 =	vmul.f32 v46, v50;
	v19 =	vadd.f32 v51, v19  }
0x65a: {  	v55 =	vld [tilespmem:s21+$0xFFFFFD80]  }
0x65b: {  	v56 =	vperm.xlane v18, v11;
	v57 =	vmul.f32 v49, v53;
	v19 =	vadd.f32 v54, v19  }
0x65c: {  	v58 =	vld [tilespmem:s21+$0xFFFFFE00]  }
0x65d: {  	v59 =	vperm.xlane v18, v12;
	v60 =	vmul.f32 v52, v56;
	v19 =	vadd.f32 v57, v19  }
0x65e: {  	v61 =	vld [tilespmem:s21+$0xFFFFFE80]  }
0x65f: {  	v62 =	vperm.xlane v18, v13;
	v63 =	vmul.f32 v55, v59;
	v19 =	vadd.f32 v60, v19  }
0x660: {  	v28 =	vld [tilespmem:s21+$0xFFFFFF00]  }
0x661: {  	v29 =	vperm.xlane v18, v14;
	v30 =	vmul.f32 v58, v62;
	v19 =	vadd.f32 v63, v19  }
0x662: {  	v31 =	vld [tilespmem:s21+$0xFFFFFF80]  }
0x663: {  	v32 =	vperm.xlane v18, v15;
	v33 =	vmul.f32 v61, v29;
	v19 =	vadd.f32 v30, v19  }
0x664: {  	v34 =	vld [tilespmem:s21+$0x0]  }
0x665: {  	v18 =	vperm.xlane v18, v16;
	v35 =	vmul.f32 v28, v32;
	v19 =	vadd.f32 v33, v19  }
0x666: {  	v36 =	vld [tilespmem:s21+$0x80]  }
0x667: {  	v37 =	vperm.xlane v17, v0;
	v18 =	vmul.f32 v31, v18;
	v19 =	vadd.f32 v35, v19  }
0x668: {  	v38 =	vld [tilespmem:s21+$0x100]  }
0x669: {  	v39 =	vperm.xlane v17, v2;
	v18 =	vadd.f32 v18, v19;
	v19 =	vmul.f32 v34, v37  }
0x66a: {  	v40 =	vld [tilespmem:s21+$0x180]  }
0x66b: {  	v41 =	vperm.xlane v17, v3;
	v18 =	vadd.f32 v19, v18;
	v19 =	vmul.f32 v36, v39  }
0x66c: {  	v42 =	vld [tilespmem:s21+$0x200]  }
0x66d: {  	v43 =	vperm.xlane v17, v4;
	v18 =	vadd.f32 v19, v18;
	v19 =	vmul.f32 v38, v41  }
0x66e: {  	v44 =	vld [tilespmem:s21+$0x280]  }
0x66f: {  	v22 =	vmul.f32 v40, v43;
	v18 =	vadd.f32 v19, v18;
	v19 =	vperm.xlane v17, v5  }
0x670: {  	v45 =	vld [tilespmem:s21+$0x300]  }
0x671: {  	v46 =	vperm.xlane v17, v6;
	v18 =	vadd.f32 v22, v18;
	v19 =	vmul.f32 v42, v19  }
0x672: {  	v47 =	vld [tilespmem:s21+$0x380]  }
0x673: {  	v48 =	vperm.xlane v17, v7;
	v18 =	vadd.f32 v19, v18;
	v19 =	vmul.f32 v44, v46  }
0x674: {  	v49 =	vld [tilespmem:s21+$0x400]  }
0x675: {  	v50 =	vperm.xlane v17, v8;
	v18 =	vadd.f32 v19, v18;
	v19 =	vmul.f32 v45, v48  }
0x676: {  	v51 =	vld [tilespmem:s21+$0x480]  }
0x677: {  	v52 =	vperm.xlane v17, v9;
	v18 =	vadd.f32 v19, v18;
	v19 =	vmul.f32 v47, v50  }
0x678: {  	v53 =	vld [tilespmem:s21+$0x500]  }
0x679: {  	v54 =	vperm.xlane v17, v10;
	v18 =	vadd.f32 v19, v18;
	v19 =	vmul.f32 v49, v52  }
0x67a: {  	v55 =	vld [tilespmem:s21+$0x580]  }
0x67b: {  	v56 =	vperm.xlane v17, v11;
	v23 =	vmul.f32 v51, v54;
	v18 =	vadd.f32 v19, v18  }
0x67c: {  	v19 =	vld [tilespmem:s21+$0x600]  }
0x67d: {  	v21 =	vmul.f32 v53, v56;
	v57 =	vperm.xlane v17, v12;
	v18 =	vadd.f32 v23, v18  }
0x67e: {  	v58 =	vld [tilespmem:s21+$0x680]  }
0x67f: {  	v59 =	vperm.xlane v17, v13;
	v20 =	vmul.f32 v55, v57;
	v18 =	vadd.f32 v21, v18  }
0x680: {  	v60 =	vld [tilespmem:s21+$0x700]  }
0x681: {  	v61 =	vperm.xlane v17, v14;
	v19 =	vmul.f32 v19, v59;
	v18 =	vadd.f32 v20, v18  }
0x682: {  	v62 =	vld [tilespmem:s21+$0x780]  }
0x683: {  	v63 =	vperm.xlane v17, v15;
	v18 =	vadd.f32 v19, v18;
	v19 =	vmul.f32 v58, v61  }
0x684: {  	[tilespmem:s25+$0x9E10] =	vst v1  }
0x685: {  	v17 =	vperm.xlane v17, v16;
	[tilespmem:s25+$0x9E40] =	vst v1;
	v18 =	vadd.f32 v19, v18;
	v19 =	vmul.f32 v60, v63  }
0x686: {  	[tilespmem:s25+$0x9E50] =	vst v1  }
0x687: {  	v17 =	vmul.f32 v62, v17;
	[tilespmem:s25+$0x9E70] =	vst v1;
	v18 =	vadd.f32 v19, v18  }
0x688: {  	[tilespmem:s25+$0x9E20] =	vst v1  }
0x689: {  	s20 =	sadd.s32 $0x1, s20;
	[tilespmem:s25+$0x9E60] =	vst v1;
	v17 =	vadd.f32 v17, v18  }
0x68a: {  	p0 =	sne.s32 s20, s13;
	[tilespmem:s25+$0x9E30] =	vst v1  }
.Ltmp8:
0x68b: {  	[tilespmem:s25+$0x9E00] =	vst v17;
	(pc) =	sbr.rel @p0 .LBB2_1-.Ltmp8, $4  }
0x68c: {  	[hbm4b:s12+s2] =	stream.linear.scatter [tilespmem:s19], [sflag:$0x3], $0x1000, $0x38;
	[tilespmem:$0xA000] =	vst v63  }
0x68d: {  	_ =	swait.ge [sflag:s14], $0x1000  }
0x68e: {  	[sflag:s14] =	ssyncset.done $0x0  }
0x68f: {  	[sflag:s14] =	ssyncadd.s32 $0xFFFFF000  }
0x690: {  	_ =	sfence.sel $0x180000  }
0x691: {  	[bflag:$0x0] =	sbarrier.arrive $0xFFFF  }
0x692: {  	p0 =	sne.s32 s1, $0x0;
	_ =	strace $0x90000047  }
0x693: {  	s0 =	sadd.s32 @!p0 $0x100000, s0;
	[bflag:$0x2] =	sbarrier.arrive $0xFFFF  }
0x694: {  	[sflag:s0] =	ssyncadd.tile.s32 @!p0 $0x1;
	_ =	shalt  }
.Lfunc_end2:
_tile_overlayer_lowered:
.L_overlay_start_2:
0x695: {  	(tag) =	ssettag $0x2  }
0x696: {  	s0 =	rddreg [dreg:$0x0];
	s2 =	stileid.u32  }
0x697: {  	s1 =	rddreg [dreg:$0x1];
	p0 =	sne.s32 s2, $0x0  }
0x698: {  	s3 =	rddreg [dreg:$0x2];
	[bflag:$0x3] =	sbarrier.arrive $0xFFFF;
	s2 =	simm.s32 @!p0 $0x1C03  }
0x699: {  	[timem:s3], [sflag:s2] =	dma.local @!p0 [hbm:s0], s1  }
0x69a: {  	s0 =	simm.s32 @!p0 $0x3  }
0x69b: {  	_ =	swait.ge @!p0 [sflag:s0], s1  }
0x69c: {  	s1 =	ssub.s32 @!p0 $0x0, s1;
	[sflag:s0] =	ssyncset.done @!p0 $0x0  }
0x69d: {  	[sflag:s0] =	ssyncadd.s32 @!p0 s1  }
0x69e: {  	[bflag:$0x3] =	sbarrier.arrive $0xFFFF  }
0x69f: {  	_ =	shalt  }

</sc_bundles>
